<compile_context>
chip_gen: v7x
topology: tpu7x:2x2x1
jax: 0.10.2.dev20260603
libtpu: 0.0.44.dev20260713+nightly
codegen_flags: <defaults>
</compile_context>

<pallas_src>
import functools

import jax
import jax.numpy as jnp
from jax import lax
from jax.experimental import pallas as pl
from jax.experimental.pallas import tpu as pltpu
from jax.experimental.pallas import tpu_sc as plsc

N = 10000
E = 320000
D_IN = 128
D_OUT = 64
N_HOP = 3

NC = 2
NS = 16
NW = NC * NS
EPW = E // NW
CHUNK = 128
NFULL = EPW // CHUNK
TAIL = EPW - NFULL * CHUNK
NPAD = 10240
STRIPE = NPAD // NS
WPAD = 64
RB = 512
NRB = NPAD // RB
NBUF = 6
LOOKA = 3

_mesh = plsc.VectorSubcoreMesh(core_axis_name="c", subcore_axis_name="s")



@functools.partial(
    pl.kernel,
    out_type=jax.ShapeDtypeStruct((NC * N_HOP * NPAD,), jnp.float32),
    mesh=_mesh,
    compiler_params=pltpu.CompilerParams(use_tc_tiling_on_sc=False),
    scratch_types=[
        pltpu.VMEM((EPW,), jnp.int32),
        pltpu.VMEM((CHUNK,), jnp.float32),
        pltpu.VMEM((STRIPE,), jnp.float32),
        pltpu.VMEM_SHARED((NPAD,), jnp.float32),
        pltpu.VMEM_SHARED((NPAD,), jnp.float32),
        pltpu.VMEM_SHARED((NPAD,), jnp.float32),
    ],
)
def _deg_kernel(edge0, edge1, edge2, degp_hbm, idx_v, ones_v, zeros_v,
                acc0, acc1, acc2):
    c = lax.axis_index("c")
    s = lax.axis_index("s")
    wid = s * NC + c
    edges = (edge0, edge1, edge2)
    accs = (acc0, acc1, acc2)
    for i in range(CHUNK // 16):
        ones_v[pl.ds(i * 16, 16)] = jnp.ones((16,), jnp.float32)

    def _zero_body(i, carry):
        zeros_v[pl.ds(i * 16, 16)] = jnp.zeros((16,), jnp.float32)
        return carry

    lax.fori_loop(0, STRIPE // 16, _zero_body, 0)
    for j in range(N_HOP):
        pltpu.sync_copy(zeros_v, accs[j].at[pl.ds(s * STRIPE, STRIPE)])
    plsc.subcore_barrier()

    for j in range(N_HOP):
        pltpu.sync_copy(edges[j].at[1, pl.ds(wid * EPW, EPW)], idx_v)

        def _body(ch, carry):
            pltpu.sync_copy(ones_v,
                            accs[j].at[idx_v.at[pl.ds(ch * CHUNK, CHUNK)]],
                            add=True)
            return carry

        lax.fori_loop(0, NFULL, _body, 0)
        pltpu.sync_copy(ones_v.at[pl.ds(0, TAIL)],
                        accs[j].at[idx_v.at[pl.ds(NFULL * CHUNK, TAIL)]],
                        add=True)
    plsc.subcore_barrier()
    for j in range(N_HOP):
        pltpu.sync_copy(
            accs[j].at[pl.ds(s * STRIPE, STRIPE)],
            degp_hbm.at[pl.ds((c * N_HOP + j) * NPAD + s * STRIPE, STRIPE)])



@functools.partial(
    pl.kernel,
    out_type=jax.ShapeDtypeStruct((NC * NPAD, WPAD), jnp.float32),
    mesh=_mesh,
    compiler_params=pltpu.CompilerParams(use_tc_tiling_on_sc=False),
    scratch_types=[
        pltpu.VMEM((EPW,), jnp.int32),
        pltpu.VMEM((EPW,), jnp.int32),
        [pltpu.VMEM((CHUNK, WPAD), jnp.float32) for _ in range(NBUF)],
        pltpu.VMEM((128, WPAD), jnp.float32),
        pltpu.VMEM_SHARED((NPAD, WPAD), jnp.float32),
        [pltpu.SemaphoreType.DMA for _ in range(NBUF)],
        [pltpu.SemaphoreType.DMA for _ in range(NBUF)],
    ],
)
def _agg_one(y_hbm, edge, aggp_hbm, sidx, didx, gbufs, zrow, acc,
             gsems, ssems):
    c = lax.axis_index("c")
    s = lax.axis_index("s")
    wid = s * NC + c

    def _zero_body(i, carry):
        for k in range(WPAD // 16):
            zrow[i, pl.ds(k * 16, 16)] = jnp.zeros((16,), jnp.float32)
        return carry

    lax.fori_loop(0, 128, _zero_body, 0)

    for t in range(STRIPE // 128):
        pltpu.sync_copy(zrow, acc.at[pl.ds(s * STRIPE + t * 128, 128)])
    pltpu.sync_copy(edge.at[0, pl.ds(wid * EPW, EPW)], sidx)
    pltpu.sync_copy(edge.at[1, pl.ds(wid * EPW, EPW)], didx)
    plsc.subcore_barrier()

    for b in range(LOOKA):
        pltpu.async_copy(y_hbm.at[sidx.at[pl.ds(b * CHUNK, CHUNK)]],
                         gbufs[b], gsems[b])

    def _group(g, carry):
        for b in range(NBUF):
            ch = g * NBUF + b
            ch_pf = ch + LOOKA
            slot_pf = (b + LOOKA) % NBUF

            @pl.when(jnp.logical_and(ch_pf >= NBUF, ch_pf < NFULL))
            def _drain():
                pltpu.make_async_copy(gbufs[slot_pf],
                                      acc.at[pl.ds(0, CHUNK)],
                                      ssems[slot_pf]).wait()

            @pl.when(ch_pf < NFULL)
            def _prefetch():
                pltpu.async_copy(
                    y_hbm.at[sidx.at[pl.ds(ch_pf * CHUNK, CHUNK)]],
                    gbufs[slot_pf], gsems[slot_pf])

            pltpu.make_async_copy(y_hbm.at[pl.ds(0, CHUNK)],
                                  gbufs[b], gsems[b]).wait()
            pltpu.async_copy(gbufs[b],
                             acc.at[didx.at[pl.ds(ch * CHUNK, CHUNK)]],
                             ssems[b], add=True)
        return carry

    lax.fori_loop(0, NFULL // NBUF, _group, 0)
    for b in range(NBUF):
        pltpu.make_async_copy(gbufs[b], acc.at[pl.ds(0, CHUNK)],
                              ssems[b]).wait()
    pltpu.async_copy(
        y_hbm.at[sidx.at[pl.ds(NFULL * CHUNK, TAIL)]],
        gbufs[0].at[pl.ds(0, TAIL)], gsems[0]).wait()
    pltpu.sync_copy(gbufs[0].at[pl.ds(0, TAIL)],
                    acc.at[didx.at[pl.ds(NFULL * CHUNK, TAIL)]],
                    add=True)
    plsc.subcore_barrier()
    pltpu.sync_copy(
        acc.at[pl.ds(s * STRIPE, STRIPE)],
        aggp_hbm.at[pl.ds(c * NPAD + s * STRIPE, STRIPE)])



def _mm1_body(bb1_r, bb2_r, bb3_r, wstack_r, biascat_r, xw_r):
    xw_r[...] = (
        jnp.dot(bb1_r[...], wstack_r[0], preferred_element_type=jnp.float32)
        + jnp.dot(bb2_r[...], wstack_r[1], preferred_element_type=jnp.float32)
        + jnp.dot(bb3_r[...], wstack_r[2], preferred_element_type=jnp.float32)
        + biascat_r[...])


def _mm1_call(bb1, bb2, bb3, wstack, biascat):
    blk = pl.BlockSpec((RB, D_IN), lambda i: (i, 0))
    return pl.pallas_call(
        _mm1_body,
        grid=(NRB,),
        in_specs=[blk, blk, blk,
                  pl.BlockSpec(wstack.shape, lambda i: (0, 0, 0)),
                  pl.BlockSpec(biascat.shape, lambda i: (0, 0))],
        out_specs=pl.BlockSpec((RB, (N_HOP + 1) * D_OUT), lambda i: (i, 0)),
        out_shape=jax.ShapeDtypeStruct((N, (N_HOP + 1) * D_OUT), jnp.float32),
    )(bb1, bb2, bb3, wstack, biascat)



def _mm2_body(xw_r, degp_r, h0_r, y0_r, y1_r, y2_r):
    xw = xw_r[...]
    d = degp_r[...]
    h0_r[...] = xw[:, :D_OUT]
    ys = (y0_r, y1_r, y2_r)
    for j in range(N_HOP):
        dinv = lax.rsqrt(1.0 + d[j] + d[N_HOP + j])
        ys[j][...] = xw[:, (j + 1) * D_OUT:(j + 2) * D_OUT] * dinv[:, None]


def _mm2_call(xw, degp):
    oblk = pl.BlockSpec((RB, D_OUT), lambda i: (i, 0))
    y_sd = jax.ShapeDtypeStruct((N, WPAD), jnp.float32)
    return pl.pallas_call(
        _mm2_body,
        grid=(NRB,),
        in_specs=[pl.BlockSpec((RB, (N_HOP + 1) * D_OUT), lambda i: (i, 0)),
                  pl.BlockSpec((NC * N_HOP, RB), lambda i: (0, i))],
        out_specs=[oblk, oblk, oblk, oblk],
        out_shape=[jax.ShapeDtypeStruct((N, D_OUT), jnp.float32),
                   y_sd, y_sd, y_sd],
    )(xw, degp)



def _fin_body(h_r, y0_r, y1_r, y2_r, a0_r, a1_r, a2_r, degp_r, bias_r, out_r):
    d = degp_r[...]
    h = h_r[...]
    ys = (y0_r, y1_r, y2_r)
    aps = (a0_r, a1_r, a2_r)
    for j in range(N_HOP):
        dinv = lax.rsqrt(1.0 + d[j] + d[N_HOP + j])
        agg = aps[j][0] + aps[j][1] + ys[j][...]
        out = agg * dinv[:, None] + bias_r[j][None, :]
        h = h + jnp.maximum(out, 0.0)
    m = jnp.max(h, axis=1, keepdims=True)
    e = jnp.exp(h - m)
    lse = jnp.log(jnp.sum(e, axis=1, keepdims=True))
    out_r[...] = h - m - lse


def _fin_call(h, y0, y1, y2, a0, a1, a2, degp, bias_h):
    oblk = pl.BlockSpec((RB, D_OUT), lambda i: (i, 0))
    ablk = pl.BlockSpec((NC, RB, WPAD), lambda i: (0, i, 0))
    return pl.pallas_call(
        _fin_body,
        grid=(NRB,),
        in_specs=[oblk, oblk, oblk, oblk, ablk, ablk, ablk,
                  pl.BlockSpec((NC * N_HOP, RB), lambda i: (0, i)),
                  pl.BlockSpec(bias_h.shape, lambda i: (0, 0))],
        out_specs=oblk,
        out_shape=jax.ShapeDtypeStruct((N, D_OUT), jnp.float32),
    )(h, y0, y1, y2, a0, a1, a2, degp, bias_h)



def kernel(bb0, bb1, bb2, bb3, edge0, edge1, edge2, comb_w, ego_W, ego_b,
           W0, b0, W1, b1, W2, b2):
    del bb0
    alphas = jax.nn.softmax(comb_w, axis=1)
    wall = jnp.stack([ego_W, W0, W1, W2], axis=0)
    t = alphas[:, :, None, None] * wall[:, None, :, :]
    wstack = t.transpose(1, 2, 0, 3).reshape(3, D_IN, (N_HOP + 1) * D_OUT)
    biascat = jnp.concatenate(
        [ego_b, jnp.zeros((N_HOP * D_OUT,), jnp.float32)]).reshape(1, -1)
    bias_h = jnp.stack([b0, b1, b2], axis=0)

    degp = _deg_kernel(edge0, edge1, edge2).reshape(NC * N_HOP, NPAD)
    xw = _mm1_call(bb1, bb2, bb3, wstack, biascat)
    h, y0, y1, y2 = _mm2_call(xw, degp)
    a0 = _agg_one(y0, edge0).reshape(NC, NPAD, WPAD)
    a1 = _agg_one(y1, edge1).reshape(NC, NPAD, WPAD)
    a2 = _agg_one(y2, edge2).reshape(NC, NPAD, WPAD)
    return _fin_call(h, y0, y1, y2, a0, a1, a2, degp, bias_h)

# --- scband reference (transcript-rebuilt; emitter-appended) ---
"""Pipeline reference for scband-a-asyn-gnn-70188355551848 (READ-ONLY COPY).

The authoritative reference and input builder live on the scoring server;
editing this copy changes nothing except your own understanding.
"""

import jax, jax.numpy as jnp
import numpy as np

N = 10000
E = 320000
D_IN = 128
D_OUT = 64
N_HOP = 3


def _gcn_conv(x, edge_index, W, b):
    # PyG GCNConv: x' = D^{-1/2}(A+I)D^{-1/2} X W + b
    n = x.shape[0]
    xw = x @ W
    loop = jnp.arange(n, dtype=edge_index.dtype)
    src = jnp.concatenate([edge_index[0], loop])
    dst = jnp.concatenate([edge_index[1], loop])
    deg = jnp.zeros((n,), dtype=xw.dtype).at[dst].add(1.0)
    dinv = jnp.where(deg > 0, deg ** -0.5, 0.0)
    coef = dinv[src] * dinv[dst]
    msg = jnp.take(xw, src, axis=0) * coef[:, None]
    out = jnp.zeros((n, xw.shape[1]), dtype=xw.dtype).at[dst].add(msg)
    return out + b


def setup_inputs(seed: int = 0):
    key = jax.random.key(seed)
    ks = jax.random.split(key, 16)
    inp = {}
    for i in range(4):
        inp[f"bb{i}"] = jax.random.normal(ks[i], (N, D_IN), dtype=jnp.float32)
    for i in range(N_HOP):
        inp[f"edge{i}"] = jax.random.randint(ks[4 + i], (2, E), 0, N, dtype=jnp.int32)
    # SimpleCombine weights: n_outputs = n_hop+1, n_inputs = len(backbone_dims)-1 = 3
    inp["comb_w"] = jax.random.normal(ks[7], (N_HOP + 1, 3), dtype=jnp.float32)
    # ego linear (asyn_output_dim = output_dim since postmap_layer=0)
    inp["ego_W"] = jax.random.normal(ks[8], (D_IN, D_OUT), dtype=jnp.float32) * (1.0 / np.sqrt(D_IN))
    inp["ego_b"] = jnp.zeros((D_OUT,), dtype=jnp.float32)
    for i in range(N_HOP):
        inp[f"W{i}"] = jax.random.normal(ks[9 + i], (D_IN, D_OUT), dtype=jnp.float32) * (1.0 / np.sqrt(D_IN))
        inp[f"b{i}"] = jnp.zeros((D_OUT,), dtype=jnp.float32)
    return inp


def reference(bb0, bb1, bb2, bb3, edge0, edge1, edge2, comb_w, ego_W, ego_b, W0, b0, W1, b1, W2, b2):
    # combine='simple': SimpleCombine over backbone_outputs[1:] produces n_hop+1 mixed inputs
    inputs = [bb1, bb2, bb3]
    alphas = jax.nn.softmax(comb_w, axis=1)  # [n_hop+1, 3]
    multi = [alphas[j, 0] * inputs[0] + alphas[j, 1] * inputs[1] + alphas[j, 2] * inputs[2]
             for j in range(N_HOP + 1)]
    # aAsynGCNLayer (norm=None -> identity, dropout=0)
    hidden = multi[0] @ ego_W + ego_b
    edges = [edge0, edge1, edge2]
    params = [(W0, b0), (W1, b1), (W2, b2)]
    for idx in range(N_HOP):
        prop = _gcn_conv(multi[idx + 1], edges[idx], params[idx][0], params[idx][1])
        hidden = hidden + jax.nn.relu(prop)
    # postmap = Identity, then log_softmax over classes
    return jax.nn.log_softmax(hidden, axis=1)

if __name__ == "__main__":
    import jax
    _d = setup_inputs()
    print(jax.jit(kernel)(*tuple(_d.values())))

</pallas_src>

<mosaic_0001>
#map = affine_map<(d0, d1) -> (0, 0)>
#map1 = affine_map<(d0, d1) -> (0)>
module attributes {stable_mosaic.version = 14 : i64} {
  func.func @_deg_kernel(%arg0: i32, %arg1: i32, %arg2: memref<2x320000xi32, #tpu.memory_space<hbm>>, %arg3: memref<2x320000xi32, #tpu.memory_space<hbm>>, %arg4: memref<2x320000xi32, #tpu.memory_space<hbm>>, %arg5: memref<61440xf32, #tpu.memory_space<hbm>>, %arg6: memref<10000xi32, #tpu.memory_space<vmem>>, %arg7: memref<128xf32, #tpu.memory_space<vmem>>, %arg8: memref<640xf32, #tpu.memory_space<vmem>>, %arg9: memref<10240xf32, #tpu.memory_space<vmem_shared>>, %arg10: memref<10240xf32, #tpu.memory_space<vmem_shared>>, %arg11: memref<10240xf32, #tpu.memory_space<vmem_shared>>) attributes {dimension_semantics = [#tpu.dimension_semantics<core_parallel>, #tpu.dimension_semantics<subcore_parallel>], iteration_bounds = array<i64: 2, 16>, scalar_prefetch = 0 : i64, scratch_operands = 6 : i64, tpu.core_type = #tpu.core_type<sc_vector_subcore>, window_params = [{transform_indices = #map}, {transform_indices = #map}, {transform_indices = #map}, {transform_indices = #map1}]} {
    %mul3A = arith.constant 2 : i32
    %mul3A_0 = arith.muli %arg1, %mul3A : i32
    %add3A = arith.addi %mul3A_0, %arg0 : i32
    %broadcast_in_dim3A = arith.constant 1.000000e+00 : f32
    %broadcast_in_dim3A_1 = vector.broadcast %broadcast_in_dim3A : f32 to vector<16xf32>
    %swap3A = arith.constant 0 : index
    %swap3A_2 = tpu.vector_load %arg7[%swap3A] {strides = array<i32>} : memref<128xf32, #tpu.memory_space<vmem>>, vector<16xf32>,
    %swap3A_3 = vector.shape_cast %swap3A_2 : vector<16xf32> to vector<16xf32>
    %swap3A_4 = vector.shape_cast %broadcast_in_dim3A_1 : vector<16xf32> to vector<16xf32>
    tpu.vector_store %arg7[%swap3A], %swap3A_4 {strides = array<i32>} : memref<128xf32, #tpu.memory_space<vmem>>, vector<16xf32>,
    %broadcast_in_dim3A_5 = arith.constant 1.000000e+00 : f32
    %broadcast_in_dim3A_6 = vector.broadcast %broadcast_in_dim3A_5 : f32 to vector<16xf32>
    %swap3A_7 = arith.constant 16 : index
    %swap3A_8 = tpu.vector_load %arg7[%swap3A_7] {strides = array<i32>} : memref<128xf32, #tpu.memory_space<vmem>>, vector<16xf32>,
    %swap3A_9 = vector.shape_cast %swap3A_8 : vector<16xf32> to vector<16xf32>
    %swap3A_10 = vector.shape_cast %broadcast_in_dim3A_6 : vector<16xf32> to vector<16xf32>
    tpu.vector_store %arg7[%swap3A_7], %swap3A_10 {strides = array<i32>} : memref<128xf32, #tpu.memory_space<vmem>>, vector<16xf32>,
    %broadcast_in_dim3A_11 = arith.constant 1.000000e+00 : f32
    %broadcast_in_dim3A_12 = vector.broadcast %broadcast_in_dim3A_11 : f32 to vector<16xf32>
    %swap3A_13 = arith.constant 32 : index
    %swap3A_14 = tpu.vector_load %arg7[%swap3A_13] {strides = array<i32>} : memref<128xf32, #tpu.memory_space<vmem>>, vector<16xf32>,
    %swap3A_15 = vector.shape_cast %swap3A_14 : vector<16xf32> to vector<16xf32>
    %swap3A_16 = vector.shape_cast %broadcast_in_dim3A_12 : vector<16xf32> to vector<16xf32>
    tpu.vector_store %arg7[%swap3A_13], %swap3A_16 {strides = array<i32>} : memref<128xf32, #tpu.memory_space<vmem>>, vector<16xf32>,
    %broadcast_in_dim3A_17 = arith.constant 1.000000e+00 : f32
    %broadcast_in_dim3A_18 = vector.broadcast %broadcast_in_dim3A_17 : f32 to vector<16xf32>
    %swap3A_19 = arith.constant 48 : index
    %swap3A_20 = tpu.vector_load %arg7[%swap3A_19] {strides = array<i32>} : memref<128xf32, #tpu.memory_space<vmem>>, vector<16xf32>,
    %swap3A_21 = vector.shape_cast %swap3A_20 : vector<16xf32> to vector<16xf32>
    %swap3A_22 = vector.shape_cast %broadcast_in_dim3A_18 : vector<16xf32> to vector<16xf32>
    tpu.vector_store %arg7[%swap3A_19], %swap3A_22 {strides = array<i32>} : memref<128xf32, #tpu.memory_space<vmem>>, vector<16xf32>,
    %broadcast_in_dim3A_23 = arith.constant 1.000000e+00 : f32
    %broadcast_in_dim3A_24 = vector.broadcast %broadcast_in_dim3A_23 : f32 to vector<16xf32>
    %swap3A_25 = arith.constant 64 : index
    %swap3A_26 = tpu.vector_load %arg7[%swap3A_25] {strides = array<i32>} : memref<128xf32, #tpu.memory_space<vmem>>, vector<16xf32>,
    %swap3A_27 = vector.shape_cast %swap3A_26 : vector<16xf32> to vector<16xf32>
    %swap3A_28 = vector.shape_cast %broadcast_in_dim3A_24 : vector<16xf32> to vector<16xf32>
    tpu.vector_store %arg7[%swap3A_25], %swap3A_28 {strides = array<i32>} : memref<128xf32, #tpu.memory_space<vmem>>, vector<16xf32>,
    %broadcast_in_dim3A_29 = arith.constant 1.000000e+00 : f32
    %broadcast_in_dim3A_30 = vector.broadcast %broadcast_in_dim3A_29 : f32 to vector<16xf32>
    %swap3A_31 = arith.constant 80 : index
    %swap3A_32 = tpu.vector_load %arg7[%swap3A_31] {strides = array<i32>} : memref<128xf32, #tpu.memory_space<vmem>>, vector<16xf32>,
    %swap3A_33 = vector.shape_cast %swap3A_32 : vector<16xf32> to vector<16xf32>
    %swap3A_34 = vector.shape_cast %broadcast_in_dim3A_30 : vector<16xf32> to vector<16xf32>
    tpu.vector_store %arg7[%swap3A_31], %swap3A_34 {strides = array<i32>} : memref<128xf32, #tpu.memory_space<vmem>>, vector<16xf32>,
    %broadcast_in_dim3A_35 = arith.constant 1.000000e+00 : f32
    %broadcast_in_dim3A_36 = vector.broadcast %broadcast_in_dim3A_35 : f32 to vector<16xf32>
    %swap3A_37 = arith.constant 96 : index
    %swap3A_38 = tpu.vector_load %arg7[%swap3A_37] {strides = array<i32>} : memref<128xf32, #tpu.memory_space<vmem>>, vector<16xf32>,
    %swap3A_39 = vector.shape_cast %swap3A_38 : vector<16xf32> to vector<16xf32>
    %swap3A_40 = vector.shape_cast %broadcast_in_dim3A_36 : vector<16xf32> to vector<16xf32>
    tpu.vector_store %arg7[%swap3A_37], %swap3A_40 {strides = array<i32>} : memref<128xf32, #tpu.memory_space<vmem>>, vector<16xf32>,
    %broadcast_in_dim3A_41 = arith.constant 1.000000e+00 : f32
    %broadcast_in_dim3A_42 = vector.broadcast %broadcast_in_dim3A_41 : f32 to vector<16xf32>
    %swap3A_43 = arith.constant 112 : index
    %swap3A_44 = tpu.vector_load %arg7[%swap3A_43] {strides = array<i32>} : memref<128xf32, #tpu.memory_space<vmem>>, vector<16xf32>,
    %swap3A_45 = vector.shape_cast %swap3A_44 : vector<16xf32> to vector<16xf32>
    %swap3A_46 = vector.shape_cast %broadcast_in_dim3A_42 : vector<16xf32> to vector<16xf32>
    tpu.vector_store %arg7[%swap3A_43], %swap3A_46 {strides = array<i32>} : memref<128xf32, #tpu.memory_space<vmem>>, vector<16xf32>,
    %scan3A = arith.constant 0 : i32
    %scan3A_47 = arith.constant 0 : i32
    %scan3A_48 = arith.constant 40 : i32
    %scan3A_49 = arith.addi %scan3A_47, %scan3A_48 : i32
    %scan3A_50 = arith.constant 1 : i32
    scf.for %scan3A_118 = %scan3A_47 to %scan3A_49 step %scan3A_50  : i32 {
      %broadcast_in_dim3A_119 = arith.constant 0.000000e+00 : f32
      %broadcast_in_dim3A_120 = vector.broadcast %broadcast_in_dim3A_119 : f32 to vector<16xf32>
      %mul3A_121 = arith.constant 16 : i32
      %mul3A_122 = arith.muli %scan3A_118, %mul3A_121 : i32
      %swap3A_123 = arith.index_cast %mul3A_122 : i32 to index
      %swap3A_124 = tpu.vector_load %arg8[%swap3A_123] {strides = array<i32>} : memref<640xf32, #tpu.memory_space<vmem>>, vector<16xf32>,
      %swap3A_125 = vector.shape_cast %swap3A_124 : vector<16xf32> to vector<16xf32>
      %swap3A_126 = vector.shape_cast %broadcast_in_dim3A_120 : vector<16xf32> to vector<16xf32>
      tpu.vector_store %arg8[%swap3A_123], %swap3A_126 {strides = array<i32>} : memref<640xf32, #tpu.memory_space<vmem>>, vector<16xf32>,
    }
    %scan3A_51 = arith.constant 40 : i32
    %mul3A_52 = arith.constant 640 : i32
    %mul3A_53 = arith.muli %arg1, %mul3A_52 : i32
    "tpu.region"() ({
      %run_scoped3A_118 = tpu.sem_alloc : memref<!tpu.dma_semaphore, #tpu.memory_space<semaphore_mem>>
      %dma_start3A = tpu.memref_slice %arg9[%mul3A_53] : memref<10240xf32, #tpu.memory_space<vmem_shared>> -> memref<640xf32, #tpu.memory_space<vmem_shared>>
      %dma_start3A_119 = tpu.memref_slice %arg9[%mul3A_53] : memref<10240xf32, #tpu.memory_space<vmem_shared>> -> memref<640xf32, #tpu.memory_space<vmem_shared>>
      tpu.enqueue_dma source(%arg8 : memref<640xf32, #tpu.memory_space<vmem>>) target(%dma_start3A_119 : memref<640xf32, #tpu.memory_space<vmem_shared>>) target_semaphore(%run_scoped3A_118 : memref<!tpu.dma_semaphore, #tpu.memory_space<semaphore_mem>>)
      %dma_wait3A = tpu.memref_slice %arg9[%mul3A_53] : memref<10240xf32, #tpu.memory_space<vmem_shared>> -> memref<640xf32, #tpu.memory_space<vmem_shared>>
      %dma_wait3A_120 = tpu.memref_slice %arg9[%mul3A_53] : memref<10240xf32, #tpu.memory_space<vmem_shared>> -> memref<640xf32, #tpu.memory_space<vmem_shared>>
      tpu.wait_dma2 semaphore(%run_scoped3A_118 : memref<!tpu.dma_semaphore, #tpu.memory_space<semaphore_mem>>) src(%arg8 : memref<640xf32, #tpu.memory_space<vmem>>) dst(%dma_wait3A_120 : memref<640xf32, #tpu.memory_space<vmem_shared>>)
      tpu.yield
    }) : () -> ()
    %mul3A_54 = arith.constant 640 : i32
    %mul3A_55 = arith.muli %arg1, %mul3A_54 : i32
    "tpu.region"() ({
      %run_scoped3A_118 = tpu.sem_alloc : memref<!tpu.dma_semaphore, #tpu.memory_space<semaphore_mem>>
      %dma_start3A = tpu.memref_slice %arg10[%mul3A_55] : memref<10240xf32, #tpu.memory_space<vmem_shared>> -> memref<640xf32, #tpu.memory_space<vmem_shared>>
      %dma_start3A_119 = tpu.memref_slice %arg10[%mul3A_55] : memref<10240xf32, #tpu.memory_space<vmem_shared>> -> memref<640xf32, #tpu.memory_space<vmem_shared>>
      tpu.enqueue_dma source(%arg8 : memref<640xf32, #tpu.memory_space<vmem>>) target(%dma_start3A_119 : memref<640xf32, #tpu.memory_space<vmem_shared>>) target_semaphore(%run_scoped3A_118 : memref<!tpu.dma_semaphore, #tpu.memory_space<semaphore_mem>>)
      %dma_wait3A = tpu.memref_slice %arg10[%mul3A_55] : memref<10240xf32, #tpu.memory_space<vmem_shared>> -> memref<640xf32, #tpu.memory_space<vmem_shared>>
      %dma_wait3A_120 = tpu.memref_slice %arg10[%mul3A_55] : memref<10240xf32, #tpu.memory_space<vmem_shared>> -> memref<640xf32, #tpu.memory_space<vmem_shared>>
      tpu.wait_dma2 semaphore(%run_scoped3A_118 : memref<!tpu.dma_semaphore, #tpu.memory_space<semaphore_mem>>) src(%arg8 : memref<640xf32, #tpu.memory_space<vmem>>) dst(%dma_wait3A_120 : memref<640xf32, #tpu.memory_space<vmem_shared>>)
      tpu.yield
    }) : () -> ()
    %mul3A_56 = arith.constant 640 : i32
    %mul3A_57 = arith.muli %arg1, %mul3A_56 : i32
    "tpu.region"() ({
      %run_scoped3A_118 = tpu.sem_alloc : memref<!tpu.dma_semaphore, #tpu.memory_space<semaphore_mem>>
      %dma_start3A = tpu.memref_slice %arg11[%mul3A_57] : memref<10240xf32, #tpu.memory_space<vmem_shared>> -> memref<640xf32, #tpu.memory_space<vmem_shared>>
      %dma_start3A_119 = tpu.memref_slice %arg11[%mul3A_57] : memref<10240xf32, #tpu.memory_space<vmem_shared>> -> memref<640xf32, #tpu.memory_space<vmem_shared>>
      tpu.enqueue_dma source(%arg8 : memref<640xf32, #tpu.memory_space<vmem>>) target(%dma_start3A_119 : memref<640xf32, #tpu.memory_space<vmem_shared>>) target_semaphore(%run_scoped3A_118 : memref<!tpu.dma_semaphore, #tpu.memory_space<semaphore_mem>>)
      %dma_wait3A = tpu.memref_slice %arg11[%mul3A_57] : memref<10240xf32, #tpu.memory_space<vmem_shared>> -> memref<640xf32, #tpu.memory_space<vmem_shared>>
      %dma_wait3A_120 = tpu.memref_slice %arg11[%mul3A_57] : memref<10240xf32, #tpu.memory_space<vmem_shared>> -> memref<640xf32, #tpu.memory_space<vmem_shared>>
      tpu.wait_dma2 semaphore(%run_scoped3A_118 : memref<!tpu.dma_semaphore, #tpu.memory_space<semaphore_mem>>) src(%arg8 : memref<640xf32, #tpu.memory_space<vmem>>) dst(%dma_wait3A_120 : memref<640xf32, #tpu.memory_space<vmem_shared>>)
      tpu.yield
    }) : () -> ()
    %barrier3A = arith.constant 0 : index
    tpu.barrier barrier_id(%barrier3A)
    %mul3A_58 = arith.constant 10000 : i32
    %mul3A_59 = arith.muli %add3A, %mul3A_58 : i32
    %run_scoped3A = arith.constant 1 : i32
    "tpu.region"() ({
      %run_scoped3A_118 = tpu.sem_alloc : memref<!tpu.dma_semaphore, #tpu.memory_space<semaphore_mem>>
      %dma_start3A = tpu.memref_slice %arg2[%run_scoped3A, %mul3A_59] : memref<2x320000xi32, #tpu.memory_space<hbm>> -> memref<1x10000xi32, #tpu.memory_space<hbm>>
      %dma_start3A_119 = tpu.memref_squeeze %dma_start3A : memref<1x10000xi32, #tpu.memory_space<hbm>> -> memref<10000xi32, #tpu.memory_space<hbm>>
      %dma_start3A_120 = tpu.memref_slice %arg2[%run_scoped3A, %mul3A_59] : memref<2x320000xi32, #tpu.memory_space<hbm>> -> memref<1x10000xi32, #tpu.memory_space<hbm>>
      %dma_start3A_121 = tpu.memref_squeeze %dma_start3A_120 : memref<1x10000xi32, #tpu.memory_space<hbm>> -> memref<10000xi32, #tpu.memory_space<hbm>>
      tpu.enqueue_dma source(%dma_start3A_121 : memref<10000xi32, #tpu.memory_space<hbm>>) target(%arg6 : memref<10000xi32, #tpu.memory_space<vmem>>) target_semaphore(%run_scoped3A_118 : memref<!tpu.dma_semaphore, #tpu.memory_space<semaphore_mem>>)
      %dma_wait3A = tpu.memref_slice %arg2[%run_scoped3A, %mul3A_59] : memref<2x320000xi32, #tpu.memory_space<hbm>> -> memref<1x10000xi32, #tpu.memory_space<hbm>>
      %dma_wait3A_122 = tpu.memref_squeeze %dma_wait3A : memref<1x10000xi32, #tpu.memory_space<hbm>> -> memref<10000xi32, #tpu.memory_space<hbm>>
      %dma_wait3A_123 = tpu.memref_slice %arg2[%run_scoped3A, %mul3A_59] : memref<2x320000xi32, #tpu.memory_space<hbm>> -> memref<1x10000xi32, #tpu.memory_space<hbm>>
      %dma_wait3A_124 = tpu.memref_squeeze %dma_wait3A_123 : memref<1x10000xi32, #tpu.memory_space<hbm>> -> memref<10000xi32, #tpu.memory_space<hbm>>
      tpu.wait_dma2 semaphore(%run_scoped3A_118 : memref<!tpu.dma_semaphore, #tpu.memory_space<semaphore_mem>>) src(%dma_wait3A_124 : memref<10000xi32, #tpu.memory_space<hbm>>) dst(%arg6 : memref<10000xi32, #tpu.memory_space<vmem>>)
      tpu.yield
    }) : () -> ()
    %scan3A_60 = arith.constant 0 : i32
    %scan3A_61 = arith.constant 0 : i32
    %scan3A_62 = arith.constant 78 : i32
    %scan3A_63 = arith.addi %scan3A_61, %scan3A_62 : i32
    %scan3A_64 = arith.constant 1 : i32
    scf.for %scan3A_118 = %scan3A_61 to %scan3A_63 step %scan3A_64  : i32 {
      %mul3A_119 = arith.constant 128 : i32
      %mul3A_120 = arith.muli %scan3A_118, %mul3A_119 : i32
      "tpu.region"() ({
        %run_scoped3A_121 = tpu.sem_alloc : memref<!tpu.dma_semaphore, #tpu.memory_space<semaphore_mem>>
        %dma_start3A = tpu.memref_slice %arg6[%mul3A_120] : memref<10000xi32, #tpu.memory_space<vmem>> -> memref<128xi32, #tpu.memory_space<vmem>>
        %dma_start3A_122 = arith.constant 0 : i32
        %dma_start3A_123 = tpu.memref_slice %arg9[%dma_start3A_122] : memref<10240xf32, #tpu.memory_space<vmem_shared>> -> memref<10240xf32, #tpu.memory_space<vmem_shared>>
        tpu.enqueue_indirect_dma source(%arg7 : memref<128xf32, #tpu.memory_space<vmem>>) target(%dma_start3A_123 : memref<10240xf32, #tpu.memory_space<vmem_shared>>) offsets(%dma_start3A : memref<128xi32, #tpu.memory_space<vmem>>) semaphore(%run_scoped3A_121 : memref<!tpu.dma_semaphore, #tpu.memory_space<semaphore_mem>>) {add = true}
        %dma_wait3A = tpu.memref_slice %arg6[%mul3A_120] : memref<10000xi32, #tpu.memory_space<vmem>> -> memref<128xi32, #tpu.memory_space<vmem>>
        %dma_wait3A_124 = arith.constant 0 : i32
        %dma_wait3A_125 = tpu.memref_slice %arg9[%dma_wait3A_124] : memref<10240xf32, #tpu.memory_space<vmem_shared>> -> memref<10240xf32, #tpu.memory_space<vmem_shared>>
        tpu.wait_indirect_dma semaphore(%run_scoped3A_121 : memref<!tpu.dma_semaphore, #tpu.memory_space<semaphore_mem>>) src(%arg7 : memref<128xf32, #tpu.memory_space<vmem>>) dst(%dma_wait3A_125 : memref<10240xf32, #tpu.memory_space<vmem_shared>>)
        tpu.yield
      }) : () -> ()
    }
    %scan3A_65 = arith.constant 78 : i32
    "tpu.region"() ({
      %run_scoped3A_118 = tpu.sem_alloc : memref<!tpu.dma_semaphore, #tpu.memory_space<semaphore_mem>>
      %dma_start3A = arith.constant 0 : i32
      %dma_start3A_119 = tpu.memref_slice %arg7[%dma_start3A] : memref<128xf32, #tpu.memory_space<vmem>> -> memref<16xf32, #tpu.memory_space<vmem>>
      %dma_start3A_120 = arith.constant 9984 : i32
      %dma_start3A_121 = tpu.memref_slice %arg6[%dma_start3A_120] : memref<10000xi32, #tpu.memory_space<vmem>> -> memref<16xi32, #tpu.memory_space<vmem>>
      %dma_start3A_122 = arith.constant 0 : i32
      %dma_start3A_123 = tpu.memref_slice %arg9[%dma_start3A_122] : memref<10240xf32, #tpu.memory_space<vmem_shared>> -> memref<10240xf32, #tpu.memory_space<vmem_shared>>
      tpu.enqueue_indirect_dma source(%dma_start3A_119 : memref<16xf32, #tpu.memory_space<vmem>>) target(%dma_start3A_123 : memref<10240xf32, #tpu.memory_space<vmem_shared>>) offsets(%dma_start3A_121 : memref<16xi32, #tpu.memory_space<vmem>>) semaphore(%run_scoped3A_118 : memref<!tpu.dma_semaphore, #tpu.memory_space<semaphore_mem>>) {add = true}
      %dma_wait3A = arith.constant 0 : i32
      %dma_wait3A_124 = tpu.memref_slice %arg7[%dma_wait3A] : memref<128xf32, #tpu.memory_space<vmem>> -> memref<16xf32, #tpu.memory_space<vmem>>
      %dma_wait3A_125 = arith.constant 9984 : i32
      %dma_wait3A_126 = tpu.memref_slice %arg6[%dma_wait3A_125] : memref<10000xi32, #tpu.memory_space<vmem>> -> memref<16xi32, #tpu.memory_space<vmem>>
      %dma_wait3A_127 = arith.constant 0 : i32
      %dma_wait3A_128 = tpu.memref_slice %arg9[%dma_wait3A_127] : memref<10240xf32, #tpu.memory_space<vmem_shared>> -> memref<10240xf32, #tpu.memory_space<vmem_shared>>
      tpu.wait_indirect_dma semaphore(%run_scoped3A_118 : memref<!tpu.dma_semaphore, #tpu.memory_space<semaphore_mem>>) src(%dma_wait3A_124 : memref<16xf32, #tpu.memory_space<vmem>>) dst(%dma_wait3A_128 : memref<10240xf32, #tpu.memory_space<vmem_shared>>)
      tpu.yield
    }) : () -> ()
    %mul3A_66 = arith.constant 10000 : i32
    %mul3A_67 = arith.muli %add3A, %mul3A_66 : i32
    %run_scoped3A_68 = arith.constant 1 : i32
    "tpu.region"() ({
      %run_scoped3A_118 = tpu.sem_alloc : memref<!tpu.dma_semaphore, #tpu.memory_space<semaphore_mem>>
      %dma_start3A = tpu.memref_slice %arg3[%run_scoped3A_68, %mul3A_67] : memref<2x320000xi32, #tpu.memory_space<hbm>> -> memref<1x10000xi32, #tpu.memory_space<hbm>>
      %dma_start3A_119 = tpu.memref_squeeze %dma_start3A : memref<1x10000xi32, #tpu.memory_space<hbm>> -> memref<10000xi32, #tpu.memory_space<hbm>>
      %dma_start3A_120 = tpu.memref_slice %arg3[%run_scoped3A_68, %mul3A_67] : memref<2x320000xi32, #tpu.memory_space<hbm>> -> memref<1x10000xi32, #tpu.memory_space<hbm>>
      %dma_start3A_121 = tpu.memref_squeeze %dma_start3A_120 : memref<1x10000xi32, #tpu.memory_space<hbm>> -> memref<10000xi32, #tpu.memory_space<hbm>>
      tpu.enqueue_dma source(%dma_start3A_121 : memref<10000xi32, #tpu.memory_space<hbm>>) target(%arg6 : memref<10000xi32, #tpu.memory_space<vmem>>) target_semaphore(%run_scoped3A_118 : memref<!tpu.dma_semaphore, #tpu.memory_space<semaphore_mem>>)
      %dma_wait3A = tpu.memref_slice %arg3[%run_scoped3A_68, %mul3A_67] : memref<2x320000xi32, #tpu.memory_space<hbm>> -> memref<1x10000xi32, #tpu.memory_space<hbm>>
      %dma_wait3A_122 = tpu.memref_squeeze %dma_wait3A : memref<1x10000xi32, #tpu.memory_space<hbm>> -> memref<10000xi32, #tpu.memory_space<hbm>>
      %dma_wait3A_123 = tpu.memref_slice %arg3[%run_scoped3A_68, %mul3A_67] : memref<2x320000xi32, #tpu.memory_space<hbm>> -> memref<1x10000xi32, #tpu.memory_space<hbm>>
      %dma_wait3A_124 = tpu.memref_squeeze %dma_wait3A_123 : memref<1x10000xi32, #tpu.memory_space<hbm>> -> memref<10000xi32, #tpu.memory_space<hbm>>
      tpu.wait_dma2 semaphore(%run_scoped3A_118 : memref<!tpu.dma_semaphore, #tpu.memory_space<semaphore_mem>>) src(%dma_wait3A_124 : memref<10000xi32, #tpu.memory_space<hbm>>) dst(%arg6 : memref<10000xi32, #tpu.memory_space<vmem>>)
      tpu.yield
    }) : () -> ()
    %scan3A_69 = arith.constant 0 : i32
    %scan3A_70 = arith.constant 0 : i32
    %scan3A_71 = arith.constant 78 : i32
    %scan3A_72 = arith.addi %scan3A_70, %scan3A_71 : i32
    %scan3A_73 = arith.constant 1 : i32
    scf.for %scan3A_118 = %scan3A_70 to %scan3A_72 step %scan3A_73  : i32 {
      %mul3A_119 = arith.constant 128 : i32
      %mul3A_120 = arith.muli %scan3A_118, %mul3A_119 : i32
      "tpu.region"() ({
        %run_scoped3A_121 = tpu.sem_alloc : memref<!tpu.dma_semaphore, #tpu.memory_space<semaphore_mem>>
        %dma_start3A = tpu.memref_slice %arg6[%mul3A_120] : memref<10000xi32, #tpu.memory_space<vmem>> -> memref<128xi32, #tpu.memory_space<vmem>>
        %dma_start3A_122 = arith.constant 0 : i32
        %dma_start3A_123 = tpu.memref_slice %arg10[%dma_start3A_122] : memref<10240xf32, #tpu.memory_space<vmem_shared>> -> memref<10240xf32, #tpu.memory_space<vmem_shared>>
        tpu.enqueue_indirect_dma source(%arg7 : memref<128xf32, #tpu.memory_space<vmem>>) target(%dma_start3A_123 : memref<10240xf32, #tpu.memory_space<vmem_shared>>) offsets(%dma_start3A : memref<128xi32, #tpu.memory_space<vmem>>) semaphore(%run_scoped3A_121 : memref<!tpu.dma_semaphore, #tpu.memory_space<semaphore_mem>>) {add = true}
        %dma_wait3A = tpu.memref_slice %arg6[%mul3A_120] : memref<10000xi32, #tpu.memory_space<vmem>> -> memref<128xi32, #tpu.memory_space<vmem>>
        %dma_wait3A_124 = arith.constant 0 : i32
        %dma_wait3A_125 = tpu.memref_slice %arg10[%dma_wait3A_124] : memref<10240xf32, #tpu.memory_space<vmem_shared>> -> memref<10240xf32, #tpu.memory_space<vmem_shared>>
        tpu.wait_indirect_dma semaphore(%run_scoped3A_121 : memref<!tpu.dma_semaphore, #tpu.memory_space<semaphore_mem>>) src(%arg7 : memref<128xf32, #tpu.memory_space<vmem>>) dst(%dma_wait3A_125 : memref<10240xf32, #tpu.memory_space<vmem_shared>>)
        tpu.yield
      }) : () -> ()
    }
    %scan3A_74 = arith.constant 78 : i32
    "tpu.region"() ({
      %run_scoped3A_118 = tpu.sem_alloc : memref<!tpu.dma_semaphore, #tpu.memory_space<semaphore_mem>>
      %dma_start3A = arith.constant 0 : i32
      %dma_start3A_119 = tpu.memref_slice %arg7[%dma_start3A] : memref<128xf32, #tpu.memory_space<vmem>> -> memref<16xf32, #tpu.memory_space<vmem>>
      %dma_start3A_120 = arith.constant 9984 : i32
      %dma_start3A_121 = tpu.memref_slice %arg6[%dma_start3A_120] : memref<10000xi32, #tpu.memory_space<vmem>> -> memref<16xi32, #tpu.memory_space<vmem>>
      %dma_start3A_122 = arith.constant 0 : i32
      %dma_start3A_123 = tpu.memref_slice %arg10[%dma_start3A_122] : memref<10240xf32, #tpu.memory_space<vmem_shared>> -> memref<10240xf32, #tpu.memory_space<vmem_shared>>
      tpu.enqueue_indirect_dma source(%dma_start3A_119 : memref<16xf32, #tpu.memory_space<vmem>>) target(%dma_start3A_123 : memref<10240xf32, #tpu.memory_space<vmem_shared>>) offsets(%dma_start3A_121 : memref<16xi32, #tpu.memory_space<vmem>>) semaphore(%run_scoped3A_118 : memref<!tpu.dma_semaphore, #tpu.memory_space<semaphore_mem>>) {add = true}
      %dma_wait3A = arith.constant 0 : i32
      %dma_wait3A_124 = tpu.memref_slice %arg7[%dma_wait3A] : memref<128xf32, #tpu.memory_space<vmem>> -> memref<16xf32, #tpu.memory_space<vmem>>
      %dma_wait3A_125 = arith.constant 9984 : i32
      %dma_wait3A_126 = tpu.memref_slice %arg6[%dma_wait3A_125] : memref<10000xi32, #tpu.memory_space<vmem>> -> memref<16xi32, #tpu.memory_space<vmem>>
      %dma_wait3A_127 = arith.constant 0 : i32
      %dma_wait3A_128 = tpu.memref_slice %arg10[%dma_wait3A_127] : memref<10240xf32, #tpu.memory_space<vmem_shared>> -> memref<10240xf32, #tpu.memory_space<vmem_shared>>
      tpu.wait_indirect_dma semaphore(%run_scoped3A_118 : memref<!tpu.dma_semaphore, #tpu.memory_space<semaphore_mem>>) src(%dma_wait3A_124 : memref<16xf32, #tpu.memory_space<vmem>>) dst(%dma_wait3A_128 : memref<10240xf32, #tpu.memory_space<vmem_shared>>)
      tpu.yield
    }) : () -> ()
    %mul3A_75 = arith.constant 10000 : i32
    %mul3A_76 = arith.muli %add3A, %mul3A_75 : i32
    %run_scoped3A_77 = arith.constant 1 : i32
    "tpu.region"() ({
      %run_scoped3A_118 = tpu.sem_alloc : memref<!tpu.dma_semaphore, #tpu.memory_space<semaphore_mem>>
      %dma_start3A = tpu.memref_slice %arg4[%run_scoped3A_77, %mul3A_76] : memref<2x320000xi32, #tpu.memory_space<hbm>> -> memref<1x10000xi32, #tpu.memory_space<hbm>>
      %dma_start3A_119 = tpu.memref_squeeze %dma_start3A : memref<1x10000xi32, #tpu.memory_space<hbm>> -> memref<10000xi32, #tpu.memory_space<hbm>>
      %dma_start3A_120 = tpu.memref_slice %arg4[%run_scoped3A_77, %mul3A_76] : memref<2x320000xi32, #tpu.memory_space<hbm>> -> memref<1x10000xi32, #tpu.memory_space<hbm>>
      %dma_start3A_121 = tpu.memref_squeeze %dma_start3A_120 : memref<1x10000xi32, #tpu.memory_space<hbm>> -> memref<10000xi32, #tpu.memory_space<hbm>>
      tpu.enqueue_dma source(%dma_start3A_121 : memref<10000xi32, #tpu.memory_space<hbm>>) target(%arg6 : memref<10000xi32, #tpu.memory_space<vmem>>) target_semaphore(%run_scoped3A_118 : memref<!tpu.dma_semaphore, #tpu.memory_space<semaphore_mem>>)
      %dma_wait3A = tpu.memref_slice %arg4[%run_scoped3A_77, %mul3A_76] : memref<2x320000xi32, #tpu.memory_space<hbm>> -> memref<1x10000xi32, #tpu.memory_space<hbm>>
      %dma_wait3A_122 = tpu.memref_squeeze %dma_wait3A : memref<1x10000xi32, #tpu.memory_space<hbm>> -> memref<10000xi32, #tpu.memory_space<hbm>>
      %dma_wait3A_123 = tpu.memref_slice %arg4[%run_scoped3A_77, %mul3A_76] : memref<2x320000xi32, #tpu.memory_space<hbm>> -> memref<1x10000xi32, #tpu.memory_space<hbm>>
      %dma_wait3A_124 = tpu.memref_squeeze %dma_wait3A_123 : memref<1x10000xi32, #tpu.memory_space<hbm>> -> memref<10000xi32, #tpu.memory_space<hbm>>
      tpu.wait_dma2 semaphore(%run_scoped3A_118 : memref<!tpu.dma_semaphore, #tpu.memory_space<semaphore_mem>>) src(%dma_wait3A_124 : memref<10000xi32, #tpu.memory_space<hbm>>) dst(%arg6 : memref<10000xi32, #tpu.memory_space<vmem>>)
      tpu.yield
    }) : () -> ()
    %scan3A_78 = arith.constant 0 : i32
    %scan3A_79 = arith.constant 0 : i32
    %scan3A_80 = arith.constant 78 : i32
    %scan3A_81 = arith.addi %scan3A_79, %scan3A_80 : i32
    %scan3A_82 = arith.constant 1 : i32
    scf.for %scan3A_118 = %scan3A_79 to %scan3A_81 step %scan3A_82  : i32 {
      %mul3A_119 = arith.constant 128 : i32
      %mul3A_120 = arith.muli %scan3A_118, %mul3A_119 : i32
      "tpu.region"() ({
        %run_scoped3A_121 = tpu.sem_alloc : memref<!tpu.dma_semaphore, #tpu.memory_space<semaphore_mem>>
        %dma_start3A = tpu.memref_slice %arg6[%mul3A_120] : memref<10000xi32, #tpu.memory_space<vmem>> -> memref<128xi32, #tpu.memory_space<vmem>>
        %dma_start3A_122 = arith.constant 0 : i32
        %dma_start3A_123 = tpu.memref_slice %arg11[%dma_start3A_122] : memref<10240xf32, #tpu.memory_space<vmem_shared>> -> memref<10240xf32, #tpu.memory_space<vmem_shared>>
        tpu.enqueue_indirect_dma source(%arg7 : memref<128xf32, #tpu.memory_space<vmem>>) target(%dma_start3A_123 : memref<10240xf32, #tpu.memory_space<vmem_shared>>) offsets(%dma_start3A : memref<128xi32, #tpu.memory_space<vmem>>) semaphore(%run_scoped3A_121 : memref<!tpu.dma_semaphore, #tpu.memory_space<semaphore_mem>>) {add = true}
        %dma_wait3A = tpu.memref_slice %arg6[%mul3A_120] : memref<10000xi32, #tpu.memory_space<vmem>> -> memref<128xi32, #tpu.memory_space<vmem>>
        %dma_wait3A_124 = arith.constant 0 : i32
        %dma_wait3A_125 = tpu.memref_slice %arg11[%dma_wait3A_124] : memref<10240xf32, #tpu.memory_space<vmem_shared>> -> memref<10240xf32, #tpu.memory_space<vmem_shared>>
        tpu.wait_indirect_dma semaphore(%run_scoped3A_121 : memref<!tpu.dma_semaphore, #tpu.memory_space<semaphore_mem>>) src(%arg7 : memref<128xf32, #tpu.memory_space<vmem>>) dst(%dma_wait3A_125 : memref<10240xf32, #tpu.memory_space<vmem_shared>>)
        tpu.yield
      }) : () -> ()
    }
    %scan3A_83 = arith.constant 78 : i32
    "tpu.region"() ({
      %run_scoped3A_118 = tpu.sem_alloc : memref<!tpu.dma_semaphore, #tpu.memory_space<semaphore_mem>>
      %dma_start3A = arith.constant 0 : i32
      %dma_start3A_119 = tpu.memref_slice %arg7[%dma_start3A] : memref<128xf32, #tpu.memory_space<vmem>> -> memref<16xf32, #tpu.memory_space<vmem>>
      %dma_start3A_120 = arith.constant 9984 : i32
      %dma_start3A_121 = tpu.memref_slice %arg6[%dma_start3A_120] : memref<10000xi32, #tpu.memory_space<vmem>> -> memref<16xi32, #tpu.memory_space<vmem>>
      %dma_start3A_122 = arith.constant 0 : i32
      %dma_start3A_123 = tpu.memref_slice %arg11[%dma_start3A_122] : memref<10240xf32, #tpu.memory_space<vmem_shared>> -> memref<10240xf32, #tpu.memory_space<vmem_shared>>
      tpu.enqueue_indirect_dma source(%dma_start3A_119 : memref<16xf32, #tpu.memory_space<vmem>>) target(%dma_start3A_123 : memref<10240xf32, #tpu.memory_space<vmem_shared>>) offsets(%dma_start3A_121 : memref<16xi32, #tpu.memory_space<vmem>>) semaphore(%run_scoped3A_118 : memref<!tpu.dma_semaphore, #tpu.memory_space<semaphore_mem>>) {add = true}
      %dma_wait3A = arith.constant 0 : i32
      %dma_wait3A_124 = tpu.memref_slice %arg7[%dma_wait3A] : memref<128xf32, #tpu.memory_space<vmem>> -> memref<16xf32, #tpu.memory_space<vmem>>
      %dma_wait3A_125 = arith.constant 9984 : i32
      %dma_wait3A_126 = tpu.memref_slice %arg6[%dma_wait3A_125] : memref<10000xi32, #tpu.memory_space<vmem>> -> memref<16xi32, #tpu.memory_space<vmem>>
      %dma_wait3A_127 = arith.constant 0 : i32
      %dma_wait3A_128 = tpu.memref_slice %arg11[%dma_wait3A_127] : memref<10240xf32, #tpu.memory_space<vmem_shared>> -> memref<10240xf32, #tpu.memory_space<vmem_shared>>
      tpu.wait_indirect_dma semaphore(%run_scoped3A_118 : memref<!tpu.dma_semaphore, #tpu.memory_space<semaphore_mem>>) src(%dma_wait3A_124 : memref<16xf32, #tpu.memory_space<vmem>>) dst(%dma_wait3A_128 : memref<10240xf32, #tpu.memory_space<vmem_shared>>)
      tpu.yield
    }) : () -> ()
    %barrier3A_84 = arith.constant 0 : index
    tpu.barrier barrier_id(%barrier3A_84)
    %mul3A_85 = arith.constant 640 : i32
    %mul3A_86 = arith.muli %arg1, %mul3A_85 : i32
    %mul3A_87 = arith.constant 3 : i32
    %mul3A_88 = arith.muli %arg0, %mul3A_87 : i32
    %add3A_89 = arith.constant 0 : i32
    %add3A_90 = arith.addi %mul3A_88, %add3A_89 : i32
    %mul3A_91 = arith.constant 10240 : i32
    %mul3A_92 = arith.muli %add3A_90, %mul3A_91 : i32
    %mul3A_93 = arith.constant 640 : i32
    %mul3A_94 = arith.muli %arg1, %mul3A_93 : i32
    %add3A_95 = arith.addi %mul3A_92, %mul3A_94 : i32
    "tpu.region"() ({
      %run_scoped3A_118 = tpu.sem_alloc : memref<!tpu.dma_semaphore, #tpu.memory_space<semaphore_mem>>
      %dma_start3A = tpu.memref_slice %arg5[%add3A_95] : memref<61440xf32, #tpu.memory_space<hbm>> -> memref<640xf32, #tpu.memory_space<hbm>>
      %dma_start3A_119 = tpu.memref_slice %arg9[%mul3A_86] : memref<10240xf32, #tpu.memory_space<vmem_shared>> -> memref<640xf32, #tpu.memory_space<vmem_shared>>
      tpu.enqueue_dma source(%dma_start3A_119 : memref<640xf32, #tpu.memory_space<vmem_shared>>) target(%dma_start3A : memref<640xf32, #tpu.memory_space<hbm>>) target_semaphore(%run_scoped3A_118 : memref<!tpu.dma_semaphore, #tpu.memory_space<semaphore_mem>>)
      %dma_wait3A = tpu.memref_slice %arg5[%add3A_95] : memref<61440xf32, #tpu.memory_space<hbm>> -> memref<640xf32, #tpu.memory_space<hbm>>
      %dma_wait3A_120 = tpu.memref_slice %arg9[%mul3A_86] : memref<10240xf32, #tpu.memory_space<vmem_shared>> -> memref<640xf32, #tpu.memory_space<vmem_shared>>
      tpu.wait_dma2 semaphore(%run_scoped3A_118 : memref<!tpu.dma_semaphore, #tpu.memory_space<semaphore_mem>>) src(%dma_wait3A_120 : memref<640xf32, #tpu.memory_space<vmem_shared>>) dst(%dma_wait3A : memref<640xf32, #tpu.memory_space<hbm>>)
      tpu.yield
    }) : () -> ()
    %mul3A_96 = arith.constant 640 : i32
    %mul3A_97 = arith.muli %arg1, %mul3A_96 : i32
    %mul3A_98 = arith.constant 3 : i32
    %mul3A_99 = arith.muli %arg0, %mul3A_98 : i32
    %add3A_100 = arith.constant 1 : i32
    %add3A_101 = arith.addi %mul3A_99, %add3A_100 : i32
    %mul3A_102 = arith.constant 10240 : i32
    %mul3A_103 = arith.muli %add3A_101, %mul3A_102 : i32
    %mul3A_104 = arith.constant 640 : i32
    %mul3A_105 = arith.muli %arg1, %mul3A_104 : i32
    %add3A_106 = arith.addi %mul3A_103, %mul3A_105 : i32
    "tpu.region"() ({
      %run_scoped3A_118 = tpu.sem_alloc : memref<!tpu.dma_semaphore, #tpu.memory_space<semaphore_mem>>
      %dma_start3A = tpu.memref_slice %arg5[%add3A_106] : memref<61440xf32, #tpu.memory_space<hbm>> -> memref<640xf32, #tpu.memory_space<hbm>>
      %dma_start3A_119 = tpu.memref_slice %arg10[%mul3A_97] : memref<10240xf32, #tpu.memory_space<vmem_shared>> -> memref<640xf32, #tpu.memory_space<vmem_shared>>
      tpu.enqueue_dma source(%dma_start3A_119 : memref<640xf32, #tpu.memory_space<vmem_shared>>) target(%dma_start3A : memref<640xf32, #tpu.memory_space<hbm>>) target_semaphore(%run_scoped3A_118 : memref<!tpu.dma_semaphore, #tpu.memory_space<semaphore_mem>>)
      %dma_wait3A = tpu.memref_slice %arg5[%add3A_106] : memref<61440xf32, #tpu.memory_space<hbm>> -> memref<640xf32, #tpu.memory_space<hbm>>
      %dma_wait3A_120 = tpu.memref_slice %arg10[%mul3A_97] : memref<10240xf32, #tpu.memory_space<vmem_shared>> -> memref<640xf32, #tpu.memory_space<vmem_shared>>
      tpu.wait_dma2 semaphore(%run_scoped3A_118 : memref<!tpu.dma_semaphore, #tpu.memory_space<semaphore_mem>>) src(%dma_wait3A_120 : memref<640xf32, #tpu.memory_space<vmem_shared>>) dst(%dma_wait3A : memref<640xf32, #tpu.memory_space<hbm>>)
      tpu.yield
    }) : () -> ()
    %mul3A_107 = arith.constant 640 : i32
    %mul3A_108 = arith.muli %arg1, %mul3A_107 : i32
    %mul3A_109 = arith.constant 3 : i32
    %mul3A_110 = arith.muli %arg0, %mul3A_109 : i32
    %add3A_111 = arith.constant 2 : i32
    %add3A_112 = arith.addi %mul3A_110, %add3A_111 : i32
    %mul3A_113 = arith.constant 10240 : i32
    %mul3A_114 = arith.muli %add3A_112, %mul3A_113 : i32
    %mul3A_115 = arith.constant 640 : i32
    %mul3A_116 = arith.muli %arg1, %mul3A_115 : i32
    %add3A_117 = arith.addi %mul3A_114, %mul3A_116 : i32
    "tpu.region"() ({
      %run_scoped3A_118 = tpu.sem_alloc : memref<!tpu.dma_semaphore, #tpu.memory_space<semaphore_mem>>
      %dma_start3A = tpu.memref_slice %arg5[%add3A_117] : memref<61440xf32, #tpu.memory_space<hbm>> -> memref<640xf32, #tpu.memory_space<hbm>>
      %dma_start3A_119 = tpu.memref_slice %arg11[%mul3A_108] : memref<10240xf32, #tpu.memory_space<vmem_shared>> -> memref<640xf32, #tpu.memory_space<vmem_shared>>
      tpu.enqueue_dma source(%dma_start3A_119 : memref<640xf32, #tpu.memory_space<vmem_shared>>) target(%dma_start3A : memref<640xf32, #tpu.memory_space<hbm>>) target_semaphore(%run_scoped3A_118 : memref<!tpu.dma_semaphore, #tpu.memory_space<semaphore_mem>>)
      %dma_wait3A = tpu.memref_slice %arg5[%add3A_117] : memref<61440xf32, #tpu.memory_space<hbm>> -> memref<640xf32, #tpu.memory_space<hbm>>
      %dma_wait3A_120 = tpu.memref_slice %arg11[%mul3A_108] : memref<10240xf32, #tpu.memory_space<vmem_shared>> -> memref<640xf32, #tpu.memory_space<vmem_shared>>
      tpu.wait_dma2 semaphore(%run_scoped3A_118 : memref<!tpu.dma_semaphore, #tpu.memory_space<semaphore_mem>>) src(%dma_wait3A_120 : memref<640xf32, #tpu.memory_space<vmem_shared>>) dst(%dma_wait3A : memref<640xf32, #tpu.memory_space<hbm>>)
      tpu.yield
    }) : () -> ()
    return
  }
}

#map = affine_map<(d0, d1) -> (0, 0)>
module attributes {stable_mosaic.version = 14 : i64} {
  func.func @_agg_one(%arg0: i32, %arg1: i32, %arg2: memref<10000x64xf32, #tpu.memory_space<hbm>>, %arg3: memref<2x320000xi32, #tpu.memory_space<hbm>>, %arg4: memref<20480x64xf32, #tpu.memory_space<hbm>>, %arg5: memref<10000xi32, #tpu.memory_space<vmem>>, %arg6: memref<10000xi32, #tpu.memory_space<vmem>>, %arg7: memref<128x64xf32, #tpu.memory_space<vmem>>, %arg8: memref<128x64xf32, #tpu.memory_space<vmem>>, %arg9: memref<128x64xf32, #tpu.memory_space<vmem>>, %arg10: memref<128x64xf32, #tpu.memory_space<vmem>>, %arg11: memref<128x64xf32, #tpu.memory_space<vmem>>, %arg12: memref<128x64xf32, #tpu.memory_space<vmem>>, %arg13: memref<128x64xf32, #tpu.memory_space<vmem>>, %arg14: memref<10240x64xf32, #tpu.memory_space<vmem_shared>>, %arg15: memref<!tpu.dma_semaphore, #tpu.memory_space<semaphore_mem>>, %arg16: memref<!tpu.dma_semaphore, #tpu.memory_space<semaphore_mem>>, %arg17: memref<!tpu.dma_semaphore, #tpu.memory_space<semaphore_mem>>, %arg18: memref<!tpu.dma_semaphore, #tpu.memory_space<semaphore_mem>>, %arg19: memref<!tpu.dma_semaphore, #tpu.memory_space<semaphore_mem>>, %arg20: memref<!tpu.dma_semaphore, #tpu.memory_space<semaphore_mem>>, %arg21: memref<!tpu.dma_semaphore, #tpu.memory_space<semaphore_mem>>, %arg22: memref<!tpu.dma_semaphore, #tpu.memory_space<semaphore_mem>>, %arg23: memref<!tpu.dma_semaphore, #tpu.memory_space<semaphore_mem>>, %arg24: memref<!tpu.dma_semaphore, #tpu.memory_space<semaphore_mem>>, %arg25: memref<!tpu.dma_semaphore, #tpu.memory_space<semaphore_mem>>, %arg26: memref<!tpu.dma_semaphore, #tpu.memory_space<semaphore_mem>>) attributes {dimension_semantics = [#tpu.dimension_semantics<core_parallel>, #tpu.dimension_semantics<subcore_parallel>], iteration_bounds = array<i64: 2, 16>, scalar_prefetch = 0 : i64, scratch_operands = 22 : i64, tpu.core_type = #tpu.core_type<sc_vector_subcore>, window_params = [{transform_indices = #map}, {transform_indices = #map}, {transform_indices = #map}]} {
    %mul3A = arith.constant 2 : i32
    %mul3A_0 = arith.muli %arg1, %mul3A : i32
    %add3A = arith.addi %mul3A_0, %arg0 : i32
    %scan3A = arith.constant 0 : i32
    %scan3A_1 = arith.constant 0 : i32
    %scan3A_2 = arith.constant 128 : i32
    %scan3A_3 = arith.addi %scan3A_1, %scan3A_2 : i32
    %scan3A_4 = arith.constant 1 : i32
    scf.for %scan3A_110 = %scan3A_1 to %scan3A_3 step %scan3A_4  : i32 {
      %broadcast_in_dim3A = arith.constant 0.000000e+00 : f32
      %broadcast_in_dim3A_111 = vector.broadcast %broadcast_in_dim3A : f32 to vector<16xf32>
      %swap3A = arith.index_cast %scan3A_110 : i32 to index
      %swap3A_112 = arith.constant 0 : index
      %swap3A_113 = tpu.vector_load %arg13[%swap3A, %swap3A_112] {strides = array<i32>} : memref<128x64xf32, #tpu.memory_space<vmem>>, vector<1x16xf32>,
      %swap3A_114 = vector.shape_cast %swap3A_113 : vector<1x16xf32> to vector<16xf32>
      %swap3A_115 = vector.shape_cast %broadcast_in_dim3A_111 : vector<16xf32> to vector<1x16xf32>
      tpu.vector_store %arg13[%swap3A, %swap3A_112], %swap3A_115 {strides = array<i32>} : memref<128x64xf32, #tpu.memory_space<vmem>>, vector<1x16xf32>,
      %broadcast_in_dim3A_116 = arith.constant 0.000000e+00 : f32
      %broadcast_in_dim3A_117 = vector.broadcast %broadcast_in_dim3A_116 : f32 to vector<16xf32>
      %swap3A_118 = arith.index_cast %scan3A_110 : i32 to index
      %swap3A_119 = arith.constant 16 : index
      %swap3A_120 = tpu.vector_load %arg13[%swap3A_118, %swap3A_119] {strides = array<i32>} : memref<128x64xf32, #tpu.memory_space<vmem>>, vector<1x16xf32>,
      %swap3A_121 = vector.shape_cast %swap3A_120 : vector<1x16xf32> to vector<16xf32>
      %swap3A_122 = vector.shape_cast %broadcast_in_dim3A_117 : vector<16xf32> to vector<1x16xf32>
      tpu.vector_store %arg13[%swap3A_118, %swap3A_119], %swap3A_122 {strides = array<i32>} : memref<128x64xf32, #tpu.memory_space<vmem>>, vector<1x16xf32>,
      %broadcast_in_dim3A_123 = arith.constant 0.000000e+00 : f32
      %broadcast_in_dim3A_124 = vector.broadcast %broadcast_in_dim3A_123 : f32 to vector<16xf32>
      %swap3A_125 = arith.index_cast %scan3A_110 : i32 to index
      %swap3A_126 = arith.constant 32 : index
      %swap3A_127 = tpu.vector_load %arg13[%swap3A_125, %swap3A_126] {strides = array<i32>} : memref<128x64xf32, #tpu.memory_space<vmem>>, vector<1x16xf32>,
      %swap3A_128 = vector.shape_cast %swap3A_127 : vector<1x16xf32> to vector<16xf32>
      %swap3A_129 = vector.shape_cast %broadcast_in_dim3A_124 : vector<16xf32> to vector<1x16xf32>
      tpu.vector_store %arg13[%swap3A_125, %swap3A_126], %swap3A_129 {strides = array<i32>} : memref<128x64xf32, #tpu.memory_space<vmem>>, vector<1x16xf32>,
      %broadcast_in_dim3A_130 = arith.constant 0.000000e+00 : f32
      %broadcast_in_dim3A_131 = vector.broadcast %broadcast_in_dim3A_130 : f32 to vector<16xf32>
      %swap3A_132 = arith.index_cast %scan3A_110 : i32 to index
      %swap3A_133 = arith.constant 48 : index
      %swap3A_134 = tpu.vector_load %arg13[%swap3A_132, %swap3A_133] {strides = array<i32>} : memref<128x64xf32, #tpu.memory_space<vmem>>, vector<1x16xf32>,
      %swap3A_135 = vector.shape_cast %swap3A_134 : vector<1x16xf32> to vector<16xf32>
      %swap3A_136 = vector.shape_cast %broadcast_in_dim3A_131 : vector<16xf32> to vector<1x16xf32>
      tpu.vector_store %arg13[%swap3A_132, %swap3A_133], %swap3A_136 {strides = array<i32>} : memref<128x64xf32, #tpu.memory_space<vmem>>, vector<1x16xf32>,
    }
    %scan3A_5 = arith.constant 128 : i32
    %mul3A_6 = arith.constant 640 : i32
    %mul3A_7 = arith.muli %arg1, %mul3A_6 : i32
    %add3A_8 = arith.constant 0 : i32
    %add3A_9 = arith.addi %mul3A_7, %add3A_8 : i32
    "tpu.region"() ({
      %run_scoped3A_110 = tpu.sem_alloc : memref<!tpu.dma_semaphore, #tpu.memory_space<semaphore_mem>>
      %dma_start3A_111 = arith.constant 0 : i32
      %dma_start3A_112 = tpu.memref_slice %arg14[%add3A_9, %dma_start3A_111] : memref<10240x64xf32, #tpu.memory_space<vmem_shared>> -> memref<128x64xf32, #tpu.memory_space<vmem_shared>>
      %dma_start3A_113 = arith.constant 0 : i32
      %dma_start3A_114 = tpu.memref_slice %arg14[%add3A_9, %dma_start3A_113] : memref<10240x64xf32, #tpu.memory_space<vmem_shared>> -> memref<128x64xf32, #tpu.memory_space<vmem_shared>>
      tpu.enqueue_dma source(%arg13 : memref<128x64xf32, #tpu.memory_space<vmem>>) target(%dma_start3A_114 : memref<128x64xf32, #tpu.memory_space<vmem_shared>>) target_semaphore(%run_scoped3A_110 : memref<!tpu.dma_semaphore, #tpu.memory_space<semaphore_mem>>)
      %dma_wait3A_115 = arith.constant 0 : i32
      %dma_wait3A_116 = tpu.memref_slice %arg14[%add3A_9, %dma_wait3A_115] : memref<10240x64xf32, #tpu.memory_space<vmem_shared>> -> memref<128x64xf32, #tpu.memory_space<vmem_shared>>
      %dma_wait3A_117 = arith.constant 0 : i32
      %dma_wait3A_118 = tpu.memref_slice %arg14[%add3A_9, %dma_wait3A_117] : memref<10240x64xf32, #tpu.memory_space<vmem_shared>> -> memref<128x64xf32, #tpu.memory_space<vmem_shared>>
      tpu.wait_dma2 semaphore(%run_scoped3A_110 : memref<!tpu.dma_semaphore, #tpu.memory_space<semaphore_mem>>) src(%arg13 : memref<128x64xf32, #tpu.memory_space<vmem>>) dst(%dma_wait3A_118 : memref<128x64xf32, #tpu.memory_space<vmem_shared>>)
      tpu.yield
    }) : () -> ()
    %mul3A_10 = arith.constant 640 : i32
    %mul3A_11 = arith.muli %arg1, %mul3A_10 : i32
    %add3A_12 = arith.constant 128 : i32
    %add3A_13 = arith.addi %mul3A_11, %add3A_12 : i32
    "tpu.region"() ({
      %run_scoped3A_110 = tpu.sem_alloc : memref<!tpu.dma_semaphore, #tpu.memory_space<semaphore_mem>>
      %dma_start3A_111 = arith.constant 0 : i32
      %dma_start3A_112 = tpu.memref_slice %arg14[%add3A_13, %dma_start3A_111] : memref<10240x64xf32, #tpu.memory_space<vmem_shared>> -> memref<128x64xf32, #tpu.memory_space<vmem_shared>>
      %dma_start3A_113 = arith.constant 0 : i32
      %dma_start3A_114 = tpu.memref_slice %arg14[%add3A_13, %dma_start3A_113] : memref<10240x64xf32, #tpu.memory_space<vmem_shared>> -> memref<128x64xf32, #tpu.memory_space<vmem_shared>>
      tpu.enqueue_dma source(%arg13 : memref<128x64xf32, #tpu.memory_space<vmem>>) target(%dma_start3A_114 : memref<128x64xf32, #tpu.memory_space<vmem_shared>>) target_semaphore(%run_scoped3A_110 : memref<!tpu.dma_semaphore, #tpu.memory_space<semaphore_mem>>)
      %dma_wait3A_115 = arith.constant 0 : i32
      %dma_wait3A_116 = tpu.memref_slice %arg14[%add3A_13, %dma_wait3A_115] : memref<10240x64xf32, #tpu.memory_space<vmem_shared>> -> memref<128x64xf32, #tpu.memory_space<vmem_shared>>
      %dma_wait3A_117 = arith.constant 0 : i32
      %dma_wait3A_118 = tpu.memref_slice %arg14[%add3A_13, %dma_wait3A_117] : memref<10240x64xf32, #tpu.memory_space<vmem_shared>> -> memref<128x64xf32, #tpu.memory_space<vmem_shared>>
      tpu.wait_dma2 semaphore(%run_scoped3A_110 : memref<!tpu.dma_semaphore, #tpu.memory_space<semaphore_mem>>) src(%arg13 : memref<128x64xf32, #tpu.memory_space<vmem>>) dst(%dma_wait3A_118 : memref<128x64xf32, #tpu.memory_space<vmem_shared>>)
      tpu.yield
    }) : () -> ()
    %mul3A_14 = arith.constant 640 : i32
    %mul3A_15 = arith.muli %arg1, %mul3A_14 : i32
    %add3A_16 = arith.constant 256 : i32
    %add3A_17 = arith.addi %mul3A_15, %add3A_16 : i32
    "tpu.region"() ({
      %run_scoped3A_110 = tpu.sem_alloc : memref<!tpu.dma_semaphore, #tpu.memory_space<semaphore_mem>>
      %dma_start3A_111 = arith.constant 0 : i32
      %dma_start3A_112 = tpu.memref_slice %arg14[%add3A_17, %dma_start3A_111] : memref<10240x64xf32, #tpu.memory_space<vmem_shared>> -> memref<128x64xf32, #tpu.memory_space<vmem_shared>>
      %dma_start3A_113 = arith.constant 0 : i32
      %dma_start3A_114 = tpu.memref_slice %arg14[%add3A_17, %dma_start3A_113] : memref<10240x64xf32, #tpu.memory_space<vmem_shared>> -> memref<128x64xf32, #tpu.memory_space<vmem_shared>>
      tpu.enqueue_dma source(%arg13 : memref<128x64xf32, #tpu.memory_space<vmem>>) target(%dma_start3A_114 : memref<128x64xf32, #tpu.memory_space<vmem_shared>>) target_semaphore(%run_scoped3A_110 : memref<!tpu.dma_semaphore, #tpu.memory_space<semaphore_mem>>)
      %dma_wait3A_115 = arith.constant 0 : i32
      %dma_wait3A_116 = tpu.memref_slice %arg14[%add3A_17, %dma_wait3A_115] : memref<10240x64xf32, #tpu.memory_space<vmem_shared>> -> memref<128x64xf32, #tpu.memory_space<vmem_shared>>
      %dma_wait3A_117 = arith.constant 0 : i32
      %dma_wait3A_118 = tpu.memref_slice %arg14[%add3A_17, %dma_wait3A_117] : memref<10240x64xf32, #tpu.memory_space<vmem_shared>> -> memref<128x64xf32, #tpu.memory_space<vmem_shared>>
      tpu.wait_dma2 semaphore(%run_scoped3A_110 : memref<!tpu.dma_semaphore, #tpu.memory_space<semaphore_mem>>) src(%arg13 : memref<128x64xf32, #tpu.memory_space<vmem>>) dst(%dma_wait3A_118 : memref<128x64xf32, #tpu.memory_space<vmem_shared>>)
      tpu.yield
    }) : () -> ()
    %mul3A_18 = arith.constant 640 : i32
    %mul3A_19 = arith.muli %arg1, %mul3A_18 : i32
    %add3A_20 = arith.constant 384 : i32
    %add3A_21 = arith.addi %mul3A_19, %add3A_20 : i32
    "tpu.region"() ({
      %run_scoped3A_110 = tpu.sem_alloc : memref<!tpu.dma_semaphore, #tpu.memory_space<semaphore_mem>>
      %dma_start3A_111 = arith.constant 0 : i32
      %dma_start3A_112 = tpu.memref_slice %arg14[%add3A_21, %dma_start3A_111] : memref<10240x64xf32, #tpu.memory_space<vmem_shared>> -> memref<128x64xf32, #tpu.memory_space<vmem_shared>>
      %dma_start3A_113 = arith.constant 0 : i32
      %dma_start3A_114 = tpu.memref_slice %arg14[%add3A_21, %dma_start3A_113] : memref<10240x64xf32, #tpu.memory_space<vmem_shared>> -> memref<128x64xf32, #tpu.memory_space<vmem_shared>>
      tpu.enqueue_dma source(%arg13 : memref<128x64xf32, #tpu.memory_space<vmem>>) target(%dma_start3A_114 : memref<128x64xf32, #tpu.memory_space<vmem_shared>>) target_semaphore(%run_scoped3A_110 : memref<!tpu.dma_semaphore, #tpu.memory_space<semaphore_mem>>)
      %dma_wait3A_115 = arith.constant 0 : i32
      %dma_wait3A_116 = tpu.memref_slice %arg14[%add3A_21, %dma_wait3A_115] : memref<10240x64xf32, #tpu.memory_space<vmem_shared>> -> memref<128x64xf32, #tpu.memory_space<vmem_shared>>
      %dma_wait3A_117 = arith.constant 0 : i32
      %dma_wait3A_118 = tpu.memref_slice %arg14[%add3A_21, %dma_wait3A_117] : memref<10240x64xf32, #tpu.memory_space<vmem_shared>> -> memref<128x64xf32, #tpu.memory_space<vmem_shared>>
      tpu.wait_dma2 semaphore(%run_scoped3A_110 : memref<!tpu.dma_semaphore, #tpu.memory_space<semaphore_mem>>) src(%arg13 : memref<128x64xf32, #tpu.memory_space<vmem>>) dst(%dma_wait3A_118 : memref<128x64xf32, #tpu.memory_space<vmem_shared>>)
      tpu.yield
    }) : () -> ()
    %mul3A_22 = arith.constant 640 : i32
    %mul3A_23 = arith.muli %arg1, %mul3A_22 : i32
    %add3A_24 = arith.constant 512 : i32
    %add3A_25 = arith.addi %mul3A_23, %add3A_24 : i32
    "tpu.region"() ({
      %run_scoped3A_110 = tpu.sem_alloc : memref<!tpu.dma_semaphore, #tpu.memory_space<semaphore_mem>>
      %dma_start3A_111 = arith.constant 0 : i32
      %dma_start3A_112 = tpu.memref_slice %arg14[%add3A_25, %dma_start3A_111] : memref<10240x64xf32, #tpu.memory_space<vmem_shared>> -> memref<128x64xf32, #tpu.memory_space<vmem_shared>>
      %dma_start3A_113 = arith.constant 0 : i32
      %dma_start3A_114 = tpu.memref_slice %arg14[%add3A_25, %dma_start3A_113] : memref<10240x64xf32, #tpu.memory_space<vmem_shared>> -> memref<128x64xf32, #tpu.memory_space<vmem_shared>>
      tpu.enqueue_dma source(%arg13 : memref<128x64xf32, #tpu.memory_space<vmem>>) target(%dma_start3A_114 : memref<128x64xf32, #tpu.memory_space<vmem_shared>>) target_semaphore(%run_scoped3A_110 : memref<!tpu.dma_semaphore, #tpu.memory_space<semaphore_mem>>)
      %dma_wait3A_115 = arith.constant 0 : i32
      %dma_wait3A_116 = tpu.memref_slice %arg14[%add3A_25, %dma_wait3A_115] : memref<10240x64xf32, #tpu.memory_space<vmem_shared>> -> memref<128x64xf32, #tpu.memory_space<vmem_shared>>
      %dma_wait3A_117 = arith.constant 0 : i32
      %dma_wait3A_118 = tpu.memref_slice %arg14[%add3A_25, %dma_wait3A_117] : memref<10240x64xf32, #tpu.memory_space<vmem_shared>> -> memref<128x64xf32, #tpu.memory_space<vmem_shared>>
      tpu.wait_dma2 semaphore(%run_scoped3A_110 : memref<!tpu.dma_semaphore, #tpu.memory_space<semaphore_mem>>) src(%arg13 : memref<128x64xf32, #tpu.memory_space<vmem>>) dst(%dma_wait3A_118 : memref<128x64xf32, #tpu.memory_space<vmem_shared>>)
      tpu.yield
    }) : () -> ()
    %mul3A_26 = arith.constant 10000 : i32
    %mul3A_27 = arith.muli %add3A, %mul3A_26 : i32
    %run_scoped3A = arith.constant 0 : i32
    "tpu.region"() ({
      %run_scoped3A_110 = tpu.sem_alloc : memref<!tpu.dma_semaphore, #tpu.memory_space<semaphore_mem>>
      %dma_start3A_111 = tpu.memref_slice %arg3[%run_scoped3A, %mul3A_27] : memref<2x320000xi32, #tpu.memory_space<hbm>> -> memref<1x10000xi32, #tpu.memory_space<hbm>>
      %dma_start3A_112 = tpu.memref_squeeze %dma_start3A_111 : memref<1x10000xi32, #tpu.memory_space<hbm>> -> memref<10000xi32, #tpu.memory_space<hbm>>
      %dma_start3A_113 = tpu.memref_slice %arg3[%run_scoped3A, %mul3A_27] : memref<2x320000xi32, #tpu.memory_space<hbm>> -> memref<1x10000xi32, #tpu.memory_space<hbm>>
      %dma_start3A_114 = tpu.memref_squeeze %dma_start3A_113 : memref<1x10000xi32, #tpu.memory_space<hbm>> -> memref<10000xi32, #tpu.memory_space<hbm>>
      tpu.enqueue_dma source(%dma_start3A_114 : memref<10000xi32, #tpu.memory_space<hbm>>) target(%arg5 : memref<10000xi32, #tpu.memory_space<vmem>>) target_semaphore(%run_scoped3A_110 : memref<!tpu.dma_semaphore, #tpu.memory_space<semaphore_mem>>)
      %dma_wait3A_115 = tpu.memref_slice %arg3[%run_scoped3A, %mul3A_27] : memref<2x320000xi32, #tpu.memory_space<hbm>> -> memref<1x10000xi32, #tpu.memory_space<hbm>>
      %dma_wait3A_116 = tpu.memref_squeeze %dma_wait3A_115 : memref<1x10000xi32, #tpu.memory_space<hbm>> -> memref<10000xi32, #tpu.memory_space<hbm>>
      %dma_wait3A_117 = tpu.memref_slice %arg3[%run_scoped3A, %mul3A_27] : memref<2x320000xi32, #tpu.memory_space<hbm>> -> memref<1x10000xi32, #tpu.memory_space<hbm>>
      %dma_wait3A_118 = tpu.memref_squeeze %dma_wait3A_117 : memref<1x10000xi32, #tpu.memory_space<hbm>> -> memref<10000xi32, #tpu.memory_space<hbm>>
      tpu.wait_dma2 semaphore(%run_scoped3A_110 : memref<!tpu.dma_semaphore, #tpu.memory_space<semaphore_mem>>) src(%dma_wait3A_118 : memref<10000xi32, #tpu.memory_space<hbm>>) dst(%arg5 : memref<10000xi32, #tpu.memory_space<vmem>>)
      tpu.yield
    }) : () -> ()
    %mul3A_28 = arith.constant 10000 : i32
    %mul3A_29 = arith.muli %add3A, %mul3A_28 : i32
    %run_scoped3A_30 = arith.constant 1 : i32
    "tpu.region"() ({
      %run_scoped3A_110 = tpu.sem_alloc : memref<!tpu.dma_semaphore, #tpu.memory_space<semaphore_mem>>
      %dma_start3A_111 = tpu.memref_slice %arg3[%run_scoped3A_30, %mul3A_29] : memref<2x320000xi32, #tpu.memory_space<hbm>> -> memref<1x10000xi32, #tpu.memory_space<hbm>>
      %dma_start3A_112 = tpu.memref_squeeze %dma_start3A_111 : memref<1x10000xi32, #tpu.memory_space<hbm>> -> memref<10000xi32, #tpu.memory_space<hbm>>
      %dma_start3A_113 = tpu.memref_slice %arg3[%run_scoped3A_30, %mul3A_29] : memref<2x320000xi32, #tpu.memory_space<hbm>> -> memref<1x10000xi32, #tpu.memory_space<hbm>>
      %dma_start3A_114 = tpu.memref_squeeze %dma_start3A_113 : memref<1x10000xi32, #tpu.memory_space<hbm>> -> memref<10000xi32, #tpu.memory_space<hbm>>
      tpu.enqueue_dma source(%dma_start3A_114 : memref<10000xi32, #tpu.memory_space<hbm>>) target(%arg6 : memref<10000xi32, #tpu.memory_space<vmem>>) target_semaphore(%run_scoped3A_110 : memref<!tpu.dma_semaphore, #tpu.memory_space<semaphore_mem>>)
      %dma_wait3A_115 = tpu.memref_slice %arg3[%run_scoped3A_30, %mul3A_29] : memref<2x320000xi32, #tpu.memory_space<hbm>> -> memref<1x10000xi32, #tpu.memory_space<hbm>>
      %dma_wait3A_116 = tpu.memref_squeeze %dma_wait3A_115 : memref<1x10000xi32, #tpu.memory_space<hbm>> -> memref<10000xi32, #tpu.memory_space<hbm>>
      %dma_wait3A_117 = tpu.memref_slice %arg3[%run_scoped3A_30, %mul3A_29] : memref<2x320000xi32, #tpu.memory_space<hbm>> -> memref<1x10000xi32, #tpu.memory_space<hbm>>
      %dma_wait3A_118 = tpu.memref_squeeze %dma_wait3A_117 : memref<1x10000xi32, #tpu.memory_space<hbm>> -> memref<10000xi32, #tpu.memory_space<hbm>>
      tpu.wait_dma2 semaphore(%run_scoped3A_110 : memref<!tpu.dma_semaphore, #tpu.memory_space<semaphore_mem>>) src(%dma_wait3A_118 : memref<10000xi32, #tpu.memory_space<hbm>>) dst(%arg6 : memref<10000xi32, #tpu.memory_space<vmem>>)
      tpu.yield
    }) : () -> ()
    %barrier3A = arith.constant 0 : index
    tpu.barrier barrier_id(%barrier3A)
    %dma_start3A = arith.constant 0 : i32
    %dma_start3A_31 = tpu.memref_slice %arg5[%dma_start3A] : memref<10000xi32, #tpu.memory_space<vmem>> -> memref<128xi32, #tpu.memory_space<vmem>>
    %dma_start3A_32 = arith.constant 0 : i32
    %dma_start3A_33 = arith.constant 0 : i32
    %dma_start3A_34 = tpu.memref_slice %arg2[%dma_start3A_32, %dma_start3A_33] : memref<10000x64xf32, #tpu.memory_space<hbm>> -> memref<10000x64xf32, #tpu.memory_space<hbm>>
    tpu.enqueue_indirect_dma source(%dma_start3A_34 : memref<10000x64xf32, #tpu.memory_space<hbm>>) target(%arg7 : memref<128x64xf32, #tpu.memory_space<vmem>>) offsets(%dma_start3A_31 : memref<128xi32, #tpu.memory_space<vmem>>) semaphore(%arg15 : memref<!tpu.dma_semaphore, #tpu.memory_space<semaphore_mem>>)
    %dma_start3A_35 = arith.constant 128 : i32
    %dma_start3A_36 = tpu.memref_slice %arg5[%dma_start3A_35] : memref<10000xi32, #tpu.memory_space<vmem>> -> memref<128xi32, #tpu.memory_space<vmem>>
    %dma_start3A_37 = arith.constant 0 : i32
    %dma_start3A_38 = arith.constant 0 : i32
    %dma_start3A_39 = tpu.memref_slice %arg2[%dma_start3A_37, %dma_start3A_38] : memref<10000x64xf32, #tpu.memory_space<hbm>> -> memref<10000x64xf32, #tpu.memory_space<hbm>>
    tpu.enqueue_indirect_dma source(%dma_start3A_39 : memref<10000x64xf32, #tpu.memory_space<hbm>>) target(%arg8 : memref<128x64xf32, #tpu.memory_space<vmem>>) offsets(%dma_start3A_36 : memref<128xi32, #tpu.memory_space<vmem>>) semaphore(%arg16 : memref<!tpu.dma_semaphore, #tpu.memory_space<semaphore_mem>>)
    %dma_start3A_40 = arith.constant 256 : i32
    %dma_start3A_41 = tpu.memref_slice %arg5[%dma_start3A_40] : memref<10000xi32, #tpu.memory_space<vmem>> -> memref<128xi32, #tpu.memory_space<vmem>>
    %dma_start3A_42 = arith.constant 0 : i32
    %dma_start3A_43 = arith.constant 0 : i32
    %dma_start3A_44 = tpu.memref_slice %arg2[%dma_start3A_42, %dma_start3A_43] : memref<10000x64xf32, #tpu.memory_space<hbm>> -> memref<10000x64xf32, #tpu.memory_space<hbm>>
    tpu.enqueue_indirect_dma source(%dma_start3A_44 : memref<10000x64xf32, #tpu.memory_space<hbm>>) target(%arg9 : memref<128x64xf32, #tpu.memory_space<vmem>>) offsets(%dma_start3A_41 : memref<128xi32, #tpu.memory_space<vmem>>) semaphore(%arg17 : memref<!tpu.dma_semaphore, #tpu.memory_space<semaphore_mem>>)
    %scan3A_45 = arith.constant 0 : i32
    %scan3A_46 = arith.constant 0 : i32
    %scan3A_47 = arith.constant 13 : i32
    %scan3A_48 = arith.addi %scan3A_46, %scan3A_47 : i32
    %scan3A_49 = arith.constant 1 : i32
    scf.for %scan3A_110 = %scan3A_46 to %scan3A_48 step %scan3A_49  : i32 {
      %mul3A_111 = arith.constant 6 : i32
      %mul3A_112 = arith.muli %scan3A_110, %mul3A_111 : i32
      %add3A_113 = arith.constant 0 : i32
      %add3A_114 = arith.addi %mul3A_112, %add3A_113 : i32
      %add3A_115 = arith.constant 3 : i32
      %add3A_116 = arith.addi %add3A_114, %add3A_115 : i32
      %ge3A = arith.constant 6 : i32
      %ge3A_117 = arith.cmpi sge, %add3A_116, %ge3A : i32
      %lt3A = arith.constant 78 : i32
      %lt3A_118 = arith.cmpi slt, %add3A_116, %lt3A : i32
      %and3A = arith.andi %ge3A_117, %lt3A_118 : i1
      %convert_element_type3A = arith.extui %and3A : i1 to i32
      %cond3A = arith.constant 0 : i32
      %cond3A_119 = arith.cmpi ne, %convert_element_type3A, %cond3A : i32
      scf.if %cond3A_119 {
        %dma_wait3A_292 = arith.constant 0 : i32
        %dma_wait3A_293 = arith.constant 0 : i32
        %dma_wait3A_294 = tpu.memref_slice %arg14[%dma_wait3A_292, %dma_wait3A_293] : memref<10240x64xf32, #tpu.memory_space<vmem_shared>> -> memref<128x64xf32, #tpu.memory_space<vmem_shared>>
        %dma_wait3A_295 = arith.constant 0 : i32
        %dma_wait3A_296 = arith.constant 0 : i32
        %dma_wait3A_297 = tpu.memref_slice %arg14[%dma_wait3A_295, %dma_wait3A_296] : memref<10240x64xf32, #tpu.memory_space<vmem_shared>> -> memref<128x64xf32, #tpu.memory_space<vmem_shared>>
        tpu.wait_dma2 semaphore(%arg24 : memref<!tpu.dma_semaphore, #tpu.memory_space<semaphore_mem>>) src(%arg10 : memref<128x64xf32, #tpu.memory_space<vmem>>) dst(%dma_wait3A_297 : memref<128x64xf32, #tpu.memory_space<vmem_shared>>)
      } else {
      }
      %lt3A_120 = arith.constant 78 : i32
      %lt3A_121 = arith.cmpi slt, %add3A_116, %lt3A_120 : i32
      %convert_element_type3A_122 = arith.extui %lt3A_121 : i1 to i32
      %cond3A_123 = arith.constant 0 : i32
      %cond3A_124 = arith.cmpi ne, %convert_element_type3A_122, %cond3A_123 : i32
      scf.if %cond3A_124 {
        %mul3A_292 = arith.constant 128 : i32
        %mul3A_293 = arith.muli %add3A_116, %mul3A_292 : i32
        %dma_start3A_294 = tpu.memref_slice %arg5[%mul3A_293] : memref<10000xi32, #tpu.memory_space<vmem>> -> memref<128xi32, #tpu.memory_space<vmem>>
        %dma_start3A_295 = arith.constant 0 : i32
        %dma_start3A_296 = arith.constant 0 : i32
        %dma_start3A_297 = tpu.memref_slice %arg2[%dma_start3A_295, %dma_start3A_296] : memref<10000x64xf32, #tpu.memory_space<hbm>> -> memref<10000x64xf32, #tpu.memory_space<hbm>>
        tpu.enqueue_indirect_dma source(%dma_start3A_297 : memref<10000x64xf32, #tpu.memory_space<hbm>>) target(%arg10 : memref<128x64xf32, #tpu.memory_space<vmem>>) offsets(%dma_start3A_294 : memref<128xi32, #tpu.memory_space<vmem>>) semaphore(%arg18 : memref<!tpu.dma_semaphore, #tpu.memory_space<semaphore_mem>>)
      } else {
      }
      %dma_wait3A_125 = arith.constant 0 : i32
      %dma_wait3A_126 = arith.constant 0 : i32
      %dma_wait3A_127 = tpu.memref_slice %arg2[%dma_wait3A_125, %dma_wait3A_126] : memref<10000x64xf32, #tpu.memory_space<hbm>> -> memref<128x64xf32, #tpu.memory_space<hbm>>
      %dma_wait3A_128 = arith.constant 0 : i32
      %dma_wait3A_129 = arith.constant 0 : i32
      %dma_wait3A_130 = tpu.memref_slice %arg2[%dma_wait3A_128, %dma_wait3A_129] : memref<10000x64xf32, #tpu.memory_space<hbm>> -> memref<128x64xf32, #tpu.memory_space<hbm>>
      tpu.wait_dma2 semaphore(%arg15 : memref<!tpu.dma_semaphore, #tpu.memory_space<semaphore_mem>>) src(%dma_wait3A_130 : memref<128x64xf32, #tpu.memory_space<hbm>>) dst(%arg7 : memref<128x64xf32, #tpu.memory_space<vmem>>)
      %mul3A_131 = arith.constant 128 : i32
      %mul3A_132 = arith.muli %add3A_114, %mul3A_131 : i32
      %dma_start3A_133 = tpu.memref_slice %arg6[%mul3A_132] : memref<10000xi32, #tpu.memory_space<vmem>> -> memref<128xi32, #tpu.memory_space<vmem>>
      %dma_start3A_134 = arith.constant 0 : i32
      %dma_start3A_135 = arith.constant 0 : i32
      %dma_start3A_136 = tpu.memref_slice %arg14[%dma_start3A_134, %dma_start3A_135] : memref<10240x64xf32, #tpu.memory_space<vmem_shared>> -> memref<10240x64xf32, #tpu.memory_space<vmem_shared>>
      tpu.enqueue_indirect_dma source(%arg7 : memref<128x64xf32, #tpu.memory_space<vmem>>) target(%dma_start3A_136 : memref<10240x64xf32, #tpu.memory_space<vmem_shared>>) offsets(%dma_start3A_133 : memref<128xi32, #tpu.memory_space<vmem>>) semaphore(%arg21 : memref<!tpu.dma_semaphore, #tpu.memory_space<semaphore_mem>>) {add = true}
      %mul3A_137 = arith.constant 6 : i32
      %mul3A_138 = arith.muli %scan3A_110, %mul3A_137 : i32
      %add3A_139 = arith.constant 1 : i32
      %add3A_140 = arith.addi %mul3A_138, %add3A_139 : i32
      %add3A_141 = arith.constant 3 : i32
      %add3A_142 = arith.addi %add3A_140, %add3A_141 : i32
      %ge3A_143 = arith.constant 6 : i32
      %ge3A_144 = arith.cmpi sge, %add3A_142, %ge3A_143 : i32
      %lt3A_145 = arith.constant 78 : i32
      %lt3A_146 = arith.cmpi slt, %add3A_142, %lt3A_145 : i32
      %and3A_147 = arith.andi %ge3A_144, %lt3A_146 : i1
      %convert_element_type3A_148 = arith.extui %and3A_147 : i1 to i32
      %cond3A_149 = arith.constant 0 : i32
      %cond3A_150 = arith.cmpi ne, %convert_element_type3A_148, %cond3A_149 : i32
      scf.if %cond3A_150 {
        %dma_wait3A_292 = arith.constant 0 : i32
        %dma_wait3A_293 = arith.constant 0 : i32
        %dma_wait3A_294 = tpu.memref_slice %arg14[%dma_wait3A_292, %dma_wait3A_293] : memref<10240x64xf32, #tpu.memory_space<vmem_shared>> -> memref<128x64xf32, #tpu.memory_space<vmem_shared>>
        %dma_wait3A_295 = arith.constant 0 : i32
        %dma_wait3A_296 = arith.constant 0 : i32
        %dma_wait3A_297 = tpu.memref_slice %arg14[%dma_wait3A_295, %dma_wait3A_296] : memref<10240x64xf32, #tpu.memory_space<vmem_shared>> -> memref<128x64xf32, #tpu.memory_space<vmem_shared>>
        tpu.wait_dma2 semaphore(%arg25 : memref<!tpu.dma_semaphore, #tpu.memory_space<semaphore_mem>>) src(%arg11 : memref<128x64xf32, #tpu.memory_space<vmem>>) dst(%dma_wait3A_297 : memref<128x64xf32, #tpu.memory_space<vmem_shared>>)
      } else {
      }
      %lt3A_151 = arith.constant 78 : i32
      %lt3A_152 = arith.cmpi slt, %add3A_142, %lt3A_151 : i32
      %convert_element_type3A_153 = arith.extui %lt3A_152 : i1 to i32
      %cond3A_154 = arith.constant 0 : i32
      %cond3A_155 = arith.cmpi ne, %convert_element_type3A_153, %cond3A_154 : i32
      scf.if %cond3A_155 {
        %mul3A_292 = arith.constant 128 : i32
        %mul3A_293 = arith.muli %add3A_142, %mul3A_292 : i32
        %dma_start3A_294 = tpu.memref_slice %arg5[%mul3A_293] : memref<10000xi32, #tpu.memory_space<vmem>> -> memref<128xi32, #tpu.memory_space<vmem>>
        %dma_start3A_295 = arith.constant 0 : i32
        %dma_start3A_296 = arith.constant 0 : i32
        %dma_start3A_297 = tpu.memref_slice %arg2[%dma_start3A_295, %dma_start3A_296] : memref<10000x64xf32, #tpu.memory_space<hbm>> -> memref<10000x64xf32, #tpu.memory_space<hbm>>
        tpu.enqueue_indirect_dma source(%dma_start3A_297 : memref<10000x64xf32, #tpu.memory_space<hbm>>) target(%arg11 : memref<128x64xf32, #tpu.memory_space<vmem>>) offsets(%dma_start3A_294 : memref<128xi32, #tpu.memory_space<vmem>>) semaphore(%arg19 : memref<!tpu.dma_semaphore, #tpu.memory_space<semaphore_mem>>)
      } else {
      }
      %dma_wait3A_156 = arith.constant 0 : i32
      %dma_wait3A_157 = arith.constant 0 : i32
      %dma_wait3A_158 = tpu.memref_slice %arg2[%dma_wait3A_156, %dma_wait3A_157] : memref<10000x64xf32, #tpu.memory_space<hbm>> -> memref<128x64xf32, #tpu.memory_space<hbm>>
      %dma_wait3A_159 = arith.constant 0 : i32
      %dma_wait3A_160 = arith.constant 0 : i32
      %dma_wait3A_161 = tpu.memref_slice %arg2[%dma_wait3A_159, %dma_wait3A_160] : memref<10000x64xf32, #tpu.memory_space<hbm>> -> memref<128x64xf32, #tpu.memory_space<hbm>>
      tpu.wait_dma2 semaphore(%arg16 : memref<!tpu.dma_semaphore, #tpu.memory_space<semaphore_mem>>) src(%dma_wait3A_161 : memref<128x64xf32, #tpu.memory_space<hbm>>) dst(%arg8 : memref<128x64xf32, #tpu.memory_space<vmem>>)
      %mul3A_162 = arith.constant 128 : i32
      %mul3A_163 = arith.muli %add3A_140, %mul3A_162 : i32
      %dma_start3A_164 = tpu.memref_slice %arg6[%mul3A_163] : memref<10000xi32, #tpu.memory_space<vmem>> -> memref<128xi32, #tpu.memory_space<vmem>>
      %dma_start3A_165 = arith.constant 0 : i32
      %dma_start3A_166 = arith.constant 0 : i32
      %dma_start3A_167 = tpu.memref_slice %arg14[%dma_start3A_165, %dma_start3A_166] : memref<10240x64xf32, #tpu.memory_space<vmem_shared>> -> memref<10240x64xf32, #tpu.memory_space<vmem_shared>>
      tpu.enqueue_indirect_dma source(%arg8 : memref<128x64xf32, #tpu.memory_space<vmem>>) target(%dma_start3A_167 : memref<10240x64xf32, #tpu.memory_space<vmem_shared>>) offsets(%dma_start3A_164 : memref<128xi32, #tpu.memory_space<vmem>>) semaphore(%arg22 : memref<!tpu.dma_semaphore, #tpu.memory_space<semaphore_mem>>) {add = true}
      %mul3A_168 = arith.constant 6 : i32
      %mul3A_169 = arith.muli %scan3A_110, %mul3A_168 : i32
      %add3A_170 = arith.constant 2 : i32
      %add3A_171 = arith.addi %mul3A_169, %add3A_170 : i32
      %add3A_172 = arith.constant 3 : i32
      %add3A_173 = arith.addi %add3A_171, %add3A_172 : i32
      %ge3A_174 = arith.constant 6 : i32
      %ge3A_175 = arith.cmpi sge, %add3A_173, %ge3A_174 : i32
      %lt3A_176 = arith.constant 78 : i32
      %lt3A_177 = arith.cmpi slt, %add3A_173, %lt3A_176 : i32
      %and3A_178 = arith.andi %ge3A_175, %lt3A_177 : i1
      %convert_element_type3A_179 = arith.extui %and3A_178 : i1 to i32
      %cond3A_180 = arith.constant 0 : i32
      %cond3A_181 = arith.cmpi ne, %convert_element_type3A_179, %cond3A_180 : i32
      scf.if %cond3A_181 {
        %dma_wait3A_292 = arith.constant 0 : i32
        %dma_wait3A_293 = arith.constant 0 : i32
        %dma_wait3A_294 = tpu.memref_slice %arg14[%dma_wait3A_292, %dma_wait3A_293] : memref<10240x64xf32, #tpu.memory_space<vmem_shared>> -> memref<128x64xf32, #tpu.memory_space<vmem_shared>>
        %dma_wait3A_295 = arith.constant 0 : i32
        %dma_wait3A_296 = arith.constant 0 : i32
        %dma_wait3A_297 = tpu.memref_slice %arg14[%dma_wait3A_295, %dma_wait3A_296] : memref<10240x64xf32, #tpu.memory_space<vmem_shared>> -> memref<128x64xf32, #tpu.memory_space<vmem_shared>>
        tpu.wait_dma2 semaphore(%arg26 : memref<!tpu.dma_semaphore, #tpu.memory_space<semaphore_mem>>) src(%arg12 : memref<128x64xf32, #tpu.memory_space<vmem>>) dst(%dma_wait3A_297 : memref<128x64xf32, #tpu.memory_space<vmem_shared>>)
      } else {
      }
      %lt3A_182 = arith.constant 78 : i32
      %lt3A_183 = arith.cmpi slt, %add3A_173, %lt3A_182 : i32
      %convert_element_type3A_184 = arith.extui %lt3A_183 : i1 to i32
      %cond3A_185 = arith.constant 0 : i32
      %cond3A_186 = arith.cmpi ne, %convert_element_type3A_184, %cond3A_185 : i32
      scf.if %cond3A_186 {
        %mul3A_292 = arith.constant 128 : i32
        %mul3A_293 = arith.muli %add3A_173, %mul3A_292 : i32
        %dma_start3A_294 = tpu.memref_slice %arg5[%mul3A_293] : memref<10000xi32, #tpu.memory_space<vmem>> -> memref<128xi32, #tpu.memory_space<vmem>>
        %dma_start3A_295 = arith.constant 0 : i32
        %dma_start3A_296 = arith.constant 0 : i32
        %dma_start3A_297 = tpu.memref_slice %arg2[%dma_start3A_295, %dma_start3A_296] : memref<10000x64xf32, #tpu.memory_space<hbm>> -> memref<10000x64xf32, #tpu.memory_space<hbm>>
        tpu.enqueue_indirect_dma source(%dma_start3A_297 : memref<10000x64xf32, #tpu.memory_space<hbm>>) target(%arg12 : memref<128x64xf32, #tpu.memory_space<vmem>>) offsets(%dma_start3A_294 : memref<128xi32, #tpu.memory_space<vmem>>) semaphore(%arg20 : memref<!tpu.dma_semaphore, #tpu.memory_space<semaphore_mem>>)
      } else {
      }
      %dma_wait3A_187 = arith.constant 0 : i32
      %dma_wait3A_188 = arith.constant 0 : i32
      %dma_wait3A_189 = tpu.memref_slice %arg2[%dma_wait3A_187, %dma_wait3A_188] : memref<10000x64xf32, #tpu.memory_space<hbm>> -> memref<128x64xf32, #tpu.memory_space<hbm>>
      %dma_wait3A_190 = arith.constant 0 : i32
      %dma_wait3A_191 = arith.constant 0 : i32
      %dma_wait3A_192 = tpu.memref_slice %arg2[%dma_wait3A_190, %dma_wait3A_191] : memref<10000x64xf32, #tpu.memory_space<hbm>> -> memref<128x64xf32, #tpu.memory_space<hbm>>
      tpu.wait_dma2 semaphore(%arg17 : memref<!tpu.dma_semaphore, #tpu.memory_space<semaphore_mem>>) src(%dma_wait3A_192 : memref<128x64xf32, #tpu.memory_space<hbm>>) dst(%arg9 : memref<128x64xf32, #tpu.memory_space<vmem>>)
      %mul3A_193 = arith.constant 128 : i32
      %mul3A_194 = arith.muli %add3A_171, %mul3A_193 : i32
      %dma_start3A_195 = tpu.memref_slice %arg6[%mul3A_194] : memref<10000xi32, #tpu.memory_space<vmem>> -> memref<128xi32, #tpu.memory_space<vmem>>
      %dma_start3A_196 = arith.constant 0 : i32
      %dma_start3A_197 = arith.constant 0 : i32
      %dma_start3A_198 = tpu.memref_slice %arg14[%dma_start3A_196, %dma_start3A_197] : memref<10240x64xf32, #tpu.memory_space<vmem_shared>> -> memref<10240x64xf32, #tpu.memory_space<vmem_shared>>
      tpu.enqueue_indirect_dma source(%arg9 : memref<128x64xf32, #tpu.memory_space<vmem>>) target(%dma_start3A_198 : memref<10240x64xf32, #tpu.memory_space<vmem_shared>>) offsets(%dma_start3A_195 : memref<128xi32, #tpu.memory_space<vmem>>) semaphore(%arg23 : memref<!tpu.dma_semaphore, #tpu.memory_space<semaphore_mem>>) {add = true}
      %mul3A_199 = arith.constant 6 : i32
      %mul3A_200 = arith.muli %scan3A_110, %mul3A_199 : i32
      %add3A_201 = arith.constant 3 : i32
      %add3A_202 = arith.addi %mul3A_200, %add3A_201 : i32
      %add3A_203 = arith.constant 3 : i32
      %add3A_204 = arith.addi %add3A_202, %add3A_203 : i32
      %ge3A_205 = arith.constant 6 : i32
      %ge3A_206 = arith.cmpi sge, %add3A_204, %ge3A_205 : i32
      %lt3A_207 = arith.constant 78 : i32
      %lt3A_208 = arith.cmpi slt, %add3A_204, %lt3A_207 : i32
      %and3A_209 = arith.andi %ge3A_206, %lt3A_208 : i1
      %convert_element_type3A_210 = arith.extui %and3A_209 : i1 to i32
      %cond3A_211 = arith.constant 0 : i32
      %cond3A_212 = arith.cmpi ne, %convert_element_type3A_210, %cond3A_211 : i32
      scf.if %cond3A_212 {
        %dma_wait3A_292 = arith.constant 0 : i32
        %dma_wait3A_293 = arith.constant 0 : i32
        %dma_wait3A_294 = tpu.memref_slice %arg14[%dma_wait3A_292, %dma_wait3A_293] : memref<10240x64xf32, #tpu.memory_space<vmem_shared>> -> memref<128x64xf32, #tpu.memory_space<vmem_shared>>
        %dma_wait3A_295 = arith.constant 0 : i32
        %dma_wait3A_296 = arith.constant 0 : i32
        %dma_wait3A_297 = tpu.memref_slice %arg14[%dma_wait3A_295, %dma_wait3A_296] : memref<10240x64xf32, #tpu.memory_space<vmem_shared>> -> memref<128x64xf32, #tpu.memory_space<vmem_shared>>
        tpu.wait_dma2 semaphore(%arg21 : memref<!tpu.dma_semaphore, #tpu.memory_space<semaphore_mem>>) src(%arg7 : memref<128x64xf32, #tpu.memory_space<vmem>>) dst(%dma_wait3A_297 : memref<128x64xf32, #tpu.memory_space<vmem_shared>>)
      } else {
      }
      %lt3A_213 = arith.constant 78 : i32
      %lt3A_214 = arith.cmpi slt, %add3A_204, %lt3A_213 : i32
      %convert_element_type3A_215 = arith.extui %lt3A_214 : i1 to i32
      %cond3A_216 = arith.constant 0 : i32
      %cond3A_217 = arith.cmpi ne, %convert_element_type3A_215, %cond3A_216 : i32
      scf.if %cond3A_217 {
        %mul3A_292 = arith.constant 128 : i32
        %mul3A_293 = arith.muli %add3A_204, %mul3A_292 : i32
        %dma_start3A_294 = tpu.memref_slice %arg5[%mul3A_293] : memref<10000xi32, #tpu.memory_space<vmem>> -> memref<128xi32, #tpu.memory_space<vmem>>
        %dma_start3A_295 = arith.constant 0 : i32
        %dma_start3A_296 = arith.constant 0 : i32
        %dma_start3A_297 = tpu.memref_slice %arg2[%dma_start3A_295, %dma_start3A_296] : memref<10000x64xf32, #tpu.memory_space<hbm>> -> memref<10000x64xf32, #tpu.memory_space<hbm>>
        tpu.enqueue_indirect_dma source(%dma_start3A_297 : memref<10000x64xf32, #tpu.memory_space<hbm>>) target(%arg7 : memref<128x64xf32, #tpu.memory_space<vmem>>) offsets(%dma_start3A_294 : memref<128xi32, #tpu.memory_space<vmem>>) semaphore(%arg15 : memref<!tpu.dma_semaphore, #tpu.memory_space<semaphore_mem>>)
      } else {
      }
      %dma_wait3A_218 = arith.constant 0 : i32
      %dma_wait3A_219 = arith.constant 0 : i32
      %dma_wait3A_220 = tpu.memref_slice %arg2[%dma_wait3A_218, %dma_wait3A_219] : memref<10000x64xf32, #tpu.memory_space<hbm>> -> memref<128x64xf32, #tpu.memory_space<hbm>>
      %dma_wait3A_221 = arith.constant 0 : i32
      %dma_wait3A_222 = arith.constant 0 : i32
      %dma_wait3A_223 = tpu.memref_slice %arg2[%dma_wait3A_221, %dma_wait3A_222] : memref<10000x64xf32, #tpu.memory_space<hbm>> -> memref<128x64xf32, #tpu.memory_space<hbm>>
      tpu.wait_dma2 semaphore(%arg18 : memref<!tpu.dma_semaphore, #tpu.memory_space<semaphore_mem>>) src(%dma_wait3A_223 : memref<128x64xf32, #tpu.memory_space<hbm>>) dst(%arg10 : memref<128x64xf32, #tpu.memory_space<vmem>>)
      %mul3A_224 = arith.constant 128 : i32
      %mul3A_225 = arith.muli %add3A_202, %mul3A_224 : i32
      %dma_start3A_226 = tpu.memref_slice %arg6[%mul3A_225] : memref<10000xi32, #tpu.memory_space<vmem>> -> memref<128xi32, #tpu.memory_space<vmem>>
      %dma_start3A_227 = arith.constant 0 : i32
      %dma_start3A_228 = arith.constant 0 : i32
      %dma_start3A_229 = tpu.memref_slice %arg14[%dma_start3A_227, %dma_start3A_228] : memref<10240x64xf32, #tpu.memory_space<vmem_shared>> -> memref<10240x64xf32, #tpu.memory_space<vmem_shared>>
      tpu.enqueue_indirect_dma source(%arg10 : memref<128x64xf32, #tpu.memory_space<vmem>>) target(%dma_start3A_229 : memref<10240x64xf32, #tpu.memory_space<vmem_shared>>) offsets(%dma_start3A_226 : memref<128xi32, #tpu.memory_space<vmem>>) semaphore(%arg24 : memref<!tpu.dma_semaphore, #tpu.memory_space<semaphore_mem>>) {add = true}
      %mul3A_230 = arith.constant 6 : i32
      %mul3A_231 = arith.muli %scan3A_110, %mul3A_230 : i32
      %add3A_232 = arith.constant 4 : i32
      %add3A_233 = arith.addi %mul3A_231, %add3A_232 : i32
      %add3A_234 = arith.constant 3 : i32
      %add3A_235 = arith.addi %add3A_233, %add3A_234 : i32
      %ge3A_236 = arith.constant 6 : i32
      %ge3A_237 = arith.cmpi sge, %add3A_235, %ge3A_236 : i32
      %lt3A_238 = arith.constant 78 : i32
      %lt3A_239 = arith.cmpi slt, %add3A_235, %lt3A_238 : i32
      %and3A_240 = arith.andi %ge3A_237, %lt3A_239 : i1
      %convert_element_type3A_241 = arith.extui %and3A_240 : i1 to i32
      %cond3A_242 = arith.constant 0 : i32
      %cond3A_243 = arith.cmpi ne, %convert_element_type3A_241, %cond3A_242 : i32
      scf.if %cond3A_243 {
        %dma_wait3A_292 = arith.constant 0 : i32
        %dma_wait3A_293 = arith.constant 0 : i32
        %dma_wait3A_294 = tpu.memref_slice %arg14[%dma_wait3A_292, %dma_wait3A_293] : memref<10240x64xf32, #tpu.memory_space<vmem_shared>> -> memref<128x64xf32, #tpu.memory_space<vmem_shared>>
        %dma_wait3A_295 = arith.constant 0 : i32
        %dma_wait3A_296 = arith.constant 0 : i32
        %dma_wait3A_297 = tpu.memref_slice %arg14[%dma_wait3A_295, %dma_wait3A_296] : memref<10240x64xf32, #tpu.memory_space<vmem_shared>> -> memref<128x64xf32, #tpu.memory_space<vmem_shared>>
        tpu.wait_dma2 semaphore(%arg22 : memref<!tpu.dma_semaphore, #tpu.memory_space<semaphore_mem>>) src(%arg8 : memref<128x64xf32, #tpu.memory_space<vmem>>) dst(%dma_wait3A_297 : memref<128x64xf32, #tpu.memory_space<vmem_shared>>)
      } else {
      }
      %lt3A_244 = arith.constant 78 : i32
      %lt3A_245 = arith.cmpi slt, %add3A_235, %lt3A_244 : i32
      %convert_element_type3A_246 = arith.extui %lt3A_245 : i1 to i32
      %cond3A_247 = arith.constant 0 : i32
      %cond3A_248 = arith.cmpi ne, %convert_element_type3A_246, %cond3A_247 : i32
      scf.if %cond3A_248 {
        %mul3A_292 = arith.constant 128 : i32
        %mul3A_293 = arith.muli %add3A_235, %mul3A_292 : i32
        %dma_start3A_294 = tpu.memref_slice %arg5[%mul3A_293] : memref<10000xi32, #tpu.memory_space<vmem>> -> memref<128xi32, #tpu.memory_space<vmem>>
        %dma_start3A_295 = arith.constant 0 : i32
        %dma_start3A_296 = arith.constant 0 : i32
        %dma_start3A_297 = tpu.memref_slice %arg2[%dma_start3A_295, %dma_start3A_296] : memref<10000x64xf32, #tpu.memory_space<hbm>> -> memref<10000x64xf32, #tpu.memory_space<hbm>>
        tpu.enqueue_indirect_dma source(%dma_start3A_297 : memref<10000x64xf32, #tpu.memory_space<hbm>>) target(%arg8 : memref<128x64xf32, #tpu.memory_space<vmem>>) offsets(%dma_start3A_294 : memref<128xi32, #tpu.memory_space<vmem>>) semaphore(%arg16 : memref<!tpu.dma_semaphore, #tpu.memory_space<semaphore_mem>>)
      } else {
      }
      %dma_wait3A_249 = arith.constant 0 : i32
      %dma_wait3A_250 = arith.constant 0 : i32
      %dma_wait3A_251 = tpu.memref_slice %arg2[%dma_wait3A_249, %dma_wait3A_250] : memref<10000x64xf32, #tpu.memory_space<hbm>> -> memref<128x64xf32, #tpu.memory_space<hbm>>
      %dma_wait3A_252 = arith.constant 0 : i32
      %dma_wait3A_253 = arith.constant 0 : i32
      %dma_wait3A_254 = tpu.memref_slice %arg2[%dma_wait3A_252, %dma_wait3A_253] : memref<10000x64xf32, #tpu.memory_space<hbm>> -> memref<128x64xf32, #tpu.memory_space<hbm>>
      tpu.wait_dma2 semaphore(%arg19 : memref<!tpu.dma_semaphore, #tpu.memory_space<semaphore_mem>>) src(%dma_wait3A_254 : memref<128x64xf32, #tpu.memory_space<hbm>>) dst(%arg11 : memref<128x64xf32, #tpu.memory_space<vmem>>)
      %mul3A_255 = arith.constant 128 : i32
      %mul3A_256 = arith.muli %add3A_233, %mul3A_255 : i32
      %dma_start3A_257 = tpu.memref_slice %arg6[%mul3A_256] : memref<10000xi32, #tpu.memory_space<vmem>> -> memref<128xi32, #tpu.memory_space<vmem>>
      %dma_start3A_258 = arith.constant 0 : i32
      %dma_start3A_259 = arith.constant 0 : i32
      %dma_start3A_260 = tpu.memref_slice %arg14[%dma_start3A_258, %dma_start3A_259] : memref<10240x64xf32, #tpu.memory_space<vmem_shared>> -> memref<10240x64xf32, #tpu.memory_space<vmem_shared>>
      tpu.enqueue_indirect_dma source(%arg11 : memref<128x64xf32, #tpu.memory_space<vmem>>) target(%dma_start3A_260 : memref<10240x64xf32, #tpu.memory_space<vmem_shared>>) offsets(%dma_start3A_257 : memref<128xi32, #tpu.memory_space<vmem>>) semaphore(%arg25 : memref<!tpu.dma_semaphore, #tpu.memory_space<semaphore_mem>>) {add = true}
      %mul3A_261 = arith.constant 6 : i32
      %mul3A_262 = arith.muli %scan3A_110, %mul3A_261 : i32
      %add3A_263 = arith.constant 5 : i32
      %add3A_264 = arith.addi %mul3A_262, %add3A_263 : i32
      %add3A_265 = arith.constant 3 : i32
      %add3A_266 = arith.addi %add3A_264, %add3A_265 : i32
      %ge3A_267 = arith.constant 6 : i32
      %ge3A_268 = arith.cmpi sge, %add3A_266, %ge3A_267 : i32
      %lt3A_269 = arith.constant 78 : i32
      %lt3A_270 = arith.cmpi slt, %add3A_266, %lt3A_269 : i32
      %and3A_271 = arith.andi %ge3A_268, %lt3A_270 : i1
      %convert_element_type3A_272 = arith.extui %and3A_271 : i1 to i32
      %cond3A_273 = arith.constant 0 : i32
      %cond3A_274 = arith.cmpi ne, %convert_element_type3A_272, %cond3A_273 : i32
      scf.if %cond3A_274 {
        %dma_wait3A_292 = arith.constant 0 : i32
        %dma_wait3A_293 = arith.constant 0 : i32
        %dma_wait3A_294 = tpu.memref_slice %arg14[%dma_wait3A_292, %dma_wait3A_293] : memref<10240x64xf32, #tpu.memory_space<vmem_shared>> -> memref<128x64xf32, #tpu.memory_space<vmem_shared>>
        %dma_wait3A_295 = arith.constant 0 : i32
        %dma_wait3A_296 = arith.constant 0 : i32
        %dma_wait3A_297 = tpu.memref_slice %arg14[%dma_wait3A_295, %dma_wait3A_296] : memref<10240x64xf32, #tpu.memory_space<vmem_shared>> -> memref<128x64xf32, #tpu.memory_space<vmem_shared>>
        tpu.wait_dma2 semaphore(%arg23 : memref<!tpu.dma_semaphore, #tpu.memory_space<semaphore_mem>>) src(%arg9 : memref<128x64xf32, #tpu.memory_space<vmem>>) dst(%dma_wait3A_297 : memref<128x64xf32, #tpu.memory_space<vmem_shared>>)
      } else {
      }
      %lt3A_275 = arith.constant 78 : i32
      %lt3A_276 = arith.cmpi slt, %add3A_266, %lt3A_275 : i32
      %convert_element_type3A_277 = arith.extui %lt3A_276 : i1 to i32
      %cond3A_278 = arith.constant 0 : i32
      %cond3A_279 = arith.cmpi ne, %convert_element_type3A_277, %cond3A_278 : i32
      scf.if %cond3A_279 {
        %mul3A_292 = arith.constant 128 : i32
        %mul3A_293 = arith.muli %add3A_266, %mul3A_292 : i32
        %dma_start3A_294 = tpu.memref_slice %arg5[%mul3A_293] : memref<10000xi32, #tpu.memory_space<vmem>> -> memref<128xi32, #tpu.memory_space<vmem>>
        %dma_start3A_295 = arith.constant 0 : i32
        %dma_start3A_296 = arith.constant 0 : i32
        %dma_start3A_297 = tpu.memref_slice %arg2[%dma_start3A_295, %dma_start3A_296] : memref<10000x64xf32, #tpu.memory_space<hbm>> -> memref<10000x64xf32, #tpu.memory_space<hbm>>
        tpu.enqueue_indirect_dma source(%dma_start3A_297 : memref<10000x64xf32, #tpu.memory_space<hbm>>) target(%arg9 : memref<128x64xf32, #tpu.memory_space<vmem>>) offsets(%dma_start3A_294 : memref<128xi32, #tpu.memory_space<vmem>>) semaphore(%arg17 : memref<!tpu.dma_semaphore, #tpu.memory_space<semaphore_mem>>)
      } else {
      }
      %dma_wait3A_280 = arith.constant 0 : i32
      %dma_wait3A_281 = arith.constant 0 : i32
      %dma_wait3A_282 = tpu.memref_slice %arg2[%dma_wait3A_280, %dma_wait3A_281] : memref<10000x64xf32, #tpu.memory_space<hbm>> -> memref<128x64xf32, #tpu.memory_space<hbm>>
      %dma_wait3A_283 = arith.constant 0 : i32
      %dma_wait3A_284 = arith.constant 0 : i32
      %dma_wait3A_285 = tpu.memref_slice %arg2[%dma_wait3A_283, %dma_wait3A_284] : memref<10000x64xf32, #tpu.memory_space<hbm>> -> memref<128x64xf32, #tpu.memory_space<hbm>>
      tpu.wait_dma2 semaphore(%arg20 : memref<!tpu.dma_semaphore, #tpu.memory_space<semaphore_mem>>) src(%dma_wait3A_285 : memref<128x64xf32, #tpu.memory_space<hbm>>) dst(%arg12 : memref<128x64xf32, #tpu.memory_space<vmem>>)
      %mul3A_286 = arith.constant 128 : i32
      %mul3A_287 = arith.muli %add3A_264, %mul3A_286 : i32
      %dma_start3A_288 = tpu.memref_slice %arg6[%mul3A_287] : memref<10000xi32, #tpu.memory_space<vmem>> -> memref<128xi32, #tpu.memory_space<vmem>>
      %dma_start3A_289 = arith.constant 0 : i32
      %dma_start3A_290 = arith.constant 0 : i32
      %dma_start3A_291 = tpu.memref_slice %arg14[%dma_start3A_289, %dma_start3A_290] : memref<10240x64xf32, #tpu.memory_space<vmem_shared>> -> memref<10240x64xf32, #tpu.memory_space<vmem_shared>>
      tpu.enqueue_indirect_dma source(%arg12 : memref<128x64xf32, #tpu.memory_space<vmem>>) target(%dma_start3A_291 : memref<10240x64xf32, #tpu.memory_space<vmem_shared>>) offsets(%dma_start3A_288 : memref<128xi32, #tpu.memory_space<vmem>>) semaphore(%arg26 : memref<!tpu.dma_semaphore, #tpu.memory_space<semaphore_mem>>) {add = true}
    }
    %scan3A_50 = arith.constant 13 : i32
    %dma_wait3A = arith.constant 0 : i32
    %dma_wait3A_51 = arith.constant 0 : i32
    %dma_wait3A_52 = tpu.memref_slice %arg14[%dma_wait3A, %dma_wait3A_51] : memref<10240x64xf32, #tpu.memory_space<vmem_shared>> -> memref<128x64xf32, #tpu.memory_space<vmem_shared>>
    %dma_wait3A_53 = arith.constant 0 : i32
    %dma_wait3A_54 = arith.constant 0 : i32
    %dma_wait3A_55 = tpu.memref_slice %arg14[%dma_wait3A_53, %dma_wait3A_54] : memref<10240x64xf32, #tpu.memory_space<vmem_shared>> -> memref<128x64xf32, #tpu.memory_space<vmem_shared>>
    tpu.wait_dma2 semaphore(%arg21 : memref<!tpu.dma_semaphore, #tpu.memory_space<semaphore_mem>>) src(%arg7 : memref<128x64xf32, #tpu.memory_space<vmem>>) dst(%dma_wait3A_55 : memref<128x64xf32, #tpu.memory_space<vmem_shared>>)
    %dma_wait3A_56 = arith.constant 0 : i32
    %dma_wait3A_57 = arith.constant 0 : i32
    %dma_wait3A_58 = tpu.memref_slice %arg14[%dma_wait3A_56, %dma_wait3A_57] : memref<10240x64xf32, #tpu.memory_space<vmem_shared>> -> memref<128x64xf32, #tpu.memory_space<vmem_shared>>
    %dma_wait3A_59 = arith.constant 0 : i32
    %dma_wait3A_60 = arith.constant 0 : i32
    %dma_wait3A_61 = tpu.memref_slice %arg14[%dma_wait3A_59, %dma_wait3A_60] : memref<10240x64xf32, #tpu.memory_space<vmem_shared>> -> memref<128x64xf32, #tpu.memory_space<vmem_shared>>
    tpu.wait_dma2 semaphore(%arg22 : memref<!tpu.dma_semaphore, #tpu.memory_space<semaphore_mem>>) src(%arg8 : memref<128x64xf32, #tpu.memory_space<vmem>>) dst(%dma_wait3A_61 : memref<128x64xf32, #tpu.memory_space<vmem_shared>>)
    %dma_wait3A_62 = arith.constant 0 : i32
    %dma_wait3A_63 = arith.constant 0 : i32
    %dma_wait3A_64 = tpu.memref_slice %arg14[%dma_wait3A_62, %dma_wait3A_63] : memref<10240x64xf32, #tpu.memory_space<vmem_shared>> -> memref<128x64xf32, #tpu.memory_space<vmem_shared>>
    %dma_wait3A_65 = arith.constant 0 : i32
    %dma_wait3A_66 = arith.constant 0 : i32
    %dma_wait3A_67 = tpu.memref_slice %arg14[%dma_wait3A_65, %dma_wait3A_66] : memref<10240x64xf32, #tpu.memory_space<vmem_shared>> -> memref<128x64xf32, #tpu.memory_space<vmem_shared>>
    tpu.wait_dma2 semaphore(%arg23 : memref<!tpu.dma_semaphore, #tpu.memory_space<semaphore_mem>>) src(%arg9 : memref<128x64xf32, #tpu.memory_space<vmem>>) dst(%dma_wait3A_67 : memref<128x64xf32, #tpu.memory_space<vmem_shared>>)
    %dma_wait3A_68 = arith.constant 0 : i32
    %dma_wait3A_69 = arith.constant 0 : i32
    %dma_wait3A_70 = tpu.memref_slice %arg14[%dma_wait3A_68, %dma_wait3A_69] : memref<10240x64xf32, #tpu.memory_space<vmem_shared>> -> memref<128x64xf32, #tpu.memory_space<vmem_shared>>
    %dma_wait3A_71 = arith.constant 0 : i32
    %dma_wait3A_72 = arith.constant 0 : i32
    %dma_wait3A_73 = tpu.memref_slice %arg14[%dma_wait3A_71, %dma_wait3A_72] : memref<10240x64xf32, #tpu.memory_space<vmem_shared>> -> memref<128x64xf32, #tpu.memory_space<vmem_shared>>
    tpu.wait_dma2 semaphore(%arg24 : memref<!tpu.dma_semaphore, #tpu.memory_space<semaphore_mem>>) src(%arg10 : memref<128x64xf32, #tpu.memory_space<vmem>>) dst(%dma_wait3A_73 : memref<128x64xf32, #tpu.memory_space<vmem_shared>>)
    %dma_wait3A_74 = arith.constant 0 : i32
    %dma_wait3A_75 = arith.constant 0 : i32
    %dma_wait3A_76 = tpu.memref_slice %arg14[%dma_wait3A_74, %dma_wait3A_75] : memref<10240x64xf32, #tpu.memory_space<vmem_shared>> -> memref<128x64xf32, #tpu.memory_space<vmem_shared>>
    %dma_wait3A_77 = arith.constant 0 : i32
    %dma_wait3A_78 = arith.constant 0 : i32
    %dma_wait3A_79 = tpu.memref_slice %arg14[%dma_wait3A_77, %dma_wait3A_78] : memref<10240x64xf32, #tpu.memory_space<vmem_shared>> -> memref<128x64xf32, #tpu.memory_space<vmem_shared>>
    tpu.wait_dma2 semaphore(%arg25 : memref<!tpu.dma_semaphore, #tpu.memory_space<semaphore_mem>>) src(%arg11 : memref<128x64xf32, #tpu.memory_space<vmem>>) dst(%dma_wait3A_79 : memref<128x64xf32, #tpu.memory_space<vmem_shared>>)
    %dma_wait3A_80 = arith.constant 0 : i32
    %dma_wait3A_81 = arith.constant 0 : i32
    %dma_wait3A_82 = tpu.memref_slice %arg14[%dma_wait3A_80, %dma_wait3A_81] : memref<10240x64xf32, #tpu.memory_space<vmem_shared>> -> memref<128x64xf32, #tpu.memory_space<vmem_shared>>
    %dma_wait3A_83 = arith.constant 0 : i32
    %dma_wait3A_84 = arith.constant 0 : i32
    %dma_wait3A_85 = tpu.memref_slice %arg14[%dma_wait3A_83, %dma_wait3A_84] : memref<10240x64xf32, #tpu.memory_space<vmem_shared>> -> memref<128x64xf32, #tpu.memory_space<vmem_shared>>
    tpu.wait_dma2 semaphore(%arg26 : memref<!tpu.dma_semaphore, #tpu.memory_space<semaphore_mem>>) src(%arg12 : memref<128x64xf32, #tpu.memory_space<vmem>>) dst(%dma_wait3A_85 : memref<128x64xf32, #tpu.memory_space<vmem_shared>>)
    %dma_start3A_86 = arith.constant 0 : i32
    %dma_start3A_87 = arith.constant 0 : i32
    %dma_start3A_88 = tpu.memref_slice %arg7[%dma_start3A_86, %dma_start3A_87] : memref<128x64xf32, #tpu.memory_space<vmem>> -> memref<16x64xf32, #tpu.memory_space<vmem>>
    %dma_start3A_89 = arith.constant 9984 : i32
    %dma_start3A_90 = tpu.memref_slice %arg5[%dma_start3A_89] : memref<10000xi32, #tpu.memory_space<vmem>> -> memref<16xi32, #tpu.memory_space<vmem>>
    %dma_start3A_91 = arith.constant 0 : i32
    %dma_start3A_92 = arith.constant 0 : i32
    %dma_start3A_93 = tpu.memref_slice %arg2[%dma_start3A_91, %dma_start3A_92] : memref<10000x64xf32, #tpu.memory_space<hbm>> -> memref<10000x64xf32, #tpu.memory_space<hbm>>
    tpu.enqueue_indirect_dma source(%dma_start3A_93 : memref<10000x64xf32, #tpu.memory_space<hbm>>) target(%dma_start3A_88 : memref<16x64xf32, #tpu.memory_space<vmem>>) offsets(%dma_start3A_90 : memref<16xi32, #tpu.memory_space<vmem>>) semaphore(%arg15 : memref<!tpu.dma_semaphore, #tpu.memory_space<semaphore_mem>>)
    %dma_wait3A_94 = arith.constant 0 : i32
    %dma_wait3A_95 = arith.constant 0 : i32
    %dma_wait3A_96 = tpu.memref_slice %arg7[%dma_wait3A_94, %dma_wait3A_95] : memref<128x64xf32, #tpu.memory_space<vmem>> -> memref<16x64xf32, #tpu.memory_space<vmem>>
    %dma_wait3A_97 = arith.constant 9984 : i32
    %dma_wait3A_98 = tpu.memref_slice %arg5[%dma_wait3A_97] : memref<10000xi32, #tpu.memory_space<vmem>> -> memref<16xi32, #tpu.memory_space<vmem>>
    %dma_wait3A_99 = arith.constant 0 : i32
    %dma_wait3A_100 = arith.constant 0 : i32
    %dma_wait3A_101 = tpu.memref_slice %arg2[%dma_wait3A_99, %dma_wait3A_100] : memref<10000x64xf32, #tpu.memory_space<hbm>> -> memref<10000x64xf32, #tpu.memory_space<hbm>>
    tpu.wait_indirect_dma semaphore(%arg15 : memref<!tpu.dma_semaphore, #tpu.memory_space<semaphore_mem>>) src(%dma_wait3A_101 : memref<10000x64xf32, #tpu.memory_space<hbm>>) dst(%dma_wait3A_96 : memref<16x64xf32, #tpu.memory_space<vmem>>)
    "tpu.region"() ({
      %run_scoped3A_110 = tpu.sem_alloc : memref<!tpu.dma_semaphore, #tpu.memory_space<semaphore_mem>>
      %dma_start3A_111 = arith.constant 0 : i32
      %dma_start3A_112 = arith.constant 0 : i32
      %dma_start3A_113 = tpu.memref_slice %arg7[%dma_start3A_111, %dma_start3A_112] : memref<128x64xf32, #tpu.memory_space<vmem>> -> memref<16x64xf32, #tpu.memory_space<vmem>>
      %dma_start3A_114 = arith.constant 9984 : i32
      %dma_start3A_115 = tpu.memref_slice %arg6[%dma_start3A_114] : memref<10000xi32, #tpu.memory_space<vmem>> -> memref<16xi32, #tpu.memory_space<vmem>>
      %dma_start3A_116 = arith.constant 0 : i32
      %dma_start3A_117 = arith.constant 0 : i32
      %dma_start3A_118 = tpu.memref_slice %arg14[%dma_start3A_116, %dma_start3A_117] : memref<10240x64xf32, #tpu.memory_space<vmem_shared>> -> memref<10240x64xf32, #tpu.memory_space<vmem_shared>>
      tpu.enqueue_indirect_dma source(%dma_start3A_113 : memref<16x64xf32, #tpu.memory_space<vmem>>) target(%dma_start3A_118 : memref<10240x64xf32, #tpu.memory_space<vmem_shared>>) offsets(%dma_start3A_115 : memref<16xi32, #tpu.memory_space<vmem>>) semaphore(%run_scoped3A_110 : memref<!tpu.dma_semaphore, #tpu.memory_space<semaphore_mem>>) {add = true}
      %dma_wait3A_119 = arith.constant 0 : i32
      %dma_wait3A_120 = arith.constant 0 : i32
      %dma_wait3A_121 = tpu.memref_slice %arg7[%dma_wait3A_119, %dma_wait3A_120] : memref<128x64xf32, #tpu.memory_space<vmem>> -> memref<16x64xf32, #tpu.memory_space<vmem>>
      %dma_wait3A_122 = arith.constant 9984 : i32
      %dma_wait3A_123 = tpu.memref_slice %arg6[%dma_wait3A_122] : memref<10000xi32, #tpu.memory_space<vmem>> -> memref<16xi32, #tpu.memory_space<vmem>>
      %dma_wait3A_124 = arith.constant 0 : i32
      %dma_wait3A_125 = arith.constant 0 : i32
      %dma_wait3A_126 = tpu.memref_slice %arg14[%dma_wait3A_124, %dma_wait3A_125] : memref<10240x64xf32, #tpu.memory_space<vmem_shared>> -> memref<10240x64xf32, #tpu.memory_space<vmem_shared>>
      tpu.wait_indirect_dma semaphore(%run_scoped3A_110 : memref<!tpu.dma_semaphore, #tpu.memory_space<semaphore_mem>>) src(%dma_wait3A_121 : memref<16x64xf32, #tpu.memory_space<vmem>>) dst(%dma_wait3A_126 : memref<10240x64xf32, #tpu.memory_space<vmem_shared>>)
      tpu.yield
    }) : () -> ()
    %barrier3A_102 = arith.constant 0 : index
    tpu.barrier barrier_id(%barrier3A_102)
    %mul3A_103 = arith.constant 640 : i32
    %mul3A_104 = arith.muli %arg1, %mul3A_103 : i32
    %mul3A_105 = arith.constant 10240 : i32
    %mul3A_106 = arith.muli %arg0, %mul3A_105 : i32
    %mul3A_107 = arith.constant 640 : i32
    %mul3A_108 = arith.muli %arg1, %mul3A_107 : i32
    %add3A_109 = arith.addi %mul3A_106, %mul3A_108 : i32
    "tpu.region"() ({
      %run_scoped3A_110 = tpu.sem_alloc : memref<!tpu.dma_semaphore, #tpu.memory_space<semaphore_mem>>
      %dma_start3A_111 = arith.constant 0 : i32
      %dma_start3A_112 = tpu.memref_slice %arg4[%add3A_109, %dma_start3A_111] : memref<20480x64xf32, #tpu.memory_space<hbm>> -> memref<640x64xf32, #tpu.memory_space<hbm>>
      %dma_start3A_113 = arith.constant 0 : i32
      %dma_start3A_114 = tpu.memref_slice %arg14[%mul3A_104, %dma_start3A_113] : memref<10240x64xf32, #tpu.memory_space<vmem_shared>> -> memref<640x64xf32, #tpu.memory_space<vmem_shared>>
      tpu.enqueue_dma source(%dma_start3A_114 : memref<640x64xf32, #tpu.memory_space<vmem_shared>>) target(%dma_start3A_112 : memref<640x64xf32, #tpu.memory_space<hbm>>) target_semaphore(%run_scoped3A_110 : memref<!tpu.dma_semaphore, #tpu.memory_space<semaphore_mem>>)
      %dma_wait3A_115 = arith.constant 0 : i32
      %dma_wait3A_116 = tpu.memref_slice %arg4[%add3A_109, %dma_wait3A_115] : memref<20480x64xf32, #tpu.memory_space<hbm>> -> memref<640x64xf32, #tpu.memory_space<hbm>>
      %dma_wait3A_117 = arith.constant 0 : i32
      %dma_wait3A_118 = tpu.memref_slice %arg14[%mul3A_104, %dma_wait3A_117] : memref<10240x64xf32, #tpu.memory_space<vmem_shared>> -> memref<640x64xf32, #tpu.memory_space<vmem_shared>>
      tpu.wait_dma2 semaphore(%run_scoped3A_110 : memref<!tpu.dma_semaphore, #tpu.memory_space<semaphore_mem>>) src(%dma_wait3A_118 : memref<640x64xf32, #tpu.memory_space<vmem_shared>>) dst(%dma_wait3A_116 : memref<640x64xf32, #tpu.memory_space<hbm>>)
      tpu.yield
    }) : () -> ()
    return
  }
}

#map = affine_map<(d0, d1) -> (0, 0)>
module attributes {stable_mosaic.version = 14 : i64} {
  func.func @_agg_one(%arg0: i32, %arg1: i32, %arg2: memref<10000x64xf32, #tpu.memory_space<hbm>>, %arg3: memref<2x320000xi32, #tpu.memory_space<hbm>>, %arg4: memref<20480x64xf32, #tpu.memory_space<hbm>>, %arg5: memref<10000xi32, #tpu.memory_space<vmem>>, %arg6: memref<10000xi32, #tpu.memory_space<vmem>>, %arg7: memref<128x64xf32, #tpu.memory_space<vmem>>, %arg8: memref<128x64xf32, #tpu.memory_space<vmem>>, %arg9: memref<128x64xf32, #tpu.memory_space<vmem>>, %arg10: memref<128x64xf32, #tpu.memory_space<vmem>>, %arg11: memref<128x64xf32, #tpu.memory_space<vmem>>, %arg12: memref<128x64xf32, #tpu.memory_space<vmem>>, %arg13: memref<128x64xf32, #tpu.memory_space<vmem>>, %arg14: memref<10240x64xf32, #tpu.memory_space<vmem_shared>>, %arg15: memref<!tpu.dma_semaphore, #tpu.memory_space<semaphore_mem>>, %arg16: memref<!tpu.dma_semaphore, #tpu.memory_space<semaphore_mem>>, %arg17: memref<!tpu.dma_semaphore, #tpu.memory_space<semaphore_mem>>, %arg18: memref<!tpu.dma_semaphore, #tpu.memory_space<semaphore_mem>>, %arg19: memref<!tpu.dma_semaphore, #tpu.memory_space<semaphore_mem>>, %arg20: memref<!tpu.dma_semaphore, #tpu.memory_space<semaphore_mem>>, %arg21: memref<!tpu.dma_semaphore, #tpu.memory_space<semaphore_mem>>, %arg22: memref<!tpu.dma_semaphore, #tpu.memory_space<semaphore_mem>>, %arg23: memref<!tpu.dma_semaphore, #tpu.memory_space<semaphore_mem>>, %arg24: memref<!tpu.dma_semaphore, #tpu.memory_space<semaphore_mem>>, %arg25: memref<!tpu.dma_semaphore, #tpu.memory_space<semaphore_mem>>, %arg26: memref<!tpu.dma_semaphore, #tpu.memory_space<semaphore_mem>>) attributes {dimension_semantics = [#tpu.dimension_semantics<core_parallel>, #tpu.dimension_semantics<subcore_parallel>], iteration_bounds = array<i64: 2, 16>, scalar_prefetch = 0 : i64, scratch_operands = 22 : i64, tpu.core_type = #tpu.core_type<sc_vector_subcore>, window_params = [{transform_indices = #map}, {transform_indices = #map}, {transform_indices = #map}]} {
    %mul3A = arith.constant 2 : i32
    %mul3A_0 = arith.muli %arg1, %mul3A : i32
    %add3A = arith.addi %mul3A_0, %arg0 : i32
    %scan3A = arith.constant 0 : i32
    %scan3A_1 = arith.constant 0 : i32
    %scan3A_2 = arith.constant 128 : i32
    %scan3A_3 = arith.addi %scan3A_1, %scan3A_2 : i32
    %scan3A_4 = arith.constant 1 : i32
    scf.for %scan3A_110 = %scan3A_1 to %scan3A_3 step %scan3A_4  : i32 {
      %broadcast_in_dim3A = arith.constant 0.000000e+00 : f32
      %broadcast_in_dim3A_111 = vector.broadcast %broadcast_in_dim3A : f32 to vector<16xf32>
      %swap3A = arith.index_cast %scan3A_110 : i32 to index
      %swap3A_112 = arith.constant 0 : index
      %swap3A_113 = tpu.vector_load %arg13[%swap3A, %swap3A_112] {strides = array<i32>} : memref<128x64xf32, #tpu.memory_space<vmem>>, vector<1x16xf32>,
      %swap3A_114 = vector.shape_cast %swap3A_113 : vector<1x16xf32> to vector<16xf32>
      %swap3A_115 = vector.shape_cast %broadcast_in_dim3A_111 : vector<16xf32> to vector<1x16xf32>
      tpu.vector_store %arg13[%swap3A, %swap3A_112], %swap3A_115 {strides = array<i32>} : memref<128x64xf32, #tpu.memory_space<vmem>>, vector<1x16xf32>,
      %broadcast_in_dim3A_116 = arith.constant 0.000000e+00 : f32
      %broadcast_in_dim3A_117 = vector.broadcast %broadcast_in_dim3A_116 : f32 to vector<16xf32>
      %swap3A_118 = arith.index_cast %scan3A_110 : i32 to index
      %swap3A_119 = arith.constant 16 : index
      %swap3A_120 = tpu.vector_load %arg13[%swap3A_118, %swap3A_119] {strides = array<i32>} : memref<128x64xf32, #tpu.memory_space<vmem>>, vector<1x16xf32>,
      %swap3A_121 = vector.shape_cast %swap3A_120 : vector<1x16xf32> to vector<16xf32>
      %swap3A_122 = vector.shape_cast %broadcast_in_dim3A_117 : vector<16xf32> to vector<1x16xf32>
      tpu.vector_store %arg13[%swap3A_118, %swap3A_119], %swap3A_122 {strides = array<i32>} : memref<128x64xf32, #tpu.memory_space<vmem>>, vector<1x16xf32>,
      %broadcast_in_dim3A_123 = arith.constant 0.000000e+00 : f32
      %broadcast_in_dim3A_124 = vector.broadcast %broadcast_in_dim3A_123 : f32 to vector<16xf32>
      %swap3A_125 = arith.index_cast %scan3A_110 : i32 to index
      %swap3A_126 = arith.constant 32 : index
      %swap3A_127 = tpu.vector_load %arg13[%swap3A_125, %swap3A_126] {strides = array<i32>} : memref<128x64xf32, #tpu.memory_space<vmem>>, vector<1x16xf32>,
      %swap3A_128 = vector.shape_cast %swap3A_127 : vector<1x16xf32> to vector<16xf32>
      %swap3A_129 = vector.shape_cast %broadcast_in_dim3A_124 : vector<16xf32> to vector<1x16xf32>
      tpu.vector_store %arg13[%swap3A_125, %swap3A_126], %swap3A_129 {strides = array<i32>} : memref<128x64xf32, #tpu.memory_space<vmem>>, vector<1x16xf32>,
      %broadcast_in_dim3A_130 = arith.constant 0.000000e+00 : f32
      %broadcast_in_dim3A_131 = vector.broadcast %broadcast_in_dim3A_130 : f32 to vector<16xf32>
      %swap3A_132 = arith.index_cast %scan3A_110 : i32 to index
      %swap3A_133 = arith.constant 48 : index
      %swap3A_134 = tpu.vector_load %arg13[%swap3A_132, %swap3A_133] {strides = array<i32>} : memref<128x64xf32, #tpu.memory_space<vmem>>, vector<1x16xf32>,
      %swap3A_135 = vector.shape_cast %swap3A_134 : vector<1x16xf32> to vector<16xf32>
      %swap3A_136 = vector.shape_cast %broadcast_in_dim3A_131 : vector<16xf32> to vector<1x16xf32>
      tpu.vector_store %arg13[%swap3A_132, %swap3A_133], %swap3A_136 {strides = array<i32>} : memref<128x64xf32, #tpu.memory_space<vmem>>, vector<1x16xf32>,
    }
    %scan3A_5 = arith.constant 128 : i32
    %mul3A_6 = arith.constant 640 : i32
    %mul3A_7 = arith.muli %arg1, %mul3A_6 : i32
    %add3A_8 = arith.constant 0 : i32
    %add3A_9 = arith.addi %mul3A_7, %add3A_8 : i32
    "tpu.region"() ({
      %run_scoped3A_110 = tpu.sem_alloc : memref<!tpu.dma_semaphore, #tpu.memory_space<semaphore_mem>>
      %dma_start3A_111 = arith.constant 0 : i32
      %dma_start3A_112 = tpu.memref_slice %arg14[%add3A_9, %dma_start3A_111] : memref<10240x64xf32, #tpu.memory_space<vmem_shared>> -> memref<128x64xf32, #tpu.memory_space<vmem_shared>>
      %dma_start3A_113 = arith.constant 0 : i32
      %dma_start3A_114 = tpu.memref_slice %arg14[%add3A_9, %dma_start3A_113] : memref<10240x64xf32, #tpu.memory_space<vmem_shared>> -> memref<128x64xf32, #tpu.memory_space<vmem_shared>>
      tpu.enqueue_dma source(%arg13 : memref<128x64xf32, #tpu.memory_space<vmem>>) target(%dma_start3A_114 : memref<128x64xf32, #tpu.memory_space<vmem_shared>>) target_semaphore(%run_scoped3A_110 : memref<!tpu.dma_semaphore, #tpu.memory_space<semaphore_mem>>)
      %dma_wait3A_115 = arith.constant 0 : i32
      %dma_wait3A_116 = tpu.memref_slice %arg14[%add3A_9, %dma_wait3A_115] : memref<10240x64xf32, #tpu.memory_space<vmem_shared>> -> memref<128x64xf32, #tpu.memory_space<vmem_shared>>
      %dma_wait3A_117 = arith.constant 0 : i32
      %dma_wait3A_118 = tpu.memref_slice %arg14[%add3A_9, %dma_wait3A_117] : memref<10240x64xf32, #tpu.memory_space<vmem_shared>> -> memref<128x64xf32, #tpu.memory_space<vmem_shared>>
      tpu.wait_dma2 semaphore(%run_scoped3A_110 : memref<!tpu.dma_semaphore, #tpu.memory_space<semaphore_mem>>) src(%arg13 : memref<128x64xf32, #tpu.memory_space<vmem>>) dst(%dma_wait3A_118 : memref<128x64xf32, #tpu.memory_space<vmem_shared>>)
      tpu.yield
    }) : () -> ()
    %mul3A_10 = arith.constant 640 : i32
    %mul3A_11 = arith.muli %arg1, %mul3A_10 : i32
    %add3A_12 = arith.constant 128 : i32
    %add3A_13 = arith.addi %mul3A_11, %add3A_12 : i32
    "tpu.region"() ({
      %run_scoped3A_110 = tpu.sem_alloc : memref<!tpu.dma_semaphore, #tpu.memory_space<semaphore_mem>>
      %dma_start3A_111 = arith.constant 0 : i32
      %dma_start3A_112 = tpu.memref_slice %arg14[%add3A_13, %dma_start3A_111] : memref<10240x64xf32, #tpu.memory_space<vmem_shared>> -> memref<128x64xf32, #tpu.memory_space<vmem_shared>>
      %dma_start3A_113 = arith.constant 0 : i32
      %dma_start3A_114 = tpu.memref_slice %arg14[%add3A_13, %dma_start3A_113] : memref<10240x64xf32, #tpu.memory_space<vmem_shared>> -> memref<128x64xf32, #tpu.memory_space<vmem_shared>>
      tpu.enqueue_dma source(%arg13 : memref<128x64xf32, #tpu.memory_space<vmem>>) target(%dma_start3A_114 : memref<128x64xf32, #tpu.memory_space<vmem_shared>>) target_semaphore(%run_scoped3A_110 : memref<!tpu.dma_semaphore, #tpu.memory_space<semaphore_mem>>)
      %dma_wait3A_115 = arith.constant 0 : i32
      %dma_wait3A_116 = tpu.memref_slice %arg14[%add3A_13, %dma_wait3A_115] : memref<10240x64xf32, #tpu.memory_space<vmem_shared>> -> memref<128x64xf32, #tpu.memory_space<vmem_shared>>
      %dma_wait3A_117 = arith.constant 0 : i32
      %dma_wait3A_118 = tpu.memref_slice %arg14[%add3A_13, %dma_wait3A_117] : memref<10240x64xf32, #tpu.memory_space<vmem_shared>> -> memref<128x64xf32, #tpu.memory_space<vmem_shared>>
      tpu.wait_dma2 semaphore(%run_scoped3A_110 : memref<!tpu.dma_semaphore, #tpu.memory_space<semaphore_mem>>) src(%arg13 : memref<128x64xf32, #tpu.memory_space<vmem>>) dst(%dma_wait3A_118 : memref<128x64xf32, #tpu.memory_space<vmem_shared>>)
      tpu.yield
    }) : () -> ()
    %mul3A_14 = arith.constant 640 : i32
    %mul3A_15 = arith.muli %arg1, %mul3A_14 : i32
    %add3A_16 = arith.constant 256 : i32
    %add3A_17 = arith.addi %mul3A_15, %add3A_16 : i32
    "tpu.region"() ({
      %run_scoped3A_110 = tpu.sem_alloc : memref<!tpu.dma_semaphore, #tpu.memory_space<semaphore_mem>>
      %dma_start3A_111 = arith.constant 0 : i32
      %dma_start3A_112 = tpu.memref_slice %arg14[%add3A_17, %dma_start3A_111] : memref<10240x64xf32, #tpu.memory_space<vmem_shared>> -> memref<128x64xf32, #tpu.memory_space<vmem_shared>>
      %dma_start3A_113 = arith.constant 0 : i32
      %dma_start3A_114 = tpu.memref_slice %arg14[%add3A_17, %dma_start3A_113] : memref<10240x64xf32, #tpu.memory_space<vmem_shared>> -> memref<128x64xf32, #tpu.memory_space<vmem_shared>>
      tpu.enqueue_dma source(%arg13 : memref<128x64xf32, #tpu.memory_space<vmem>>) target(%dma_start3A_114 : memref<128x64xf32, #tpu.memory_space<vmem_shared>>) target_semaphore(%run_scoped3A_110 : memref<!tpu.dma_semaphore, #tpu.memory_space<semaphore_mem>>)
      %dma_wait3A_115 = arith.constant 0 : i32
      %dma_wait3A_116 = tpu.memref_slice %arg14[%add3A_17, %dma_wait3A_115] : memref<10240x64xf32, #tpu.memory_space<vmem_shared>> -> memref<128x64xf32, #tpu.memory_space<vmem_shared>>
      %dma_wait3A_117 = arith.constant 0 : i32
      %dma_wait3A_118 = tpu.memref_slice %arg14[%add3A_17, %dma_wait3A_117] : memref<10240x64xf32, #tpu.memory_space<vmem_shared>> -> memref<128x64xf32, #tpu.memory_space<vmem_shared>>
      tpu.wait_dma2 semaphore(%run_scoped3A_110 : memref<!tpu.dma_semaphore, #tpu.memory_space<semaphore_mem>>) src(%arg13 : memref<128x64xf32, #tpu.memory_space<vmem>>) dst(%dma_wait3A_118 : memref<128x64xf32, #tpu.memory_space<vmem_shared>>)
      tpu.yield
    }) : () -> ()
    %mul3A_18 = arith.constant 640 : i32
    %mul3A_19 = arith.muli %arg1, %mul3A_18 : i32
    %add3A_20 = arith.constant 384 : i32
    %add3A_21 = arith.addi %mul3A_19, %add3A_20 : i32
    "tpu.region"() ({
      %run_scoped3A_110 = tpu.sem_alloc : memref<!tpu.dma_semaphore, #tpu.memory_space<semaphore_mem>>
      %dma_start3A_111 = arith.constant 0 : i32
      %dma_start3A_112 = tpu.memref_slice %arg14[%add3A_21, %dma_start3A_111] : memref<10240x64xf32, #tpu.memory_space<vmem_shared>> -> memref<128x64xf32, #tpu.memory_space<vmem_shared>>
      %dma_start3A_113 = arith.constant 0 : i32
      %dma_start3A_114 = tpu.memref_slice %arg14[%add3A_21, %dma_start3A_113] : memref<10240x64xf32, #tpu.memory_space<vmem_shared>> -> memref<128x64xf32, #tpu.memory_space<vmem_shared>>
      tpu.enqueue_dma source(%arg13 : memref<128x64xf32, #tpu.memory_space<vmem>>) target(%dma_start3A_114 : memref<128x64xf32, #tpu.memory_space<vmem_shared>>) target_semaphore(%run_scoped3A_110 : memref<!tpu.dma_semaphore, #tpu.memory_space<semaphore_mem>>)
      %dma_wait3A_115 = arith.constant 0 : i32
      %dma_wait3A_116 = tpu.memref_slice %arg14[%add3A_21, %dma_wait3A_115] : memref<10240x64xf32, #tpu.memory_space<vmem_shared>> -> memref<128x64xf32, #tpu.memory_space<vmem_shared>>
      %dma_wait3A_117 = arith.constant 0 : i32
      %dma_wait3A_118 = tpu.memref_slice %arg14[%add3A_21, %dma_wait3A_117] : memref<10240x64xf32, #tpu.memory_space<vmem_shared>> -> memref<128x64xf32, #tpu.memory_space<vmem_shared>>
      tpu.wait_dma2 semaphore(%run_scoped3A_110 : memref<!tpu.dma_semaphore, #tpu.memory_space<semaphore_mem>>) src(%arg13 : memref<128x64xf32, #tpu.memory_space<vmem>>) dst(%dma_wait3A_118 : memref<128x64xf32, #tpu.memory_space<vmem_shared>>)
      tpu.yield
    }) : () -> ()
    %mul3A_22 = arith.constant 640 : i32
    %mul3A_23 = arith.muli %arg1, %mul3A_22 : i32
    %add3A_24 = arith.constant 512 : i32
    %add3A_25 = arith.addi %mul3A_23, %add3A_24 : i32
    "tpu.region"() ({
      %run_scoped3A_110 = tpu.sem_alloc : memref<!tpu.dma_semaphore, #tpu.memory_space<semaphore_mem>>
      %dma_start3A_111 = arith.constant 0 : i32
      %dma_start3A_112 = tpu.memref_slice %arg14[%add3A_25, %dma_start3A_111] : memref<10240x64xf32, #tpu.memory_space<vmem_shared>> -> memref<128x64xf32, #tpu.memory_space<vmem_shared>>
      %dma_start3A_113 = arith.constant 0 : i32
      %dma_start3A_114 = tpu.memref_slice %arg14[%add3A_25, %dma_start3A_113] : memref<10240x64xf32, #tpu.memory_space<vmem_shared>> -> memref<128x64xf32, #tpu.memory_space<vmem_shared>>
      tpu.enqueue_dma source(%arg13 : memref<128x64xf32, #tpu.memory_space<vmem>>) target(%dma_start3A_114 : memref<128x64xf32, #tpu.memory_space<vmem_shared>>) target_semaphore(%run_scoped3A_110 : memref<!tpu.dma_semaphore, #tpu.memory_space<semaphore_mem>>)
      %dma_wait3A_115 = arith.constant 0 : i32
      %dma_wait3A_116 = tpu.memref_slice %arg14[%add3A_25, %dma_wait3A_115] : memref<10240x64xf32, #tpu.memory_space<vmem_shared>> -> memref<128x64xf32, #tpu.memory_space<vmem_shared>>
      %dma_wait3A_117 = arith.constant 0 : i32
      %dma_wait3A_118 = tpu.memref_slice %arg14[%add3A_25, %dma_wait3A_117] : memref<10240x64xf32, #tpu.memory_space<vmem_shared>> -> memref<128x64xf32, #tpu.memory_space<vmem_shared>>
      tpu.wait_dma2 semaphore(%run_scoped3A_110 : memref<!tpu.dma_semaphore, #tpu.memory_space<semaphore_mem>>) src(%arg13 : memref<128x64xf32, #tpu.memory_space<vmem>>) dst(%dma_wait3A_118 : memref<128x64xf32, #tpu.memory_space<vmem_shared>>)
      tpu.yield
    }) : () -> ()
    %mul3A_26 = arith.constant 10000 : i32
    %mul3A_27 = arith.muli %add3A, %mul3A_26 : i32
    %run_scoped3A = arith.constant 0 : i32
    "tpu.region"() ({
      %run_scoped3A_110 = tpu.sem_alloc : memref<!tpu.dma_semaphore, #tpu.memory_space<semaphore_mem>>
      %dma_start3A_111 = tpu.memref_slice %arg3[%run_scoped3A, %mul3A_27] : memref<2x320000xi32, #tpu.memory_space<hbm>> -> memref<1x10000xi32, #tpu.memory_space<hbm>>
      %dma_start3A_112 = tpu.memref_squeeze %dma_start3A_111 : memref<1x10000xi32, #tpu.memory_space<hbm>> -> memref<10000xi32, #tpu.memory_space<hbm>>
      %dma_start3A_113 = tpu.memref_slice %arg3[%run_scoped3A, %mul3A_27] : memref<2x320000xi32, #tpu.memory_space<hbm>> -> memref<1x10000xi32, #tpu.memory_space<hbm>>
      %dma_start3A_114 = tpu.memref_squeeze %dma_start3A_113 : memref<1x10000xi32, #tpu.memory_space<hbm>> -> memref<10000xi32, #tpu.memory_space<hbm>>
      tpu.enqueue_dma source(%dma_start3A_114 : memref<10000xi32, #tpu.memory_space<hbm>>) target(%arg5 : memref<10000xi32, #tpu.memory_space<vmem>>) target_semaphore(%run_scoped3A_110 : memref<!tpu.dma_semaphore, #tpu.memory_space<semaphore_mem>>)
      %dma_wait3A_115 = tpu.memref_slice %arg3[%run_scoped3A, %mul3A_27] : memref<2x320000xi32, #tpu.memory_space<hbm>> -> memref<1x10000xi32, #tpu.memory_space<hbm>>
      %dma_wait3A_116 = tpu.memref_squeeze %dma_wait3A_115 : memref<1x10000xi32, #tpu.memory_space<hbm>> -> memref<10000xi32, #tpu.memory_space<hbm>>
      %dma_wait3A_117 = tpu.memref_slice %arg3[%run_scoped3A, %mul3A_27] : memref<2x320000xi32, #tpu.memory_space<hbm>> -> memref<1x10000xi32, #tpu.memory_space<hbm>>
      %dma_wait3A_118 = tpu.memref_squeeze %dma_wait3A_117 : memref<1x10000xi32, #tpu.memory_space<hbm>> -> memref<10000xi32, #tpu.memory_space<hbm>>
      tpu.wait_dma2 semaphore(%run_scoped3A_110 : memref<!tpu.dma_semaphore, #tpu.memory_space<semaphore_mem>>) src(%dma_wait3A_118 : memref<10000xi32, #tpu.memory_space<hbm>>) dst(%arg5 : memref<10000xi32, #tpu.memory_space<vmem>>)
      tpu.yield
    }) : () -> ()
    %mul3A_28 = arith.constant 10000 : i32
    %mul3A_29 = arith.muli %add3A, %mul3A_28 : i32
    %run_scoped3A_30 = arith.constant 1 : i32
    "tpu.region"() ({
      %run_scoped3A_110 = tpu.sem_alloc : memref<!tpu.dma_semaphore, #tpu.memory_space<semaphore_mem>>
      %dma_start3A_111 = tpu.memref_slice %arg3[%run_scoped3A_30, %mul3A_29] : memref<2x320000xi32, #tpu.memory_space<hbm>> -> memref<1x10000xi32, #tpu.memory_space<hbm>>
      %dma_start3A_112 = tpu.memref_squeeze %dma_start3A_111 : memref<1x10000xi32, #tpu.memory_space<hbm>> -> memref<10000xi32, #tpu.memory_space<hbm>>
      %dma_start3A_113 = tpu.memref_slice %arg3[%run_scoped3A_30, %mul3A_29] : memref<2x320000xi32, #tpu.memory_space<hbm>> -> memref<1x10000xi32, #tpu.memory_space<hbm>>
      %dma_start3A_114 = tpu.memref_squeeze %dma_start3A_113 : memref<1x10000xi32, #tpu.memory_space<hbm>> -> memref<10000xi32, #tpu.memory_space<hbm>>
      tpu.enqueue_dma source(%dma_start3A_114 : memref<10000xi32, #tpu.memory_space<hbm>>) target(%arg6 : memref<10000xi32, #tpu.memory_space<vmem>>) target_semaphore(%run_scoped3A_110 : memref<!tpu.dma_semaphore, #tpu.memory_space<semaphore_mem>>)
      %dma_wait3A_115 = tpu.memref_slice %arg3[%run_scoped3A_30, %mul3A_29] : memref<2x320000xi32, #tpu.memory_space<hbm>> -> memref<1x10000xi32, #tpu.memory_space<hbm>>
      %dma_wait3A_116 = tpu.memref_squeeze %dma_wait3A_115 : memref<1x10000xi32, #tpu.memory_space<hbm>> -> memref<10000xi32, #tpu.memory_space<hbm>>
      %dma_wait3A_117 = tpu.memref_slice %arg3[%run_scoped3A_30, %mul3A_29] : memref<2x320000xi32, #tpu.memory_space<hbm>> -> memref<1x10000xi32, #tpu.memory_space<hbm>>
      %dma_wait3A_118 = tpu.memref_squeeze %dma_wait3A_117 : memref<1x10000xi32, #tpu.memory_space<hbm>> -> memref<10000xi32, #tpu.memory_space<hbm>>
      tpu.wait_dma2 semaphore(%run_scoped3A_110 : memref<!tpu.dma_semaphore, #tpu.memory_space<semaphore_mem>>) src(%dma_wait3A_118 : memref<10000xi32, #tpu.memory_space<hbm>>) dst(%arg6 : memref<10000xi32, #tpu.memory_space<vmem>>)
      tpu.yield
    }) : () -> ()
    %barrier3A = arith.constant 0 : index
    tpu.barrier barrier_id(%barrier3A)
    %dma_start3A = arith.constant 0 : i32
    %dma_start3A_31 = tpu.memref_slice %arg5[%dma_start3A] : memref<10000xi32, #tpu.memory_space<vmem>> -> memref<128xi32, #tpu.memory_space<vmem>>
    %dma_start3A_32 = arith.constant 0 : i32
    %dma_start3A_33 = arith.constant 0 : i32
    %dma_start3A_34 = tpu.memref_slice %arg2[%dma_start3A_32, %dma_start3A_33] : memref<10000x64xf32, #tpu.memory_space<hbm>> -> memref<10000x64xf32, #tpu.memory_space<hbm>>
    tpu.enqueue_indirect_dma source(%dma_start3A_34 : memref<10000x64xf32, #tpu.memory_space<hbm>>) target(%arg7 : memref<128x64xf32, #tpu.memory_space<vmem>>) offsets(%dma_start3A_31 : memref<128xi32, #tpu.memory_space<vmem>>) semaphore(%arg15 : memref<!tpu.dma_semaphore, #tpu.memory_space<semaphore_mem>>)
    %dma_start3A_35 = arith.constant 128 : i32
    %dma_start3A_36 = tpu.memref_slice %arg5[%dma_start3A_35] : memref<10000xi32, #tpu.memory_space<vmem>> -> memref<128xi32, #tpu.memory_space<vmem>>
    %dma_start3A_37 = arith.constant 0 : i32
    %dma_start3A_38 = arith.constant 0 : i32
    %dma_start3A_39 = tpu.memref_slice %arg2[%dma_start3A_37, %dma_start3A_38] : memref<10000x64xf32, #tpu.memory_space<hbm>> -> memref<10000x64xf32, #tpu.memory_space<hbm>>
    tpu.enqueue_indirect_dma source(%dma_start3A_39 : memref<10000x64xf32, #tpu.memory_space<hbm>>) target(%arg8 : memref<128x64xf32, #tpu.memory_space<vmem>>) offsets(%dma_start3A_36 : memref<128xi32, #tpu.memory_space<vmem>>) semaphore(%arg16 : memref<!tpu.dma_semaphore, #tpu.memory_space<semaphore_mem>>)
    %dma_start3A_40 = arith.constant 256 : i32
    %dma_start3A_41 = tpu.memref_slice %arg5[%dma_start3A_40] : memref<10000xi32, #tpu.memory_space<vmem>> -> memref<128xi32, #tpu.memory_space<vmem>>
    %dma_start3A_42 = arith.constant 0 : i32
    %dma_start3A_43 = arith.constant 0 : i32
    %dma_start3A_44 = tpu.memref_slice %arg2[%dma_start3A_42, %dma_start3A_43] : memref<10000x64xf32, #tpu.memory_space<hbm>> -> memref<10000x64xf32, #tpu.memory_space<hbm>>
    tpu.enqueue_indirect_dma source(%dma_start3A_44 : memref<10000x64xf32, #tpu.memory_space<hbm>>) target(%arg9 : memref<128x64xf32, #tpu.memory_space<vmem>>) offsets(%dma_start3A_41 : memref<128xi32, #tpu.memory_space<vmem>>) semaphore(%arg17 : memref<!tpu.dma_semaphore, #tpu.memory_space<semaphore_mem>>)
    %scan3A_45 = arith.constant 0 : i32
    %scan3A_46 = arith.constant 0 : i32
    %scan3A_47 = arith.constant 13 : i32
    %scan3A_48 = arith.addi %scan3A_46, %scan3A_47 : i32
    %scan3A_49 = arith.constant 1 : i32
    scf.for %scan3A_110 = %scan3A_46 to %scan3A_48 step %scan3A_49  : i32 {
      %mul3A_111 = arith.constant 6 : i32
      %mul3A_112 = arith.muli %scan3A_110, %mul3A_111 : i32
      %add3A_113 = arith.constant 0 : i32
      %add3A_114 = arith.addi %mul3A_112, %add3A_113 : i32
      %add3A_115 = arith.constant 3 : i32
      %add3A_116 = arith.addi %add3A_114, %add3A_115 : i32
      %ge3A = arith.constant 6 : i32
      %ge3A_117 = arith.cmpi sge, %add3A_116, %ge3A : i32
      %lt3A = arith.constant 78 : i32
      %lt3A_118 = arith.cmpi slt, %add3A_116, %lt3A : i32
      %and3A = arith.andi %ge3A_117, %lt3A_118 : i1
      %convert_element_type3A = arith.extui %and3A : i1 to i32
      %cond3A = arith.constant 0 : i32
      %cond3A_119 = arith.cmpi ne, %convert_element_type3A, %cond3A : i32
      scf.if %cond3A_119 {
        %dma_wait3A_292 = arith.constant 0 : i32
        %dma_wait3A_293 = arith.constant 0 : i32
        %dma_wait3A_294 = tpu.memref_slice %arg14[%dma_wait3A_292, %dma_wait3A_293] : memref<10240x64xf32, #tpu.memory_space<vmem_shared>> -> memref<128x64xf32, #tpu.memory_space<vmem_shared>>
        %dma_wait3A_295 = arith.constant 0 : i32
        %dma_wait3A_296 = arith.constant 0 : i32
        %dma_wait3A_297 = tpu.memref_slice %arg14[%dma_wait3A_295, %dma_wait3A_296] : memref<10240x64xf32, #tpu.memory_space<vmem_shared>> -> memref<128x64xf32, #tpu.memory_space<vmem_shared>>
        tpu.wait_dma2 semaphore(%arg24 : memref<!tpu.dma_semaphore, #tpu.memory_space<semaphore_mem>>) src(%arg10 : memref<128x64xf32, #tpu.memory_space<vmem>>) dst(%dma_wait3A_297 : memref<128x64xf32, #tpu.memory_space<vmem_shared>>)
      } else {
      }
      %lt3A_120 = arith.constant 78 : i32
      %lt3A_121 = arith.cmpi slt, %add3A_116, %lt3A_120 : i32
      %convert_element_type3A_122 = arith.extui %lt3A_121 : i1 to i32
      %cond3A_123 = arith.constant 0 : i32
      %cond3A_124 = arith.cmpi ne, %convert_element_type3A_122, %cond3A_123 : i32
      scf.if %cond3A_124 {
        %mul3A_292 = arith.constant 128 : i32
        %mul3A_293 = arith.muli %add3A_116, %mul3A_292 : i32
        %dma_start3A_294 = tpu.memref_slice %arg5[%mul3A_293] : memref<10000xi32, #tpu.memory_space<vmem>> -> memref<128xi32, #tpu.memory_space<vmem>>
        %dma_start3A_295 = arith.constant 0 : i32
        %dma_start3A_296 = arith.constant 0 : i32
        %dma_start3A_297 = tpu.memref_slice %arg2[%dma_start3A_295, %dma_start3A_296] : memref<10000x64xf32, #tpu.memory_space<hbm>> -> memref<10000x64xf32, #tpu.memory_space<hbm>>
        tpu.enqueue_indirect_dma source(%dma_start3A_297 : memref<10000x64xf32, #tpu.memory_space<hbm>>) target(%arg10 : memref<128x64xf32, #tpu.memory_space<vmem>>) offsets(%dma_start3A_294 : memref<128xi32, #tpu.memory_space<vmem>>) semaphore(%arg18 : memref<!tpu.dma_semaphore, #tpu.memory_space<semaphore_mem>>)
      } else {
      }
      %dma_wait3A_125 = arith.constant 0 : i32
      %dma_wait3A_126 = arith.constant 0 : i32
      %dma_wait3A_127 = tpu.memref_slice %arg2[%dma_wait3A_125, %dma_wait3A_126] : memref<10000x64xf32, #tpu.memory_space<hbm>> -> memref<128x64xf32, #tpu.memory_space<hbm>>
      %dma_wait3A_128 = arith.constant 0 : i32
      %dma_wait3A_129 = arith.constant 0 : i32
      %dma_wait3A_130 = tpu.memref_slice %arg2[%dma_wait3A_128, %dma_wait3A_129] : memref<10000x64xf32, #tpu.memory_space<hbm>> -> memref<128x64xf32, #tpu.memory_space<hbm>>
      tpu.wait_dma2 semaphore(%arg15 : memref<!tpu.dma_semaphore, #tpu.memory_space<semaphore_mem>>) src(%dma_wait3A_130 : memref<128x64xf32, #tpu.memory_space<hbm>>) dst(%arg7 : memref<128x64xf32, #tpu.memory_space<vmem>>)
      %mul3A_131 = arith.constant 128 : i32
      %mul3A_132 = arith.muli %add3A_114, %mul3A_131 : i32
      %dma_start3A_133 = tpu.memref_slice %arg6[%mul3A_132] : memref<10000xi32, #tpu.memory_space<vmem>> -> memref<128xi32, #tpu.memory_space<vmem>>
      %dma_start3A_134 = arith.constant 0 : i32
      %dma_start3A_135 = arith.constant 0 : i32
      %dma_start3A_136 = tpu.memref_slice %arg14[%dma_start3A_134, %dma_start3A_135] : memref<10240x64xf32, #tpu.memory_space<vmem_shared>> -> memref<10240x64xf32, #tpu.memory_space<vmem_shared>>
      tpu.enqueue_indirect_dma source(%arg7 : memref<128x64xf32, #tpu.memory_space<vmem>>) target(%dma_start3A_136 : memref<10240x64xf32, #tpu.memory_space<vmem_shared>>) offsets(%dma_start3A_133 : memref<128xi32, #tpu.memory_space<vmem>>) semaphore(%arg21 : memref<!tpu.dma_semaphore, #tpu.memory_space<semaphore_mem>>) {add = true}
      %mul3A_137 = arith.constant 6 : i32
      %mul3A_138 = arith.muli %scan3A_110, %mul3A_137 : i32
      %add3A_139 = arith.constant 1 : i32
      %add3A_140 = arith.addi %mul3A_138, %add3A_139 : i32
      %add3A_141 = arith.constant 3 : i32
      %add3A_142 = arith.addi %add3A_140, %add3A_141 : i32
      %ge3A_143 = arith.constant 6 : i32
      %ge3A_144 = arith.cmpi sge, %add3A_142, %ge3A_143 : i32
      %lt3A_145 = arith.constant 78 : i32
      %lt3A_146 = arith.cmpi slt, %add3A_142, %lt3A_145 : i32
      %and3A_147 = arith.andi %ge3A_144, %lt3A_146 : i1
      %convert_element_type3A_148 = arith.extui %and3A_147 : i1 to i32
      %cond3A_149 = arith.constant 0 : i32
      %cond3A_150 = arith.cmpi ne, %convert_element_type3A_148, %cond3A_149 : i32
      scf.if %cond3A_150 {
        %dma_wait3A_292 = arith.constant 0 : i32
        %dma_wait3A_293 = arith.constant 0 : i32
        %dma_wait3A_294 = tpu.memref_slice %arg14[%dma_wait3A_292, %dma_wait3A_293] : memref<10240x64xf32, #tpu.memory_space<vmem_shared>> -> memref<128x64xf32, #tpu.memory_space<vmem_shared>>
        %dma_wait3A_295 = arith.constant 0 : i32
        %dma_wait3A_296 = arith.constant 0 : i32
        %dma_wait3A_297 = tpu.memref_slice %arg14[%dma_wait3A_295, %dma_wait3A_296] : memref<10240x64xf32, #tpu.memory_space<vmem_shared>> -> memref<128x64xf32, #tpu.memory_space<vmem_shared>>
        tpu.wait_dma2 semaphore(%arg25 : memref<!tpu.dma_semaphore, #tpu.memory_space<semaphore_mem>>) src(%arg11 : memref<128x64xf32, #tpu.memory_space<vmem>>) dst(%dma_wait3A_297 : memref<128x64xf32, #tpu.memory_space<vmem_shared>>)
      } else {
      }
      %lt3A_151 = arith.constant 78 : i32
      %lt3A_152 = arith.cmpi slt, %add3A_142, %lt3A_151 : i32
      %convert_element_type3A_153 = arith.extui %lt3A_152 : i1 to i32
      %cond3A_154 = arith.constant 0 : i32
      %cond3A_155 = arith.cmpi ne, %convert_element_type3A_153, %cond3A_154 : i32
      scf.if %cond3A_155 {
        %mul3A_292 = arith.constant 128 : i32
        %mul3A_293 = arith.muli %add3A_142, %mul3A_292 : i32
        %dma_start3A_294 = tpu.memref_slice %arg5[%mul3A_293] : memref<10000xi32, #tpu.memory_space<vmem>> -> memref<128xi32, #tpu.memory_space<vmem>>
        %dma_start3A_295 = arith.constant 0 : i32
        %dma_start3A_296 = arith.constant 0 : i32
        %dma_start3A_297 = tpu.memref_slice %arg2[%dma_start3A_295, %dma_start3A_296] : memref<10000x64xf32, #tpu.memory_space<hbm>> -> memref<10000x64xf32, #tpu.memory_space<hbm>>
        tpu.enqueue_indirect_dma source(%dma_start3A_297 : memref<10000x64xf32, #tpu.memory_space<hbm>>) target(%arg11 : memref<128x64xf32, #tpu.memory_space<vmem>>) offsets(%dma_start3A_294 : memref<128xi32, #tpu.memory_space<vmem>>) semaphore(%arg19 : memref<!tpu.dma_semaphore, #tpu.memory_space<semaphore_mem>>)
      } else {
      }
      %dma_wait3A_156 = arith.constant 0 : i32
      %dma_wait3A_157 = arith.constant 0 : i32
      %dma_wait3A_158 = tpu.memref_slice %arg2[%dma_wait3A_156, %dma_wait3A_157] : memref<10000x64xf32, #tpu.memory_space<hbm>> -> memref<128x64xf32, #tpu.memory_space<hbm>>
      %dma_wait3A_159 = arith.constant 0 : i32
      %dma_wait3A_160 = arith.constant 0 : i32
      %dma_wait3A_161 = tpu.memref_slice %arg2[%dma_wait3A_159, %dma_wait3A_160] : memref<10000x64xf32, #tpu.memory_space<hbm>> -> memref<128x64xf32, #tpu.memory_space<hbm>>
      tpu.wait_dma2 semaphore(%arg16 : memref<!tpu.dma_semaphore, #tpu.memory_space<semaphore_mem>>) src(%dma_wait3A_161 : memref<128x64xf32, #tpu.memory_space<hbm>>) dst(%arg8 : memref<128x64xf32, #tpu.memory_space<vmem>>)
      %mul3A_162 = arith.constant 128 : i32
      %mul3A_163 = arith.muli %add3A_140, %mul3A_162 : i32
      %dma_start3A_164 = tpu.memref_slice %arg6[%mul3A_163] : memref<10000xi32, #tpu.memory_space<vmem>> -> memref<128xi32, #tpu.memory_space<vmem>>
      %dma_start3A_165 = arith.constant 0 : i32
      %dma_start3A_166 = arith.constant 0 : i32
      %dma_start3A_167 = tpu.memref_slice %arg14[%dma_start3A_165, %dma_start3A_166] : memref<10240x64xf32, #tpu.memory_space<vmem_shared>> -> memref<10240x64xf32, #tpu.memory_space<vmem_shared>>
      tpu.enqueue_indirect_dma source(%arg8 : memref<128x64xf32, #tpu.memory_space<vmem>>) target(%dma_start3A_167 : memref<10240x64xf32, #tpu.memory_space<vmem_shared>>) offsets(%dma_start3A_164 : memref<128xi32, #tpu.memory_space<vmem>>) semaphore(%arg22 : memref<!tpu.dma_semaphore, #tpu.memory_space<semaphore_mem>>) {add = true}
      %mul3A_168 = arith.constant 6 : i32
      %mul3A_169 = arith.muli %scan3A_110, %mul3A_168 : i32
      %add3A_170 = arith.constant 2 : i32
      %add3A_171 = arith.addi %mul3A_169, %add3A_170 : i32
      %add3A_172 = arith.constant 3 : i32
      %add3A_173 = arith.addi %add3A_171, %add3A_172 : i32
      %ge3A_174 = arith.constant 6 : i32
      %ge3A_175 = arith.cmpi sge, %add3A_173, %ge3A_174 : i32
      %lt3A_176 = arith.constant 78 : i32
      %lt3A_177 = arith.cmpi slt, %add3A_173, %lt3A_176 : i32
      %and3A_178 = arith.andi %ge3A_175, %lt3A_177 : i1
      %convert_element_type3A_179 = arith.extui %and3A_178 : i1 to i32
      %cond3A_180 = arith.constant 0 : i32
      %cond3A_181 = arith.cmpi ne, %convert_element_type3A_179, %cond3A_180 : i32
      scf.if %cond3A_181 {
        %dma_wait3A_292 = arith.constant 0 : i32
        %dma_wait3A_293 = arith.constant 0 : i32
        %dma_wait3A_294 = tpu.memref_slice %arg14[%dma_wait3A_292, %dma_wait3A_293] : memref<10240x64xf32, #tpu.memory_space<vmem_shared>> -> memref<128x64xf32, #tpu.memory_space<vmem_shared>>
        %dma_wait3A_295 = arith.constant 0 : i32
        %dma_wait3A_296 = arith.constant 0 : i32
        %dma_wait3A_297 = tpu.memref_slice %arg14[%dma_wait3A_295, %dma_wait3A_296] : memref<10240x64xf32, #tpu.memory_space<vmem_shared>> -> memref<128x64xf32, #tpu.memory_space<vmem_shared>>
        tpu.wait_dma2 semaphore(%arg26 : memref<!tpu.dma_semaphore, #tpu.memory_space<semaphore_mem>>) src(%arg12 : memref<128x64xf32, #tpu.memory_space<vmem>>) dst(%dma_wait3A_297 : memref<128x64xf32, #tpu.memory_space<vmem_shared>>)
      } else {
      }
      %lt3A_182 = arith.constant 78 : i32
      %lt3A_183 = arith.cmpi slt, %add3A_173, %lt3A_182 : i32
      %convert_element_type3A_184 = arith.extui %lt3A_183 : i1 to i32
      %cond3A_185 = arith.constant 0 : i32
      %cond3A_186 = arith.cmpi ne, %convert_element_type3A_184, %cond3A_185 : i32
      scf.if %cond3A_186 {
        %mul3A_292 = arith.constant 128 : i32
        %mul3A_293 = arith.muli %add3A_173, %mul3A_292 : i32
        %dma_start3A_294 = tpu.memref_slice %arg5[%mul3A_293] : memref<10000xi32, #tpu.memory_space<vmem>> -> memref<128xi32, #tpu.memory_space<vmem>>
        %dma_start3A_295 = arith.constant 0 : i32
        %dma_start3A_296 = arith.constant 0 : i32
        %dma_start3A_297 = tpu.memref_slice %arg2[%dma_start3A_295, %dma_start3A_296] : memref<10000x64xf32, #tpu.memory_space<hbm>> -> memref<10000x64xf32, #tpu.memory_space<hbm>>
        tpu.enqueue_indirect_dma source(%dma_start3A_297 : memref<10000x64xf32, #tpu.memory_space<hbm>>) target(%arg12 : memref<128x64xf32, #tpu.memory_space<vmem>>) offsets(%dma_start3A_294 : memref<128xi32, #tpu.memory_space<vmem>>) semaphore(%arg20 : memref<!tpu.dma_semaphore, #tpu.memory_space<semaphore_mem>>)
      } else {
      }
      %dma_wait3A_187 = arith.constant 0 : i32
      %dma_wait3A_188 = arith.constant 0 : i32
      %dma_wait3A_189 = tpu.memref_slice %arg2[%dma_wait3A_187, %dma_wait3A_188] : memref<10000x64xf32, #tpu.memory_space<hbm>> -> memref<128x64xf32, #tpu.memory_space<hbm>>
      %dma_wait3A_190 = arith.constant 0 : i32
      %dma_wait3A_191 = arith.constant 0 : i32
      %dma_wait3A_192 = tpu.memref_slice %arg2[%dma_wait3A_190, %dma_wait3A_191] : memref<10000x64xf32, #tpu.memory_space<hbm>> -> memref<128x64xf32, #tpu.memory_space<hbm>>
      tpu.wait_dma2 semaphore(%arg17 : memref<!tpu.dma_semaphore, #tpu.memory_space<semaphore_mem>>) src(%dma_wait3A_192 : memref<128x64xf32, #tpu.memory_space<hbm>>) dst(%arg9 : memref<128x64xf32, #tpu.memory_space<vmem>>)
      %mul3A_193 = arith.constant 128 : i32
      %mul3A_194 = arith.muli %add3A_171, %mul3A_193 : i32
      %dma_start3A_195 = tpu.memref_slice %arg6[%mul3A_194] : memref<10000xi32, #tpu.memory_space<vmem>> -> memref<128xi32, #tpu.memory_space<vmem>>
      %dma_start3A_196 = arith.constant 0 : i32
      %dma_start3A_197 = arith.constant 0 : i32
      %dma_start3A_198 = tpu.memref_slice %arg14[%dma_start3A_196, %dma_start3A_197] : memref<10240x64xf32, #tpu.memory_space<vmem_shared>> -> memref<10240x64xf32, #tpu.memory_space<vmem_shared>>
      tpu.enqueue_indirect_dma source(%arg9 : memref<128x64xf32, #tpu.memory_space<vmem>>) target(%dma_start3A_198 : memref<10240x64xf32, #tpu.memory_space<vmem_shared>>) offsets(%dma_start3A_195 : memref<128xi32, #tpu.memory_space<vmem>>) semaphore(%arg23 : memref<!tpu.dma_semaphore, #tpu.memory_space<semaphore_mem>>) {add = true}
      %mul3A_199 = arith.constant 6 : i32
      %mul3A_200 = arith.muli %scan3A_110, %mul3A_199 : i32
      %add3A_201 = arith.constant 3 : i32
      %add3A_202 = arith.addi %mul3A_200, %add3A_201 : i32
      %add3A_203 = arith.constant 3 : i32
      %add3A_204 = arith.addi %add3A_202, %add3A_203 : i32
      %ge3A_205 = arith.constant 6 : i32
      %ge3A_206 = arith.cmpi sge, %add3A_204, %ge3A_205 : i32
      %lt3A_207 = arith.constant 78 : i32
      %lt3A_208 = arith.cmpi slt, %add3A_204, %lt3A_207 : i32
      %and3A_209 = arith.andi %ge3A_206, %lt3A_208 : i1
      %convert_element_type3A_210 = arith.extui %and3A_209 : i1 to i32
      %cond3A_211 = arith.constant 0 : i32
      %cond3A_212 = arith.cmpi ne, %convert_element_type3A_210, %cond3A_211 : i32
      scf.if %cond3A_212 {
        %dma_wait3A_292 = arith.constant 0 : i32
        %dma_wait3A_293 = arith.constant 0 : i32
        %dma_wait3A_294 = tpu.memref_slice %arg14[%dma_wait3A_292, %dma_wait3A_293] : memref<10240x64xf32, #tpu.memory_space<vmem_shared>> -> memref<128x64xf32, #tpu.memory_space<vmem_shared>>
        %dma_wait3A_295 = arith.constant 0 : i32
        %dma_wait3A_296 = arith.constant 0 : i32
        %dma_wait3A_297 = tpu.memref_slice %arg14[%dma_wait3A_295, %dma_wait3A_296] : memref<10240x64xf32, #tpu.memory_space<vmem_shared>> -> memref<128x64xf32, #tpu.memory_space<vmem_shared>>
        tpu.wait_dma2 semaphore(%arg21 : memref<!tpu.dma_semaphore, #tpu.memory_space<semaphore_mem>>) src(%arg7 : memref<128x64xf32, #tpu.memory_space<vmem>>) dst(%dma_wait3A_297 : memref<128x64xf32, #tpu.memory_space<vmem_shared>>)
      } else {
      }
      %lt3A_213 = arith.constant 78 : i32
      %lt3A_214 = arith.cmpi slt, %add3A_204, %lt3A_213 : i32
      %convert_element_type3A_215 = arith.extui %lt3A_214 : i1 to i32
      %cond3A_216 = arith.constant 0 : i32
      %cond3A_217 = arith.cmpi ne, %convert_element_type3A_215, %cond3A_216 : i32
      scf.if %cond3A_217 {
        %mul3A_292 = arith.constant 128 : i32
        %mul3A_293 = arith.muli %add3A_204, %mul3A_292 : i32
        %dma_start3A_294 = tpu.memref_slice %arg5[%mul3A_293] : memref<10000xi32, #tpu.memory_space<vmem>> -> memref<128xi32, #tpu.memory_space<vmem>>
        %dma_start3A_295 = arith.constant 0 : i32
        %dma_start3A_296 = arith.constant 0 : i32
        %dma_start3A_297 = tpu.memref_slice %arg2[%dma_start3A_295, %dma_start3A_296] : memref<10000x64xf32, #tpu.memory_space<hbm>> -> memref<10000x64xf32, #tpu.memory_space<hbm>>
        tpu.enqueue_indirect_dma source(%dma_start3A_297 : memref<10000x64xf32, #tpu.memory_space<hbm>>) target(%arg7 : memref<128x64xf32, #tpu.memory_space<vmem>>) offsets(%dma_start3A_294 : memref<128xi32, #tpu.memory_space<vmem>>) semaphore(%arg15 : memref<!tpu.dma_semaphore, #tpu.memory_space<semaphore_mem>>)
      } else {
      }
      %dma_wait3A_218 = arith.constant 0 : i32
      %dma_wait3A_219 = arith.constant 0 : i32
      %dma_wait3A_220 = tpu.memref_slice %arg2[%dma_wait3A_218, %dma_wait3A_219] : memref<10000x64xf32, #tpu.memory_space<hbm>> -> memref<128x64xf32, #tpu.memory_space<hbm>>
      %dma_wait3A_221 = arith.constant 0 : i32
      %dma_wait3A_222 = arith.constant 0 : i32
      %dma_wait3A_223 = tpu.memref_slice %arg2[%dma_wait3A_221, %dma_wait3A_222] : memref<10000x64xf32, #tpu.memory_space<hbm>> -> memref<128x64xf32, #tpu.memory_space<hbm>>
      tpu.wait_dma2 semaphore(%arg18 : memref<!tpu.dma_semaphore, #tpu.memory_space<semaphore_mem>>) src(%dma_wait3A_223 : memref<128x64xf32, #tpu.memory_space<hbm>>) dst(%arg10 : memref<128x64xf32, #tpu.memory_space<vmem>>)
      %mul3A_224 = arith.constant 128 : i32
      %mul3A_225 = arith.muli %add3A_202, %mul3A_224 : i32
      %dma_start3A_226 = tpu.memref_slice %arg6[%mul3A_225] : memref<10000xi32, #tpu.memory_space<vmem>> -> memref<128xi32, #tpu.memory_space<vmem>>
      %dma_start3A_227 = arith.constant 0 : i32
      %dma_start3A_228 = arith.constant 0 : i32
      %dma_start3A_229 = tpu.memref_slice %arg14[%dma_start3A_227, %dma_start3A_228] : memref<10240x64xf32, #tpu.memory_space<vmem_shared>> -> memref<10240x64xf32, #tpu.memory_space<vmem_shared>>
      tpu.enqueue_indirect_dma source(%arg10 : memref<128x64xf32, #tpu.memory_space<vmem>>) target(%dma_start3A_229 : memref<10240x64xf32, #tpu.memory_space<vmem_shared>>) offsets(%dma_start3A_226 : memref<128xi32, #tpu.memory_space<vmem>>) semaphore(%arg24 : memref<!tpu.dma_semaphore, #tpu.memory_space<semaphore_mem>>) {add = true}
      %mul3A_230 = arith.constant 6 : i32
      %mul3A_231 = arith.muli %scan3A_110, %mul3A_230 : i32
      %add3A_232 = arith.constant 4 : i32
      %add3A_233 = arith.addi %mul3A_231, %add3A_232 : i32
      %add3A_234 = arith.constant 3 : i32
      %add3A_235 = arith.addi %add3A_233, %add3A_234 : i32
      %ge3A_236 = arith.constant 6 : i32
      %ge3A_237 = arith.cmpi sge, %add3A_235, %ge3A_236 : i32
      %lt3A_238 = arith.constant 78 : i32
      %lt3A_239 = arith.cmpi slt, %add3A_235, %lt3A_238 : i32
      %and3A_240 = arith.andi %ge3A_237, %lt3A_239 : i1
      %convert_element_type3A_241 = arith.extui %and3A_240 : i1 to i32
      %cond3A_242 = arith.constant 0 : i32
      %cond3A_243 = arith.cmpi ne, %convert_element_type3A_241, %cond3A_242 : i32
      scf.if %cond3A_243 {
        %dma_wait3A_292 = arith.constant 0 : i32
        %dma_wait3A_293 = arith.constant 0 : i32
        %dma_wait3A_294 = tpu.memref_slice %arg14[%dma_wait3A_292, %dma_wait3A_293] : memref<10240x64xf32, #tpu.memory_space<vmem_shared>> -> memref<128x64xf32, #tpu.memory_space<vmem_shared>>
        %dma_wait3A_295 = arith.constant 0 : i32
        %dma_wait3A_296 = arith.constant 0 : i32
        %dma_wait3A_297 = tpu.memref_slice %arg14[%dma_wait3A_295, %dma_wait3A_296] : memref<10240x64xf32, #tpu.memory_space<vmem_shared>> -> memref<128x64xf32, #tpu.memory_space<vmem_shared>>
        tpu.wait_dma2 semaphore(%arg22 : memref<!tpu.dma_semaphore, #tpu.memory_space<semaphore_mem>>) src(%arg8 : memref<128x64xf32, #tpu.memory_space<vmem>>) dst(%dma_wait3A_297 : memref<128x64xf32, #tpu.memory_space<vmem_shared>>)
      } else {
      }
      %lt3A_244 = arith.constant 78 : i32
      %lt3A_245 = arith.cmpi slt, %add3A_235, %lt3A_244 : i32
      %convert_element_type3A_246 = arith.extui %lt3A_245 : i1 to i32
      %cond3A_247 = arith.constant 0 : i32
      %cond3A_248 = arith.cmpi ne, %convert_element_type3A_246, %cond3A_247 : i32
      scf.if %cond3A_248 {
        %mul3A_292 = arith.constant 128 : i32
        %mul3A_293 = arith.muli %add3A_235, %mul3A_292 : i32
        %dma_start3A_294 = tpu.memref_slice %arg5[%mul3A_293] : memref<10000xi32, #tpu.memory_space<vmem>> -> memref<128xi32, #tpu.memory_space<vmem>>
        %dma_start3A_295 = arith.constant 0 : i32
        %dma_start3A_296 = arith.constant 0 : i32
        %dma_start3A_297 = tpu.memref_slice %arg2[%dma_start3A_295, %dma_start3A_296] : memref<10000x64xf32, #tpu.memory_space<hbm>> -> memref<10000x64xf32, #tpu.memory_space<hbm>>
        tpu.enqueue_indirect_dma source(%dma_start3A_297 : memref<10000x64xf32, #tpu.memory_space<hbm>>) target(%arg8 : memref<128x64xf32, #tpu.memory_space<vmem>>) offsets(%dma_start3A_294 : memref<128xi32, #tpu.memory_space<vmem>>) semaphore(%arg16 : memref<!tpu.dma_semaphore, #tpu.memory_space<semaphore_mem>>)
      } else {
      }
      %dma_wait3A_249 = arith.constant 0 : i32
      %dma_wait3A_250 = arith.constant 0 : i32
      %dma_wait3A_251 = tpu.memref_slice %arg2[%dma_wait3A_249, %dma_wait3A_250] : memref<10000x64xf32, #tpu.memory_space<hbm>> -> memref<128x64xf32, #tpu.memory_space<hbm>>
      %dma_wait3A_252 = arith.constant 0 : i32
      %dma_wait3A_253 = arith.constant 0 : i32
      %dma_wait3A_254 = tpu.memref_slice %arg2[%dma_wait3A_252, %dma_wait3A_253] : memref<10000x64xf32, #tpu.memory_space<hbm>> -> memref<128x64xf32, #tpu.memory_space<hbm>>
      tpu.wait_dma2 semaphore(%arg19 : memref<!tpu.dma_semaphore, #tpu.memory_space<semaphore_mem>>) src(%dma_wait3A_254 : memref<128x64xf32, #tpu.memory_space<hbm>>) dst(%arg11 : memref<128x64xf32, #tpu.memory_space<vmem>>)
      %mul3A_255 = arith.constant 128 : i32
      %mul3A_256 = arith.muli %add3A_233, %mul3A_255 : i32
      %dma_start3A_257 = tpu.memref_slice %arg6[%mul3A_256] : memref<10000xi32, #tpu.memory_space<vmem>> -> memref<128xi32, #tpu.memory_space<vmem>>
      %dma_start3A_258 = arith.constant 0 : i32
      %dma_start3A_259 = arith.constant 0 : i32
      %dma_start3A_260 = tpu.memref_slice %arg14[%dma_start3A_258, %dma_start3A_259] : memref<10240x64xf32, #tpu.memory_space<vmem_shared>> -> memref<10240x64xf32, #tpu.memory_space<vmem_shared>>
      tpu.enqueue_indirect_dma source(%arg11 : memref<128x64xf32, #tpu.memory_space<vmem>>) target(%dma_start3A_260 : memref<10240x64xf32, #tpu.memory_space<vmem_shared>>) offsets(%dma_start3A_257 : memref<128xi32, #tpu.memory_space<vmem>>) semaphore(%arg25 : memref<!tpu.dma_semaphore, #tpu.memory_space<semaphore_mem>>) {add = true}
      %mul3A_261 = arith.constant 6 : i32
      %mul3A_262 = arith.muli %scan3A_110, %mul3A_261 : i32
      %add3A_263 = arith.constant 5 : i32
      %add3A_264 = arith.addi %mul3A_262, %add3A_263 : i32
      %add3A_265 = arith.constant 3 : i32
      %add3A_266 = arith.addi %add3A_264, %add3A_265 : i32
      %ge3A_267 = arith.constant 6 : i32
      %ge3A_268 = arith.cmpi sge, %add3A_266, %ge3A_267 : i32
      %lt3A_269 = arith.constant 78 : i32
      %lt3A_270 = arith.cmpi slt, %add3A_266, %lt3A_269 : i32
      %and3A_271 = arith.andi %ge3A_268, %lt3A_270 : i1
      %convert_element_type3A_272 = arith.extui %and3A_271 : i1 to i32
      %cond3A_273 = arith.constant 0 : i32
      %cond3A_274 = arith.cmpi ne, %convert_element_type3A_272, %cond3A_273 : i32
      scf.if %cond3A_274 {
        %dma_wait3A_292 = arith.constant 0 : i32
        %dma_wait3A_293 = arith.constant 0 : i32
        %dma_wait3A_294 = tpu.memref_slice %arg14[%dma_wait3A_292, %dma_wait3A_293] : memref<10240x64xf32, #tpu.memory_space<vmem_shared>> -> memref<128x64xf32, #tpu.memory_space<vmem_shared>>
        %dma_wait3A_295 = arith.constant 0 : i32
        %dma_wait3A_296 = arith.constant 0 : i32
        %dma_wait3A_297 = tpu.memref_slice %arg14[%dma_wait3A_295, %dma_wait3A_296] : memref<10240x64xf32, #tpu.memory_space<vmem_shared>> -> memref<128x64xf32, #tpu.memory_space<vmem_shared>>
        tpu.wait_dma2 semaphore(%arg23 : memref<!tpu.dma_semaphore, #tpu.memory_space<semaphore_mem>>) src(%arg9 : memref<128x64xf32, #tpu.memory_space<vmem>>) dst(%dma_wait3A_297 : memref<128x64xf32, #tpu.memory_space<vmem_shared>>)
      } else {
      }
      %lt3A_275 = arith.constant 78 : i32
      %lt3A_276 = arith.cmpi slt, %add3A_266, %lt3A_275 : i32
      %convert_element_type3A_277 = arith.extui %lt3A_276 : i1 to i32
      %cond3A_278 = arith.constant 0 : i32
      %cond3A_279 = arith.cmpi ne, %convert_element_type3A_277, %cond3A_278 : i32
      scf.if %cond3A_279 {
        %mul3A_292 = arith.constant 128 : i32
        %mul3A_293 = arith.muli %add3A_266, %mul3A_292 : i32
        %dma_start3A_294 = tpu.memref_slice %arg5[%mul3A_293] : memref<10000xi32, #tpu.memory_space<vmem>> -> memref<128xi32, #tpu.memory_space<vmem>>
        %dma_start3A_295 = arith.constant 0 : i32
        %dma_start3A_296 = arith.constant 0 : i32
        %dma_start3A_297 = tpu.memref_slice %arg2[%dma_start3A_295, %dma_start3A_296] : memref<10000x64xf32, #tpu.memory_space<hbm>> -> memref<10000x64xf32, #tpu.memory_space<hbm>>
        tpu.enqueue_indirect_dma source(%dma_start3A_297 : memref<10000x64xf32, #tpu.memory_space<hbm>>) target(%arg9 : memref<128x64xf32, #tpu.memory_space<vmem>>) offsets(%dma_start3A_294 : memref<128xi32, #tpu.memory_space<vmem>>) semaphore(%arg17 : memref<!tpu.dma_semaphore, #tpu.memory_space<semaphore_mem>>)
      } else {
      }
      %dma_wait3A_280 = arith.constant 0 : i32
      %dma_wait3A_281 = arith.constant 0 : i32
      %dma_wait3A_282 = tpu.memref_slice %arg2[%dma_wait3A_280, %dma_wait3A_281] : memref<10000x64xf32, #tpu.memory_space<hbm>> -> memref<128x64xf32, #tpu.memory_space<hbm>>
      %dma_wait3A_283 = arith.constant 0 : i32
      %dma_wait3A_284 = arith.constant 0 : i32
      %dma_wait3A_285 = tpu.memref_slice %arg2[%dma_wait3A_283, %dma_wait3A_284] : memref<10000x64xf32, #tpu.memory_space<hbm>> -> memref<128x64xf32, #tpu.memory_space<hbm>>
      tpu.wait_dma2 semaphore(%arg20 : memref<!tpu.dma_semaphore, #tpu.memory_space<semaphore_mem>>) src(%dma_wait3A_285 : memref<128x64xf32, #tpu.memory_space<hbm>>) dst(%arg12 : memref<128x64xf32, #tpu.memory_space<vmem>>)
      %mul3A_286 = arith.constant 128 : i32
      %mul3A_287 = arith.muli %add3A_264, %mul3A_286 : i32
      %dma_start3A_288 = tpu.memref_slice %arg6[%mul3A_287] : memref<10000xi32, #tpu.memory_space<vmem>> -> memref<128xi32, #tpu.memory_space<vmem>>
      %dma_start3A_289 = arith.constant 0 : i32
      %dma_start3A_290 = arith.constant 0 : i32
      %dma_start3A_291 = tpu.memref_slice %arg14[%dma_start3A_289, %dma_start3A_290] : memref<10240x64xf32, #tpu.memory_space<vmem_shared>> -> memref<10240x64xf32, #tpu.memory_space<vmem_shared>>
      tpu.enqueue_indirect_dma source(%arg12 : memref<128x64xf32, #tpu.memory_space<vmem>>) target(%dma_start3A_291 : memref<10240x64xf32, #tpu.memory_space<vmem_shared>>) offsets(%dma_start3A_288 : memref<128xi32, #tpu.memory_space<vmem>>) semaphore(%arg26 : memref<!tpu.dma_semaphore, #tpu.memory_space<semaphore_mem>>) {add = true}
    }
    %scan3A_50 = arith.constant 13 : i32
    %dma_wait3A = arith.constant 0 : i32
    %dma_wait3A_51 = arith.constant 0 : i32
    %dma_wait3A_52 = tpu.memref_slice %arg14[%dma_wait3A, %dma_wait3A_51] : memref<10240x64xf32, #tpu.memory_space<vmem_shared>> -> memref<128x64xf32, #tpu.memory_space<vmem_shared>>
    %dma_wait3A_53 = arith.constant 0 : i32
    %dma_wait3A_54 = arith.constant 0 : i32
    %dma_wait3A_55 = tpu.memref_slice %arg14[%dma_wait3A_53, %dma_wait3A_54] : memref<10240x64xf32, #tpu.memory_space<vmem_shared>> -> memref<128x64xf32, #tpu.memory_space<vmem_shared>>
    tpu.wait_dma2 semaphore(%arg21 : memref<!tpu.dma_semaphore, #tpu.memory_space<semaphore_mem>>) src(%arg7 : memref<128x64xf32, #tpu.memory_space<vmem>>) dst(%dma_wait3A_55 : memref<128x64xf32, #tpu.memory_space<vmem_shared>>)
    %dma_wait3A_56 = arith.constant 0 : i32
    %dma_wait3A_57 = arith.constant 0 : i32
    %dma_wait3A_58 = tpu.memref_slice %arg14[%dma_wait3A_56, %dma_wait3A_57] : memref<10240x64xf32, #tpu.memory_space<vmem_shared>> -> memref<128x64xf32, #tpu.memory_space<vmem_shared>>
    %dma_wait3A_59 = arith.constant 0 : i32
    %dma_wait3A_60 = arith.constant 0 : i32
    %dma_wait3A_61 = tpu.memref_slice %arg14[%dma_wait3A_59, %dma_wait3A_60] : memref<10240x64xf32, #tpu.memory_space<vmem_shared>> -> memref<128x64xf32, #tpu.memory_space<vmem_shared>>
    tpu.wait_dma2 semaphore(%arg22 : memref<!tpu.dma_semaphore, #tpu.memory_space<semaphore_mem>>) src(%arg8 : memref<128x64xf32, #tpu.memory_space<vmem>>) dst(%dma_wait3A_61 : memref<128x64xf32, #tpu.memory_space<vmem_shared>>)
    %dma_wait3A_62 = arith.constant 0 : i32
    %dma_wait3A_63 = arith.constant 0 : i32
    %dma_wait3A_64 = tpu.memref_slice %arg14[%dma_wait3A_62, %dma_wait3A_63] : memref<10240x64xf32, #tpu.memory_space<vmem_shared>> -> memref<128x64xf32, #tpu.memory_space<vmem_shared>>
    %dma_wait3A_65 = arith.constant 0 : i32
    %dma_wait3A_66 = arith.constant 0 : i32
    %dma_wait3A_67 = tpu.memref_slice %arg14[%dma_wait3A_65, %dma_wait3A_66] : memref<10240x64xf32, #tpu.memory_space<vmem_shared>> -> memref<128x64xf32, #tpu.memory_space<vmem_shared>>
    tpu.wait_dma2 semaphore(%arg23 : memref<!tpu.dma_semaphore, #tpu.memory_space<semaphore_mem>>) src(%arg9 : memref<128x64xf32, #tpu.memory_space<vmem>>) dst(%dma_wait3A_67 : memref<128x64xf32, #tpu.memory_space<vmem_shared>>)
    %dma_wait3A_68 = arith.constant 0 : i32
    %dma_wait3A_69 = arith.constant 0 : i32
    %dma_wait3A_70 = tpu.memref_slice %arg14[%dma_wait3A_68, %dma_wait3A_69] : memref<10240x64xf32, #tpu.memory_space<vmem_shared>> -> memref<128x64xf32, #tpu.memory_space<vmem_shared>>
    %dma_wait3A_71 = arith.constant 0 : i32
    %dma_wait3A_72 = arith.constant 0 : i32
    %dma_wait3A_73 = tpu.memref_slice %arg14[%dma_wait3A_71, %dma_wait3A_72] : memref<10240x64xf32, #tpu.memory_space<vmem_shared>> -> memref<128x64xf32, #tpu.memory_space<vmem_shared>>
    tpu.wait_dma2 semaphore(%arg24 : memref<!tpu.dma_semaphore, #tpu.memory_space<semaphore_mem>>) src(%arg10 : memref<128x64xf32, #tpu.memory_space<vmem>>) dst(%dma_wait3A_73 : memref<128x64xf32, #tpu.memory_space<vmem_shared>>)
    %dma_wait3A_74 = arith.constant 0 : i32
    %dma_wait3A_75 = arith.constant 0 : i32
    %dma_wait3A_76 = tpu.memref_slice %arg14[%dma_wait3A_74, %dma_wait3A_75] : memref<10240x64xf32, #tpu.memory_space<vmem_shared>> -> memref<128x64xf32, #tpu.memory_space<vmem_shared>>
    %dma_wait3A_77 = arith.constant 0 : i32
    %dma_wait3A_78 = arith.constant 0 : i32
    %dma_wait3A_79 = tpu.memref_slice %arg14[%dma_wait3A_77, %dma_wait3A_78] : memref<10240x64xf32, #tpu.memory_space<vmem_shared>> -> memref<128x64xf32, #tpu.memory_space<vmem_shared>>
    tpu.wait_dma2 semaphore(%arg25 : memref<!tpu.dma_semaphore, #tpu.memory_space<semaphore_mem>>) src(%arg11 : memref<128x64xf32, #tpu.memory_space<vmem>>) dst(%dma_wait3A_79 : memref<128x64xf32, #tpu.memory_space<vmem_shared>>)
    %dma_wait3A_80 = arith.constant 0 : i32
    %dma_wait3A_81 = arith.constant 0 : i32
    %dma_wait3A_82 = tpu.memref_slice %arg14[%dma_wait3A_80, %dma_wait3A_81] : memref<10240x64xf32, #tpu.memory_space<vmem_shared>> -> memref<128x64xf32, #tpu.memory_space<vmem_shared>>
    %dma_wait3A_83 = arith.constant 0 : i32
    %dma_wait3A_84 = arith.constant 0 : i32
    %dma_wait3A_85 = tpu.memref_slice %arg14[%dma_wait3A_83, %dma_wait3A_84] : memref<10240x64xf32, #tpu.memory_space<vmem_shared>> -> memref<128x64xf32, #tpu.memory_space<vmem_shared>>
    tpu.wait_dma2 semaphore(%arg26 : memref<!tpu.dma_semaphore, #tpu.memory_space<semaphore_mem>>) src(%arg12 : memref<128x64xf32, #tpu.memory_space<vmem>>) dst(%dma_wait3A_85 : memref<128x64xf32, #tpu.memory_space<vmem_shared>>)
    %dma_start3A_86 = arith.constant 0 : i32
    %dma_start3A_87 = arith.constant 0 : i32
    %dma_start3A_88 = tpu.memref_slice %arg7[%dma_start3A_86, %dma_start3A_87] : memref<128x64xf32, #tpu.memory_space<vmem>> -> memref<16x64xf32, #tpu.memory_space<vmem>>
    %dma_start3A_89 = arith.constant 9984 : i32
    %dma_start3A_90 = tpu.memref_slice %arg5[%dma_start3A_89] : memref<10000xi32, #tpu.memory_space<vmem>> -> memref<16xi32, #tpu.memory_space<vmem>>
    %dma_start3A_91 = arith.constant 0 : i32
    %dma_start3A_92 = arith.constant 0 : i32
    %dma_start3A_93 = tpu.memref_slice %arg2[%dma_start3A_91, %dma_start3A_92] : memref<10000x64xf32, #tpu.memory_space<hbm>> -> memref<10000x64xf32, #tpu.memory_space<hbm>>
    tpu.enqueue_indirect_dma source(%dma_start3A_93 : memref<10000x64xf32, #tpu.memory_space<hbm>>) target(%dma_start3A_88 : memref<16x64xf32, #tpu.memory_space<vmem>>) offsets(%dma_start3A_90 : memref<16xi32, #tpu.memory_space<vmem>>) semaphore(%arg15 : memref<!tpu.dma_semaphore, #tpu.memory_space<semaphore_mem>>)
    %dma_wait3A_94 = arith.constant 0 : i32
    %dma_wait3A_95 = arith.constant 0 : i32
    %dma_wait3A_96 = tpu.memref_slice %arg7[%dma_wait3A_94, %dma_wait3A_95] : memref<128x64xf32, #tpu.memory_space<vmem>> -> memref<16x64xf32, #tpu.memory_space<vmem>>
    %dma_wait3A_97 = arith.constant 9984 : i32
    %dma_wait3A_98 = tpu.memref_slice %arg5[%dma_wait3A_97] : memref<10000xi32, #tpu.memory_space<vmem>> -> memref<16xi32, #tpu.memory_space<vmem>>
    %dma_wait3A_99 = arith.constant 0 : i32
    %dma_wait3A_100 = arith.constant 0 : i32
    %dma_wait3A_101 = tpu.memref_slice %arg2[%dma_wait3A_99, %dma_wait3A_100] : memref<10000x64xf32, #tpu.memory_space<hbm>> -> memref<10000x64xf32, #tpu.memory_space<hbm>>
    tpu.wait_indirect_dma semaphore(%arg15 : memref<!tpu.dma_semaphore, #tpu.memory_space<semaphore_mem>>) src(%dma_wait3A_101 : memref<10000x64xf32, #tpu.memory_space<hbm>>) dst(%dma_wait3A_96 : memref<16x64xf32, #tpu.memory_space<vmem>>)
    "tpu.region"() ({
      %run_scoped3A_110 = tpu.sem_alloc : memref<!tpu.dma_semaphore, #tpu.memory_space<semaphore_mem>>
      %dma_start3A_111 = arith.constant 0 : i32
      %dma_start3A_112 = arith.constant 0 : i32
      %dma_start3A_113 = tpu.memref_slice %arg7[%dma_start3A_111, %dma_start3A_112] : memref<128x64xf32, #tpu.memory_space<vmem>> -> memref<16x64xf32, #tpu.memory_space<vmem>>
      %dma_start3A_114 = arith.constant 9984 : i32
      %dma_start3A_115 = tpu.memref_slice %arg6[%dma_start3A_114] : memref<10000xi32, #tpu.memory_space<vmem>> -> memref<16xi32, #tpu.memory_space<vmem>>
      %dma_start3A_116 = arith.constant 0 : i32
      %dma_start3A_117 = arith.constant 0 : i32
      %dma_start3A_118 = tpu.memref_slice %arg14[%dma_start3A_116, %dma_start3A_117] : memref<10240x64xf32, #tpu.memory_space<vmem_shared>> -> memref<10240x64xf32, #tpu.memory_space<vmem_shared>>
      tpu.enqueue_indirect_dma source(%dma_start3A_113 : memref<16x64xf32, #tpu.memory_space<vmem>>) target(%dma_start3A_118 : memref<10240x64xf32, #tpu.memory_space<vmem_shared>>) offsets(%dma_start3A_115 : memref<16xi32, #tpu.memory_space<vmem>>) semaphore(%run_scoped3A_110 : memref<!tpu.dma_semaphore, #tpu.memory_space<semaphore_mem>>) {add = true}
      %dma_wait3A_119 = arith.constant 0 : i32
      %dma_wait3A_120 = arith.constant 0 : i32
      %dma_wait3A_121 = tpu.memref_slice %arg7[%dma_wait3A_119, %dma_wait3A_120] : memref<128x64xf32, #tpu.memory_space<vmem>> -> memref<16x64xf32, #tpu.memory_space<vmem>>
      %dma_wait3A_122 = arith.constant 9984 : i32
      %dma_wait3A_123 = tpu.memref_slice %arg6[%dma_wait3A_122] : memref<10000xi32, #tpu.memory_space<vmem>> -> memref<16xi32, #tpu.memory_space<vmem>>
      %dma_wait3A_124 = arith.constant 0 : i32
      %dma_wait3A_125 = arith.constant 0 : i32
      %dma_wait3A_126 = tpu.memref_slice %arg14[%dma_wait3A_124, %dma_wait3A_125] : memref<10240x64xf32, #tpu.memory_space<vmem_shared>> -> memref<10240x64xf32, #tpu.memory_space<vmem_shared>>
      tpu.wait_indirect_dma semaphore(%run_scoped3A_110 : memref<!tpu.dma_semaphore, #tpu.memory_space<semaphore_mem>>) src(%dma_wait3A_121 : memref<16x64xf32, #tpu.memory_space<vmem>>) dst(%dma_wait3A_126 : memref<10240x64xf32, #tpu.memory_space<vmem_shared>>)
      tpu.yield
    }) : () -> ()
    %barrier3A_102 = arith.constant 0 : index
    tpu.barrier barrier_id(%barrier3A_102)
    %mul3A_103 = arith.constant 640 : i32
    %mul3A_104 = arith.muli %arg1, %mul3A_103 : i32
    %mul3A_105 = arith.constant 10240 : i32
    %mul3A_106 = arith.muli %arg0, %mul3A_105 : i32
    %mul3A_107 = arith.constant 640 : i32
    %mul3A_108 = arith.muli %arg1, %mul3A_107 : i32
    %add3A_109 = arith.addi %mul3A_106, %mul3A_108 : i32
    "tpu.region"() ({
      %run_scoped3A_110 = tpu.sem_alloc : memref<!tpu.dma_semaphore, #tpu.memory_space<semaphore_mem>>
      %dma_start3A_111 = arith.constant 0 : i32
      %dma_start3A_112 = tpu.memref_slice %arg4[%add3A_109, %dma_start3A_111] : memref<20480x64xf32, #tpu.memory_space<hbm>> -> memref<640x64xf32, #tpu.memory_space<hbm>>
      %dma_start3A_113 = arith.constant 0 : i32
      %dma_start3A_114 = tpu.memref_slice %arg14[%mul3A_104, %dma_start3A_113] : memref<10240x64xf32, #tpu.memory_space<vmem_shared>> -> memref<640x64xf32, #tpu.memory_space<vmem_shared>>
      tpu.enqueue_dma source(%dma_start3A_114 : memref<640x64xf32, #tpu.memory_space<vmem_shared>>) target(%dma_start3A_112 : memref<640x64xf32, #tpu.memory_space<hbm>>) target_semaphore(%run_scoped3A_110 : memref<!tpu.dma_semaphore, #tpu.memory_space<semaphore_mem>>)
      %dma_wait3A_115 = arith.constant 0 : i32
      %dma_wait3A_116 = tpu.memref_slice %arg4[%add3A_109, %dma_wait3A_115] : memref<20480x64xf32, #tpu.memory_space<hbm>> -> memref<640x64xf32, #tpu.memory_space<hbm>>
      %dma_wait3A_117 = arith.constant 0 : i32
      %dma_wait3A_118 = tpu.memref_slice %arg14[%mul3A_104, %dma_wait3A_117] : memref<10240x64xf32, #tpu.memory_space<vmem_shared>> -> memref<640x64xf32, #tpu.memory_space<vmem_shared>>
      tpu.wait_dma2 semaphore(%run_scoped3A_110 : memref<!tpu.dma_semaphore, #tpu.memory_space<semaphore_mem>>) src(%dma_wait3A_118 : memref<640x64xf32, #tpu.memory_space<vmem_shared>>) dst(%dma_wait3A_116 : memref<640x64xf32, #tpu.memory_space<hbm>>)
      tpu.yield
    }) : () -> ()
    return
  }
}

#map = affine_map<(d0, d1) -> (0, 0)>
module attributes {stable_mosaic.version = 14 : i64} {
  func.func @_agg_one(%arg0: i32, %arg1: i32, %arg2: memref<10000x64xf32, #tpu.memory_space<hbm>>, %arg3: memref<2x320000xi32, #tpu.memory_space<hbm>>, %arg4: memref<20480x64xf32, #tpu.memory_space<hbm>>, %arg5: memref<10000xi32, #tpu.memory_space<vmem>>, %arg6: memref<10000xi32, #tpu.memory_space<vmem>>, %arg7: memref<128x64xf32, #tpu.memory_space<vmem>>, %arg8: memref<128x64xf32, #tpu.memory_space<vmem>>, %arg9: memref<128x64xf32, #tpu.memory_space<vmem>>, %arg10: memref<128x64xf32, #tpu.memory_space<vmem>>, %arg11: memref<128x64xf32, #tpu.memory_space<vmem>>, %arg12: memref<128x64xf32, #tpu.memory_space<vmem>>, %arg13: memref<128x64xf32, #tpu.memory_space<vmem>>, %arg14: memref<10240x64xf32, #tpu.memory_space<vmem_shared>>, %arg15: memref<!tpu.dma_semaphore, #tpu.memory_space<semaphore_mem>>, %arg16: memref<!tpu.dma_semaphore, #tpu.memory_space<semaphore_mem>>, %arg17: memref<!tpu.dma_semaphore, #tpu.memory_space<semaphore_mem>>, %arg18: memref<!tpu.dma_semaphore, #tpu.memory_space<semaphore_mem>>, %arg19: memref<!tpu.dma_semaphore, #tpu.memory_space<semaphore_mem>>, %arg20: memref<!tpu.dma_semaphore, #tpu.memory_space<semaphore_mem>>, %arg21: memref<!tpu.dma_semaphore, #tpu.memory_space<semaphore_mem>>, %arg22: memref<!tpu.dma_semaphore, #tpu.memory_space<semaphore_mem>>, %arg23: memref<!tpu.dma_semaphore, #tpu.memory_space<semaphore_mem>>, %arg24: memref<!tpu.dma_semaphore, #tpu.memory_space<semaphore_mem>>, %arg25: memref<!tpu.dma_semaphore, #tpu.memory_space<semaphore_mem>>, %arg26: memref<!tpu.dma_semaphore, #tpu.memory_space<semaphore_mem>>) attributes {dimension_semantics = [#tpu.dimension_semantics<core_parallel>, #tpu.dimension_semantics<subcore_parallel>], iteration_bounds = array<i64: 2, 16>, scalar_prefetch = 0 : i64, scratch_operands = 22 : i64, tpu.core_type = #tpu.core_type<sc_vector_subcore>, window_params = [{transform_indices = #map}, {transform_indices = #map}, {transform_indices = #map}]} {
    %mul3A = arith.constant 2 : i32
    %mul3A_0 = arith.muli %arg1, %mul3A : i32
    %add3A = arith.addi %mul3A_0, %arg0 : i32
    %scan3A = arith.constant 0 : i32
    %scan3A_1 = arith.constant 0 : i32
    %scan3A_2 = arith.constant 128 : i32
    %scan3A_3 = arith.addi %scan3A_1, %scan3A_2 : i32
    %scan3A_4 = arith.constant 1 : i32
    scf.for %scan3A_110 = %scan3A_1 to %scan3A_3 step %scan3A_4  : i32 {
      %broadcast_in_dim3A = arith.constant 0.000000e+00 : f32
      %broadcast_in_dim3A_111 = vector.broadcast %broadcast_in_dim3A : f32 to vector<16xf32>
      %swap3A = arith.index_cast %scan3A_110 : i32 to index
      %swap3A_112 = arith.constant 0 : index
      %swap3A_113 = tpu.vector_load %arg13[%swap3A, %swap3A_112] {strides = array<i32>} : memref<128x64xf32, #tpu.memory_space<vmem>>, vector<1x16xf32>,
      %swap3A_114 = vector.shape_cast %swap3A_113 : vector<1x16xf32> to vector<16xf32>
      %swap3A_115 = vector.shape_cast %broadcast_in_dim3A_111 : vector<16xf32> to vector<1x16xf32>
      tpu.vector_store %arg13[%swap3A, %swap3A_112], %swap3A_115 {strides = array<i32>} : memref<128x64xf32, #tpu.memory_space<vmem>>, vector<1x16xf32>,
      %broadcast_in_dim3A_116 = arith.constant 0.000000e+00 : f32
      %broadcast_in_dim3A_117 = vector.broadcast %broadcast_in_dim3A_116 : f32 to vector<16xf32>
      %swap3A_118 = arith.index_cast %scan3A_110 : i32 to index
      %swap3A_119 = arith.constant 16 : index
      %swap3A_120 = tpu.vector_load %arg13[%swap3A_118, %swap3A_119] {strides = array<i32>} : memref<128x64xf32, #tpu.memory_space<vmem>>, vector<1x16xf32>,
      %swap3A_121 = vector.shape_cast %swap3A_120 : vector<1x16xf32> to vector<16xf32>
      %swap3A_122 = vector.shape_cast %broadcast_in_dim3A_117 : vector<16xf32> to vector<1x16xf32>
      tpu.vector_store %arg13[%swap3A_118, %swap3A_119], %swap3A_122 {strides = array<i32>} : memref<128x64xf32, #tpu.memory_space<vmem>>, vector<1x16xf32>,
      %broadcast_in_dim3A_123 = arith.constant 0.000000e+00 : f32
      %broadcast_in_dim3A_124 = vector.broadcast %broadcast_in_dim3A_123 : f32 to vector<16xf32>
      %swap3A_125 = arith.index_cast %scan3A_110 : i32 to index
      %swap3A_126 = arith.constant 32 : index
      %swap3A_127 = tpu.vector_load %arg13[%swap3A_125, %swap3A_126] {strides = array<i32>} : memref<128x64xf32, #tpu.memory_space<vmem>>, vector<1x16xf32>,
      %swap3A_128 = vector.shape_cast %swap3A_127 : vector<1x16xf32> to vector<16xf32>
      %swap3A_129 = vector.shape_cast %broadcast_in_dim3A_124 : vector<16xf32> to vector<1x16xf32>
      tpu.vector_store %arg13[%swap3A_125, %swap3A_126], %swap3A_129 {strides = array<i32>} : memref<128x64xf32, #tpu.memory_space<vmem>>, vector<1x16xf32>,
      %broadcast_in_dim3A_130 = arith.constant 0.000000e+00 : f32
      %broadcast_in_dim3A_131 = vector.broadcast %broadcast_in_dim3A_130 : f32 to vector<16xf32>
      %swap3A_132 = arith.index_cast %scan3A_110 : i32 to index
      %swap3A_133 = arith.constant 48 : index
      %swap3A_134 = tpu.vector_load %arg13[%swap3A_132, %swap3A_133] {strides = array<i32>} : memref<128x64xf32, #tpu.memory_space<vmem>>, vector<1x16xf32>,
      %swap3A_135 = vector.shape_cast %swap3A_134 : vector<1x16xf32> to vector<16xf32>
      %swap3A_136 = vector.shape_cast %broadcast_in_dim3A_131 : vector<16xf32> to vector<1x16xf32>
      tpu.vector_store %arg13[%swap3A_132, %swap3A_133], %swap3A_136 {strides = array<i32>} : memref<128x64xf32, #tpu.memory_space<vmem>>, vector<1x16xf32>,
    }
    %scan3A_5 = arith.constant 128 : i32
    %mul3A_6 = arith.constant 640 : i32
    %mul3A_7 = arith.muli %arg1, %mul3A_6 : i32
    %add3A_8 = arith.constant 0 : i32
    %add3A_9 = arith.addi %mul3A_7, %add3A_8 : i32
    "tpu.region"() ({
      %run_scoped3A_110 = tpu.sem_alloc : memref<!tpu.dma_semaphore, #tpu.memory_space<semaphore_mem>>
      %dma_start3A_111 = arith.constant 0 : i32
      %dma_start3A_112 = tpu.memref_slice %arg14[%add3A_9, %dma_start3A_111] : memref<10240x64xf32, #tpu.memory_space<vmem_shared>> -> memref<128x64xf32, #tpu.memory_space<vmem_shared>>
      %dma_start3A_113 = arith.constant 0 : i32
      %dma_start3A_114 = tpu.memref_slice %arg14[%add3A_9, %dma_start3A_113] : memref<10240x64xf32, #tpu.memory_space<vmem_shared>> -> memref<128x64xf32, #tpu.memory_space<vmem_shared>>
      tpu.enqueue_dma source(%arg13 : memref<128x64xf32, #tpu.memory_space<vmem>>) target(%dma_start3A_114 : memref<128x64xf32, #tpu.memory_space<vmem_shared>>) target_semaphore(%run_scoped3A_110 : memref<!tpu.dma_semaphore, #tpu.memory_space<semaphore_mem>>)
      %dma_wait3A_115 = arith.constant 0 : i32
      %dma_wait3A_116 = tpu.memref_slice %arg14[%add3A_9, %dma_wait3A_115] : memref<10240x64xf32, #tpu.memory_space<vmem_shared>> -> memref<128x64xf32, #tpu.memory_space<vmem_shared>>
      %dma_wait3A_117 = arith.constant 0 : i32
      %dma_wait3A_118 = tpu.memref_slice %arg14[%add3A_9, %dma_wait3A_117] : memref<10240x64xf32, #tpu.memory_space<vmem_shared>> -> memref<128x64xf32, #tpu.memory_space<vmem_shared>>
      tpu.wait_dma2 semaphore(%run_scoped3A_110 : memref<!tpu.dma_semaphore, #tpu.memory_space<semaphore_mem>>) src(%arg13 : memref<128x64xf32, #tpu.memory_space<vmem>>) dst(%dma_wait3A_118 : memref<128x64xf32, #tpu.memory_space<vmem_shared>>)
      tpu.yield
    }) : () -> ()
    %mul3A_10 = arith.constant 640 : i32
    %mul3A_11 = arith.muli %arg1, %mul3A_10 : i32
    %add3A_12 = arith.constant 128 : i32
    %add3A_13 = arith.addi %mul3A_11, %add3A_12 : i32
    "tpu.region"() ({
      %run_scoped3A_110 = tpu.sem_alloc : memref<!tpu.dma_semaphore, #tpu.memory_space<semaphore_mem>>
      %dma_start3A_111 = arith.constant 0 : i32
      %dma_start3A_112 = tpu.memref_slice %arg14[%add3A_13, %dma_start3A_111] : memref<10240x64xf32, #tpu.memory_space<vmem_shared>> -> memref<128x64xf32, #tpu.memory_space<vmem_shared>>
      %dma_start3A_113 = arith.constant 0 : i32
      %dma_start3A_114 = tpu.memref_slice %arg14[%add3A_13, %dma_start3A_113] : memref<10240x64xf32, #tpu.memory_space<vmem_shared>> -> memref<128x64xf32, #tpu.memory_space<vmem_shared>>
      tpu.enqueue_dma source(%arg13 : memref<128x64xf32, #tpu.memory_space<vmem>>) target(%dma_start3A_114 : memref<128x64xf32, #tpu.memory_space<vmem_shared>>) target_semaphore(%run_scoped3A_110 : memref<!tpu.dma_semaphore, #tpu.memory_space<semaphore_mem>>)
      %dma_wait3A_115 = arith.constant 0 : i32
      %dma_wait3A_116 = tpu.memref_slice %arg14[%add3A_13, %dma_wait3A_115] : memref<10240x64xf32, #tpu.memory_space<vmem_shared>> -> memref<128x64xf32, #tpu.memory_space<vmem_shared>>
      %dma_wait3A_117 = arith.constant 0 : i32
      %dma_wait3A_118 = tpu.memref_slice %arg14[%add3A_13, %dma_wait3A_117] : memref<10240x64xf32, #tpu.memory_space<vmem_shared>> -> memref<128x64xf32, #tpu.memory_space<vmem_shared>>
      tpu.wait_dma2 semaphore(%run_scoped3A_110 : memref<!tpu.dma_semaphore, #tpu.memory_space<semaphore_mem>>) src(%arg13 : memref<128x64xf32, #tpu.memory_space<vmem>>) dst(%dma_wait3A_118 : memref<128x64xf32, #tpu.memory_space<vmem_shared>>)
      tpu.yield
    }) : () -> ()
    %mul3A_14 = arith.constant 640 : i32
    %mul3A_15 = arith.muli %arg1, %mul3A_14 : i32
    %add3A_16 = arith.constant 256 : i32
    %add3A_17 = arith.addi %mul3A_15, %add3A_16 : i32
    "tpu.region"() ({
      %run_scoped3A_110 = tpu.sem_alloc : memref<!tpu.dma_semaphore, #tpu.memory_space<semaphore_mem>>
      %dma_start3A_111 = arith.constant 0 : i32
      %dma_start3A_112 = tpu.memref_slice %arg14[%add3A_17, %dma_start3A_111] : memref<10240x64xf32, #tpu.memory_space<vmem_shared>> -> memref<128x64xf32, #tpu.memory_space<vmem_shared>>
      %dma_start3A_113 = arith.constant 0 : i32
      %dma_start3A_114 = tpu.memref_slice %arg14[%add3A_17, %dma_start3A_113] : memref<10240x64xf32, #tpu.memory_space<vmem_shared>> -> memref<128x64xf32, #tpu.memory_space<vmem_shared>>
      tpu.enqueue_dma source(%arg13 : memref<128x64xf32, #tpu.memory_space<vmem>>) target(%dma_start3A_114 : memref<128x64xf32, #tpu.memory_space<vmem_shared>>) target_semaphore(%run_scoped3A_110 : memref<!tpu.dma_semaphore, #tpu.memory_space<semaphore_mem>>)
      %dma_wait3A_115 = arith.constant 0 : i32
      %dma_wait3A_116 = tpu.memref_slice %arg14[%add3A_17, %dma_wait3A_115] : memref<10240x64xf32, #tpu.memory_space<vmem_shared>> -> memref<128x64xf32, #tpu.memory_space<vmem_shared>>
      %dma_wait3A_117 = arith.constant 0 : i32
      %dma_wait3A_118 = tpu.memref_slice %arg14[%add3A_17, %dma_wait3A_117] : memref<10240x64xf32, #tpu.memory_space<vmem_shared>> -> memref<128x64xf32, #tpu.memory_space<vmem_shared>>
      tpu.wait_dma2 semaphore(%run_scoped3A_110 : memref<!tpu.dma_semaphore, #tpu.memory_space<semaphore_mem>>) src(%arg13 : memref<128x64xf32, #tpu.memory_space<vmem>>) dst(%dma_wait3A_118 : memref<128x64xf32, #tpu.memory_space<vmem_shared>>)
      tpu.yield
    }) : () -> ()
    %mul3A_18 = arith.constant 640 : i32
    %mul3A_19 = arith.muli %arg1, %mul3A_18 : i32
    %add3A_20 = arith.constant 384 : i32
    %add3A_21 = arith.addi %mul3A_19, %add3A_20 : i32
    "tpu.region"() ({
      %run_scoped3A_110 = tpu.sem_alloc : memref<!tpu.dma_semaphore, #tpu.memory_space<semaphore_mem>>
      %dma_start3A_111 = arith.constant 0 : i32
      %dma_start3A_112 = tpu.memref_slice %arg14[%add3A_21, %dma_start3A_111] : memref<10240x64xf32, #tpu.memory_space<vmem_shared>> -> memref<128x64xf32, #tpu.memory_space<vmem_shared>>
      %dma_start3A_113 = arith.constant 0 : i32
      %dma_start3A_114 = tpu.memref_slice %arg14[%add3A_21, %dma_start3A_113] : memref<10240x64xf32, #tpu.memory_space<vmem_shared>> -> memref<128x64xf32, #tpu.memory_space<vmem_shared>>
      tpu.enqueue_dma source(%arg13 : memref<128x64xf32, #tpu.memory_space<vmem>>) target(%dma_start3A_114 : memref<128x64xf32, #tpu.memory_space<vmem_shared>>) target_semaphore(%run_scoped3A_110 : memref<!tpu.dma_semaphore, #tpu.memory_space<semaphore_mem>>)
      %dma_wait3A_115 = arith.constant 0 : i32
      %dma_wait3A_116 = tpu.memref_slice %arg14[%add3A_21, %dma_wait3A_115] : memref<10240x64xf32, #tpu.memory_space<vmem_shared>> -> memref<128x64xf32, #tpu.memory_space<vmem_shared>>
      %dma_wait3A_117 = arith.constant 0 : i32
      %dma_wait3A_118 = tpu.memref_slice %arg14[%add3A_21, %dma_wait3A_117] : memref<10240x64xf32, #tpu.memory_space<vmem_shared>> -> memref<128x64xf32, #tpu.memory_space<vmem_shared>>
      tpu.wait_dma2 semaphore(%run_scoped3A_110 : memref<!tpu.dma_semaphore, #tpu.memory_space<semaphore_mem>>) src(%arg13 : memref<128x64xf32, #tpu.memory_space<vmem>>) dst(%dma_wait3A_118 : memref<128x64xf32, #tpu.memory_space<vmem_shared>>)
      tpu.yield
    }) : () -> ()
    %mul3A_22 = arith.constant 640 : i32
    %mul3A_23 = arith.muli %arg1, %mul3A_22 : i32
    %add3A_24 = arith.constant 512 : i32
    %add3A_25 = arith.addi %mul3A_23, %add3A_24 : i32
    "tpu.region"() ({
      %run_scoped3A_110 = tpu.sem_alloc : memref<!tpu.dma_semaphore, #tpu.memory_space<semaphore_mem>>
      %dma_start3A_111 = arith.constant 0 : i32
      %dma_start3A_112 = tpu.memref_slice %arg14[%add3A_25, %dma_start3A_111] : memref<10240x64xf32, #tpu.memory_space<vmem_shared>> -> memref<128x64xf32, #tpu.memory_space<vmem_shared>>
      %dma_start3A_113 = arith.constant 0 : i32
      %dma_start3A_114 = tpu.memref_slice %arg14[%add3A_25, %dma_start3A_113] : memref<10240x64xf32, #tpu.memory_space<vmem_shared>> -> memref<128x64xf32, #tpu.memory_space<vmem_shared>>
      tpu.enqueue_dma source(%arg13 : memref<128x64xf32, #tpu.memory_space<vmem>>) target(%dma_start3A_114 : memref<128x64xf32, #tpu.memory_space<vmem_shared>>) target_semaphore(%run_scoped3A_110 : memref<!tpu.dma_semaphore, #tpu.memory_space<semaphore_mem>>)
      %dma_wait3A_115 = arith.constant 0 : i32
      %dma_wait3A_116 = tpu.memref_slice %arg14[%add3A_25, %dma_wait3A_115] : memref<10240x64xf32, #tpu.memory_space<vmem_shared>> -> memref<128x64xf32, #tpu.memory_space<vmem_shared>>
      %dma_wait3A_117 = arith.constant 0 : i32
      %dma_wait3A_118 = tpu.memref_slice %arg14[%add3A_25, %dma_wait3A_117] : memref<10240x64xf32, #tpu.memory_space<vmem_shared>> -> memref<128x64xf32, #tpu.memory_space<vmem_shared>>
      tpu.wait_dma2 semaphore(%run_scoped3A_110 : memref<!tpu.dma_semaphore, #tpu.memory_space<semaphore_mem>>) src(%arg13 : memref<128x64xf32, #tpu.memory_space<vmem>>) dst(%dma_wait3A_118 : memref<128x64xf32, #tpu.memory_space<vmem_shared>>)
      tpu.yield
    }) : () -> ()
    %mul3A_26 = arith.constant 10000 : i32
    %mul3A_27 = arith.muli %add3A, %mul3A_26 : i32
    %run_scoped3A = arith.constant 0 : i32
    "tpu.region"() ({
      %run_scoped3A_110 = tpu.sem_alloc : memref<!tpu.dma_semaphore, #tpu.memory_space<semaphore_mem>>
      %dma_start3A_111 = tpu.memref_slice %arg3[%run_scoped3A, %mul3A_27] : memref<2x320000xi32, #tpu.memory_space<hbm>> -> memref<1x10000xi32, #tpu.memory_space<hbm>>
      %dma_start3A_112 = tpu.memref_squeeze %dma_start3A_111 : memref<1x10000xi32, #tpu.memory_space<hbm>> -> memref<10000xi32, #tpu.memory_space<hbm>>
      %dma_start3A_113 = tpu.memref_slice %arg3[%run_scoped3A, %mul3A_27] : memref<2x320000xi32, #tpu.memory_space<hbm>> -> memref<1x10000xi32, #tpu.memory_space<hbm>>
      %dma_start3A_114 = tpu.memref_squeeze %dma_start3A_113 : memref<1x10000xi32, #tpu.memory_space<hbm>> -> memref<10000xi32, #tpu.memory_space<hbm>>
      tpu.enqueue_dma source(%dma_start3A_114 : memref<10000xi32, #tpu.memory_space<hbm>>) target(%arg5 : memref<10000xi32, #tpu.memory_space<vmem>>) target_semaphore(%run_scoped3A_110 : memref<!tpu.dma_semaphore, #tpu.memory_space<semaphore_mem>>)
      %dma_wait3A_115 = tpu.memref_slice %arg3[%run_scoped3A, %mul3A_27] : memref<2x320000xi32, #tpu.memory_space<hbm>> -> memref<1x10000xi32, #tpu.memory_space<hbm>>
      %dma_wait3A_116 = tpu.memref_squeeze %dma_wait3A_115 : memref<1x10000xi32, #tpu.memory_space<hbm>> -> memref<10000xi32, #tpu.memory_space<hbm>>
      %dma_wait3A_117 = tpu.memref_slice %arg3[%run_scoped3A, %mul3A_27] : memref<2x320000xi32, #tpu.memory_space<hbm>> -> memref<1x10000xi32, #tpu.memory_space<hbm>>
      %dma_wait3A_118 = tpu.memref_squeeze %dma_wait3A_117 : memref<1x10000xi32, #tpu.memory_space<hbm>> -> memref<10000xi32, #tpu.memory_space<hbm>>
      tpu.wait_dma2 semaphore(%run_scoped3A_110 : memref<!tpu.dma_semaphore, #tpu.memory_space<semaphore_mem>>) src(%dma_wait3A_118 : memref<10000xi32, #tpu.memory_space<hbm>>) dst(%arg5 : memref<10000xi32, #tpu.memory_space<vmem>>)
      tpu.yield
    }) : () -> ()
    %mul3A_28 = arith.constant 10000 : i32
    %mul3A_29 = arith.muli %add3A, %mul3A_28 : i32
    %run_scoped3A_30 = arith.constant 1 : i32
    "tpu.region"() ({
      %run_scoped3A_110 = tpu.sem_alloc : memref<!tpu.dma_semaphore, #tpu.memory_space<semaphore_mem>>
      %dma_start3A_111 = tpu.memref_slice %arg3[%run_scoped3A_30, %mul3A_29] : memref<2x320000xi32, #tpu.memory_space<hbm>> -> memref<1x10000xi32, #tpu.memory_space<hbm>>
      %dma_start3A_112 = tpu.memref_squeeze %dma_start3A_111 : memref<1x10000xi32, #tpu.memory_space<hbm>> -> memref<10000xi32, #tpu.memory_space<hbm>>
      %dma_start3A_113 = tpu.memref_slice %arg3[%run_scoped3A_30, %mul3A_29] : memref<2x320000xi32, #tpu.memory_space<hbm>> -> memref<1x10000xi32, #tpu.memory_space<hbm>>
      %dma_start3A_114 = tpu.memref_squeeze %dma_start3A_113 : memref<1x10000xi32, #tpu.memory_space<hbm>> -> memref<10000xi32, #tpu.memory_space<hbm>>
      tpu.enqueue_dma source(%dma_start3A_114 : memref<10000xi32, #tpu.memory_space<hbm>>) target(%arg6 : memref<10000xi32, #tpu.memory_space<vmem>>) target_semaphore(%run_scoped3A_110 : memref<!tpu.dma_semaphore, #tpu.memory_space<semaphore_mem>>)
      %dma_wait3A_115 = tpu.memref_slice %arg3[%run_scoped3A_30, %mul3A_29] : memref<2x320000xi32, #tpu.memory_space<hbm>> -> memref<1x10000xi32, #tpu.memory_space<hbm>>
      %dma_wait3A_116 = tpu.memref_squeeze %dma_wait3A_115 : memref<1x10000xi32, #tpu.memory_space<hbm>> -> memref<10000xi32, #tpu.memory_space<hbm>>
      %dma_wait3A_117 = tpu.memref_slice %arg3[%run_scoped3A_30, %mul3A_29] : memref<2x320000xi32, #tpu.memory_space<hbm>> -> memref<1x10000xi32, #tpu.memory_space<hbm>>
      %dma_wait3A_118 = tpu.memref_squeeze %dma_wait3A_117 : memref<1x10000xi32, #tpu.memory_space<hbm>> -> memref<10000xi32, #tpu.memory_space<hbm>>
      tpu.wait_dma2 semaphore(%run_scoped3A_110 : memref<!tpu.dma_semaphore, #tpu.memory_space<semaphore_mem>>) src(%dma_wait3A_118 : memref<10000xi32, #tpu.memory_space<hbm>>) dst(%arg6 : memref<10000xi32, #tpu.memory_space<vmem>>)
      tpu.yield
    }) : () -> ()
    %barrier3A = arith.constant 0 : index
    tpu.barrier barrier_id(%barrier3A)
    %dma_start3A = arith.constant 0 : i32
    %dma_start3A_31 = tpu.memref_slice %arg5[%dma_start3A] : memref<10000xi32, #tpu.memory_space<vmem>> -> memref<128xi32, #tpu.memory_space<vmem>>
    %dma_start3A_32 = arith.constant 0 : i32
    %dma_start3A_33 = arith.constant 0 : i32
    %dma_start3A_34 = tpu.memref_slice %arg2[%dma_start3A_32, %dma_start3A_33] : memref<10000x64xf32, #tpu.memory_space<hbm>> -> memref<10000x64xf32, #tpu.memory_space<hbm>>
    tpu.enqueue_indirect_dma source(%dma_start3A_34 : memref<10000x64xf32, #tpu.memory_space<hbm>>) target(%arg7 : memref<128x64xf32, #tpu.memory_space<vmem>>) offsets(%dma_start3A_31 : memref<128xi32, #tpu.memory_space<vmem>>) semaphore(%arg15 : memref<!tpu.dma_semaphore, #tpu.memory_space<semaphore_mem>>)
    %dma_start3A_35 = arith.constant 128 : i32
    %dma_start3A_36 = tpu.memref_slice %arg5[%dma_start3A_35] : memref<10000xi32, #tpu.memory_space<vmem>> -> memref<128xi32, #tpu.memory_space<vmem>>
    %dma_start3A_37 = arith.constant 0 : i32
    %dma_start3A_38 = arith.constant 0 : i32
    %dma_start3A_39 = tpu.memref_slice %arg2[%dma_start3A_37, %dma_start3A_38] : memref<10000x64xf32, #tpu.memory_space<hbm>> -> memref<10000x64xf32, #tpu.memory_space<hbm>>
    tpu.enqueue_indirect_dma source(%dma_start3A_39 : memref<10000x64xf32, #tpu.memory_space<hbm>>) target(%arg8 : memref<128x64xf32, #tpu.memory_space<vmem>>) offsets(%dma_start3A_36 : memref<128xi32, #tpu.memory_space<vmem>>) semaphore(%arg16 : memref<!tpu.dma_semaphore, #tpu.memory_space<semaphore_mem>>)
    %dma_start3A_40 = arith.constant 256 : i32
    %dma_start3A_41 = tpu.memref_slice %arg5[%dma_start3A_40] : memref<10000xi32, #tpu.memory_space<vmem>> -> memref<128xi32, #tpu.memory_space<vmem>>
    %dma_start3A_42 = arith.constant 0 : i32
    %dma_start3A_43 = arith.constant 0 : i32
    %dma_start3A_44 = tpu.memref_slice %arg2[%dma_start3A_42, %dma_start3A_43] : memref<10000x64xf32, #tpu.memory_space<hbm>> -> memref<10000x64xf32, #tpu.memory_space<hbm>>
    tpu.enqueue_indirect_dma source(%dma_start3A_44 : memref<10000x64xf32, #tpu.memory_space<hbm>>) target(%arg9 : memref<128x64xf32, #tpu.memory_space<vmem>>) offsets(%dma_start3A_41 : memref<128xi32, #tpu.memory_space<vmem>>) semaphore(%arg17 : memref<!tpu.dma_semaphore, #tpu.memory_space<semaphore_mem>>)
    %scan3A_45 = arith.constant 0 : i32
    %scan3A_46 = arith.constant 0 : i32
    %scan3A_47 = arith.constant 13 : i32
    %scan3A_48 = arith.addi %scan3A_46, %scan3A_47 : i32
    %scan3A_49 = arith.constant 1 : i32
    scf.for %scan3A_110 = %scan3A_46 to %scan3A_48 step %scan3A_49  : i32 {
      %mul3A_111 = arith.constant 6 : i32
      %mul3A_112 = arith.muli %scan3A_110, %mul3A_111 : i32
      %add3A_113 = arith.constant 0 : i32
      %add3A_114 = arith.addi %mul3A_112, %add3A_113 : i32
      %add3A_115 = arith.constant 3 : i32
      %add3A_116 = arith.addi %add3A_114, %add3A_115 : i32
      %ge3A = arith.constant 6 : i32
      %ge3A_117 = arith.cmpi sge, %add3A_116, %ge3A : i32
      %lt3A = arith.constant 78 : i32
      %lt3A_118 = arith.cmpi slt, %add3A_116, %lt3A : i32
      %and3A = arith.andi %ge3A_117, %lt3A_118 : i1
      %convert_element_type3A = arith.extui %and3A : i1 to i32
      %cond3A = arith.constant 0 : i32
      %cond3A_119 = arith.cmpi ne, %convert_element_type3A, %cond3A : i32
      scf.if %cond3A_119 {
        %dma_wait3A_292 = arith.constant 0 : i32
        %dma_wait3A_293 = arith.constant 0 : i32
        %dma_wait3A_294 = tpu.memref_slice %arg14[%dma_wait3A_292, %dma_wait3A_293] : memref<10240x64xf32, #tpu.memory_space<vmem_shared>> -> memref<128x64xf32, #tpu.memory_space<vmem_shared>>
        %dma_wait3A_295 = arith.constant 0 : i32
        %dma_wait3A_296 = arith.constant 0 : i32
        %dma_wait3A_297 = tpu.memref_slice %arg14[%dma_wait3A_295, %dma_wait3A_296] : memref<10240x64xf32, #tpu.memory_space<vmem_shared>> -> memref<128x64xf32, #tpu.memory_space<vmem_shared>>
        tpu.wait_dma2 semaphore(%arg24 : memref<!tpu.dma_semaphore, #tpu.memory_space<semaphore_mem>>) src(%arg10 : memref<128x64xf32, #tpu.memory_space<vmem>>) dst(%dma_wait3A_297 : memref<128x64xf32, #tpu.memory_space<vmem_shared>>)
      } else {
      }
      %lt3A_120 = arith.constant 78 : i32
      %lt3A_121 = arith.cmpi slt, %add3A_116, %lt3A_120 : i32
      %convert_element_type3A_122 = arith.extui %lt3A_121 : i1 to i32
      %cond3A_123 = arith.constant 0 : i32
      %cond3A_124 = arith.cmpi ne, %convert_element_type3A_122, %cond3A_123 : i32
      scf.if %cond3A_124 {
        %mul3A_292 = arith.constant 128 : i32
        %mul3A_293 = arith.muli %add3A_116, %mul3A_292 : i32
        %dma_start3A_294 = tpu.memref_slice %arg5[%mul3A_293] : memref<10000xi32, #tpu.memory_space<vmem>> -> memref<128xi32, #tpu.memory_space<vmem>>
        %dma_start3A_295 = arith.constant 0 : i32
        %dma_start3A_296 = arith.constant 0 : i32
        %dma_start3A_297 = tpu.memref_slice %arg2[%dma_start3A_295, %dma_start3A_296] : memref<10000x64xf32, #tpu.memory_space<hbm>> -> memref<10000x64xf32, #tpu.memory_space<hbm>>
        tpu.enqueue_indirect_dma source(%dma_start3A_297 : memref<10000x64xf32, #tpu.memory_space<hbm>>) target(%arg10 : memref<128x64xf32, #tpu.memory_space<vmem>>) offsets(%dma_start3A_294 : memref<128xi32, #tpu.memory_space<vmem>>) semaphore(%arg18 : memref<!tpu.dma_semaphore, #tpu.memory_space<semaphore_mem>>)
      } else {
      }
      %dma_wait3A_125 = arith.constant 0 : i32
      %dma_wait3A_126 = arith.constant 0 : i32
      %dma_wait3A_127 = tpu.memref_slice %arg2[%dma_wait3A_125, %dma_wait3A_126] : memref<10000x64xf32, #tpu.memory_space<hbm>> -> memref<128x64xf32, #tpu.memory_space<hbm>>
      %dma_wait3A_128 = arith.constant 0 : i32
      %dma_wait3A_129 = arith.constant 0 : i32
      %dma_wait3A_130 = tpu.memref_slice %arg2[%dma_wait3A_128, %dma_wait3A_129] : memref<10000x64xf32, #tpu.memory_space<hbm>> -> memref<128x64xf32, #tpu.memory_space<hbm>>
      tpu.wait_dma2 semaphore(%arg15 : memref<!tpu.dma_semaphore, #tpu.memory_space<semaphore_mem>>) src(%dma_wait3A_130 : memref<128x64xf32, #tpu.memory_space<hbm>>) dst(%arg7 : memref<128x64xf32, #tpu.memory_space<vmem>>)
      %mul3A_131 = arith.constant 128 : i32
      %mul3A_132 = arith.muli %add3A_114, %mul3A_131 : i32
      %dma_start3A_133 = tpu.memref_slice %arg6[%mul3A_132] : memref<10000xi32, #tpu.memory_space<vmem>> -> memref<128xi32, #tpu.memory_space<vmem>>
      %dma_start3A_134 = arith.constant 0 : i32
      %dma_start3A_135 = arith.constant 0 : i32
      %dma_start3A_136 = tpu.memref_slice %arg14[%dma_start3A_134, %dma_start3A_135] : memref<10240x64xf32, #tpu.memory_space<vmem_shared>> -> memref<10240x64xf32, #tpu.memory_space<vmem_shared>>
      tpu.enqueue_indirect_dma source(%arg7 : memref<128x64xf32, #tpu.memory_space<vmem>>) target(%dma_start3A_136 : memref<10240x64xf32, #tpu.memory_space<vmem_shared>>) offsets(%dma_start3A_133 : memref<128xi32, #tpu.memory_space<vmem>>) semaphore(%arg21 : memref<!tpu.dma_semaphore, #tpu.memory_space<semaphore_mem>>) {add = true}
      %mul3A_137 = arith.constant 6 : i32
      %mul3A_138 = arith.muli %scan3A_110, %mul3A_137 : i32
      %add3A_139 = arith.constant 1 : i32
      %add3A_140 = arith.addi %mul3A_138, %add3A_139 : i32
      %add3A_141 = arith.constant 3 : i32
      %add3A_142 = arith.addi %add3A_140, %add3A_141 : i32
      %ge3A_143 = arith.constant 6 : i32
      %ge3A_144 = arith.cmpi sge, %add3A_142, %ge3A_143 : i32
      %lt3A_145 = arith.constant 78 : i32
      %lt3A_146 = arith.cmpi slt, %add3A_142, %lt3A_145 : i32
      %and3A_147 = arith.andi %ge3A_144, %lt3A_146 : i1
      %convert_element_type3A_148 = arith.extui %and3A_147 : i1 to i32
      %cond3A_149 = arith.constant 0 : i32
      %cond3A_150 = arith.cmpi ne, %convert_element_type3A_148, %cond3A_149 : i32
      scf.if %cond3A_150 {
        %dma_wait3A_292 = arith.constant 0 : i32
        %dma_wait3A_293 = arith.constant 0 : i32
        %dma_wait3A_294 = tpu.memref_slice %arg14[%dma_wait3A_292, %dma_wait3A_293] : memref<10240x64xf32, #tpu.memory_space<vmem_shared>> -> memref<128x64xf32, #tpu.memory_space<vmem_shared>>
        %dma_wait3A_295 = arith.constant 0 : i32
        %dma_wait3A_296 = arith.constant 0 : i32
        %dma_wait3A_297 = tpu.memref_slice %arg14[%dma_wait3A_295, %dma_wait3A_296] : memref<10240x64xf32, #tpu.memory_space<vmem_shared>> -> memref<128x64xf32, #tpu.memory_space<vmem_shared>>
        tpu.wait_dma2 semaphore(%arg25 : memref<!tpu.dma_semaphore, #tpu.memory_space<semaphore_mem>>) src(%arg11 : memref<128x64xf32, #tpu.memory_space<vmem>>) dst(%dma_wait3A_297 : memref<128x64xf32, #tpu.memory_space<vmem_shared>>)
      } else {
      }
      %lt3A_151 = arith.constant 78 : i32
      %lt3A_152 = arith.cmpi slt, %add3A_142, %lt3A_151 : i32
      %convert_element_type3A_153 = arith.extui %lt3A_152 : i1 to i32
      %cond3A_154 = arith.constant 0 : i32
      %cond3A_155 = arith.cmpi ne, %convert_element_type3A_153, %cond3A_154 : i32
      scf.if %cond3A_155 {
        %mul3A_292 = arith.constant 128 : i32
        %mul3A_293 = arith.muli %add3A_142, %mul3A_292 : i32
        %dma_start3A_294 = tpu.memref_slice %arg5[%mul3A_293] : memref<10000xi32, #tpu.memory_space<vmem>> -> memref<128xi32, #tpu.memory_space<vmem>>
        %dma_start3A_295 = arith.constant 0 : i32
        %dma_start3A_296 = arith.constant 0 : i32
        %dma_start3A_297 = tpu.memref_slice %arg2[%dma_start3A_295, %dma_start3A_296] : memref<10000x64xf32, #tpu.memory_space<hbm>> -> memref<10000x64xf32, #tpu.memory_space<hbm>>
        tpu.enqueue_indirect_dma source(%dma_start3A_297 : memref<10000x64xf32, #tpu.memory_space<hbm>>) target(%arg11 : memref<128x64xf32, #tpu.memory_space<vmem>>) offsets(%dma_start3A_294 : memref<128xi32, #tpu.memory_space<vmem>>) semaphore(%arg19 : memref<!tpu.dma_semaphore, #tpu.memory_space<semaphore_mem>>)
      } else {
      }
      %dma_wait3A_156 = arith.constant 0 : i32
      %dma_wait3A_157 = arith.constant 0 : i32
      %dma_wait3A_158 = tpu.memref_slice %arg2[%dma_wait3A_156, %dma_wait3A_157] : memref<10000x64xf32, #tpu.memory_space<hbm>> -> memref<128x64xf32, #tpu.memory_space<hbm>>
      %dma_wait3A_159 = arith.constant 0 : i32
      %dma_wait3A_160 = arith.constant 0 : i32
      %dma_wait3A_161 = tpu.memref_slice %arg2[%dma_wait3A_159, %dma_wait3A_160] : memref<10000x64xf32, #tpu.memory_space<hbm>> -> memref<128x64xf32, #tpu.memory_space<hbm>>
      tpu.wait_dma2 semaphore(%arg16 : memref<!tpu.dma_semaphore, #tpu.memory_space<semaphore_mem>>) src(%dma_wait3A_161 : memref<128x64xf32, #tpu.memory_space<hbm>>) dst(%arg8 : memref<128x64xf32, #tpu.memory_space<vmem>>)
      %mul3A_162 = arith.constant 128 : i32
      %mul3A_163 = arith.muli %add3A_140, %mul3A_162 : i32
      %dma_start3A_164 = tpu.memref_slice %arg6[%mul3A_163] : memref<10000xi32, #tpu.memory_space<vmem>> -> memref<128xi32, #tpu.memory_space<vmem>>
      %dma_start3A_165 = arith.constant 0 : i32
      %dma_start3A_166 = arith.constant 0 : i32
      %dma_start3A_167 = tpu.memref_slice %arg14[%dma_start3A_165, %dma_start3A_166] : memref<10240x64xf32, #tpu.memory_space<vmem_shared>> -> memref<10240x64xf32, #tpu.memory_space<vmem_shared>>
      tpu.enqueue_indirect_dma source(%arg8 : memref<128x64xf32, #tpu.memory_space<vmem>>) target(%dma_start3A_167 : memref<10240x64xf32, #tpu.memory_space<vmem_shared>>) offsets(%dma_start3A_164 : memref<128xi32, #tpu.memory_space<vmem>>) semaphore(%arg22 : memref<!tpu.dma_semaphore, #tpu.memory_space<semaphore_mem>>) {add = true}
      %mul3A_168 = arith.constant 6 : i32
      %mul3A_169 = arith.muli %scan3A_110, %mul3A_168 : i32
      %add3A_170 = arith.constant 2 : i32
      %add3A_171 = arith.addi %mul3A_169, %add3A_170 : i32
      %add3A_172 = arith.constant 3 : i32
      %add3A_173 = arith.addi %add3A_171, %add3A_172 : i32
      %ge3A_174 = arith.constant 6 : i32
      %ge3A_175 = arith.cmpi sge, %add3A_173, %ge3A_174 : i32
      %lt3A_176 = arith.constant 78 : i32
      %lt3A_177 = arith.cmpi slt, %add3A_173, %lt3A_176 : i32
      %and3A_178 = arith.andi %ge3A_175, %lt3A_177 : i1
      %convert_element_type3A_179 = arith.extui %and3A_178 : i1 to i32
      %cond3A_180 = arith.constant 0 : i32
      %cond3A_181 = arith.cmpi ne, %convert_element_type3A_179, %cond3A_180 : i32
      scf.if %cond3A_181 {
        %dma_wait3A_292 = arith.constant 0 : i32
        %dma_wait3A_293 = arith.constant 0 : i32
        %dma_wait3A_294 = tpu.memref_slice %arg14[%dma_wait3A_292, %dma_wait3A_293] : memref<10240x64xf32, #tpu.memory_space<vmem_shared>> -> memref<128x64xf32, #tpu.memory_space<vmem_shared>>
        %dma_wait3A_295 = arith.constant 0 : i32
        %dma_wait3A_296 = arith.constant 0 : i32
        %dma_wait3A_297 = tpu.memref_slice %arg14[%dma_wait3A_295, %dma_wait3A_296] : memref<10240x64xf32, #tpu.memory_space<vmem_shared>> -> memref<128x64xf32, #tpu.memory_space<vmem_shared>>
        tpu.wait_dma2 semaphore(%arg26 : memref<!tpu.dma_semaphore, #tpu.memory_space<semaphore_mem>>) src(%arg12 : memref<128x64xf32, #tpu.memory_space<vmem>>) dst(%dma_wait3A_297 : memref<128x64xf32, #tpu.memory_space<vmem_shared>>)
      } else {
      }
      %lt3A_182 = arith.constant 78 : i32
      %lt3A_183 = arith.cmpi slt, %add3A_173, %lt3A_182 : i32
      %convert_element_type3A_184 = arith.extui %lt3A_183 : i1 to i32
      %cond3A_185 = arith.constant 0 : i32
      %cond3A_186 = arith.cmpi ne, %convert_element_type3A_184, %cond3A_185 : i32
      scf.if %cond3A_186 {
        %mul3A_292 = arith.constant 128 : i32
        %mul3A_293 = arith.muli %add3A_173, %mul3A_292 : i32
        %dma_start3A_294 = tpu.memref_slice %arg5[%mul3A_293] : memref<10000xi32, #tpu.memory_space<vmem>> -> memref<128xi32, #tpu.memory_space<vmem>>
        %dma_start3A_295 = arith.constant 0 : i32
        %dma_start3A_296 = arith.constant 0 : i32
        %dma_start3A_297 = tpu.memref_slice %arg2[%dma_start3A_295, %dma_start3A_296] : memref<10000x64xf32, #tpu.memory_space<hbm>> -> memref<10000x64xf32, #tpu.memory_space<hbm>>
        tpu.enqueue_indirect_dma source(%dma_start3A_297 : memref<10000x64xf32, #tpu.memory_space<hbm>>) target(%arg12 : memref<128x64xf32, #tpu.memory_space<vmem>>) offsets(%dma_start3A_294 : memref<128xi32, #tpu.memory_space<vmem>>) semaphore(%arg20 : memref<!tpu.dma_semaphore, #tpu.memory_space<semaphore_mem>>)
      } else {
      }
      %dma_wait3A_187 = arith.constant 0 : i32
      %dma_wait3A_188 = arith.constant 0 : i32
      %dma_wait3A_189 = tpu.memref_slice %arg2[%dma_wait3A_187, %dma_wait3A_188] : memref<10000x64xf32, #tpu.memory_space<hbm>> -> memref<128x64xf32, #tpu.memory_space<hbm>>
      %dma_wait3A_190 = arith.constant 0 : i32
      %dma_wait3A_191 = arith.constant 0 : i32
      %dma_wait3A_192 = tpu.memref_slice %arg2[%dma_wait3A_190, %dma_wait3A_191] : memref<10000x64xf32, #tpu.memory_space<hbm>> -> memref<128x64xf32, #tpu.memory_space<hbm>>
      tpu.wait_dma2 semaphore(%arg17 : memref<!tpu.dma_semaphore, #tpu.memory_space<semaphore_mem>>) src(%dma_wait3A_192 : memref<128x64xf32, #tpu.memory_space<hbm>>) dst(%arg9 : memref<128x64xf32, #tpu.memory_space<vmem>>)
      %mul3A_193 = arith.constant 128 : i32
      %mul3A_194 = arith.muli %add3A_171, %mul3A_193 : i32
      %dma_start3A_195 = tpu.memref_slice %arg6[%mul3A_194] : memref<10000xi32, #tpu.memory_space<vmem>> -> memref<128xi32, #tpu.memory_space<vmem>>
      %dma_start3A_196 = arith.constant 0 : i32
      %dma_start3A_197 = arith.constant 0 : i32
      %dma_start3A_198 = tpu.memref_slice %arg14[%dma_start3A_196, %dma_start3A_197] : memref<10240x64xf32, #tpu.memory_space<vmem_shared>> -> memref<10240x64xf32, #tpu.memory_space<vmem_shared>>
      tpu.enqueue_indirect_dma source(%arg9 : memref<128x64xf32, #tpu.memory_space<vmem>>) target(%dma_start3A_198 : memref<10240x64xf32, #tpu.memory_space<vmem_shared>>) offsets(%dma_start3A_195 : memref<128xi32, #tpu.memory_space<vmem>>) semaphore(%arg23 : memref<!tpu.dma_semaphore, #tpu.memory_space<semaphore_mem>>) {add = true}
      %mul3A_199 = arith.constant 6 : i32
      %mul3A_200 = arith.muli %scan3A_110, %mul3A_199 : i32
      %add3A_201 = arith.constant 3 : i32
      %add3A_202 = arith.addi %mul3A_200, %add3A_201 : i32
      %add3A_203 = arith.constant 3 : i32
      %add3A_204 = arith.addi %add3A_202, %add3A_203 : i32
      %ge3A_205 = arith.constant 6 : i32
      %ge3A_206 = arith.cmpi sge, %add3A_204, %ge3A_205 : i32
      %lt3A_207 = arith.constant 78 : i32
      %lt3A_208 = arith.cmpi slt, %add3A_204, %lt3A_207 : i32
      %and3A_209 = arith.andi %ge3A_206, %lt3A_208 : i1
      %convert_element_type3A_210 = arith.extui %and3A_209 : i1 to i32
      %cond3A_211 = arith.constant 0 : i32
      %cond3A_212 = arith.cmpi ne, %convert_element_type3A_210, %cond3A_211 : i32
      scf.if %cond3A_212 {
        %dma_wait3A_292 = arith.constant 0 : i32
        %dma_wait3A_293 = arith.constant 0 : i32
        %dma_wait3A_294 = tpu.memref_slice %arg14[%dma_wait3A_292, %dma_wait3A_293] : memref<10240x64xf32, #tpu.memory_space<vmem_shared>> -> memref<128x64xf32, #tpu.memory_space<vmem_shared>>
        %dma_wait3A_295 = arith.constant 0 : i32
        %dma_wait3A_296 = arith.constant 0 : i32
        %dma_wait3A_297 = tpu.memref_slice %arg14[%dma_wait3A_295, %dma_wait3A_296] : memref<10240x64xf32, #tpu.memory_space<vmem_shared>> -> memref<128x64xf32, #tpu.memory_space<vmem_shared>>
        tpu.wait_dma2 semaphore(%arg21 : memref<!tpu.dma_semaphore, #tpu.memory_space<semaphore_mem>>) src(%arg7 : memref<128x64xf32, #tpu.memory_space<vmem>>) dst(%dma_wait3A_297 : memref<128x64xf32, #tpu.memory_space<vmem_shared>>)
      } else {
      }
      %lt3A_213 = arith.constant 78 : i32
      %lt3A_214 = arith.cmpi slt, %add3A_204, %lt3A_213 : i32
      %convert_element_type3A_215 = arith.extui %lt3A_214 : i1 to i32
      %cond3A_216 = arith.constant 0 : i32
      %cond3A_217 = arith.cmpi ne, %convert_element_type3A_215, %cond3A_216 : i32
      scf.if %cond3A_217 {
        %mul3A_292 = arith.constant 128 : i32
        %mul3A_293 = arith.muli %add3A_204, %mul3A_292 : i32
        %dma_start3A_294 = tpu.memref_slice %arg5[%mul3A_293] : memref<10000xi32, #tpu.memory_space<vmem>> -> memref<128xi32, #tpu.memory_space<vmem>>
        %dma_start3A_295 = arith.constant 0 : i32
        %dma_start3A_296 = arith.constant 0 : i32
        %dma_start3A_297 = tpu.memref_slice %arg2[%dma_start3A_295, %dma_start3A_296] : memref<10000x64xf32, #tpu.memory_space<hbm>> -> memref<10000x64xf32, #tpu.memory_space<hbm>>
        tpu.enqueue_indirect_dma source(%dma_start3A_297 : memref<10000x64xf32, #tpu.memory_space<hbm>>) target(%arg7 : memref<128x64xf32, #tpu.memory_space<vmem>>) offsets(%dma_start3A_294 : memref<128xi32, #tpu.memory_space<vmem>>) semaphore(%arg15 : memref<!tpu.dma_semaphore, #tpu.memory_space<semaphore_mem>>)
      } else {
      }
      %dma_wait3A_218 = arith.constant 0 : i32
      %dma_wait3A_219 = arith.constant 0 : i32
      %dma_wait3A_220 = tpu.memref_slice %arg2[%dma_wait3A_218, %dma_wait3A_219] : memref<10000x64xf32, #tpu.memory_space<hbm>> -> memref<128x64xf32, #tpu.memory_space<hbm>>
      %dma_wait3A_221 = arith.constant 0 : i32
      %dma_wait3A_222 = arith.constant 0 : i32
      %dma_wait3A_223 = tpu.memref_slice %arg2[%dma_wait3A_221, %dma_wait3A_222] : memref<10000x64xf32, #tpu.memory_space<hbm>> -> memref<128x64xf32, #tpu.memory_space<hbm>>
      tpu.wait_dma2 semaphore(%arg18 : memref<!tpu.dma_semaphore, #tpu.memory_space<semaphore_mem>>) src(%dma_wait3A_223 : memref<128x64xf32, #tpu.memory_space<hbm>>) dst(%arg10 : memref<128x64xf32, #tpu.memory_space<vmem>>)
      %mul3A_224 = arith.constant 128 : i32
      %mul3A_225 = arith.muli %add3A_202, %mul3A_224 : i32
      %dma_start3A_226 = tpu.memref_slice %arg6[%mul3A_225] : memref<10000xi32, #tpu.memory_space<vmem>> -> memref<128xi32, #tpu.memory_space<vmem>>
      %dma_start3A_227 = arith.constant 0 : i32
      %dma_start3A_228 = arith.constant 0 : i32
      %dma_start3A_229 = tpu.memref_slice %arg14[%dma_start3A_227, %dma_start3A_228] : memref<10240x64xf32, #tpu.memory_space<vmem_shared>> -> memref<10240x64xf32, #tpu.memory_space<vmem_shared>>
      tpu.enqueue_indirect_dma source(%arg10 : memref<128x64xf32, #tpu.memory_space<vmem>>) target(%dma_start3A_229 : memref<10240x64xf32, #tpu.memory_space<vmem_shared>>) offsets(%dma_start3A_226 : memref<128xi32, #tpu.memory_space<vmem>>) semaphore(%arg24 : memref<!tpu.dma_semaphore, #tpu.memory_space<semaphore_mem>>) {add = true}
      %mul3A_230 = arith.constant 6 : i32
      %mul3A_231 = arith.muli %scan3A_110, %mul3A_230 : i32
      %add3A_232 = arith.constant 4 : i32
      %add3A_233 = arith.addi %mul3A_231, %add3A_232 : i32
      %add3A_234 = arith.constant 3 : i32
      %add3A_235 = arith.addi %add3A_233, %add3A_234 : i32
      %ge3A_236 = arith.constant 6 : i32
      %ge3A_237 = arith.cmpi sge, %add3A_235, %ge3A_236 : i32
      %lt3A_238 = arith.constant 78 : i32
      %lt3A_239 = arith.cmpi slt, %add3A_235, %lt3A_238 : i32
      %and3A_240 = arith.andi %ge3A_237, %lt3A_239 : i1
      %convert_element_type3A_241 = arith.extui %and3A_240 : i1 to i32
      %cond3A_242 = arith.constant 0 : i32
      %cond3A_243 = arith.cmpi ne, %convert_element_type3A_241, %cond3A_242 : i32
      scf.if %cond3A_243 {
        %dma_wait3A_292 = arith.constant 0 : i32
        %dma_wait3A_293 = arith.constant 0 : i32
        %dma_wait3A_294 = tpu.memref_slice %arg14[%dma_wait3A_292, %dma_wait3A_293] : memref<10240x64xf32, #tpu.memory_space<vmem_shared>> -> memref<128x64xf32, #tpu.memory_space<vmem_shared>>
        %dma_wait3A_295 = arith.constant 0 : i32
        %dma_wait3A_296 = arith.constant 0 : i32
        %dma_wait3A_297 = tpu.memref_slice %arg14[%dma_wait3A_295, %dma_wait3A_296] : memref<10240x64xf32, #tpu.memory_space<vmem_shared>> -> memref<128x64xf32, #tpu.memory_space<vmem_shared>>
        tpu.wait_dma2 semaphore(%arg22 : memref<!tpu.dma_semaphore, #tpu.memory_space<semaphore_mem>>) src(%arg8 : memref<128x64xf32, #tpu.memory_space<vmem>>) dst(%dma_wait3A_297 : memref<128x64xf32, #tpu.memory_space<vmem_shared>>)
      } else {
      }
      %lt3A_244 = arith.constant 78 : i32
      %lt3A_245 = arith.cmpi slt, %add3A_235, %lt3A_244 : i32
      %convert_element_type3A_246 = arith.extui %lt3A_245 : i1 to i32
      %cond3A_247 = arith.constant 0 : i32
      %cond3A_248 = arith.cmpi ne, %convert_element_type3A_246, %cond3A_247 : i32
      scf.if %cond3A_248 {
        %mul3A_292 = arith.constant 128 : i32
        %mul3A_293 = arith.muli %add3A_235, %mul3A_292 : i32
        %dma_start3A_294 = tpu.memref_slice %arg5[%mul3A_293] : memref<10000xi32, #tpu.memory_space<vmem>> -> memref<128xi32, #tpu.memory_space<vmem>>
        %dma_start3A_295 = arith.constant 0 : i32
        %dma_start3A_296 = arith.constant 0 : i32
        %dma_start3A_297 = tpu.memref_slice %arg2[%dma_start3A_295, %dma_start3A_296] : memref<10000x64xf32, #tpu.memory_space<hbm>> -> memref<10000x64xf32, #tpu.memory_space<hbm>>
        tpu.enqueue_indirect_dma source(%dma_start3A_297 : memref<10000x64xf32, #tpu.memory_space<hbm>>) target(%arg8 : memref<128x64xf32, #tpu.memory_space<vmem>>) offsets(%dma_start3A_294 : memref<128xi32, #tpu.memory_space<vmem>>) semaphore(%arg16 : memref<!tpu.dma_semaphore, #tpu.memory_space<semaphore_mem>>)
      } else {
      }
      %dma_wait3A_249 = arith.constant 0 : i32
      %dma_wait3A_250 = arith.constant 0 : i32
      %dma_wait3A_251 = tpu.memref_slice %arg2[%dma_wait3A_249, %dma_wait3A_250] : memref<10000x64xf32, #tpu.memory_space<hbm>> -> memref<128x64xf32, #tpu.memory_space<hbm>>
      %dma_wait3A_252 = arith.constant 0 : i32
      %dma_wait3A_253 = arith.constant 0 : i32
      %dma_wait3A_254 = tpu.memref_slice %arg2[%dma_wait3A_252, %dma_wait3A_253] : memref<10000x64xf32, #tpu.memory_space<hbm>> -> memref<128x64xf32, #tpu.memory_space<hbm>>
      tpu.wait_dma2 semaphore(%arg19 : memref<!tpu.dma_semaphore, #tpu.memory_space<semaphore_mem>>) src(%dma_wait3A_254 : memref<128x64xf32, #tpu.memory_space<hbm>>) dst(%arg11 : memref<128x64xf32, #tpu.memory_space<vmem>>)
      %mul3A_255 = arith.constant 128 : i32
      %mul3A_256 = arith.muli %add3A_233, %mul3A_255 : i32
      %dma_start3A_257 = tpu.memref_slice %arg6[%mul3A_256] : memref<10000xi32, #tpu.memory_space<vmem>> -> memref<128xi32, #tpu.memory_space<vmem>>
      %dma_start3A_258 = arith.constant 0 : i32
      %dma_start3A_259 = arith.constant 0 : i32
      %dma_start3A_260 = tpu.memref_slice %arg14[%dma_start3A_258, %dma_start3A_259] : memref<10240x64xf32, #tpu.memory_space<vmem_shared>> -> memref<10240x64xf32, #tpu.memory_space<vmem_shared>>
      tpu.enqueue_indirect_dma source(%arg11 : memref<128x64xf32, #tpu.memory_space<vmem>>) target(%dma_start3A_260 : memref<10240x64xf32, #tpu.memory_space<vmem_shared>>) offsets(%dma_start3A_257 : memref<128xi32, #tpu.memory_space<vmem>>) semaphore(%arg25 : memref<!tpu.dma_semaphore, #tpu.memory_space<semaphore_mem>>) {add = true}
      %mul3A_261 = arith.constant 6 : i32
      %mul3A_262 = arith.muli %scan3A_110, %mul3A_261 : i32
      %add3A_263 = arith.constant 5 : i32
      %add3A_264 = arith.addi %mul3A_262, %add3A_263 : i32
      %add3A_265 = arith.constant 3 : i32
      %add3A_266 = arith.addi %add3A_264, %add3A_265 : i32
      %ge3A_267 = arith.constant 6 : i32
      %ge3A_268 = arith.cmpi sge, %add3A_266, %ge3A_267 : i32
      %lt3A_269 = arith.constant 78 : i32
      %lt3A_270 = arith.cmpi slt, %add3A_266, %lt3A_269 : i32
      %and3A_271 = arith.andi %ge3A_268, %lt3A_270 : i1
      %convert_element_type3A_272 = arith.extui %and3A_271 : i1 to i32
      %cond3A_273 = arith.constant 0 : i32
      %cond3A_274 = arith.cmpi ne, %convert_element_type3A_272, %cond3A_273 : i32
      scf.if %cond3A_274 {
        %dma_wait3A_292 = arith.constant 0 : i32
        %dma_wait3A_293 = arith.constant 0 : i32
        %dma_wait3A_294 = tpu.memref_slice %arg14[%dma_wait3A_292, %dma_wait3A_293] : memref<10240x64xf32, #tpu.memory_space<vmem_shared>> -> memref<128x64xf32, #tpu.memory_space<vmem_shared>>
        %dma_wait3A_295 = arith.constant 0 : i32
        %dma_wait3A_296 = arith.constant 0 : i32
        %dma_wait3A_297 = tpu.memref_slice %arg14[%dma_wait3A_295, %dma_wait3A_296] : memref<10240x64xf32, #tpu.memory_space<vmem_shared>> -> memref<128x64xf32, #tpu.memory_space<vmem_shared>>
        tpu.wait_dma2 semaphore(%arg23 : memref<!tpu.dma_semaphore, #tpu.memory_space<semaphore_mem>>) src(%arg9 : memref<128x64xf32, #tpu.memory_space<vmem>>) dst(%dma_wait3A_297 : memref<128x64xf32, #tpu.memory_space<vmem_shared>>)
      } else {
      }
      %lt3A_275 = arith.constant 78 : i32
      %lt3A_276 = arith.cmpi slt, %add3A_266, %lt3A_275 : i32
      %convert_element_type3A_277 = arith.extui %lt3A_276 : i1 to i32
      %cond3A_278 = arith.constant 0 : i32
      %cond3A_279 = arith.cmpi ne, %convert_element_type3A_277, %cond3A_278 : i32
      scf.if %cond3A_279 {
        %mul3A_292 = arith.constant 128 : i32
        %mul3A_293 = arith.muli %add3A_266, %mul3A_292 : i32
        %dma_start3A_294 = tpu.memref_slice %arg5[%mul3A_293] : memref<10000xi32, #tpu.memory_space<vmem>> -> memref<128xi32, #tpu.memory_space<vmem>>
        %dma_start3A_295 = arith.constant 0 : i32
        %dma_start3A_296 = arith.constant 0 : i32
        %dma_start3A_297 = tpu.memref_slice %arg2[%dma_start3A_295, %dma_start3A_296] : memref<10000x64xf32, #tpu.memory_space<hbm>> -> memref<10000x64xf32, #tpu.memory_space<hbm>>
        tpu.enqueue_indirect_dma source(%dma_start3A_297 : memref<10000x64xf32, #tpu.memory_space<hbm>>) target(%arg9 : memref<128x64xf32, #tpu.memory_space<vmem>>) offsets(%dma_start3A_294 : memref<128xi32, #tpu.memory_space<vmem>>) semaphore(%arg17 : memref<!tpu.dma_semaphore, #tpu.memory_space<semaphore_mem>>)
      } else {
      }
      %dma_wait3A_280 = arith.constant 0 : i32
      %dma_wait3A_281 = arith.constant 0 : i32
      %dma_wait3A_282 = tpu.memref_slice %arg2[%dma_wait3A_280, %dma_wait3A_281] : memref<10000x64xf32, #tpu.memory_space<hbm>> -> memref<128x64xf32, #tpu.memory_space<hbm>>
      %dma_wait3A_283 = arith.constant 0 : i32
      %dma_wait3A_284 = arith.constant 0 : i32
      %dma_wait3A_285 = tpu.memref_slice %arg2[%dma_wait3A_283, %dma_wait3A_284] : memref<10000x64xf32, #tpu.memory_space<hbm>> -> memref<128x64xf32, #tpu.memory_space<hbm>>
      tpu.wait_dma2 semaphore(%arg20 : memref<!tpu.dma_semaphore, #tpu.memory_space<semaphore_mem>>) src(%dma_wait3A_285 : memref<128x64xf32, #tpu.memory_space<hbm>>) dst(%arg12 : memref<128x64xf32, #tpu.memory_space<vmem>>)
      %mul3A_286 = arith.constant 128 : i32
      %mul3A_287 = arith.muli %add3A_264, %mul3A_286 : i32
      %dma_start3A_288 = tpu.memref_slice %arg6[%mul3A_287] : memref<10000xi32, #tpu.memory_space<vmem>> -> memref<128xi32, #tpu.memory_space<vmem>>
      %dma_start3A_289 = arith.constant 0 : i32
      %dma_start3A_290 = arith.constant 0 : i32
      %dma_start3A_291 = tpu.memref_slice %arg14[%dma_start3A_289, %dma_start3A_290] : memref<10240x64xf32, #tpu.memory_space<vmem_shared>> -> memref<10240x64xf32, #tpu.memory_space<vmem_shared>>
      tpu.enqueue_indirect_dma source(%arg12 : memref<128x64xf32, #tpu.memory_space<vmem>>) target(%dma_start3A_291 : memref<10240x64xf32, #tpu.memory_space<vmem_shared>>) offsets(%dma_start3A_288 : memref<128xi32, #tpu.memory_space<vmem>>) semaphore(%arg26 : memref<!tpu.dma_semaphore, #tpu.memory_space<semaphore_mem>>) {add = true}
    }
    %scan3A_50 = arith.constant 13 : i32
    %dma_wait3A = arith.constant 0 : i32
    %dma_wait3A_51 = arith.constant 0 : i32
    %dma_wait3A_52 = tpu.memref_slice %arg14[%dma_wait3A, %dma_wait3A_51] : memref<10240x64xf32, #tpu.memory_space<vmem_shared>> -> memref<128x64xf32, #tpu.memory_space<vmem_shared>>
    %dma_wait3A_53 = arith.constant 0 : i32
    %dma_wait3A_54 = arith.constant 0 : i32
    %dma_wait3A_55 = tpu.memref_slice %arg14[%dma_wait3A_53, %dma_wait3A_54] : memref<10240x64xf32, #tpu.memory_space<vmem_shared>> -> memref<128x64xf32, #tpu.memory_space<vmem_shared>>
    tpu.wait_dma2 semaphore(%arg21 : memref<!tpu.dma_semaphore, #tpu.memory_space<semaphore_mem>>) src(%arg7 : memref<128x64xf32, #tpu.memory_space<vmem>>) dst(%dma_wait3A_55 : memref<128x64xf32, #tpu.memory_space<vmem_shared>>)
    %dma_wait3A_56 = arith.constant 0 : i32
    %dma_wait3A_57 = arith.constant 0 : i32
    %dma_wait3A_58 = tpu.memref_slice %arg14[%dma_wait3A_56, %dma_wait3A_57] : memref<10240x64xf32, #tpu.memory_space<vmem_shared>> -> memref<128x64xf32, #tpu.memory_space<vmem_shared>>
    %dma_wait3A_59 = arith.constant 0 : i32
    %dma_wait3A_60 = arith.constant 0 : i32
    %dma_wait3A_61 = tpu.memref_slice %arg14[%dma_wait3A_59, %dma_wait3A_60] : memref<10240x64xf32, #tpu.memory_space<vmem_shared>> -> memref<128x64xf32, #tpu.memory_space<vmem_shared>>
    tpu.wait_dma2 semaphore(%arg22 : memref<!tpu.dma_semaphore, #tpu.memory_space<semaphore_mem>>) src(%arg8 : memref<128x64xf32, #tpu.memory_space<vmem>>) dst(%dma_wait3A_61 : memref<128x64xf32, #tpu.memory_space<vmem_shared>>)
    %dma_wait3A_62 = arith.constant 0 : i32
    %dma_wait3A_63 = arith.constant 0 : i32
    %dma_wait3A_64 = tpu.memref_slice %arg14[%dma_wait3A_62, %dma_wait3A_63] : memref<10240x64xf32, #tpu.memory_space<vmem_shared>> -> memref<128x64xf32, #tpu.memory_space<vmem_shared>>
    %dma_wait3A_65 = arith.constant 0 : i32
    %dma_wait3A_66 = arith.constant 0 : i32
    %dma_wait3A_67 = tpu.memref_slice %arg14[%dma_wait3A_65, %dma_wait3A_66] : memref<10240x64xf32, #tpu.memory_space<vmem_shared>> -> memref<128x64xf32, #tpu.memory_space<vmem_shared>>
    tpu.wait_dma2 semaphore(%arg23 : memref<!tpu.dma_semaphore, #tpu.memory_space<semaphore_mem>>) src(%arg9 : memref<128x64xf32, #tpu.memory_space<vmem>>) dst(%dma_wait3A_67 : memref<128x64xf32, #tpu.memory_space<vmem_shared>>)
    %dma_wait3A_68 = arith.constant 0 : i32
    %dma_wait3A_69 = arith.constant 0 : i32
    %dma_wait3A_70 = tpu.memref_slice %arg14[%dma_wait3A_68, %dma_wait3A_69] : memref<10240x64xf32, #tpu.memory_space<vmem_shared>> -> memref<128x64xf32, #tpu.memory_space<vmem_shared>>
    %dma_wait3A_71 = arith.constant 0 : i32
    %dma_wait3A_72 = arith.constant 0 : i32
    %dma_wait3A_73 = tpu.memref_slice %arg14[%dma_wait3A_71, %dma_wait3A_72] : memref<10240x64xf32, #tpu.memory_space<vmem_shared>> -> memref<128x64xf32, #tpu.memory_space<vmem_shared>>
    tpu.wait_dma2 semaphore(%arg24 : memref<!tpu.dma_semaphore, #tpu.memory_space<semaphore_mem>>) src(%arg10 : memref<128x64xf32, #tpu.memory_space<vmem>>) dst(%dma_wait3A_73 : memref<128x64xf32, #tpu.memory_space<vmem_shared>>)
    %dma_wait3A_74 = arith.constant 0 : i32
    %dma_wait3A_75 = arith.constant 0 : i32
    %dma_wait3A_76 = tpu.memref_slice %arg14[%dma_wait3A_74, %dma_wait3A_75] : memref<10240x64xf32, #tpu.memory_space<vmem_shared>> -> memref<128x64xf32, #tpu.memory_space<vmem_shared>>
    %dma_wait3A_77 = arith.constant 0 : i32
    %dma_wait3A_78 = arith.constant 0 : i32
    %dma_wait3A_79 = tpu.memref_slice %arg14[%dma_wait3A_77, %dma_wait3A_78] : memref<10240x64xf32, #tpu.memory_space<vmem_shared>> -> memref<128x64xf32, #tpu.memory_space<vmem_shared>>
    tpu.wait_dma2 semaphore(%arg25 : memref<!tpu.dma_semaphore, #tpu.memory_space<semaphore_mem>>) src(%arg11 : memref<128x64xf32, #tpu.memory_space<vmem>>) dst(%dma_wait3A_79 : memref<128x64xf32, #tpu.memory_space<vmem_shared>>)
    %dma_wait3A_80 = arith.constant 0 : i32
    %dma_wait3A_81 = arith.constant 0 : i32
    %dma_wait3A_82 = tpu.memref_slice %arg14[%dma_wait3A_80, %dma_wait3A_81] : memref<10240x64xf32, #tpu.memory_space<vmem_shared>> -> memref<128x64xf32, #tpu.memory_space<vmem_shared>>
    %dma_wait3A_83 = arith.constant 0 : i32
    %dma_wait3A_84 = arith.constant 0 : i32
    %dma_wait3A_85 = tpu.memref_slice %arg14[%dma_wait3A_83, %dma_wait3A_84] : memref<10240x64xf32, #tpu.memory_space<vmem_shared>> -> memref<128x64xf32, #tpu.memory_space<vmem_shared>>
    tpu.wait_dma2 semaphore(%arg26 : memref<!tpu.dma_semaphore, #tpu.memory_space<semaphore_mem>>) src(%arg12 : memref<128x64xf32, #tpu.memory_space<vmem>>) dst(%dma_wait3A_85 : memref<128x64xf32, #tpu.memory_space<vmem_shared>>)
    %dma_start3A_86 = arith.constant 0 : i32
    %dma_start3A_87 = arith.constant 0 : i32
    %dma_start3A_88 = tpu.memref_slice %arg7[%dma_start3A_86, %dma_start3A_87] : memref<128x64xf32, #tpu.memory_space<vmem>> -> memref<16x64xf32, #tpu.memory_space<vmem>>
    %dma_start3A_89 = arith.constant 9984 : i32
    %dma_start3A_90 = tpu.memref_slice %arg5[%dma_start3A_89] : memref<10000xi32, #tpu.memory_space<vmem>> -> memref<16xi32, #tpu.memory_space<vmem>>
    %dma_start3A_91 = arith.constant 0 : i32
    %dma_start3A_92 = arith.constant 0 : i32
    %dma_start3A_93 = tpu.memref_slice %arg2[%dma_start3A_91, %dma_start3A_92] : memref<10000x64xf32, #tpu.memory_space<hbm>> -> memref<10000x64xf32, #tpu.memory_space<hbm>>
    tpu.enqueue_indirect_dma source(%dma_start3A_93 : memref<10000x64xf32, #tpu.memory_space<hbm>>) target(%dma_start3A_88 : memref<16x64xf32, #tpu.memory_space<vmem>>) offsets(%dma_start3A_90 : memref<16xi32, #tpu.memory_space<vmem>>) semaphore(%arg15 : memref<!tpu.dma_semaphore, #tpu.memory_space<semaphore_mem>>)
    %dma_wait3A_94 = arith.constant 0 : i32
    %dma_wait3A_95 = arith.constant 0 : i32
    %dma_wait3A_96 = tpu.memref_slice %arg7[%dma_wait3A_94, %dma_wait3A_95] : memref<128x64xf32, #tpu.memory_space<vmem>> -> memref<16x64xf32, #tpu.memory_space<vmem>>
    %dma_wait3A_97 = arith.constant 9984 : i32
    %dma_wait3A_98 = tpu.memref_slice %arg5[%dma_wait3A_97] : memref<10000xi32, #tpu.memory_space<vmem>> -> memref<16xi32, #tpu.memory_space<vmem>>
    %dma_wait3A_99 = arith.constant 0 : i32
    %dma_wait3A_100 = arith.constant 0 : i32
    %dma_wait3A_101 = tpu.memref_slice %arg2[%dma_wait3A_99, %dma_wait3A_100] : memref<10000x64xf32, #tpu.memory_space<hbm>> -> memref<10000x64xf32, #tpu.memory_space<hbm>>
    tpu.wait_indirect_dma semaphore(%arg15 : memref<!tpu.dma_semaphore, #tpu.memory_space<semaphore_mem>>) src(%dma_wait3A_101 : memref<10000x64xf32, #tpu.memory_space<hbm>>) dst(%dma_wait3A_96 : memref<16x64xf32, #tpu.memory_space<vmem>>)
    "tpu.region"() ({
      %run_scoped3A_110 = tpu.sem_alloc : memref<!tpu.dma_semaphore, #tpu.memory_space<semaphore_mem>>
      %dma_start3A_111 = arith.constant 0 : i32
      %dma_start3A_112 = arith.constant 0 : i32
      %dma_start3A_113 = tpu.memref_slice %arg7[%dma_start3A_111, %dma_start3A_112] : memref<128x64xf32, #tpu.memory_space<vmem>> -> memref<16x64xf32, #tpu.memory_space<vmem>>
      %dma_start3A_114 = arith.constant 9984 : i32
      %dma_start3A_115 = tpu.memref_slice %arg6[%dma_start3A_114] : memref<10000xi32, #tpu.memory_space<vmem>> -> memref<16xi32, #tpu.memory_space<vmem>>
      %dma_start3A_116 = arith.constant 0 : i32
      %dma_start3A_117 = arith.constant 0 : i32
      %dma_start3A_118 = tpu.memref_slice %arg14[%dma_start3A_116, %dma_start3A_117] : memref<10240x64xf32, #tpu.memory_space<vmem_shared>> -> memref<10240x64xf32, #tpu.memory_space<vmem_shared>>
      tpu.enqueue_indirect_dma source(%dma_start3A_113 : memref<16x64xf32, #tpu.memory_space<vmem>>) target(%dma_start3A_118 : memref<10240x64xf32, #tpu.memory_space<vmem_shared>>) offsets(%dma_start3A_115 : memref<16xi32, #tpu.memory_space<vmem>>) semaphore(%run_scoped3A_110 : memref<!tpu.dma_semaphore, #tpu.memory_space<semaphore_mem>>) {add = true}
      %dma_wait3A_119 = arith.constant 0 : i32
      %dma_wait3A_120 = arith.constant 0 : i32
      %dma_wait3A_121 = tpu.memref_slice %arg7[%dma_wait3A_119, %dma_wait3A_120] : memref<128x64xf32, #tpu.memory_space<vmem>> -> memref<16x64xf32, #tpu.memory_space<vmem>>
      %dma_wait3A_122 = arith.constant 9984 : i32
      %dma_wait3A_123 = tpu.memref_slice %arg6[%dma_wait3A_122] : memref<10000xi32, #tpu.memory_space<vmem>> -> memref<16xi32, #tpu.memory_space<vmem>>
      %dma_wait3A_124 = arith.constant 0 : i32
      %dma_wait3A_125 = arith.constant 0 : i32
      %dma_wait3A_126 = tpu.memref_slice %arg14[%dma_wait3A_124, %dma_wait3A_125] : memref<10240x64xf32, #tpu.memory_space<vmem_shared>> -> memref<10240x64xf32, #tpu.memory_space<vmem_shared>>
      tpu.wait_indirect_dma semaphore(%run_scoped3A_110 : memref<!tpu.dma_semaphore, #tpu.memory_space<semaphore_mem>>) src(%dma_wait3A_121 : memref<16x64xf32, #tpu.memory_space<vmem>>) dst(%dma_wait3A_126 : memref<10240x64xf32, #tpu.memory_space<vmem_shared>>)
      tpu.yield
    }) : () -> ()
    %barrier3A_102 = arith.constant 0 : index
    tpu.barrier barrier_id(%barrier3A_102)
    %mul3A_103 = arith.constant 640 : i32
    %mul3A_104 = arith.muli %arg1, %mul3A_103 : i32
    %mul3A_105 = arith.constant 10240 : i32
    %mul3A_106 = arith.muli %arg0, %mul3A_105 : i32
    %mul3A_107 = arith.constant 640 : i32
    %mul3A_108 = arith.muli %arg1, %mul3A_107 : i32
    %add3A_109 = arith.addi %mul3A_106, %mul3A_108 : i32
    "tpu.region"() ({
      %run_scoped3A_110 = tpu.sem_alloc : memref<!tpu.dma_semaphore, #tpu.memory_space<semaphore_mem>>
      %dma_start3A_111 = arith.constant 0 : i32
      %dma_start3A_112 = tpu.memref_slice %arg4[%add3A_109, %dma_start3A_111] : memref<20480x64xf32, #tpu.memory_space<hbm>> -> memref<640x64xf32, #tpu.memory_space<hbm>>
      %dma_start3A_113 = arith.constant 0 : i32
      %dma_start3A_114 = tpu.memref_slice %arg14[%mul3A_104, %dma_start3A_113] : memref<10240x64xf32, #tpu.memory_space<vmem_shared>> -> memref<640x64xf32, #tpu.memory_space<vmem_shared>>
      tpu.enqueue_dma source(%dma_start3A_114 : memref<640x64xf32, #tpu.memory_space<vmem_shared>>) target(%dma_start3A_112 : memref<640x64xf32, #tpu.memory_space<hbm>>) target_semaphore(%run_scoped3A_110 : memref<!tpu.dma_semaphore, #tpu.memory_space<semaphore_mem>>)
      %dma_wait3A_115 = arith.constant 0 : i32
      %dma_wait3A_116 = tpu.memref_slice %arg4[%add3A_109, %dma_wait3A_115] : memref<20480x64xf32, #tpu.memory_space<hbm>> -> memref<640x64xf32, #tpu.memory_space<hbm>>
      %dma_wait3A_117 = arith.constant 0 : i32
      %dma_wait3A_118 = tpu.memref_slice %arg14[%mul3A_104, %dma_wait3A_117] : memref<10240x64xf32, #tpu.memory_space<vmem_shared>> -> memref<640x64xf32, #tpu.memory_space<vmem_shared>>
      tpu.wait_dma2 semaphore(%run_scoped3A_110 : memref<!tpu.dma_semaphore, #tpu.memory_space<semaphore_mem>>) src(%dma_wait3A_118 : memref<640x64xf32, #tpu.memory_space<vmem_shared>>) dst(%dma_wait3A_116 : memref<640x64xf32, #tpu.memory_space<hbm>>)
      tpu.yield
    }) : () -> ()
    return
  }
}

module attributes {stable_mosaic.version = 14 : i64} {
  func.func @_mm1_body(%arg0: i32, %arg1: memref<512x128xf32, #tpu.memory_space<vmem>>, %arg2: memref<512x128xf32, #tpu.memory_space<vmem>>, %arg3: memref<512x128xf32, #tpu.memory_space<vmem>>, %arg4: memref<3x128x256xf32, #tpu.memory_space<vmem>>, %arg5: memref<1x256xf32, #tpu.memory_space<vmem>>, %arg6: memref<512x256xf32, #tpu.memory_space<vmem>>) attributes {dimension_semantics = [#tpu.dimension_semantics<arbitrary>], iteration_bounds = array<i64: 20>, scalar_prefetch = 0 : i64, scratch_operands = 0 : i64, tpu.core_type = #tpu.core_type<tc>, window_params = [{transform_indices = @transform_0, window_bounds = array<i64: 512, 128>}, {transform_indices = @transform_1, window_bounds = array<i64: 512, 128>}, {transform_indices = @transform_2, window_bounds = array<i64: 512, 128>}, {pipeline_mode = #tpu.pipeline_mode<synchronous>, transform_indices = @transform_3, window_bounds = array<i64: 3, 128, 256>}, {pipeline_mode = #tpu.pipeline_mode<synchronous>, transform_indices = @transform_4, window_bounds = array<i64: 1, 256>}, {transform_indices = @transform_5, window_bounds = array<i64: 512, 256>}]} {
    %get3A = arith.constant 0 : index
    %get3A_0 = arith.constant 0 : index
    %get3A_1 = vector.load %arg1[%get3A, %get3A_0] : memref<512x128xf32, #tpu.memory_space<vmem>>, vector<512x128xf32>
    %get3A_2 = arith.constant 0 : index
    %get3A_3 = arith.constant 0 : index
    %get3A_4 = arith.constant 0 : index
    %get3A_5 = vector.load %arg4[%get3A_2, %get3A_3, %get3A_4] : memref<3x128x256xf32, #tpu.memory_space<vmem>>, vector<1x128x256xf32>
    %get3A_6 = vector.shape_cast %get3A_5 : vector<1x128x256xf32> to vector<128x256xf32>
    %dot_general3A = arith.constant dense<0.000000e+00> : vector<512x256xf32>
    %dot_general3A_7 = tpu.matmul %get3A_1, %get3A_6, %dot_general3A {dimension_numbers = #tpu.dot_dimension_numbers<[1], [0], [0], [1], [0, 0, 1, 1], [], []>, transpose_lhs_hint = false} : vector<512x128xf32>, vector<128x256xf32>, vector<512x256xf32> -> vector<512x256xf32>
    %get3A_8 = arith.constant 0 : index
    %get3A_9 = arith.constant 0 : index
    %get3A_10 = vector.load %arg2[%get3A_8, %get3A_9] : memref<512x128xf32, #tpu.memory_space<vmem>>, vector<512x128xf32>
    %get3A_11 = arith.constant 1 : index
    %get3A_12 = arith.constant 0 : index
    %get3A_13 = arith.constant 0 : index
    %get3A_14 = vector.load %arg4[%get3A_11, %get3A_12, %get3A_13] : memref<3x128x256xf32, #tpu.memory_space<vmem>>, vector<1x128x256xf32>
    %get3A_15 = vector.shape_cast %get3A_14 : vector<1x128x256xf32> to vector<128x256xf32>
    %dot_general3A_16 = arith.constant dense<0.000000e+00> : vector<512x256xf32>
    %dot_general3A_17 = tpu.matmul %get3A_10, %get3A_15, %dot_general3A_16 {dimension_numbers = #tpu.dot_dimension_numbers<[1], [0], [0], [1], [0, 0, 1, 1], [], []>, transpose_lhs_hint = false} : vector<512x128xf32>, vector<128x256xf32>, vector<512x256xf32> -> vector<512x256xf32>
    %add3A = arith.addf %dot_general3A_7, %dot_general3A_17 : vector<512x256xf32>
    %get3A_18 = arith.constant 0 : index
    %get3A_19 = arith.constant 0 : index
    %get3A_20 = vector.load %arg3[%get3A_18, %get3A_19] : memref<512x128xf32, #tpu.memory_space<vmem>>, vector<512x128xf32>
    %get3A_21 = arith.constant 2 : index
    %get3A_22 = arith.constant 0 : index
    %get3A_23 = arith.constant 0 : index
    %get3A_24 = vector.load %arg4[%get3A_21, %get3A_22, %get3A_23] : memref<3x128x256xf32, #tpu.memory_space<vmem>>, vector<1x128x256xf32>
    %get3A_25 = vector.shape_cast %get3A_24 : vector<1x128x256xf32> to vector<128x256xf32>
    %dot_general3A_26 = arith.constant dense<0.000000e+00> : vector<512x256xf32>
    %dot_general3A_27 = tpu.matmul %get3A_20, %get3A_25, %dot_general3A_26 {dimension_numbers = #tpu.dot_dimension_numbers<[1], [0], [0], [1], [0, 0, 1, 1], [], []>, transpose_lhs_hint = false} : vector<512x128xf32>, vector<128x256xf32>, vector<512x256xf32> -> vector<512x256xf32>
    %add3A_28 = arith.addf %add3A, %dot_general3A_27 : vector<512x256xf32>
    %get3A_29 = arith.constant 0 : index
    %get3A_30 = arith.constant 0 : index
    %get3A_31 = vector.load %arg5[%get3A_29, %get3A_30] : memref<1x256xf32, #tpu.memory_space<vmem>>, vector<1x256xf32>
    %add3A_32 = vector.broadcast %get3A_31 : vector<1x256xf32> to vector<512x256xf32>
    %add3A_33 = arith.addf %add3A_28, %add3A_32 : vector<512x256xf32>
    %swap3A = arith.constant 0 : index
    %swap3A_34 = arith.constant 0 : index
    %swap3A_35 = vector.load %arg6[%swap3A, %swap3A_34] : memref<512x256xf32, #tpu.memory_space<vmem>>, vector<512x256xf32>
    tpu.vector_store %arg6[%swap3A, %swap3A_34], %add3A_33 {strides = array<i32>} : memref<512x256xf32, #tpu.memory_space<vmem>>, vector<512x256xf32>,
    return
  }
  func.func @transform_0(%arg0: i32) -> (i32, i32) {
    %c0_i32 = arith.constant 0 : i32
    %c0_i32_0 = arith.constant 0 : i32
    return %arg0, %c0_i32 : i32, i32
  }
  func.func @transform_1(%arg0: i32) -> (i32, i32) {
    %c0_i32 = arith.constant 0 : i32
    %c0_i32_0 = arith.constant 0 : i32
    return %arg0, %c0_i32 : i32, i32
  }
  func.func @transform_2(%arg0: i32) -> (i32, i32) {
    %c0_i32 = arith.constant 0 : i32
    %c0_i32_0 = arith.constant 0 : i32
    return %arg0, %c0_i32 : i32, i32
  }
  func.func @transform_3(%arg0: i32) -> (i32, i32, i32) {
    %c0_i32 = arith.constant 0 : i32
    %c0_i32_0 = arith.constant 0 : i32
    %c0_i32_1 = arith.constant 0 : i32
    %c0_i32_2 = arith.constant 0 : i32
    return %c0_i32, %c0_i32_0, %c0_i32_1 : i32, i32, i32
  }
  func.func @transform_4(%arg0: i32) -> (i32, i32) {
    %c0_i32 = arith.constant 0 : i32
    %c0_i32_0 = arith.constant 0 : i32
    %c0_i32_1 = arith.constant 0 : i32
    return %c0_i32, %c0_i32_0 : i32, i32
  }
  func.func @transform_5(%arg0: i32) -> (i32, i32) {
    %c0_i32 = arith.constant 0 : i32
    %c0_i32_0 = arith.constant 0 : i32
    return %arg0, %c0_i32 : i32, i32
  }
}

module attributes {stable_mosaic.version = 14 : i64} {
  func.func @_mm2_body(%arg0: i32, %arg1: memref<512x256xf32, #tpu.memory_space<vmem>>, %arg2: memref<6x512xf32, #tpu.memory_space<vmem>>, %arg3: memref<512x64xf32, #tpu.memory_space<vmem>>, %arg4: memref<512x64xf32, #tpu.memory_space<vmem>>, %arg5: memref<512x64xf32, #tpu.memory_space<vmem>>, %arg6: memref<512x64xf32, #tpu.memory_space<vmem>>) attributes {dimension_semantics = [#tpu.dimension_semantics<arbitrary>], iteration_bounds = array<i64: 20>, scalar_prefetch = 0 : i64, scratch_operands = 0 : i64, tpu.core_type = #tpu.core_type<tc>, window_params = [{transform_indices = @transform_0, window_bounds = array<i64: 512, 256>}, {transform_indices = @transform_1, window_bounds = array<i64: 6, 512>}, {transform_indices = @transform_2, window_bounds = array<i64: 512, 64>}, {transform_indices = @transform_3, window_bounds = array<i64: 512, 64>}, {transform_indices = @transform_4, window_bounds = array<i64: 512, 64>}, {transform_indices = @transform_5, window_bounds = array<i64: 512, 64>}]} {
    %get3A = arith.constant 0 : index
    %get3A_0 = arith.constant 0 : index
    %get3A_1 = vector.load %arg1[%get3A, %get3A_0] : memref<512x256xf32, #tpu.memory_space<vmem>>, vector<512x256xf32>
    %get3A_2 = arith.constant 0 : index
    %get3A_3 = arith.constant 0 : index
    %get3A_4 = vector.load %arg2[%get3A_2, %get3A_3] : memref<6x512xf32, #tpu.memory_space<vmem>>, vector<6x512xf32>
    %slice3A = vector.extract_strided_slice %get3A_1 {offsets = [0, 0], sizes = [512, 64], strides = [1, 1]} : vector<512x256xf32> to vector<512x64xf32>
    %swap3A = arith.constant 0 : index
    %swap3A_5 = arith.constant 0 : index
    %swap3A_6 = vector.load %arg3[%swap3A, %swap3A_5] : memref<512x64xf32, #tpu.memory_space<vmem>>, vector<512x64xf32>
    tpu.vector_store %arg3[%swap3A, %swap3A_5], %slice3A {strides = array<i32>} : memref<512x64xf32, #tpu.memory_space<vmem>>, vector<512x64xf32>,
    %slice3A_7 = vector.extract_strided_slice %get3A_4 {offsets = [0, 0], sizes = [1, 512], strides = [1, 1]} : vector<6x512xf32> to vector<1x512xf32>
    %squeeze3A = vector.shape_cast %slice3A_7 : vector<1x512xf32> to vector<512xf32>
    %add3A = arith.constant 1.000000e+00 : f32
    %add3A_8 = vector.broadcast %add3A : f32 to vector<512xf32>
    %add3A_9 = arith.addf %add3A_8, %squeeze3A : vector<512xf32>
    %slice3A_10 = vector.extract_strided_slice %get3A_4 {offsets = [3, 0], sizes = [1, 512], strides = [1, 1]} : vector<6x512xf32> to vector<1x512xf32>
    %squeeze3A_11 = vector.shape_cast %slice3A_10 : vector<1x512xf32> to vector<512xf32>
    %add3A_12 = arith.addf %add3A_9, %squeeze3A_11 : vector<512xf32>
    %rsqrt3A = math.rsqrt %add3A_12 : vector<512xf32>
    %slice3A_13 = vector.extract_strided_slice %get3A_1 {offsets = [0, 64], sizes = [512, 64], strides = [1, 1]} : vector<512x256xf32> to vector<512x64xf32>
    %broadcast_in_dim3A = vector.shape_cast %rsqrt3A : vector<512xf32> to vector<512x1xf32>
    %mul3A = vector.broadcast %broadcast_in_dim3A : vector<512x1xf32> to vector<512x64xf32>
    %mul3A_14 = arith.mulf %slice3A_13, %mul3A : vector<512x64xf32>
    %swap3A_15 = arith.constant 0 : index
    %swap3A_16 = arith.constant 0 : index
    %swap3A_17 = vector.load %arg4[%swap3A_15, %swap3A_16] : memref<512x64xf32, #tpu.memory_space<vmem>>, vector<512x64xf32>
    tpu.vector_store %arg4[%swap3A_15, %swap3A_16], %mul3A_14 {strides = array<i32>} : memref<512x64xf32, #tpu.memory_space<vmem>>, vector<512x64xf32>,
    %slice3A_18 = vector.extract_strided_slice %get3A_4 {offsets = [1, 0], sizes = [1, 512], strides = [1, 1]} : vector<6x512xf32> to vector<1x512xf32>
    %squeeze3A_19 = vector.shape_cast %slice3A_18 : vector<1x512xf32> to vector<512xf32>
    %add3A_20 = arith.constant 1.000000e+00 : f32
    %add3A_21 = vector.broadcast %add3A_20 : f32 to vector<512xf32>
    %add3A_22 = arith.addf %add3A_21, %squeeze3A_19 : vector<512xf32>
    %slice3A_23 = vector.extract_strided_slice %get3A_4 {offsets = [4, 0], sizes = [1, 512], strides = [1, 1]} : vector<6x512xf32> to vector<1x512xf32>
    %squeeze3A_24 = vector.shape_cast %slice3A_23 : vector<1x512xf32> to vector<512xf32>
    %add3A_25 = arith.addf %add3A_22, %squeeze3A_24 : vector<512xf32>
    %rsqrt3A_26 = math.rsqrt %add3A_25 : vector<512xf32>
    %slice3A_27 = vector.extract_strided_slice %get3A_1 {offsets = [0, 128], sizes = [512, 64], strides = [1, 1]} : vector<512x256xf32> to vector<512x64xf32>
    %broadcast_in_dim3A_28 = vector.shape_cast %rsqrt3A_26 : vector<512xf32> to vector<512x1xf32>
    %mul3A_29 = vector.broadcast %broadcast_in_dim3A_28 : vector<512x1xf32> to vector<512x64xf32>
    %mul3A_30 = arith.mulf %slice3A_27, %mul3A_29 : vector<512x64xf32>
    %swap3A_31 = arith.constant 0 : index
    %swap3A_32 = arith.constant 0 : index
    %swap3A_33 = vector.load %arg5[%swap3A_31, %swap3A_32] : memref<512x64xf32, #tpu.memory_space<vmem>>, vector<512x64xf32>
    tpu.vector_store %arg5[%swap3A_31, %swap3A_32], %mul3A_30 {strides = array<i32>} : memref<512x64xf32, #tpu.memory_space<vmem>>, vector<512x64xf32>,
    %slice3A_34 = vector.extract_strided_slice %get3A_4 {offsets = [2, 0], sizes = [1, 512], strides = [1, 1]} : vector<6x512xf32> to vector<1x512xf32>
    %squeeze3A_35 = vector.shape_cast %slice3A_34 : vector<1x512xf32> to vector<512xf32>
    %add3A_36 = arith.constant 1.000000e+00 : f32
    %add3A_37 = vector.broadcast %add3A_36 : f32 to vector<512xf32>
    %add3A_38 = arith.addf %add3A_37, %squeeze3A_35 : vector<512xf32>
    %slice3A_39 = vector.extract_strided_slice %get3A_4 {offsets = [5, 0], sizes = [1, 512], strides = [1, 1]} : vector<6x512xf32> to vector<1x512xf32>
    %squeeze3A_40 = vector.shape_cast %slice3A_39 : vector<1x512xf32> to vector<512xf32>
    %add3A_41 = arith.addf %add3A_38, %squeeze3A_40 : vector<512xf32>
    %rsqrt3A_42 = math.rsqrt %add3A_41 : vector<512xf32>
    %slice3A_43 = vector.extract_strided_slice %get3A_1 {offsets = [0, 192], sizes = [512, 64], strides = [1, 1]} : vector<512x256xf32> to vector<512x64xf32>
    %broadcast_in_dim3A_44 = vector.shape_cast %rsqrt3A_42 : vector<512xf32> to vector<512x1xf32>
    %mul3A_45 = vector.broadcast %broadcast_in_dim3A_44 : vector<512x1xf32> to vector<512x64xf32>
    %mul3A_46 = arith.mulf %slice3A_43, %mul3A_45 : vector<512x64xf32>
    %swap3A_47 = arith.constant 0 : index
    %swap3A_48 = arith.constant 0 : index
    %swap3A_49 = vector.load %arg6[%swap3A_47, %swap3A_48] : memref<512x64xf32, #tpu.memory_space<vmem>>, vector<512x64xf32>
    tpu.vector_store %arg6[%swap3A_47, %swap3A_48], %mul3A_46 {strides = array<i32>} : memref<512x64xf32, #tpu.memory_space<vmem>>, vector<512x64xf32>,
    return
  }
  func.func @transform_0(%arg0: i32) -> (i32, i32) {
    %c0_i32 = arith.constant 0 : i32
    %c0_i32_0 = arith.constant 0 : i32
    return %arg0, %c0_i32 : i32, i32
  }
  func.func @transform_1(%arg0: i32) -> (i32, i32) {
    %c0_i32 = arith.constant 0 : i32
    %c0_i32_0 = arith.constant 0 : i32
    return %c0_i32, %arg0 : i32, i32
  }
  func.func @transform_2(%arg0: i32) -> (i32, i32) {
    %c0_i32 = arith.constant 0 : i32
    %c0_i32_0 = arith.constant 0 : i32
    return %arg0, %c0_i32 : i32, i32
  }
  func.func @transform_3(%arg0: i32) -> (i32, i32) {
    %c0_i32 = arith.constant 0 : i32
    %c0_i32_0 = arith.constant 0 : i32
    return %arg0, %c0_i32 : i32, i32
  }
  func.func @transform_4(%arg0: i32) -> (i32, i32) {
    %c0_i32 = arith.constant 0 : i32
    %c0_i32_0 = arith.constant 0 : i32
    return %arg0, %c0_i32 : i32, i32
  }
  func.func @transform_5(%arg0: i32) -> (i32, i32) {
    %c0_i32 = arith.constant 0 : i32
    %c0_i32_0 = arith.constant 0 : i32
    return %arg0, %c0_i32 : i32, i32
  }
}

module attributes {stable_mosaic.version = 14 : i64} {
  func.func @_fin_body(%arg0: i32, %arg1: memref<512x64xf32, #tpu.memory_space<vmem>>, %arg2: memref<512x64xf32, #tpu.memory_space<vmem>>, %arg3: memref<512x64xf32, #tpu.memory_space<vmem>>, %arg4: memref<512x64xf32, #tpu.memory_space<vmem>>, %arg5: memref<2x512x64xf32, #tpu.memory_space<vmem>>, %arg6: memref<2x512x64xf32, #tpu.memory_space<vmem>>, %arg7: memref<2x512x64xf32, #tpu.memory_space<vmem>>, %arg8: memref<6x512xf32, #tpu.memory_space<vmem>>, %arg9: memref<3x64xf32, #tpu.memory_space<vmem>>, %arg10: memref<512x64xf32, #tpu.memory_space<vmem>>) attributes {dimension_semantics = [#tpu.dimension_semantics<arbitrary>], iteration_bounds = array<i64: 20>, scalar_prefetch = 0 : i64, scratch_operands = 0 : i64, tpu.core_type = #tpu.core_type<tc>, window_params = [{transform_indices = @transform_0, window_bounds = array<i64: 512, 64>}, {transform_indices = @transform_1, window_bounds = array<i64: 512, 64>}, {transform_indices = @transform_2, window_bounds = array<i64: 512, 64>}, {transform_indices = @transform_3, window_bounds = array<i64: 512, 64>}, {transform_indices = @transform_4, window_bounds = array<i64: 2, 512, 64>}, {transform_indices = @transform_5, window_bounds = array<i64: 2, 512, 64>}, {transform_indices = @transform_6, window_bounds = array<i64: 2, 512, 64>}, {transform_indices = @transform_7, window_bounds = array<i64: 6, 512>}, {pipeline_mode = #tpu.pipeline_mode<synchronous>, transform_indices = @transform_8, window_bounds = array<i64: 3, 64>}, {transform_indices = @transform_9, window_bounds = array<i64: 512, 64>}]} {
    %get3A = arith.constant 0 : index
    %get3A_0 = arith.constant 0 : index
    %get3A_1 = vector.load %arg8[%get3A, %get3A_0] : memref<6x512xf32, #tpu.memory_space<vmem>>, vector<6x512xf32>
    %get3A_2 = arith.constant 0 : index
    %get3A_3 = arith.constant 0 : index
    %get3A_4 = vector.load %arg1[%get3A_2, %get3A_3] : memref<512x64xf32, #tpu.memory_space<vmem>>, vector<512x64xf32>
    %slice3A = vector.extract_strided_slice %get3A_1 {offsets = [0, 0], sizes = [1, 512], strides = [1, 1]} : vector<6x512xf32> to vector<1x512xf32>
    %squeeze3A = vector.shape_cast %slice3A : vector<1x512xf32> to vector<512xf32>
    %add3A = arith.constant 1.000000e+00 : f32
    %add3A_5 = vector.broadcast %add3A : f32 to vector<512xf32>
    %add3A_6 = arith.addf %add3A_5, %squeeze3A : vector<512xf32>
    %slice3A_7 = vector.extract_strided_slice %get3A_1 {offsets = [3, 0], sizes = [1, 512], strides = [1, 1]} : vector<6x512xf32> to vector<1x512xf32>
    %squeeze3A_8 = vector.shape_cast %slice3A_7 : vector<1x512xf32> to vector<512xf32>
    %add3A_9 = arith.addf %add3A_6, %squeeze3A_8 : vector<512xf32>
    %rsqrt3A = math.rsqrt %add3A_9 : vector<512xf32>
    %get3A_10 = arith.constant 0 : index
    %get3A_11 = arith.constant 0 : index
    %get3A_12 = arith.constant 0 : index
    %get3A_13 = vector.load %arg5[%get3A_10, %get3A_11, %get3A_12] : memref<2x512x64xf32, #tpu.memory_space<vmem>>, vector<1x512x64xf32>
    %get3A_14 = vector.shape_cast %get3A_13 : vector<1x512x64xf32> to vector<512x64xf32>
    %get3A_15 = arith.constant 1 : index
    %get3A_16 = arith.constant 0 : index
    %get3A_17 = arith.constant 0 : index
    %get3A_18 = vector.load %arg5[%get3A_15, %get3A_16, %get3A_17] : memref<2x512x64xf32, #tpu.memory_space<vmem>>, vector<1x512x64xf32>
    %get3A_19 = vector.shape_cast %get3A_18 : vector<1x512x64xf32> to vector<512x64xf32>
    %add3A_20 = arith.addf %get3A_14, %get3A_19 : vector<512x64xf32>
    %get3A_21 = arith.constant 0 : index
    %get3A_22 = arith.constant 0 : index
    %get3A_23 = vector.load %arg2[%get3A_21, %get3A_22] : memref<512x64xf32, #tpu.memory_space<vmem>>, vector<512x64xf32>
    %add3A_24 = arith.addf %add3A_20, %get3A_23 : vector<512x64xf32>
    %broadcast_in_dim3A = vector.shape_cast %rsqrt3A : vector<512xf32> to vector<512x1xf32>
    %mul3A = vector.broadcast %broadcast_in_dim3A : vector<512x1xf32> to vector<512x64xf32>
    %mul3A_25 = arith.mulf %add3A_24, %mul3A : vector<512x64xf32>
    %get3A_26 = arith.constant 0 : index
    %get3A_27 = arith.constant 0 : index
    %get3A_28 = vector.load %arg9[%get3A_26, %get3A_27] : memref<3x64xf32, #tpu.memory_space<vmem>>, vector<1x64xf32>
    %get3A_29 = vector.shape_cast %get3A_28 : vector<1x64xf32> to vector<64xf32>
    %broadcast_in_dim3A_30 = vector.shape_cast %get3A_29 : vector<64xf32> to vector<1x64xf32>
    %add3A_31 = vector.broadcast %broadcast_in_dim3A_30 : vector<1x64xf32> to vector<512x64xf32>
    %add3A_32 = arith.addf %mul3A_25, %add3A_31 : vector<512x64xf32>
    %max3A = arith.constant 0.000000e+00 : f32
    %max3A_33 = vector.broadcast %max3A : f32 to vector<512x64xf32>
    %max3A_34 = arith.maximumf %add3A_32, %max3A_33 : vector<512x64xf32>
    %add3A_35 = arith.addf %get3A_4, %max3A_34 : vector<512x64xf32>
    %slice3A_36 = vector.extract_strided_slice %get3A_1 {offsets = [1, 0], sizes = [1, 512], strides = [1, 1]} : vector<6x512xf32> to vector<1x512xf32>
    %squeeze3A_37 = vector.shape_cast %slice3A_36 : vector<1x512xf32> to vector<512xf32>
    %add3A_38 = arith.constant 1.000000e+00 : f32
    %add3A_39 = vector.broadcast %add3A_38 : f32 to vector<512xf32>
    %add3A_40 = arith.addf %add3A_39, %squeeze3A_37 : vector<512xf32>
    %slice3A_41 = vector.extract_strided_slice %get3A_1 {offsets = [4, 0], sizes = [1, 512], strides = [1, 1]} : vector<6x512xf32> to vector<1x512xf32>
    %squeeze3A_42 = vector.shape_cast %slice3A_41 : vector<1x512xf32> to vector<512xf32>
    %add3A_43 = arith.addf %add3A_40, %squeeze3A_42 : vector<512xf32>
    %rsqrt3A_44 = math.rsqrt %add3A_43 : vector<512xf32>
    %get3A_45 = arith.constant 0 : index
    %get3A_46 = arith.constant 0 : index
    %get3A_47 = arith.constant 0 : index
    %get3A_48 = vector.load %arg6[%get3A_45, %get3A_46, %get3A_47] : memref<2x512x64xf32, #tpu.memory_space<vmem>>, vector<1x512x64xf32>
    %get3A_49 = vector.shape_cast %get3A_48 : vector<1x512x64xf32> to vector<512x64xf32>
    %get3A_50 = arith.constant 1 : index
    %get3A_51 = arith.constant 0 : index
    %get3A_52 = arith.constant 0 : index
    %get3A_53 = vector.load %arg6[%get3A_50, %get3A_51, %get3A_52] : memref<2x512x64xf32, #tpu.memory_space<vmem>>, vector<1x512x64xf32>
    %get3A_54 = vector.shape_cast %get3A_53 : vector<1x512x64xf32> to vector<512x64xf32>
    %add3A_55 = arith.addf %get3A_49, %get3A_54 : vector<512x64xf32>
    %get3A_56 = arith.constant 0 : index
    %get3A_57 = arith.constant 0 : index
    %get3A_58 = vector.load %arg3[%get3A_56, %get3A_57] : memref<512x64xf32, #tpu.memory_space<vmem>>, vector<512x64xf32>
    %add3A_59 = arith.addf %add3A_55, %get3A_58 : vector<512x64xf32>
    %broadcast_in_dim3A_60 = vector.shape_cast %rsqrt3A_44 : vector<512xf32> to vector<512x1xf32>
    %mul3A_61 = vector.broadcast %broadcast_in_dim3A_60 : vector<512x1xf32> to vector<512x64xf32>
    %mul3A_62 = arith.mulf %add3A_59, %mul3A_61 : vector<512x64xf32>
    %get3A_63 = arith.constant 1 : index
    %get3A_64 = arith.constant 0 : index
    %get3A_65 = vector.load %arg9[%get3A_63, %get3A_64] : memref<3x64xf32, #tpu.memory_space<vmem>>, vector<1x64xf32>
    %get3A_66 = vector.shape_cast %get3A_65 : vector<1x64xf32> to vector<64xf32>
    %broadcast_in_dim3A_67 = vector.shape_cast %get3A_66 : vector<64xf32> to vector<1x64xf32>
    %add3A_68 = vector.broadcast %broadcast_in_dim3A_67 : vector<1x64xf32> to vector<512x64xf32>
    %add3A_69 = arith.addf %mul3A_62, %add3A_68 : vector<512x64xf32>
    %max3A_70 = arith.constant 0.000000e+00 : f32
    %max3A_71 = vector.broadcast %max3A_70 : f32 to vector<512x64xf32>
    %max3A_72 = arith.maximumf %add3A_69, %max3A_71 : vector<512x64xf32>
    %add3A_73 = arith.addf %add3A_35, %max3A_72 : vector<512x64xf32>
    %slice3A_74 = vector.extract_strided_slice %get3A_1 {offsets = [2, 0], sizes = [1, 512], strides = [1, 1]} : vector<6x512xf32> to vector<1x512xf32>
    %squeeze3A_75 = vector.shape_cast %slice3A_74 : vector<1x512xf32> to vector<512xf32>
    %add3A_76 = arith.constant 1.000000e+00 : f32
    %add3A_77 = vector.broadcast %add3A_76 : f32 to vector<512xf32>
    %add3A_78 = arith.addf %add3A_77, %squeeze3A_75 : vector<512xf32>
    %slice3A_79 = vector.extract_strided_slice %get3A_1 {offsets = [5, 0], sizes = [1, 512], strides = [1, 1]} : vector<6x512xf32> to vector<1x512xf32>
    %squeeze3A_80 = vector.shape_cast %slice3A_79 : vector<1x512xf32> to vector<512xf32>
    %add3A_81 = arith.addf %add3A_78, %squeeze3A_80 : vector<512xf32>
    %rsqrt3A_82 = math.rsqrt %add3A_81 : vector<512xf32>
    %get3A_83 = arith.constant 0 : index
    %get3A_84 = arith.constant 0 : index
    %get3A_85 = arith.constant 0 : index
    %get3A_86 = vector.load %arg7[%get3A_83, %get3A_84, %get3A_85] : memref<2x512x64xf32, #tpu.memory_space<vmem>>, vector<1x512x64xf32>
    %get3A_87 = vector.shape_cast %get3A_86 : vector<1x512x64xf32> to vector<512x64xf32>
    %get3A_88 = arith.constant 1 : index
    %get3A_89 = arith.constant 0 : index
    %get3A_90 = arith.constant 0 : index
    %get3A_91 = vector.load %arg7[%get3A_88, %get3A_89, %get3A_90] : memref<2x512x64xf32, #tpu.memory_space<vmem>>, vector<1x512x64xf32>
    %get3A_92 = vector.shape_cast %get3A_91 : vector<1x512x64xf32> to vector<512x64xf32>
    %add3A_93 = arith.addf %get3A_87, %get3A_92 : vector<512x64xf32>
    %get3A_94 = arith.constant 0 : index
    %get3A_95 = arith.constant 0 : index
    %get3A_96 = vector.load %arg4[%get3A_94, %get3A_95] : memref<512x64xf32, #tpu.memory_space<vmem>>, vector<512x64xf32>
    %add3A_97 = arith.addf %add3A_93, %get3A_96 : vector<512x64xf32>
    %broadcast_in_dim3A_98 = vector.shape_cast %rsqrt3A_82 : vector<512xf32> to vector<512x1xf32>
    %mul3A_99 = vector.broadcast %broadcast_in_dim3A_98 : vector<512x1xf32> to vector<512x64xf32>
    %mul3A_100 = arith.mulf %add3A_97, %mul3A_99 : vector<512x64xf32>
    %get3A_101 = arith.constant 2 : index
    %get3A_102 = arith.constant 0 : index
    %get3A_103 = vector.load %arg9[%get3A_101, %get3A_102] : memref<3x64xf32, #tpu.memory_space<vmem>>, vector<1x64xf32>
    %get3A_104 = vector.shape_cast %get3A_103 : vector<1x64xf32> to vector<64xf32>
    %broadcast_in_dim3A_105 = vector.shape_cast %get3A_104 : vector<64xf32> to vector<1x64xf32>
    %add3A_106 = vector.broadcast %broadcast_in_dim3A_105 : vector<1x64xf32> to vector<512x64xf32>
    %add3A_107 = arith.addf %mul3A_100, %add3A_106 : vector<512x64xf32>
    %max3A_108 = arith.constant 0.000000e+00 : f32
    %max3A_109 = vector.broadcast %max3A_108 : f32 to vector<512x64xf32>
    %max3A_110 = arith.maximumf %add3A_107, %max3A_109 : vector<512x64xf32>
    %add3A_111 = arith.addf %add3A_73, %max3A_110 : vector<512x64xf32>
    %reduce_max3A = arith.constant dense<0xFF800000> : vector<512xf32>
    %reduce_max3A_112 = vector.multi_reduction <maximumf>, %add3A_111, %reduce_max3A [1] : vector<512x64xf32> to vector<512xf32>
    %broadcast_in_dim3A_113 = vector.shape_cast %reduce_max3A_112 : vector<512xf32> to vector<512x1xf32>
    %sub3A = vector.broadcast %broadcast_in_dim3A_113 : vector<512x1xf32> to vector<512x64xf32>
    %sub3A_114 = arith.subf %add3A_111, %sub3A : vector<512x64xf32>
    %exp3A = math.exp %sub3A_114 : vector<512x64xf32>
    %reduce_sum3A = arith.constant dense<0.000000e+00> : vector<512xf32>
    %reduce_sum3A_115 = vector.multi_reduction <add>, %exp3A, %reduce_sum3A [1] : vector<512x64xf32> to vector<512xf32>
    %broadcast_in_dim3A_116 = vector.shape_cast %reduce_sum3A_115 : vector<512xf32> to vector<512x1xf32>
    %log3A = math.log %broadcast_in_dim3A_116 : vector<512x1xf32>
    %sub3A_117 = vector.broadcast %broadcast_in_dim3A_113 : vector<512x1xf32> to vector<512x64xf32>
    %sub3A_118 = arith.subf %add3A_111, %sub3A_117 : vector<512x64xf32>
    %sub3A_119 = vector.broadcast %log3A : vector<512x1xf32> to vector<512x64xf32>
    %sub3A_120 = arith.subf %sub3A_118, %sub3A_119 : vector<512x64xf32>
    %swap3A = arith.constant 0 : index
    %swap3A_121 = arith.constant 0 : index
    %swap3A_122 = vector.load %arg10[%swap3A, %swap3A_121] : memref<512x64xf32, #tpu.memory_space<vmem>>, vector<512x64xf32>
    tpu.vector_store %arg10[%swap3A, %swap3A_121], %sub3A_120 {strides = array<i32>} : memref<512x64xf32, #tpu.memory_space<vmem>>, vector<512x64xf32>,
    return
  }
  func.func @transform_0(%arg0: i32) -> (i32, i32) {
    %c0_i32 = arith.constant 0 : i32
    %c0_i32_0 = arith.constant 0 : i32
    return %arg0, %c0_i32 : i32, i32
  }
  func.func @transform_1(%arg0: i32) -> (i32, i32) {
    %c0_i32 = arith.constant 0 : i32
    %c0_i32_0 = arith.constant 0 : i32
    return %arg0, %c0_i32 : i32, i32
  }
  func.func @transform_2(%arg0: i32) -> (i32, i32) {
    %c0_i32 = arith.constant 0 : i32
    %c0_i32_0 = arith.constant 0 : i32
    return %arg0, %c0_i32 : i32, i32
  }
  func.func @transform_3(%arg0: i32) -> (i32, i32) {
    %c0_i32 = arith.constant 0 : i32
    %c0_i32_0 = arith.constant 0 : i32
    return %arg0, %c0_i32 : i32, i32
  }
  func.func @transform_4(%arg0: i32) -> (i32, i32, i32) {
    %c0_i32 = arith.constant 0 : i32
    %c0_i32_0 = arith.constant 0 : i32
    %c0_i32_1 = arith.constant 0 : i32
    return %c0_i32, %arg0, %c0_i32_0 : i32, i32, i32
  }
  func.func @transform_5(%arg0: i32) -> (i32, i32, i32) {
    %c0_i32 = arith.constant 0 : i32
    %c0_i32_0 = arith.constant 0 : i32
    %c0_i32_1 = arith.constant 0 : i32
    return %c0_i32, %arg0, %c0_i32_0 : i32, i32, i32
  }
  func.func @transform_6(%arg0: i32) -> (i32, i32, i32) {
    %c0_i32 = arith.constant 0 : i32
    %c0_i32_0 = arith.constant 0 : i32
    %c0_i32_1 = arith.constant 0 : i32
    return %c0_i32, %arg0, %c0_i32_0 : i32, i32, i32
  }
  func.func @transform_7(%arg0: i32) -> (i32, i32) {
    %c0_i32 = arith.constant 0 : i32
    %c0_i32_0 = arith.constant 0 : i32
    return %c0_i32, %arg0 : i32, i32
  }
  func.func @transform_8(%arg0: i32) -> (i32, i32) {
    %c0_i32 = arith.constant 0 : i32
    %c0_i32_0 = arith.constant 0 : i32
    %c0_i32_1 = arith.constant 0 : i32
    return %c0_i32, %c0_i32_0 : i32, i32
  }
  func.func @transform_9(%arg0: i32) -> (i32, i32) {
    %c0_i32 = arith.constant 0 : i32
    %c0_i32_0 = arith.constant 0 : i32
    return %arg0, %c0_i32 : i32, i32
  }
}

</mosaic_0001>

<sc_bundles>
// kernel: kernel.12.cloned.1.call-start
scs
__scs_entry_jumppad:
0x0: {  	(pc) =	sbr.rel $0x88, $3  }
0x1: {  	(tag) =	ssettag $0x0;
	lr =	simm.s32 $0x1  }
0x2: {  	[smem:$0x3F92] =	sst lr;
	_ =	strace $0xD0000000  }
0x3: {  	_ = 	snop  }
0x4: {  	_ = 	snop  }
0x5: {  	_ = 	snop  }
0x6: {  	_ = 	snop  }
0x7: {  	_ = 	snop  }
__scs_overlays_trampoline_lowered:
0x8: {  	[smem:$0x3FA1] =	sst s0  }
0x9: {  	[smem:$0x3FA2] =	sst s1  }
0xa: {  	[smem:$0x3FA3] =	sst s2  }
0xb: {  	[smem:$0x3FA4] =	sst s3  }
0xc: {  	[smem:$0x3FA5] =	sst s4  }
0xd: {  	[smem:$0x3FA6] =	sst s5  }
0xe: {  	[smem:$0x3FA7] =	sst s6  }
0xf: {  	[smem:$0x3FA8] =	sst s7  }
0x10: {  	[smem:$0x3FA9] =	sst s8  }
0x11: {  	[smem:$0x3FAA] =	sst s9;
	s0 =	simm.s32 @!p0 $0x0  }
0x12: {  	s1 =	sld [smem:$0x3F90];
	s0 =	simm.s32 @p0 $0x1  }
0x13: {  	[smem:$0x3FAB] =	sst s0;
	s0 =	simm.s32 @!p1 $0x0  }
0x14: {  	s2 =	sld [smem:$0x3F8F];
	s0 =	simm.s32 @p1 $0x1  }
0x15: {  	[smem:$0x3FAC] =	sst s0;
	s0 =	simm.s32 @!p2 $0x0  }
0x16: {  	s3 =	sld [smem:$0x3FDB];
	s0 =	simm.s32 @p2 $0x1  }
0x17: {  	s4 =	simm.s32 $0x1BF5;
	[smem:$0x3FAE] =	sst s0  }
0x18: {  	s0 =	sld [smem:$0x3F91];
	_ =	swait.ge [sflag:s4], $0x0  }
0x19: {  	s7 =	sld [smem:$0x3F92]  }
0x1a: {  	s8 =	sadd.s32 $0xFFFFE003, lr  }
0x1b: {  	s9 =	sadd.s32 $0xFFFFFEF7, lr;
	s5 =	simm.s32 $0xFFFFFFFF;
	p2 =	slt.u32 s8, $0xFFFFF086  }
0x1c: {  	p1 =	slt.u32 s9, $0xF7A;
	s5 =	simm.s32 @!p2 $0x0  }
0x1d: {  	s5 =	simm.s32 @p1 $0x1;
	p0 =	seq.s32 s7, s2  }
0x1e: {  	s7 =	smul.u32 @!p0 $0xF7A, s2;
	p2 =	seq.s32 @!p0 s5, $0x0  }
0x1f: {  	s9 =	smul.u32 $0xF7A, s1;
	s8 =	simm.s32 @!p0 $0x1BF5;
	p2 =	por !p2, p0  }
0x20: {  	[sflag:s8] =	ssyncset.s32 @!p0 $0xFFFFF086;
	s6 =	sadd.s32 @!p0 s3, s7;
	s7 =	simm.s32 @!p0 $0x108  }
0x21: {  	s3 =	sadd.s32 s3, s9;
	s6 =	sadd.s32 @!p0 $0x88, s6;
	s7 =	simm.s32 @p2 $0x1082  }
0x22: {  	[simem:s7], [sflag:s8] =	dma.local @!p0 [hbm:s6], $0xF7A  }
0x23: {  	s9 =	sor.u32 $0xD0000000, s2;
	s6 =	simm.s32 $0x108;
	_ =	swait.ge @!p0 [sflag:s8], $0x0  }
0x24: {  	s3 =	sadd.s32 $0x88, s3;
	s6 =	simm.s32 @!p1 $0x1082;
	[sflag:s4] =	ssyncset.s32 $0xFFFFF086  }
0x25: {  	[simem:s6], [sflag:s4] =	dma.local [hbm:s3], $0xF7A  }
0x26: {  	[smem:$0x3F92] =	sst s1;
	(tag) =	ssettag s2;
	_ =	strace s9  }
0x27: {  	s1 =	sld [smem:$0x3FA2]  }
0x28: {  	s2 =	sld [smem:$0x3FA3]  }
0x29: {  	s4 =	sld [smem:$0x3FA5]  }
0x2a: {  	p0 =	seq.s32 s5, $0x0;
	s5 =	sld [smem:$0x3FA6]  }
0x2b: {  	s6 =	sld [smem:$0x3FA7]  }
0x2c: {  	s7 =	sld [smem:$0x3FA8]  }
0x2d: {  	s3 =	simm.s32 $0x108;
	s8 =	sld [smem:$0x3FA9]  }
0x2e: {  	s3 =	simm.s32 @!p0 $0x1082;
	s9 =	sld [smem:$0x3FAA]  }
0x2f: {  	lr =	sadd.s32 s0, s3;
	s0 =	sld [smem:$0x3FA1]  }
0x30: {  	s3 =	sld [smem:$0x3FA4]  }
0x31: {  	[smem:$0x3FAD] =	sst s10  }
0x32: {  	s10 =	sld [smem:$0x3FAB];
	_ =	sdelay $0x3  }
0x33: {  	p0 =	seq.s32 s10, $0x1;
	s10 =	sld [smem:$0x3FAD];
	_ =	sdelay $0x3  }
0x34: {  	[smem:$0x3FAD] =	sst s10  }
0x35: {  	s10 =	sld [smem:$0x3FAC];
	_ =	sdelay $0x3  }
0x36: {  	p1 =	seq.s32 s10, $0x1;
	s10 =	sld [smem:$0x3FAD];
	_ =	sdelay $0x3  }
0x37: {  	[smem:$0x3FAD] =	sst s10  }
0x38: {  	s10 =	sld [smem:$0x3FAE]  }
0x39: {  	_ = 	snop;
	(pc) =	sbr.ind lr, $3  }
0x3a: {  	_ = 	snop  }
0x3b: {  	_ = 	snop  }
0x3c: {  	p2 =	seq.s32 s10, $0x1;
	s10 =	sld [smem:$0x3FAD]  }
0x3d: {  	_ =	shalt  }
0x3e: {  	_ =	shalt  }
0x3f: {  	_ =	shalt  }
0x40: {  	_ =	shalt  }
0x41: {  	_ =	shalt  }
0x42: {  	_ =	shalt  }
0x43: {  	_ =	shalt  }
0x44: {  	_ =	shalt  }
0x45: {  	_ =	shalt  }
0x46: {  	_ =	shalt  }
0x47: {  	_ =	shalt  }
0x48: {  	_ =	shalt  }
0x49: {  	_ =	shalt  }
0x4a: {  	_ =	shalt  }
0x4b: {  	_ =	shalt  }
0x4c: {  	_ =	shalt  }
0x4d: {  	_ =	shalt  }
0x4e: {  	_ =	shalt  }
0x4f: {  	_ =	shalt  }
0x50: {  	_ =	shalt  }
0x51: {  	_ =	shalt  }
0x52: {  	_ =	shalt  }
0x53: {  	_ =	shalt  }
0x54: {  	_ =	shalt  }
0x55: {  	_ =	shalt  }
0x56: {  	_ =	shalt  }
0x57: {  	_ =	shalt  }
0x58: {  	_ =	shalt  }
0x59: {  	_ =	shalt  }
0x5a: {  	_ =	shalt  }
0x5b: {  	_ =	shalt  }
0x5c: {  	_ =	shalt  }
0x5d: {  	_ =	shalt  }
0x5e: {  	_ =	shalt  }
0x5f: {  	_ =	shalt  }
0x60: {  	_ =	shalt  }
0x61: {  	_ =	shalt  }
0x62: {  	_ =	shalt  }
0x63: {  	_ =	shalt  }
0x64: {  	_ =	shalt  }
0x65: {  	_ =	shalt  }
0x66: {  	_ =	shalt  }
0x67: {  	_ =	shalt  }
0x68: {  	_ =	shalt  }
0x69: {  	_ =	shalt  }
0x6a: {  	_ =	shalt  }
0x6b: {  	_ =	shalt  }
0x6c: {  	_ =	shalt  }
0x6d: {  	_ =	shalt  }
0x6e: {  	_ =	shalt  }
0x6f: {  	_ =	shalt  }
0x70: {  	_ =	shalt  }
0x71: {  	_ =	shalt  }
0x72: {  	_ =	shalt  }
0x73: {  	_ =	shalt  }
0x74: {  	_ =	shalt  }
0x75: {  	_ =	shalt  }
0x76: {  	_ =	shalt  }
0x77: {  	_ =	shalt  }
0x78: {  	_ =	shalt  }
0x79: {  	_ =	shalt  }
0x7a: {  	_ =	shalt  }
0x7b: {  	_ =	shalt  }
0x7c: {  	_ =	shalt  }
0x7d: {  	_ =	shalt  }
0x7e: {  	_ =	shalt  }
0x7f: {  	_ =	shalt  }
0x80: {  	_ =	shalt  }
0x81: {  	_ =	shalt  }
0x82: {  	_ =	shalt  }
0x83: {  	_ =	shalt  }
0x84: {  	_ =	shalt  }
0x85: {  	_ =	shalt  }
0x86: {  	_ =	shalt  }
0x87: {  	_ =	shalt  }
.Lfunc_end0:
.L_simem_size_0:
called_computation.1_lowered:
.L_overlay_start_0:
0x88: {  	s2 =	sld [smem:$0x3FD9]  }
0x89: {  	s3 =	sld [smem:$0x3FFE];
	_ =	sdelay $0x1  }
0x8a: {  	s1 =	srdreg.scid  }
0x8b: {  	s0 =	sand.u32 $0x1, s1  }
0x8c: {  	s17 =	sshll.u32 s0, $0xA;
	s2 =	sadd.s32 s3, s2  }
0x8d: {  	s2 =	sadd.s32 s2, s17  }
0x8e: {  	[smem:$0x3FB9] =	sst s2  }
0x8f: {  	_ = 	snop  }
0x90: {  	s2 =	sld [smem:$0x3FD0];
	(tm) =	ssettm $0x1  }
0x91: {  	s18 =	sld [smem:$0x3FFB];
	_ =	sdelay $0x3  }
0x92: {  	_ =	strace s18  }
0x93: {  	s3 =	sld [smem:$0x3FFC];
	_ =	sdelay $0x3  }
0x94: {  	_ =	strace s3  }
0x95: {  	s3 =	sld [smem:$0x3FFD];
	_ =	sdelay $0x3  }
0x96: {  	_ =	strace s3  }
0x97: {  	_ =	strace $0x8FFFFFFF  }
0x98: {  	s19 =	sld [smem:$0x3FDB];
	_ =	sdelay $0x1  }
0x99: {  	s4 =	simm.s32 $_scs_section_size  }
0x9a: {  	s5 =	simm.s32 $_size__tile_overlayer_lowered;
	s6 =	simm.s32 $_tile_overlayer_lowered  }
0x9b: {  	s22 =	simm.s32 $0x1BFF;
	s21 =	sshll.u32 s6, $0x1;
	s3 =	sadd.s32 s4, s19  }
0x9c: {  	s7 =	simm.s32 $0x0;
	s20 =	sshll.u32 s5, $0x1;
	s5 =	sadd.s32 s21, s3  }
0x9d: {  	[timem:s7], [sflag:s22] =	dma.local [hbm:s5], s20  }
0x9e: {  	_ =	swait.ge [sflag:s22], s20  }
0x9f: {  	s4 =	ssub.s32 $0x0, s20;
	[sflag:s22] =	ssyncset.done $0x0  }
0xa0: {  	[sflag:s22] =	ssyncadd.s32 s4;
	_ =	sdelay $0x1  }
0xa1: {  	s23 =	simm.s32 $0x1B8B  }
0xa2: {  	_ =	swait.ge [sflag:s23], $0x1  }
0xa3: {  	[sflag:s23] =	ssyncset.done $0x0  }
0xa4: {  	s25 =	simm.s32 $0x1B8E;
	s24 =	sld [smem:$0x3FFE];
	[sflag:s23] =	ssyncadd.s32 $0xFFFFFFFF  }
0xa5: {  	s26 =	simm.s32 $execute0_lowered;
	[smem:$0x3FD2] =	sst s25  }
0xa6: {  	s5 =	sshll.u32 s26, $0x1;
	_ =	strace $0x80000049;
	[dreg:$0x1] =	wrdreg $0xFFFFFFFF  }
0xa7: {  	s28 =	simm.s32 $_size_execute0_lowered;
	s3 =	sadd.s32 s3, s5;
	[dreg:$0x0] =	wrdreg $0x0  }
0xa8: {  	s5 =	sshll.u32 s28, $0x1;
	[dreg:$0x2] =	wrdreg s3  }
0xa9: {  	[dreg:$0x3] =	wrdreg s5  }
0xaa: {  	[dreg:$0x4] =	wrdreg $0xC0  }
0xab: {  	_ =	task [dreg:s7], $0x5FFFF  }
0xac: {  	[dreg:$0x1] =	wrdreg $0xFFFFFFFF  }
0xad: {  	[dreg:$0x0] =	wrdreg $0x60  }
0xae: {  	[dreg:$0x2] =	wrdreg s24  }
0xaf: {  	[dreg:$0x3] =	wrdreg s2  }
0xb0: {  	[dreg:$0x4] =	wrdreg $0x12E200  }
0xb1: {  	[dreg:$0x5] =	wrdreg $0x9  }
0xb2: {  	_ =	task.clear_ibuf [dreg:s7], $0x6FFFF;
	_ =	strace $0x90000049  }
0xb3: {  	s29 =	simm.s32 $0x9;
	_ =	strace $0x8000004B  }
0xb4: {  	_ =	swait.ge [sflag:s29], $0x1  }
0xb5: {  	[sflag:s29] =	ssyncadd.s32 $0xFFFFFFFF  }
0xb6: {  	_ =	strace $0x9000004B  }
0xb7: {  	_ =	sfence  }
0xb8: {  	s30 =	sld [smem:$0x0];
	_ =	sdelay $0x2  }
0xb9: {  	s31 =	sshll.u32 s1, $0xD;
	s1 =	sshrl.u32 s1, $0x2  }
0xba: {  	s3 =	sand.u32 $0x4000, s31;
	s1 =	sadd.s32 s1, s30  }
0xbb: {  	s0 =	sor.u32 s3, s0;
	s1 =	sshll.u32 s1, $0x11  }
0xbc: {  	s0 =	sor.u32 s1, s0  }
0xbd: {  	s0 =	sadd.s32 $0x8F2B, s0  }
0xbe: {  	[sflag:s0] =	ssyncadd.remote.s32 $0x1  }
0xbf: {  	_ =	sfence.sel $0xFFFF  }
0xc0: {  	[dreg:$0x0] =	wrdreg $0xFFFFFFFF;
	(pc) =	sbr.abs _section_cstart, $3  }
0xc1: {  	[dreg:$0x1] =	wrdreg $0xFFFFFFFF  }
0xc2: {  	_ =	task.clear_ibuf [dreg:s7], $0x2FFFF;
	_ =	strace $0x9FFFFFFF  }
0xc3: {  	(tm) =	ssettm $0x7FFFFFFF  }
tec
execute0_lowered:
.L_overlay_start_1:
0x0: {  	(tag) =	ssettag $0x1  }
0x1: {  	s0 =	rddreg [dreg:$0x0]  }
0x2: {  	s1 =	rddreg [dreg:$0x1]  }
0x3: {  	s2 =	rddreg [dreg:$0x2]  }
0x4: {  	s4 =	srdreg.scid;
	s9 =	stileid.u32  }
0x5: {  	s3 =	simm.s32 $0x0;
	s14 =	simm.s32 $0x10E20;
	s15 =	simm.s32 $0xD  }
0x6: {  	s17 =	simm.s32 $0x80;
	s18 =	simm.s32 $0x4E20;
	s31 =	simm.s32 $0xAE20  }
0x7: {  	s28 =	simm.s32 $0x5;
	s29 =	simm.s32 $0x6;
	s6 =	smul.u32 $0x1400, s9  }
0x8: {  	s5 =	sand.u32 $0x1, s4;
	s8 =	sshll.u32 s9, $0x1;
	s9 =	smul.u32 $0x28000, s9  }
0x9: {  	[smem:$0x7FF] =	sst s3;
	s4 =	sadd.s32 $0x51E00, s0;
	s7 =	smul.u32 $0x14000, s5  }
0xa: {  	_ =	strace $0x8000004A;
	s19 =	sor.u32 s5, s8;
	s20 =	ssub.s32 $0x2, s5  }
0xb: {  	[dreg:$0x4] =	wrdreg s31;
	s21 =	sshrl.u32 s9, $0x2;
	s22 =	sshrl.u32 s20, $0x1  }
0xc: {  	s6 =	sadd.s32 s6, s7;
	s7 =	smul.u32 $0x2710, s19;
	s5 =	sadd.s32 s21, s2  }
0xd: {  	s19 =	simm.s32 $0x6E20;
	s21 =	simm.s32 $0x8E20;
	s23 =	sadd.s32 $0x2000, s5  }
0xe: {  	s0 =	sadd.s32 s6, s0;
	s24 =	sadd.s32 $0x4000, s5;
	[dreg:$0x5] =	wrdreg s23  }
0xf: {  	s6 =	ssub.s32 s20, s22;
	s25 =	sadd.s32 $0x6000, s5;
	[dreg:$0x6] =	wrdreg s24  }
0x10: {  	s26 =	sadd.s32 $0x8000, s5;
	s22 =	simm.s32 $0x1;
	[dreg:$0x7] =	wrdreg s25  }
0x11: {  	s7 =	sshrl.u32 s7, $0x3;
	[dreg:$0x9] =	wrdreg s26;
	s0 =	sadd.s32 $0x65800, s0  }
0x12: {  	s30 =	smax.u32 s6, $0x1;
	s23 =	simm.s32 $0xCE20;
	[dreg:$0xb] =	wrdreg s0  }
0x13: {  	s24 =	simm.s32 $0x2;
	s1 =	sadd.s32 s1, s7;
	[dreg:$0xc] =	wrdreg s30  }
0x14: {  	s25 =	simm.s32 $0xEE20;
	[dreg:$0x8] =	wrdreg s1;
	s1 =	sadd.s32 $0x9C40, s1  }
0x15: {  	v0 =	vimm.f32 $0.0e+00;
	s26 =	simm.s32 $0x3;
	[dreg:$0xa] =	wrdreg s1;
	s1 =	simm.s32 $0xC  }
.LBB2_1:
0x16: {  	s8 =	simm.s32 $0x100;
	s7 =	simm.s32 $0x0  }
.LBB2_2:
0x17: {  	p0 =	sne.s32 s8, $0x7F00;
	[tilespmem:s7+$0x10E50] =	vst v0;
	s10 =	smov.u32 s8;
	s8 =	sadd.s32 $0x100, s8  }
.Ltmp0:
0x18: {  	[tilespmem:s7+$0x10E40] =	vst v0;
	(pc) =	sbr.rel @p0 .LBB2_2-.Ltmp0, $3  }
0x19: {  	[tilespmem:s7+$0x10E20] =	vst v0  }
0x1a: {  	[tilespmem:s7+$0x10E30] =	vst v0;
	_ =	sdelay $0x1  }
0x1b: {  	s7 =	sshra.s32 s10, $0x2  }
0x1c: {  	[tilespmem:s7+$0x10E50] =	vst v0  }
0x1d: {  	[tilespmem:s7+$0x10E40] =	vst v0  }
0x1e: {  	[tilespmem:s7+$0x10E20] =	vst v0  }
0x1f: {  	[tilespmem:s7+$0x10E30] =	vst v0  }
0x20: {  	[spmem:s5] =	stream.linear.scatter [tilespmem:s14], [sflag:$0xD], $0x2000, $0x38;
	[tilespmem:$0x1CE20] =	vst v63  }
0x21: {  	_ =	swait.ge [sflag:s15], $0x2000  }
0x22: {  	[sflag:s15] =	ssyncset.done $0x0  }
0x23: {  	s0 =	rddreg [dreg:$0x5];
	[sflag:s15] =	ssyncadd.s32 $0xFFFFE000  }
0x24: {  	[spmem:s0] =	stream.linear.scatter [tilespmem:s14], [sflag:$0xD], $0x2000, $0x38;
	[tilespmem:$0x1CE20] =	vst v63  }
0x25: {  	_ =	swait.ge [sflag:s15], $0x2000  }
0x26: {  	[sflag:s15] =	ssyncset.done $0x0  }
0x27: {  	s16 =	rddreg [dreg:$0x6];
	[sflag:s15] =	ssyncadd.s32 $0xFFFFE000  }
0x28: {  	[spmem:s16] =	stream.linear.scatter [tilespmem:s14], [sflag:$0xD], $0x2000, $0x38;
	[tilespmem:$0x1CE20] =	vst v63  }
0x29: {  	_ =	swait.ge [sflag:s15], $0x2000  }
0x2a: {  	[sflag:s15] =	ssyncset.done $0x0  }
0x2b: {  	s20 =	rddreg [dreg:$0x7];
	[sflag:s15] =	ssyncadd.s32 $0xFFFFE000  }
0x2c: {  	[spmem:s20] =	stream.linear.scatter [tilespmem:s14], [sflag:$0xD], $0x2000, $0x38;
	[tilespmem:$0x1CE20] =	vst v63  }
0x2d: {  	_ =	swait.ge [sflag:s15], $0x2000  }
0x2e: {  	[sflag:s15] =	ssyncset.done $0x0  }
0x2f: {  	s30 =	rddreg [dreg:$0x9];
	[sflag:s15] =	ssyncadd.s32 $0xFFFFE000  }
0x30: {  	[spmem:s30] =	stream.linear.scatter [tilespmem:s14], [sflag:$0xD], $0x2000, $0x38;
	[tilespmem:$0x1CE20] =	vst v63  }
0x31: {  	_ =	swait.ge [sflag:s15], $0x2000  }
0x32: {  	[sflag:s15] =	ssyncset.done $0x0  }
0x33: {  	s31 =	simm.s32 $0x0;
	s8 =	rddreg [dreg:$0x8];
	[sflag:s15] =	ssyncadd.s32 $0xFFFFE000  }
0x34: {  	[tilespmem:s31], [sflag:$0xD] =	stream.linear.gather [hbm4b:s8+s31], $0x2710, $0x38;
	[tilespmem:$0x1CE20] =	vst v63  }
0x35: {  	_ =	swait.ge [sflag:s15], $0x2710  }
0x36: {  	[sflag:s15] =	ssyncset.done $0x0  }
0x37: {  	s6 =	simm.s32 $0x2710;
	s9 =	rddreg [dreg:$0xa];
	[sflag:s15] =	ssyncadd.s32 $0xFFFFD8F0  }
0x38: {  	[tilespmem:s6], [sflag:$0xD] =	stream.linear.gather [hbm4b:s9+s31], $0x2710, $0x38;
	[tilespmem:$0x1CE20] =	vst v63  }
0x39: {  	_ =	swait.ge [sflag:s15], $0x2710  }
0x3a: {  	[sflag:s15] =	ssyncset.done $0x0  }
0x3b: {  	[sflag:s15] =	ssyncadd.s32 $0xFFFFD8F0  }
0x3c: {  	[bflag:$0x0] =	sbarrier.arrive $0xFFFF  }
0x3d: {  	[tilespmem:s18], [sflag:$0x1] =	stream.indirect.gather [hbm4b:s4+s17], $0x40, s31, s17, $0xb8;
	[tilespmem:$0x1CE20] =	vst v63  }
0x3e: {  	p0 =	por $0x1, $0x1  }
0x3f: {  	[tilespmem:s19], [sflag:$0x2] =	stream.indirect.gather [hbm4b:s4+s17], $0x40, s17, s17, $0xb8;
	[tilespmem:$0x1CE20] =	vst v63  }
0x40: {  	s10 =	simm.s32 $0x100;
	s7 =	simm.s32 @!p0 $0xA  }
0x41: {  	[tilespmem:s21], [sflag:$0x3] =	stream.indirect.gather [hbm4b:s4+s17], $0x40, s10, s17, $0xb8;
	[tilespmem:$0x1CE20] =	vst v63  }
0x42: {  	_ =	swait.ge @!p0 [sflag:s7], $0x2000  }
0x43: {  	[sflag:s7] =	ssyncset.done @!p0 $0x0  }
0x44: {  	s11 =	simm.s32 $0x180;
	s8 =	rddreg [dreg:$0x4];
	[sflag:s7] =	ssyncadd.s32 @!p0 $0xFFFFE000  }
0x45: {  	[tilespmem:s8], [sflag:$0x4] =	stream.indirect.gather [hbm4b:s4+s17], $0x40, s11, s17, $0xb8;
	[tilespmem:$0x1CE20] =	vst v63  }
0x46: {  	_ =	swait.ge [sflag:s22], $0x2000  }
0x47: {  	p0 =	por $0x1, $0x1;
	[sflag:s22] =	ssyncset.done $0x0  }
0x48: {  	s12 =	simm.s32 $0x2710;
	s8 =	simm.s32 @!p0 $0xB;
	[sflag:s22] =	ssyncadd.s32 $0xFFFFE000  }
0x49: {  	[spmem:s2] =	stream.indirect.scatter.add.f32 [tilespmem:s18], [sflag:$0x7], $0x40, s12, s17, $0xb8;
	[tilespmem:$0x1CE20] =	vst v63  }
0x4a: {  	_ =	swait.ge @!p0 [sflag:s8], $0x2000  }
0x4b: {  	[sflag:s8] =	ssyncset.done @!p0 $0x0  }
0x4c: {  	s13 =	simm.s32 $0x200;
	[sflag:s8] =	ssyncadd.s32 @!p0 $0xFFFFE000  }
0x4d: {  	[tilespmem:s23], [sflag:$0x5] =	stream.indirect.gather [hbm4b:s4+s17], $0x40, s13, s17, $0xb8;
	[tilespmem:$0x1CE20] =	vst v63  }
0x4e: {  	_ =	swait.ge [sflag:s24], $0x2000  }
0x4f: {  	[sflag:s24] =	ssyncset.done $0x0  }
0x50: {  	s16 =	simm.s32 $0x2790;
	s8 =	simm.s32 @!p0 $0xC;
	[sflag:s24] =	ssyncadd.s32 $0xFFFFE000  }
0x51: {  	[spmem:s2] =	stream.indirect.scatter.add.f32 [tilespmem:s19], [sflag:$0x8], $0x40, s16, s17, $0xb8;
	[tilespmem:$0x1CE20] =	vst v63  }
0x52: {  	_ =	swait.ge @!p0 [sflag:s8], $0x2000  }
0x53: {  	[sflag:s8] =	ssyncset.done @!p0 $0x0  }
0x54: {  	s20 =	simm.s32 $0x280;
	[sflag:s8] =	ssyncadd.s32 @!p0 $0xFFFFE000  }
0x55: {  	[tilespmem:s25], [sflag:$0x6] =	stream.indirect.gather [hbm4b:s4+s17], $0x40, s20, s17, $0xb8;
	[tilespmem:$0x1CE20] =	vst v63  }
0x56: {  	_ =	swait.ge [sflag:s26], $0x2000  }
0x57: {  	p0 =	por $0x0, $0x0;
	[sflag:s26] =	ssyncset.done $0x0  }
0x58: {  	s30 =	simm.s32 $0x2810;
	s8 =	simm.s32 @p0 $0x4;
	[sflag:s26] =	ssyncadd.s32 $0xFFFFE000  }
0x59: {  	[spmem:s2] =	stream.indirect.scatter.add.f32 [tilespmem:s21], [sflag:$0x9], $0x40, s30, s17, $0xb8;
	[tilespmem:$0x1CE20] =	vst v63  }
0x5a: {  	_ =	swait.ge @p0 [sflag:s8], $0x2000  }
0x5b: {  	s7 =	simm.s32 @p0 $0x2890;
	s10 =	simm.s32 @p0 $0x80;
	[sflag:s8] =	ssyncset.done @p0 $0x0  }
0x5c: {  	s11 =	simm.s32 @p0 $0xAE20;
	[sflag:s8] =	ssyncadd.s32 @p0 $0xFFFFE000;
	s8 =	simm.s32 @!p0 $0x7  }
0x5d: {  	[spmem:s2] =	stream.indirect.scatter.add.f32 @p0 [tilespmem:s11], [sflag:$0xA], $0x40, s7, s10, $0xb8;
	[tilespmem:$0x1CE20] =	vst v63  }
0x5e: {  	_ =	swait.ge @!p0 [sflag:s8], $0x2000  }
0x5f: {  	s7 =	simm.s32 @!p0 $0x300;
	s10 =	simm.s32 @!p0 $0x80;
	[sflag:s8] =	ssyncset.done @!p0 $0x0  }
0x60: {  	s11 =	simm.s32 @!p0 $0x4E20;
	[sflag:s8] =	ssyncadd.s32 @!p0 $0xFFFFE000;
	s8 =	simm.s32 @!p0 $0x4  }
0x61: {  	[tilespmem:s11], [sflag:$0x1] =	stream.indirect.gather @!p0 [hbm4b:s4+s10], $0x40, s7, s10, $0xb8;
	[tilespmem:$0x1CE20] =	vst v63  }
0x62: {  	_ =	swait.ge @!p0 [sflag:s8], $0x2000  }
0x63: {  	s7 =	simm.s32 @!p0 $0x2890;
	[sflag:s8] =	ssyncset.done @!p0 $0x0  }
0x64: {  	s11 =	simm.s32 @!p0 $0xAE20;
	[sflag:s8] =	ssyncadd.s32 @!p0 $0xFFFFE000;
	s8 =	simm.s32 @!p0 $0x8  }
0x65: {  	[spmem:s2] =	stream.indirect.scatter.add.f32 @!p0 [tilespmem:s11], [sflag:$0xA], $0x40, s7, s10, $0xb8;
	[tilespmem:$0x1CE20] =	vst v63  }
0x66: {  	_ =	swait.ge @!p0 [sflag:s8], $0x2000  }
0x67: {  	[sflag:s8] =	ssyncset.done @!p0 $0x0  }
0x68: {  	s7 =	simm.s32 @!p0 $0x380;
	s11 =	simm.s32 @!p0 $0x6E20;
	[sflag:s8] =	ssyncadd.s32 @!p0 $0xFFFFE000  }
0x69: {  	[tilespmem:s11], [sflag:$0x2] =	stream.indirect.gather @!p0 [hbm4b:s4+s10], $0x40, s7, s10, $0xb8;
	[tilespmem:$0x1CE20] =	vst v63  }
0x6a: {  	_ =	swait.ge [sflag:s28], $0x2000  }
0x6b: {  	[sflag:s28] =	ssyncset.done $0x0  }
0x6c: {  	s31 =	simm.s32 $0x2910;
	s8 =	simm.s32 @!p0 $0x9;
	[sflag:s28] =	ssyncadd.s32 $0xFFFFE000  }
0x6d: {  	[spmem:s2] =	stream.indirect.scatter.add.f32 [tilespmem:s23], [sflag:$0xB], $0x40, s31, s17, $0xb8;
	[tilespmem:$0x1CE20] =	vst v63  }
0x6e: {  	_ =	swait.ge @!p0 [sflag:s8], $0x2000  }
0x6f: {  	[sflag:s8] =	ssyncset.done @!p0 $0x0  }
0x70: {  	s7 =	simm.s32 @!p0 $0x400;
	s11 =	simm.s32 @!p0 $0x8E20;
	[sflag:s8] =	ssyncadd.s32 @!p0 $0xFFFFE000  }
0x71: {  	[tilespmem:s11], [sflag:$0x3] =	stream.indirect.gather @!p0 [hbm4b:s4+s10], $0x40, s7, s10, $0xb8;
	[tilespmem:$0x1CE20] =	vst v63  }
0x72: {  	p1 =	por $0x0, $0x0;
	s8 =	simm.s32 $0x2;
	s7 =	simm.s32 $0xC00  }
0x73: {  	s10 =	simm.s32 $0x1800;
	s11 =	simm.s32 $0x2990;
	_ =	swait.ge [sflag:s29], $0x2000  }
.LBB2_4:
0x74: {  	[sflag:s29] =	ssyncset.done $0x0  }
0x75: {  	s9 =	simm.s32 @!p1 $0xA;
	[sflag:s29] =	ssyncadd.s32 $0xFFFFE000  }
0x76: {  	[spmem:s2] =	stream.indirect.scatter.add.f32 [tilespmem:s25], [sflag:$0xC], $0x40, s11, s17, $0xb8;
	[tilespmem:$0x1CE20] =	vst v63  }
0x77: {  	_ =	swait.ge @!p1 [sflag:s9], $0x2000  }
0x78: {  	s12 =	sshra.s32 s7, $0x2;
	[sflag:s9] =	ssyncset.done @!p1 $0x0  }
0x79: {  	s16 =	sadd.s32 $0x180, s12;
	s6 =	rddreg [dreg:$0x4];
	[sflag:s9] =	ssyncadd.s32 @!p1 $0xFFFFE000  }
0x7a: {  	[tilespmem:s6], [sflag:$0x4] =	stream.indirect.gather [hbm4b:s4+s17], $0x40, s16, s17, $0xb8;
	[tilespmem:$0x1CE20] =	vst v63  }
0x7b: {  	s20 =	sadd.s32 $0x2, s8;
	_ =	swait.ge [sflag:s22], $0x2000  }
0x7c: {  	p1 =	sgt.u32 s20, $0x47;
	[sflag:s22] =	ssyncset.done $0x0  }
0x7d: {  	s30 =	sadd.s32 $0x2710, s12;
	s6 =	simm.s32 @!p1 $0xB;
	[sflag:s22] =	ssyncadd.s32 $0xFFFFE000  }
0x7e: {  	[spmem:s2] =	stream.indirect.scatter.add.f32 [tilespmem:s18], [sflag:$0x7], $0x40, s30, s17, $0xb8;
	[tilespmem:$0x1CE20] =	vst v63  }
0x7f: {  	_ =	swait.ge @!p1 [sflag:s6], $0x2000  }
0x80: {  	[sflag:s6] =	ssyncset.done @!p1 $0x0  }
0x81: {  	s31 =	sadd.s32 $0x200, s12;
	[sflag:s6] =	ssyncadd.s32 @!p1 $0xFFFFE000  }
0x82: {  	[tilespmem:s23], [sflag:$0x5] =	stream.indirect.gather [hbm4b:s4+s17], $0x40, s31, s17, $0xb8;
	[tilespmem:$0x1CE20] =	vst v63  }
0x83: {  	_ =	swait.ge [sflag:s24], $0x2000  }
0x84: {  	[sflag:s24] =	ssyncset.done $0x0  }
0x85: {  	s0 =	sadd.s32 $0x2790, s12;
	s9 =	simm.s32 @!p1 $0xC;
	[sflag:s24] =	ssyncadd.s32 $0xFFFFE000  }
0x86: {  	[spmem:s2] =	stream.indirect.scatter.add.f32 [tilespmem:s19], [sflag:$0x8], $0x40, s0, s17, $0xb8;
	[tilespmem:$0x1CE20] =	vst v63  }
0x87: {  	_ =	swait.ge @!p1 [sflag:s9], $0x2000  }
0x88: {  	[sflag:s9] =	ssyncset.done @!p1 $0x0  }
0x89: {  	s16 =	sadd.s32 $0x280, s12;
	[sflag:s9] =	ssyncadd.s32 @!p1 $0xFFFFE000  }
0x8a: {  	[tilespmem:s25], [sflag:$0x6] =	stream.indirect.gather [hbm4b:s4+s17], $0x40, s16, s17, $0xb8;
	[tilespmem:$0x1CE20] =	vst v63  }
0x8b: {  	_ =	swait.ge [sflag:s26], $0x2000  }
0x8c: {  	p1 =	seq.s32 s7, $0x9000;
	[sflag:s26] =	ssyncset.done $0x0  }
0x8d: {  	s20 =	sadd.s32 $0x2810, s12;
	s9 =	simm.s32 @p1 $0x4;
	[sflag:s26] =	ssyncadd.s32 $0xFFFFE000  }
0x8e: {  	[spmem:s2] =	stream.indirect.scatter.add.f32 [tilespmem:s21], [sflag:$0x9], $0x40, s20, s17, $0xb8;
	[tilespmem:$0x1CE20] =	vst v63  }
0x8f: {  	s30 =	sshra.s32 @p1 s7, $0x2;
	_ =	swait.ge @p1 [sflag:s9], $0x2000  }
0x90: {  	s31 =	simm.s32 @p1 $0xAE20;
	s6 =	sadd.s32 @p1 $0x2890, s30;
	[sflag:s9] =	ssyncset.done @p1 $0x0  }
0x91: {  	s30 =	simm.s32 @p1 $0x80;
	[sflag:s9] =	ssyncadd.s32 @p1 $0xFFFFE000;
	s9 =	simm.s32 @!p1 $0x7  }
0x92: {  	[spmem:s2] =	stream.indirect.scatter.add.f32 @p1 [tilespmem:s31], [sflag:$0xA], $0x40, s6, s30, $0xb8;
	[tilespmem:$0x1CE20] =	vst v63  }
0x93: {  	s7 =	sshra.s32 @!p1 s7, $0x2;
	_ =	swait.ge @!p1 [sflag:s9], $0x2000  }
0x94: {  	s16 =	simm.s32 @!p1 $0x4E20;
	s0 =	sadd.s32 @!p1 $0x300, s7;
	[sflag:s9] =	ssyncset.done @!p1 $0x0  }
0x95: {  	s31 =	simm.s32 @!p1 $0x80;
	[sflag:s9] =	ssyncadd.s32 @!p1 $0xFFFFE000;
	s9 =	simm.s32 @!p1 $0x4  }
0x96: {  	[tilespmem:s16], [sflag:$0x1] =	stream.indirect.gather @!p1 [hbm4b:s4+s31], $0x40, s0, s31, $0xb8;
	[tilespmem:$0x1CE20] =	vst v63  }
0x97: {  	_ =	swait.ge @!p1 [sflag:s9], $0x2000  }
0x98: {  	s6 =	sadd.s32 @!p1 $0x2890, s7;
	[sflag:s9] =	ssyncset.done @!p1 $0x0  }
0x99: {  	s0 =	simm.s32 @!p1 $0xAE20;
	[sflag:s9] =	ssyncadd.s32 @!p1 $0xFFFFE000;
	s9 =	simm.s32 @!p1 $0x8  }
0x9a: {  	[spmem:s2] =	stream.indirect.scatter.add.f32 @!p1 [tilespmem:s0], [sflag:$0xA], $0x40, s6, s31, $0xb8;
	[tilespmem:$0x1CE20] =	vst v63  }
0x9b: {  	_ =	swait.ge @!p1 [sflag:s9], $0x2000  }
0x9c: {  	[sflag:s9] =	ssyncset.done @!p1 $0x0  }
0x9d: {  	s30 =	sadd.s32 @!p1 $0x380, s7;
	s0 =	simm.s32 @!p1 $0x6E20;
	[sflag:s9] =	ssyncadd.s32 @!p1 $0xFFFFE000  }
0x9e: {  	[tilespmem:s0], [sflag:$0x2] =	stream.indirect.gather @!p1 [hbm4b:s4+s31], $0x40, s30, s31, $0xb8;
	[tilespmem:$0x1CE20] =	vst v63  }
0x9f: {  	s13 =	smov.u32 s10;
	s10 =	sadd.s32 $0xC00, s10;
	_ =	swait.ge [sflag:s28], $0x2000  }
0xa0: {  	p0 =	sne.s32 s10, $0x9C00;
	[sflag:s28] =	ssyncset.done $0x0  }
0xa1: {  	s6 =	simm.s32 @!p1 $0x9;
	s30 =	sadd.s32 $0x2910, s12;
	[sflag:s28] =	ssyncadd.s32 $0xFFFFE000  }
0xa2: {  	[spmem:s2] =	stream.indirect.scatter.add.f32 [tilespmem:s23], [sflag:$0xB], $0x40, s30, s17, $0xb8;
	[tilespmem:$0x1CE20] =	vst v63  }
.Ltmp1:
0xa3: {  	_ =	swait.ge @!p1 [sflag:s6], $0x2000;
	(pc) =	sbr.rel @p0 .LBB2_4-.Ltmp1, $4  }
0xa4: {  	s8 =	sadd.s32 $0x6, s8;
	s11 =	sadd.s32 $0x2990, s12;
	[sflag:s6] =	ssyncset.done @!p1 $0x0  }
0xa5: {  	s20 =	sadd.s32 @!p1 $0x400, s7;
	s0 =	simm.s32 @!p1 $0x8E20;
	[sflag:s6] =	ssyncadd.s32 @!p1 $0xFFFFE000  }
0xa6: {  	[tilespmem:s0], [sflag:$0x3] =	stream.indirect.gather @!p1 [hbm4b:s4+s31], $0x40, s20, s31, $0xb8;
	[tilespmem:$0x1CE20] =	vst v63  }
0xa7: {  	s7 =	smov.u32 s13;
	p1 =	sgt.u32 s8, $0x47;
	_ =	swait.ge [sflag:s29], $0x2000  }
0xa8: {  	[sflag:s29] =	ssyncset.done $0x0  }
0xa9: {  	s0 =	simm.s32 @!p1 $0xA;
	[sflag:s29] =	ssyncadd.s32 $0xFFFFE000  }
0xaa: {  	[spmem:s2] =	stream.indirect.scatter.add.f32 [tilespmem:s25], [sflag:$0xC], $0x40, s11, s17, $0xb8;
	[tilespmem:$0x1CE20] =	vst v63  }
0xab: {  	_ =	swait.ge @!p1 [sflag:s0], $0x2000  }
0xac: {  	s10 =	sshra.s32 s7, $0x2;
	[sflag:s0] =	ssyncset.done @!p1 $0x0  }
0xad: {  	s31 =	sadd.s32 $0x180, s10;
	s6 =	rddreg [dreg:$0x4];
	[sflag:s0] =	ssyncadd.s32 @!p1 $0xFFFFE000  }
0xae: {  	[tilespmem:s6], [sflag:$0x4] =	stream.indirect.gather [hbm4b:s4+s17], $0x40, s31, s17, $0xb8;
	[tilespmem:$0x1CE20] =	vst v63  }
0xaf: {  	s9 =	sadd.s32 $0x2, s8;
	_ =	swait.ge [sflag:s22], $0x2000  }
0xb0: {  	p0 =	sgt.u32 s9, $0x47;
	[sflag:s22] =	ssyncset.done $0x0  }
0xb1: {  	s11 =	sadd.s32 $0x2710, s10;
	s6 =	simm.s32 @!p0 $0xB;
	[sflag:s22] =	ssyncadd.s32 $0xFFFFE000  }
0xb2: {  	[spmem:s2] =	stream.indirect.scatter.add.f32 [tilespmem:s18], [sflag:$0x7], $0x40, s11, s17, $0xb8;
	[tilespmem:$0x1CE20] =	vst v63  }
0xb3: {  	_ =	swait.ge @!p0 [sflag:s6], $0x2000  }
0xb4: {  	[sflag:s6] =	ssyncset.done @!p0 $0x0  }
0xb5: {  	s12 =	sadd.s32 $0x200, s10;
	[sflag:s6] =	ssyncadd.s32 @!p0 $0xFFFFE000  }
0xb6: {  	[tilespmem:s23], [sflag:$0x5] =	stream.indirect.gather [hbm4b:s4+s17], $0x40, s12, s17, $0xb8;
	[tilespmem:$0x1CE20] =	vst v63  }
0xb7: {  	_ =	swait.ge [sflag:s24], $0x2000  }
0xb8: {  	[sflag:s24] =	ssyncset.done $0x0  }
0xb9: {  	s13 =	sadd.s32 $0x2790, s10;
	s6 =	simm.s32 @!p0 $0xC;
	[sflag:s24] =	ssyncadd.s32 $0xFFFFE000  }
0xba: {  	[spmem:s2] =	stream.indirect.scatter.add.f32 [tilespmem:s19], [sflag:$0x8], $0x40, s13, s17, $0xb8;
	[tilespmem:$0x1CE20] =	vst v63  }
0xbb: {  	_ =	swait.ge @!p0 [sflag:s6], $0x2000  }
0xbc: {  	[sflag:s6] =	ssyncset.done @!p0 $0x0  }
0xbd: {  	s16 =	sadd.s32 $0x280, s10;
	[sflag:s6] =	ssyncadd.s32 @!p0 $0xFFFFE000  }
0xbe: {  	[tilespmem:s25], [sflag:$0x6] =	stream.indirect.gather [hbm4b:s4+s17], $0x40, s16, s17, $0xb8;
	[tilespmem:$0x1CE20] =	vst v63  }
0xbf: {  	_ =	swait.ge [sflag:s26], $0x2000  }
0xc0: {  	p0 =	seq.s32 s7, $0x9000;
	[sflag:s26] =	ssyncset.done $0x0  }
0xc1: {  	s20 =	sadd.s32 $0x2810, s10;
	s6 =	simm.s32 @p0 $0x4;
	[sflag:s26] =	ssyncadd.s32 $0xFFFFE000  }
0xc2: {  	[spmem:s2] =	stream.indirect.scatter.add.f32 [tilespmem:s21], [sflag:$0x9], $0x40, s20, s17, $0xb8;
	[tilespmem:$0x1CE20] =	vst v63  }
0xc3: {  	_ =	swait.ge @p0 [sflag:s6], $0x2000  }
0xc4: {  	s0 =	sshra.s32 @p0 s7, $0x2;
	s8 =	simm.s32 @p0 $0x80;
	[sflag:s6] =	ssyncset.done @p0 $0x0  }
0xc5: {  	s0 =	sadd.s32 @p0 $0x2890, s0;
	[sflag:s6] =	ssyncadd.s32 @p0 $0xFFFFE000;
	s6 =	simm.s32 @p0 $0xAE20  }
0xc6: {  	[spmem:s2] =	stream.indirect.scatter.add.f32 @p0 [tilespmem:s6], [sflag:$0xA], $0x40, s0, s8, $0xb8;
	[tilespmem:$0x1CE20] =	vst v63  }
0xc7: {  	s0 =	simm.s32 @!p0 $0x7  }
0xc8: {  	_ =	swait.ge @!p0 [sflag:s0], $0x2000  }
0xc9: {  	s6 =	sshra.s32 @!p0 s7, $0x2;
	s8 =	simm.s32 @!p0 $0x80;
	[sflag:s0] =	ssyncset.done @!p0 $0x0  }
0xca: {  	s7 =	sadd.s32 @!p0 $0x300, s6;
	[sflag:s0] =	ssyncadd.s32 @!p0 $0xFFFFE000;
	s0 =	simm.s32 @!p0 $0x4E20  }
0xcb: {  	[tilespmem:s0], [sflag:$0x1] =	stream.indirect.gather @!p0 [hbm4b:s4+s8], $0x40, s7, s8, $0xb8;
	[tilespmem:$0x1CE20] =	vst v63  }
0xcc: {  	s0 =	simm.s32 @!p0 $0x4  }
0xcd: {  	_ =	swait.ge @!p0 [sflag:s0], $0x2000  }
0xce: {  	[sflag:s0] =	ssyncset.done @!p0 $0x0  }
0xcf: {  	s7 =	sadd.s32 @!p0 $0x2890, s6;
	[sflag:s0] =	ssyncadd.s32 @!p0 $0xFFFFE000;
	s0 =	simm.s32 @!p0 $0xAE20  }
0xd0: {  	[spmem:s2] =	stream.indirect.scatter.add.f32 @!p0 [tilespmem:s0], [sflag:$0xA], $0x40, s7, s8, $0xb8;
	[tilespmem:$0x1CE20] =	vst v63  }
0xd1: {  	s0 =	simm.s32 @!p0 $0x8  }
0xd2: {  	_ =	swait.ge @!p0 [sflag:s0], $0x2000  }
0xd3: {  	[sflag:s0] =	ssyncset.done @!p0 $0x0  }
0xd4: {  	s7 =	sadd.s32 @!p0 $0x380, s6;
	[sflag:s0] =	ssyncadd.s32 @!p0 $0xFFFFE000;
	s0 =	simm.s32 @!p0 $0x6E20  }
0xd5: {  	[tilespmem:s0], [sflag:$0x2] =	stream.indirect.gather @!p0 [hbm4b:s4+s8], $0x40, s7, s8, $0xb8;
	[tilespmem:$0x1CE20] =	vst v63  }
0xd6: {  	_ =	swait.ge [sflag:s28], $0x2000  }
0xd7: {  	[sflag:s28] =	ssyncset.done $0x0  }
0xd8: {  	s30 =	sadd.s32 $0x2910, s10;
	s0 =	simm.s32 @!p0 $0x9;
	[sflag:s28] =	ssyncadd.s32 $0xFFFFE000  }
0xd9: {  	[spmem:s2] =	stream.indirect.scatter.add.f32 [tilespmem:s23], [sflag:$0xB], $0x40, s30, s17, $0xb8;
	[tilespmem:$0x1CE20] =	vst v63  }
0xda: {  	_ =	swait.ge @!p0 [sflag:s0], $0x2000  }
0xdb: {  	[sflag:s0] =	ssyncset.done @!p0 $0x0  }
0xdc: {  	s6 =	sadd.s32 @!p0 $0x400, s6;
	[sflag:s0] =	ssyncadd.s32 @!p0 $0xFFFFE000;
	s0 =	simm.s32 @!p0 $0x8E20  }
0xdd: {  	[tilespmem:s0], [sflag:$0x3] =	stream.indirect.gather @!p0 [hbm4b:s4+s8], $0x40, s6, s8, $0xb8;
	[tilespmem:$0x1CE20] =	vst v63  }
0xde: {  	_ =	swait.ge [sflag:s29], $0x2000  }
0xdf: {  	[sflag:s29] =	ssyncset.done $0x0  }
0xe0: {  	s31 =	sadd.s32 $0x2990, s10;
	s6 =	simm.s32 $0x7;
	[sflag:s29] =	ssyncadd.s32 $0xFFFFE000  }
0xe1: {  	[spmem:s2] =	stream.indirect.scatter.add.f32 [tilespmem:s25], [sflag:$0xC], $0x40, s31, s17, $0xb8;
	[tilespmem:$0x1CE20] =	vst v63  }
0xe2: {  	_ =	swait.ge [sflag:s6], $0x2000  }
0xe3: {  	[sflag:s6] =	ssyncset.done $0x0  }
0xe4: {  	s7 =	simm.s32 $0x8;
	[sflag:s6] =	ssyncadd.s32 $0xFFFFE000  }
0xe5: {  	_ =	swait.ge [sflag:s7], $0x2000  }
0xe6: {  	[sflag:s7] =	ssyncset.done $0x0  }
0xe7: {  	s8 =	simm.s32 $0x9;
	[sflag:s7] =	ssyncadd.s32 $0xFFFFE000  }
0xe8: {  	_ =	swait.ge [sflag:s8], $0x2000  }
0xe9: {  	[sflag:s8] =	ssyncset.done $0x0  }
0xea: {  	s9 =	simm.s32 $0xA;
	[sflag:s8] =	ssyncadd.s32 $0xFFFFE000  }
0xeb: {  	_ =	swait.ge [sflag:s9], $0x2000  }
0xec: {  	[sflag:s9] =	ssyncset.done $0x0  }
0xed: {  	s10 =	simm.s32 $0xB;
	[sflag:s9] =	ssyncadd.s32 $0xFFFFE000  }
0xee: {  	_ =	swait.ge [sflag:s10], $0x2000  }
0xef: {  	[sflag:s10] =	ssyncset.done $0x0  }
0xf0: {  	[sflag:s10] =	ssyncadd.s32 $0xFFFFE000  }
0xf1: {  	_ =	swait.ge [sflag:s1], $0x2000  }
0xf2: {  	[sflag:s1] =	ssyncset.done $0x0  }
0xf3: {  	s11 =	simm.s32 $0x10;
	s12 =	simm.s32 $0x2700;
	[sflag:s1] =	ssyncadd.s32 $0xFFFFE000  }
0xf4: {  	[tilespmem:s18], [sflag:$0x1] =	stream.indirect.gather [hbm4b:s4+s11], $0x40, s12, s11, $0xb8;
	[tilespmem:$0x1CE20] =	vst v63  }
0xf5: {  	_ =	swait.ge [sflag:s22], $0x400  }
0xf6: {  	[sflag:s22] =	ssyncset.done $0x0  }
0xf7: {  	s13 =	simm.s32 $0x4E10;
	[sflag:s22] =	ssyncadd.s32 $0xFFFFFC00  }
0xf8: {  	[spmem:s2] =	stream.indirect.scatter.add.f32 [tilespmem:s18], [sflag:$0xD], $0x40, s13, s11, $0xb8;
	[tilespmem:$0x1CE20] =	vst v63  }
0xf9: {  	_ =	swait.ge [sflag:s15], $0x400  }
0xfa: {  	[sflag:s15] =	ssyncset.done $0x0  }
0xfb: {  	s16 =	stileid.u32;
	[sflag:s15] =	ssyncadd.s32 $0xFFFFFC00  }
0xfc: {  	s0 =	sshll.u32 s16, $0x6;
	[bflag:$0x0] =	sbarrier.arrive $0xFFFF  }
0xfd: {  	s20 =	sshrl.u32 s5, $0x3;
	s0 =	sor.u32 $0x1C0D, s0;
	s30 =	rddreg [dreg:$0xb]  }
0xfe: {  	[hbm:s30], [sflag:s0] =	dma.local [spmem:s20], $0x1400  }
0xff: {  	_ =	swait.ge [sflag:s15], $0x1400  }
0x100: {  	s3 =	sadd.s32 $0x1, s3;
	s31 =	rddreg [dreg:$0xc]  }
0x101: {  	p0 =	sne.s32 s3, s31  }
.Ltmp2:
0x102: {  	_ = 	snop;
	(pc) =	sbr.rel @p0 .LBB2_1-.Ltmp2, $3  }
0x103: {  	_ =	sdelay $0x1  }
0x104: {  	[sflag:s15] =	ssyncset.done $0x0  }
0x105: {  	[sflag:s15] =	ssyncadd.s32 $0xFFFFEC00  }
0x106: {  	_ =	sfence.sel $0x180000  }
0x107: {  	[bflag:$0x0] =	sbarrier.arrive $0xFFFF  }
0x108: {  	_ =	strace $0x9000004A  }
0x109: {  	s0 =	stileid.u32;
	[bflag:$0x2] =	sbarrier.arrive $0xFFFF  }
0x10a: {  	p0 =	sne.s32 s0, $0x0;
	s0 =	rddreg [dreg:$0x3]  }
0x10b: {  	s0 =	sadd.s32 @!p0 $0x100000, s0  }
0x10c: {  	[sflag:s0] =	ssyncadd.tile.s32 @!p0 $0x1;
	_ =	shalt  }
.Lfunc_end2:
_tile_overlayer_lowered:
.L_overlay_start_2:
0x10d: {  	(tag) =	ssettag $0x2  }
0x10e: {  	s0 =	rddreg [dreg:$0x0];
	s2 =	stileid.u32  }
0x10f: {  	s1 =	rddreg [dreg:$0x1];
	p0 =	sne.s32 s2, $0x0  }
0x110: {  	s3 =	rddreg [dreg:$0x2];
	[bflag:$0x3] =	sbarrier.arrive $0xFFFF;
	s2 =	simm.s32 @!p0 $0x1C0D  }
0x111: {  	[timem:s3], [sflag:s2] =	dma.local @!p0 [hbm:s0], s1  }
0x112: {  	s0 =	simm.s32 @!p0 $0xD  }
0x113: {  	_ =	swait.ge @!p0 [sflag:s0], s1  }
0x114: {  	s1 =	ssub.s32 @!p0 $0x0, s1;
	[sflag:s0] =	ssyncset.done @!p0 $0x0  }
0x115: {  	[sflag:s0] =	ssyncadd.s32 @!p0 s1  }
0x116: {  	[bflag:$0x3] =	sbarrier.arrive $0xFFFF  }
0x117: {  	_ =	shalt  }

// kernel: kernel.15.cloned.1.call-start
scs
__scs_entry_jumppad:
0x0: {  	(pc) =	sbr.rel $0x88, $3  }
0x1: {  	(tag) =	ssettag $0x0;
	lr =	simm.s32 $0x1  }
0x2: {  	[smem:$0x3F92] =	sst lr;
	_ =	strace $0xD0000000  }
0x3: {  	_ = 	snop  }
0x4: {  	_ = 	snop  }
0x5: {  	_ = 	snop  }
0x6: {  	_ = 	snop  }
0x7: {  	_ = 	snop  }
__scs_overlays_trampoline_lowered:
0x8: {  	[smem:$0x3FA1] =	sst s0  }
0x9: {  	[smem:$0x3FA2] =	sst s1  }
0xa: {  	[smem:$0x3FA3] =	sst s2  }
0xb: {  	[smem:$0x3FA4] =	sst s3  }
0xc: {  	[smem:$0x3FA5] =	sst s4  }
0xd: {  	[smem:$0x3FA6] =	sst s5  }
0xe: {  	[smem:$0x3FA7] =	sst s6  }
0xf: {  	[smem:$0x3FA8] =	sst s7  }
0x10: {  	[smem:$0x3FA9] =	sst s8  }
0x11: {  	[smem:$0x3FAA] =	sst s9;
	s0 =	simm.s32 @!p0 $0x0  }
0x12: {  	s1 =	sld [smem:$0x3F90];
	s0 =	simm.s32 @p0 $0x1  }
0x13: {  	[smem:$0x3FAB] =	sst s0;
	s0 =	simm.s32 @!p1 $0x0  }
0x14: {  	s2 =	sld [smem:$0x3F8F];
	s0 =	simm.s32 @p1 $0x1  }
0x15: {  	[smem:$0x3FAC] =	sst s0;
	s0 =	simm.s32 @!p2 $0x0  }
0x16: {  	s3 =	sld [smem:$0x3FDB];
	s0 =	simm.s32 @p2 $0x1  }
0x17: {  	s4 =	simm.s32 $0x1BF5;
	[smem:$0x3FAE] =	sst s0  }
0x18: {  	s0 =	sld [smem:$0x3F91];
	_ =	swait.ge [sflag:s4], $0x0  }
0x19: {  	s7 =	sld [smem:$0x3F92]  }
0x1a: {  	s8 =	sadd.s32 $0xFFFFE003, lr  }
0x1b: {  	s9 =	sadd.s32 $0xFFFFFEF7, lr;
	s5 =	simm.s32 $0xFFFFFFFF;
	p2 =	slt.u32 s8, $0xFFFFF086  }
0x1c: {  	p1 =	slt.u32 s9, $0xF7A;
	s5 =	simm.s32 @!p2 $0x0  }
0x1d: {  	s5 =	simm.s32 @p1 $0x1;
	p0 =	seq.s32 s7, s2  }
0x1e: {  	s7 =	smul.u32 @!p0 $0xF7A, s2;
	p2 =	seq.s32 @!p0 s5, $0x0  }
0x1f: {  	s9 =	smul.u32 $0xF7A, s1;
	s8 =	simm.s32 @!p0 $0x1BF5;
	p2 =	por !p2, p0  }
0x20: {  	[sflag:s8] =	ssyncset.s32 @!p0 $0xFFFFF086;
	s6 =	sadd.s32 @!p0 s3, s7;
	s7 =	simm.s32 @!p0 $0x108  }
0x21: {  	s3 =	sadd.s32 s3, s9;
	s6 =	sadd.s32 @!p0 $0x88, s6;
	s7 =	simm.s32 @p2 $0x1082  }
0x22: {  	[simem:s7], [sflag:s8] =	dma.local @!p0 [hbm:s6], $0xF7A  }
0x23: {  	s9 =	sor.u32 $0xD0000000, s2;
	s6 =	simm.s32 $0x108;
	_ =	swait.ge @!p0 [sflag:s8], $0x0  }
0x24: {  	s3 =	sadd.s32 $0x88, s3;
	s6 =	simm.s32 @!p1 $0x1082;
	[sflag:s4] =	ssyncset.s32 $0xFFFFF086  }
0x25: {  	[simem:s6], [sflag:s4] =	dma.local [hbm:s3], $0xF7A  }
0x26: {  	[smem:$0x3F92] =	sst s1;
	(tag) =	ssettag s2;
	_ =	strace s9  }
0x27: {  	s1 =	sld [smem:$0x3FA2]  }
0x28: {  	s2 =	sld [smem:$0x3FA3]  }
0x29: {  	s4 =	sld [smem:$0x3FA5]  }
0x2a: {  	p0 =	seq.s32 s5, $0x0;
	s5 =	sld [smem:$0x3FA6]  }
0x2b: {  	s6 =	sld [smem:$0x3FA7]  }
0x2c: {  	s7 =	sld [smem:$0x3FA8]  }
0x2d: {  	s3 =	simm.s32 $0x108;
	s8 =	sld [smem:$0x3FA9]  }
0x2e: {  	s3 =	simm.s32 @!p0 $0x1082;
	s9 =	sld [smem:$0x3FAA]  }
0x2f: {  	lr =	sadd.s32 s0, s3;
	s0 =	sld [smem:$0x3FA1]  }
0x30: {  	s3 =	sld [smem:$0x3FA4]  }
0x31: {  	[smem:$0x3FAD] =	sst s10  }
0x32: {  	s10 =	sld [smem:$0x3FAB];
	_ =	sdelay $0x3  }
0x33: {  	p0 =	seq.s32 s10, $0x1;
	s10 =	sld [smem:$0x3FAD];
	_ =	sdelay $0x3  }
0x34: {  	[smem:$0x3FAD] =	sst s10  }
0x35: {  	s10 =	sld [smem:$0x3FAC];
	_ =	sdelay $0x3  }
0x36: {  	p1 =	seq.s32 s10, $0x1;
	s10 =	sld [smem:$0x3FAD];
	_ =	sdelay $0x3  }
0x37: {  	[smem:$0x3FAD] =	sst s10  }
0x38: {  	s10 =	sld [smem:$0x3FAE]  }
0x39: {  	_ = 	snop;
	(pc) =	sbr.ind lr, $3  }
0x3a: {  	_ = 	snop  }
0x3b: {  	_ = 	snop  }
0x3c: {  	p2 =	seq.s32 s10, $0x1;
	s10 =	sld [smem:$0x3FAD]  }
0x3d: {  	_ =	shalt  }
0x3e: {  	_ =	shalt  }
0x3f: {  	_ =	shalt  }
0x40: {  	_ =	shalt  }
0x41: {  	_ =	shalt  }
0x42: {  	_ =	shalt  }
0x43: {  	_ =	shalt  }
0x44: {  	_ =	shalt  }
0x45: {  	_ =	shalt  }
0x46: {  	_ =	shalt  }
0x47: {  	_ =	shalt  }
0x48: {  	_ =	shalt  }
0x49: {  	_ =	shalt  }
0x4a: {  	_ =	shalt  }
0x4b: {  	_ =	shalt  }
0x4c: {  	_ =	shalt  }
0x4d: {  	_ =	shalt  }
0x4e: {  	_ =	shalt  }
0x4f: {  	_ =	shalt  }
0x50: {  	_ =	shalt  }
0x51: {  	_ =	shalt  }
0x52: {  	_ =	shalt  }
0x53: {  	_ =	shalt  }
0x54: {  	_ =	shalt  }
0x55: {  	_ =	shalt  }
0x56: {  	_ =	shalt  }
0x57: {  	_ =	shalt  }
0x58: {  	_ =	shalt  }
0x59: {  	_ =	shalt  }
0x5a: {  	_ =	shalt  }
0x5b: {  	_ =	shalt  }
0x5c: {  	_ =	shalt  }
0x5d: {  	_ =	shalt  }
0x5e: {  	_ =	shalt  }
0x5f: {  	_ =	shalt  }
0x60: {  	_ =	shalt  }
0x61: {  	_ =	shalt  }
0x62: {  	_ =	shalt  }
0x63: {  	_ =	shalt  }
0x64: {  	_ =	shalt  }
0x65: {  	_ =	shalt  }
0x66: {  	_ =	shalt  }
0x67: {  	_ =	shalt  }
0x68: {  	_ =	shalt  }
0x69: {  	_ =	shalt  }
0x6a: {  	_ =	shalt  }
0x6b: {  	_ =	shalt  }
0x6c: {  	_ =	shalt  }
0x6d: {  	_ =	shalt  }
0x6e: {  	_ =	shalt  }
0x6f: {  	_ =	shalt  }
0x70: {  	_ =	shalt  }
0x71: {  	_ =	shalt  }
0x72: {  	_ =	shalt  }
0x73: {  	_ =	shalt  }
0x74: {  	_ =	shalt  }
0x75: {  	_ =	shalt  }
0x76: {  	_ =	shalt  }
0x77: {  	_ =	shalt  }
0x78: {  	_ =	shalt  }
0x79: {  	_ =	shalt  }
0x7a: {  	_ =	shalt  }
0x7b: {  	_ =	shalt  }
0x7c: {  	_ =	shalt  }
0x7d: {  	_ =	shalt  }
0x7e: {  	_ =	shalt  }
0x7f: {  	_ =	shalt  }
0x80: {  	_ =	shalt  }
0x81: {  	_ =	shalt  }
0x82: {  	_ =	shalt  }
0x83: {  	_ =	shalt  }
0x84: {  	_ =	shalt  }
0x85: {  	_ =	shalt  }
0x86: {  	_ =	shalt  }
0x87: {  	_ =	shalt  }
.Lfunc_end0:
.L_simem_size_0:
called_computation.2_lowered:
.L_overlay_start_0:
0x88: {  	s2 =	sld [smem:$0x3FD9]  }
0x89: {  	s3 =	sld [smem:$0x3FFE];
	_ =	sdelay $0x1  }
0x8a: {  	s1 =	srdreg.scid  }
0x8b: {  	s0 =	sand.u32 $0x1, s1  }
0x8c: {  	s17 =	sshll.u32 s0, $0xA;
	s2 =	sadd.s32 s3, s2  }
0x8d: {  	s2 =	sadd.s32 s2, s17  }
0x8e: {  	[smem:$0x3FB9] =	sst s2  }
0x8f: {  	_ = 	snop  }
0x90: {  	(tm) =	ssettm $0x1  }
0x91: {  	s18 =	sld [smem:$0x3FFB];
	_ =	sdelay $0x3  }
0x92: {  	_ =	strace s18  }
0x93: {  	s2 =	sld [smem:$0x3FFC];
	_ =	sdelay $0x3  }
0x94: {  	_ =	strace s2  }
0x95: {  	s2 =	sld [smem:$0x3FFD];
	_ =	sdelay $0x3  }
0x96: {  	_ =	strace s2  }
0x97: {  	_ =	strace $0x8FFFFFFF  }
0x98: {  	s19 =	sld [smem:$0x3FDB];
	_ =	sdelay $0x1  }
0x99: {  	s20 =	simm.s32 $_scs_section_size  }
0x9a: {  	s4 =	simm.s32 $_size__tile_overlayer_lowered;
	s5 =	simm.s32 $_tile_overlayer_lowered  }
0x9b: {  	s6 =	simm.s32 $0x1BFF;
	s21 =	sshll.u32 s5, $0x1;
	s3 =	sadd.s32 s20, s19  }
0x9c: {  	s22 =	simm.s32 $0x0;
	s4 =	sshll.u32 s4, $0x1;
	s5 =	sadd.s32 s21, s3  }
0x9d: {  	[timem:s22], [sflag:s6] =	dma.local [hbm:s5], s4  }
0x9e: {  	_ =	swait.ge [sflag:s6], s4  }
0x9f: {  	s4 =	ssub.s32 $0x0, s4;
	[sflag:s6] =	ssyncset.done $0x0  }
0xa0: {  	[sflag:s6] =	ssyncadd.s32 s4;
	_ =	sdelay $0x1  }
0xa1: {  	s23 =	simm.s32 $0x1B8B  }
0xa2: {  	_ =	swait.ge [sflag:s23], $0x1  }
0xa3: {  	[sflag:s23] =	ssyncset.done $0x0  }
0xa4: {  	[sflag:s23] =	ssyncadd.s32 $0xFFFFFFFF  }
0xa5: {  	s4 =	sld [smem:$0x0]  }
0xa6: {  	s5 =	sand.u32 $0xFFFFFFFE, s1  }
0xa7: {  	p0 =	sne.s32 s1, s5  }
0xa8: {  	s5 =	sshll.u32 @p0 s5, $0xE  }
0xa9: {  	s5 =	sadd.s32 @p0 $0x11B8D, s5;
	s6 =	sshll.u32 @p0 s4, $0x11  }
0xaa: {  	s5 =	sor.u32 @p0 s6, s5  }
0xab: {  	[sflag:s5] =	ssyncadd.remote.s32 @p0 $0x1;
	_ =	sdelay $0x1  }
0xac: {  	s5 =	simm.s32 @p0 $0x1B8D  }
0xad: {  	_ =	swait.eq @p0 [sflag:s5], $0x1  }
0xae: {  	[sflag:s5] =	ssyncadd.s32 @p0 $0xFFFFFFFF  }
0xaf: {  	s6 =	sshll.u32 @!p0 s1, $0xE  }
0xb0: {  	s6 =	sor.u32 @!p0 $0x4000, s6;
	s5 =	simm.s32 @!p0 $0x1B8D  }
0xb1: {  	s4 =	sshll.u32 @!p0 s4, $0x11;
	s6 =	sadd.s32 @!p0 $0x11B8D, s6;
	_ =	swait.eq @!p0 [sflag:s5], $0x1  }
0xb2: {  	s4 =	sor.u32 @!p0 s4, s6;
	[sflag:s5] =	ssyncadd.s32 @!p0 $0xFFFFFFFF  }
0xb3: {  	s25 =	simm.s32 $0x1B8E;
	s24 =	sld [smem:$0x3FFE];
	[sflag:s4] =	ssyncadd.remote.s32 @!p0 $0x1  }
0xb4: {  	s26 =	simm.s32 $execute0_lowered;
	[smem:$0x3FD2] =	sst s25  }
0xb5: {  	s5 =	sshll.u32 s26, $0x1;
	_ =	strace $0x8000004C;
	[dreg:$0x1] =	wrdreg $0xFFFFFFFF  }
0xb6: {  	s28 =	simm.s32 $_size_execute0_lowered;
	s3 =	sadd.s32 s3, s5;
	[dreg:$0x0] =	wrdreg $0x0  }
0xb7: {  	s5 =	sshll.u32 s28, $0x1;
	[dreg:$0x2] =	wrdreg s3  }
0xb8: {  	[dreg:$0x3] =	wrdreg s5  }
0xb9: {  	[dreg:$0x4] =	wrdreg $0xC0  }
0xba: {  	_ =	task [dreg:s22], $0x5FFFF  }
0xbb: {  	[dreg:$0x1] =	wrdreg $0xFFFFFFFF  }
0xbc: {  	[dreg:$0x0] =	wrdreg $0x60  }
0xbd: {  	[dreg:$0x2] =	wrdreg s24  }
0xbe: {  	[dreg:$0x3] =	wrdreg $0x12E200  }
0xbf: {  	[dreg:$0x4] =	wrdreg $0xA  }
0xc0: {  	_ =	task.clear_ibuf [dreg:s22], $0x5FFFF;
	_ =	strace $0x9000004C  }
0xc1: {  	s29 =	simm.s32 $0xA;
	_ =	strace $0x8000004E  }
0xc2: {  	_ =	swait.ge [sflag:s29], $0x1  }
0xc3: {  	[sflag:s29] =	ssyncadd.s32 $0xFFFFFFFF  }
0xc4: {  	_ =	strace $0x9000004E  }
0xc5: {  	_ =	sfence  }
0xc6: {  	s30 =	sld [smem:$0x0];
	_ =	sdelay $0x2  }
0xc7: {  	s31 =	sshll.u32 s1, $0xD;
	s1 =	sshrl.u32 s1, $0x2  }
0xc8: {  	s4 =	sand.u32 $0x4000, s31;
	s1 =	sadd.s32 s1, s30  }
0xc9: {  	s0 =	sor.u32 s4, s0;
	s1 =	sshll.u32 s1, $0x11  }
0xca: {  	s0 =	sor.u32 s1, s0  }
0xcb: {  	s0 =	sadd.s32 $0x8F2B, s0  }
0xcc: {  	[sflag:s0] =	ssyncadd.remote.s32 $0x1  }
0xcd: {  	_ =	sfence.sel $0xFFFF  }
0xce: {  	[dreg:$0x0] =	wrdreg $0xFFFFFFFF;
	(pc) =	sbr.abs _section_cstart, $3  }
0xcf: {  	[dreg:$0x1] =	wrdreg $0xFFFFFFFF  }
0xd0: {  	_ =	task.clear_ibuf [dreg:s22], $0x2FFFF;
	_ =	strace $0x9FFFFFFF  }
0xd1: {  	(tm) =	ssettm $0x7FFFFFFF  }
tec
execute0_lowered:
.L_overlay_start_1:
0x0: {  	(tag) =	ssettag $0x1  }
0x1: {  	s0 =	srdreg.scid;
	s1 =	rddreg [dreg:$0x0]  }
0x2: {  	s7 =	stileid.u32;
	s2 =	rddreg [dreg:$0x1];
	s14 =	simm.s32 $0x10E20  }
0x3: {  	s15 =	simm.s32 $0xD;
	s17 =	simm.s32 $0x80;
	s18 =	simm.s32 $0x4E20  }
0x4: {  	s19 =	simm.s32 $0x6E20;
	s31 =	simm.s32 $0xAE20;
	s6 =	smul.u32 $0x1400, s7  }
0x5: {  	s0 =	sand.u32 $0x1, s0;
	s3 =	sshll.u32 s7, $0x1;
	s7 =	smul.u32 $0x28000, s7  }
0x6: {  	s4 =	sor.u32 s0, s3;
	s3 =	simm.s32 $0x0;
	s8 =	smul.u32 $0x14000, s0  }
0x7: {  	s0 =	ssub.s32 $0x2, s0;
	s5 =	smul.u32 $0x2710, s4;
	[smem:$0x7FF] =	sst s3  }
0x8: {  	s20 =	sshrl.u32 s7, $0x2;
	s21 =	sshrl.u32 s0, $0x1;
	_ =	strace $0x8000004D  }
0x9: {  	s0 =	ssub.s32 s0, s21;
	[dreg:$0x3] =	wrdreg s31;
	s5 =	sshrl.u32 s5, $0x3  }
0xa: {  	s0 =	smax.u32 s0, $0x1;
	s9 =	sadd.s32 s5, s1;
	s5 =	sadd.s32 s20, s2  }
0xb: {  	s28 =	simm.s32 $0x5;
	[dreg:$0xb] =	wrdreg s0;
	s22 =	sadd.s32 $0x2000, s5  }
0xc: {  	s29 =	simm.s32 $0x6;
	s23 =	sadd.s32 $0x4000, s5;
	[dreg:$0x4] =	wrdreg s22  }
0xd: {  	s4 =	sadd.s32 $0x8D800, s1;
	s24 =	sadd.s32 $0x6000, s5;
	[dreg:$0x5] =	wrdreg s23  }
0xe: {  	s6 =	sadd.s32 s6, s8;
	s25 =	sadd.s32 $0x8000, s5;
	[dreg:$0x6] =	wrdreg s24  }
0xf: {  	s21 =	simm.s32 $0x8E20;
	s26 =	sadd.s32 $0x3800, s9;
	[dreg:$0x7] =	wrdreg s25  }
0x10: {  	s1 =	sadd.s32 s6, s1;
	s30 =	sadd.s32 $0xD440, s9;
	[dreg:$0x8] =	wrdreg s26  }
0x11: {  	s0 =	simm.s32 $0xC;
	s1 =	sadd.s32 $0xA1200, s1;
	[dreg:$0x9] =	wrdreg s30  }
0x12: {  	[dreg:$0xa] =	wrdreg s1;
	s22 =	simm.s32 $0x1;
	s23 =	simm.s32 $0xCE20  }
0x13: {  	v0 =	vimm.f32 $0.0e+00;
	s24 =	simm.s32 $0x2;
	s25 =	simm.s32 $0xEE20;
	s26 =	simm.s32 $0x3  }
.LBB2_1:
0x14: {  	s8 =	simm.s32 $0x100;
	s7 =	simm.s32 $0x0  }
.LBB2_2:
0x15: {  	p0 =	sne.s32 s8, $0x7F00;
	[tilespmem:s7+$0x10E50] =	vst v0;
	s9 =	smov.u32 s8;
	s8 =	sadd.s32 $0x100, s8  }
.Ltmp0:
0x16: {  	[tilespmem:s7+$0x10E40] =	vst v0;
	(pc) =	sbr.rel @p0 .LBB2_2-.Ltmp0, $3  }
0x17: {  	[tilespmem:s7+$0x10E20] =	vst v0  }
0x18: {  	[tilespmem:s7+$0x10E30] =	vst v0;
	_ =	sdelay $0x1  }
0x19: {  	s7 =	sshra.s32 s9, $0x2  }
0x1a: {  	[tilespmem:s7+$0x10E50] =	vst v0  }
0x1b: {  	[tilespmem:s7+$0x10E40] =	vst v0  }
0x1c: {  	[tilespmem:s7+$0x10E20] =	vst v0  }
0x1d: {  	[tilespmem:s7+$0x10E30] =	vst v0  }
0x1e: {  	[spmem:s5] =	stream.linear.scatter [tilespmem:s14], [sflag:$0xD], $0x2000, $0x38;
	[tilespmem:$0x1CE20] =	vst v63  }
0x1f: {  	_ =	swait.ge [sflag:s15], $0x2000  }
0x20: {  	[sflag:s15] =	ssyncset.done $0x0  }
0x21: {  	s1 =	rddreg [dreg:$0x4];
	[sflag:s15] =	ssyncadd.s32 $0xFFFFE000  }
0x22: {  	[spmem:s1] =	stream.linear.scatter [tilespmem:s14], [sflag:$0xD], $0x2000, $0x38;
	[tilespmem:$0x1CE20] =	vst v63  }
0x23: {  	_ =	swait.ge [sflag:s15], $0x2000  }
0x24: {  	[sflag:s15] =	ssyncset.done $0x0  }
0x25: {  	s16 =	rddreg [dreg:$0x5];
	[sflag:s15] =	ssyncadd.s32 $0xFFFFE000  }
0x26: {  	[spmem:s16] =	stream.linear.scatter [tilespmem:s14], [sflag:$0xD], $0x2000, $0x38;
	[tilespmem:$0x1CE20] =	vst v63  }
0x27: {  	_ =	swait.ge [sflag:s15], $0x2000  }
0x28: {  	[sflag:s15] =	ssyncset.done $0x0  }
0x29: {  	s20 =	rddreg [dreg:$0x6];
	[sflag:s15] =	ssyncadd.s32 $0xFFFFE000  }
0x2a: {  	[spmem:s20] =	stream.linear.scatter [tilespmem:s14], [sflag:$0xD], $0x2000, $0x38;
	[tilespmem:$0x1CE20] =	vst v63  }
0x2b: {  	_ =	swait.ge [sflag:s15], $0x2000  }
0x2c: {  	[sflag:s15] =	ssyncset.done $0x0  }
0x2d: {  	s30 =	rddreg [dreg:$0x7];
	[sflag:s15] =	ssyncadd.s32 $0xFFFFE000  }
0x2e: {  	[spmem:s30] =	stream.linear.scatter [tilespmem:s14], [sflag:$0xD], $0x2000, $0x38;
	[tilespmem:$0x1CE20] =	vst v63  }
0x2f: {  	_ =	swait.ge [sflag:s15], $0x2000  }
0x30: {  	[sflag:s15] =	ssyncset.done $0x0  }
0x31: {  	s31 =	simm.s32 $0x0;
	s8 =	rddreg [dreg:$0x8];
	[sflag:s15] =	ssyncadd.s32 $0xFFFFE000  }
0x32: {  	[tilespmem:s31], [sflag:$0xD] =	stream.linear.gather [hbm4b:s8+s31], $0x2710, $0x38;
	[tilespmem:$0x1CE20] =	vst v63  }
0x33: {  	_ =	swait.ge [sflag:s15], $0x2710  }
0x34: {  	[sflag:s15] =	ssyncset.done $0x0  }
0x35: {  	s6 =	simm.s32 $0x2710;
	s9 =	rddreg [dreg:$0x9];
	[sflag:s15] =	ssyncadd.s32 $0xFFFFD8F0  }
0x36: {  	[tilespmem:s6], [sflag:$0xD] =	stream.linear.gather [hbm4b:s9+s31], $0x2710, $0x38;
	[tilespmem:$0x1CE20] =	vst v63  }
0x37: {  	_ =	swait.ge [sflag:s15], $0x2710  }
0x38: {  	[sflag:s15] =	ssyncset.done $0x0  }
0x39: {  	[sflag:s15] =	ssyncadd.s32 $0xFFFFD8F0  }
0x3a: {  	[bflag:$0x0] =	sbarrier.arrive $0xFFFF  }
0x3b: {  	[tilespmem:s18], [sflag:$0x1] =	stream.indirect.gather [hbm4b:s4+s17], $0x40, s31, s17, $0xb8;
	[tilespmem:$0x1CE20] =	vst v63  }
0x3c: {  	p0 =	por $0x1, $0x1  }
0x3d: {  	[tilespmem:s19], [sflag:$0x2] =	stream.indirect.gather [hbm4b:s4+s17], $0x40, s17, s17, $0xb8;
	[tilespmem:$0x1CE20] =	vst v63  }
0x3e: {  	s10 =	simm.s32 $0x100;
	s7 =	simm.s32 @!p0 $0xA  }
0x3f: {  	[tilespmem:s21], [sflag:$0x3] =	stream.indirect.gather [hbm4b:s4+s17], $0x40, s10, s17, $0xb8;
	[tilespmem:$0x1CE20] =	vst v63  }
0x40: {  	_ =	swait.ge @!p0 [sflag:s7], $0x2000  }
0x41: {  	[sflag:s7] =	ssyncset.done @!p0 $0x0  }
0x42: {  	s11 =	simm.s32 $0x180;
	s8 =	rddreg [dreg:$0x3];
	[sflag:s7] =	ssyncadd.s32 @!p0 $0xFFFFE000  }
0x43: {  	[tilespmem:s8], [sflag:$0x4] =	stream.indirect.gather [hbm4b:s4+s17], $0x40, s11, s17, $0xb8;
	[tilespmem:$0x1CE20] =	vst v63  }
0x44: {  	_ =	swait.ge [sflag:s22], $0x2000  }
0x45: {  	p0 =	por $0x1, $0x1;
	[sflag:s22] =	ssyncset.done $0x0  }
0x46: {  	s12 =	simm.s32 $0x2710;
	s8 =	simm.s32 @!p0 $0xB;
	[sflag:s22] =	ssyncadd.s32 $0xFFFFE000  }
0x47: {  	[spmem:s2] =	stream.indirect.scatter.add.f32 [tilespmem:s18], [sflag:$0x7], $0x40, s12, s17, $0xb8;
	[tilespmem:$0x1CE20] =	vst v63  }
0x48: {  	_ =	swait.ge @!p0 [sflag:s8], $0x2000  }
0x49: {  	[sflag:s8] =	ssyncset.done @!p0 $0x0  }
0x4a: {  	s13 =	simm.s32 $0x200;
	[sflag:s8] =	ssyncadd.s32 @!p0 $0xFFFFE000  }
0x4b: {  	[tilespmem:s23], [sflag:$0x5] =	stream.indirect.gather [hbm4b:s4+s17], $0x40, s13, s17, $0xb8;
	[tilespmem:$0x1CE20] =	vst v63  }
0x4c: {  	_ =	swait.ge [sflag:s24], $0x2000  }
0x4d: {  	[sflag:s24] =	ssyncset.done $0x0  }
0x4e: {  	s16 =	simm.s32 $0x2790;
	s8 =	simm.s32 @!p0 $0xC;
	[sflag:s24] =	ssyncadd.s32 $0xFFFFE000  }
0x4f: {  	[spmem:s2] =	stream.indirect.scatter.add.f32 [tilespmem:s19], [sflag:$0x8], $0x40, s16, s17, $0xb8;
	[tilespmem:$0x1CE20] =	vst v63  }
0x50: {  	_ =	swait.ge @!p0 [sflag:s8], $0x2000  }
0x51: {  	[sflag:s8] =	ssyncset.done @!p0 $0x0  }
0x52: {  	s20 =	simm.s32 $0x280;
	[sflag:s8] =	ssyncadd.s32 @!p0 $0xFFFFE000  }
0x53: {  	[tilespmem:s25], [sflag:$0x6] =	stream.indirect.gather [hbm4b:s4+s17], $0x40, s20, s17, $0xb8;
	[tilespmem:$0x1CE20] =	vst v63  }
0x54: {  	_ =	swait.ge [sflag:s26], $0x2000  }
0x55: {  	p0 =	por $0x0, $0x0;
	[sflag:s26] =	ssyncset.done $0x0  }
0x56: {  	s30 =	simm.s32 $0x2810;
	s8 =	simm.s32 @p0 $0x4;
	[sflag:s26] =	ssyncadd.s32 $0xFFFFE000  }
0x57: {  	[spmem:s2] =	stream.indirect.scatter.add.f32 [tilespmem:s21], [sflag:$0x9], $0x40, s30, s17, $0xb8;
	[tilespmem:$0x1CE20] =	vst v63  }
0x58: {  	_ =	swait.ge @p0 [sflag:s8], $0x2000  }
0x59: {  	s7 =	simm.s32 @p0 $0x2890;
	s9 =	simm.s32 @p0 $0x80;
	[sflag:s8] =	ssyncset.done @p0 $0x0  }
0x5a: {  	s10 =	simm.s32 @p0 $0xAE20;
	[sflag:s8] =	ssyncadd.s32 @p0 $0xFFFFE000;
	s8 =	simm.s32 @!p0 $0x7  }
0x5b: {  	[spmem:s2] =	stream.indirect.scatter.add.f32 @p0 [tilespmem:s10], [sflag:$0xA], $0x40, s7, s9, $0xb8;
	[tilespmem:$0x1CE20] =	vst v63  }
0x5c: {  	_ =	swait.ge @!p0 [sflag:s8], $0x2000  }
0x5d: {  	s7 =	simm.s32 @!p0 $0x300;
	s9 =	simm.s32 @!p0 $0x80;
	[sflag:s8] =	ssyncset.done @!p0 $0x0  }
0x5e: {  	s10 =	simm.s32 @!p0 $0x4E20;
	[sflag:s8] =	ssyncadd.s32 @!p0 $0xFFFFE000;
	s8 =	simm.s32 @!p0 $0x4  }
0x5f: {  	[tilespmem:s10], [sflag:$0x1] =	stream.indirect.gather @!p0 [hbm4b:s4+s9], $0x40, s7, s9, $0xb8;
	[tilespmem:$0x1CE20] =	vst v63  }
0x60: {  	_ =	swait.ge @!p0 [sflag:s8], $0x2000  }
0x61: {  	s7 =	simm.s32 @!p0 $0x2890;
	[sflag:s8] =	ssyncset.done @!p0 $0x0  }
0x62: {  	s10 =	simm.s32 @!p0 $0xAE20;
	[sflag:s8] =	ssyncadd.s32 @!p0 $0xFFFFE000;
	s8 =	simm.s32 @!p0 $0x8  }
0x63: {  	[spmem:s2] =	stream.indirect.scatter.add.f32 @!p0 [tilespmem:s10], [sflag:$0xA], $0x40, s7, s9, $0xb8;
	[tilespmem:$0x1CE20] =	vst v63  }
0x64: {  	_ =	swait.ge @!p0 [sflag:s8], $0x2000  }
0x65: {  	[sflag:s8] =	ssyncset.done @!p0 $0x0  }
0x66: {  	s7 =	simm.s32 @!p0 $0x380;
	s10 =	simm.s32 @!p0 $0x6E20;
	[sflag:s8] =	ssyncadd.s32 @!p0 $0xFFFFE000  }
0x67: {  	[tilespmem:s10], [sflag:$0x2] =	stream.indirect.gather @!p0 [hbm4b:s4+s9], $0x40, s7, s9, $0xb8;
	[tilespmem:$0x1CE20] =	vst v63  }
0x68: {  	_ =	swait.ge [sflag:s28], $0x2000  }
0x69: {  	[sflag:s28] =	ssyncset.done $0x0  }
0x6a: {  	s31 =	simm.s32 $0x2910;
	s8 =	simm.s32 @!p0 $0x9;
	[sflag:s28] =	ssyncadd.s32 $0xFFFFE000  }
0x6b: {  	[spmem:s2] =	stream.indirect.scatter.add.f32 [tilespmem:s23], [sflag:$0xB], $0x40, s31, s17, $0xb8;
	[tilespmem:$0x1CE20] =	vst v63  }
0x6c: {  	_ =	swait.ge @!p0 [sflag:s8], $0x2000  }
0x6d: {  	[sflag:s8] =	ssyncset.done @!p0 $0x0  }
0x6e: {  	s7 =	simm.s32 @!p0 $0x400;
	s10 =	simm.s32 @!p0 $0x8E20;
	[sflag:s8] =	ssyncadd.s32 @!p0 $0xFFFFE000  }
0x6f: {  	[tilespmem:s10], [sflag:$0x3] =	stream.indirect.gather @!p0 [hbm4b:s4+s9], $0x40, s7, s9, $0xb8;
	[tilespmem:$0x1CE20] =	vst v63  }
0x70: {  	p1 =	por $0x0, $0x0;
	s8 =	simm.s32 $0x2;
	s7 =	simm.s32 $0xC00  }
0x71: {  	s9 =	simm.s32 $0x1800;
	s10 =	simm.s32 $0x2990;
	_ =	swait.ge [sflag:s29], $0x2000  }
.LBB2_4:
0x72: {  	[sflag:s29] =	ssyncset.done $0x0  }
0x73: {  	s13 =	simm.s32 @!p1 $0xA;
	[sflag:s29] =	ssyncadd.s32 $0xFFFFE000  }
0x74: {  	[spmem:s2] =	stream.indirect.scatter.add.f32 [tilespmem:s25], [sflag:$0xC], $0x40, s10, s17, $0xb8;
	[tilespmem:$0x1CE20] =	vst v63  }
0x75: {  	_ =	swait.ge @!p1 [sflag:s13], $0x2000  }
0x76: {  	s11 =	sshra.s32 s7, $0x2;
	[sflag:s13] =	ssyncset.done @!p1 $0x0  }
0x77: {  	s16 =	sadd.s32 $0x180, s11;
	s6 =	rddreg [dreg:$0x3];
	[sflag:s13] =	ssyncadd.s32 @!p1 $0xFFFFE000  }
0x78: {  	[tilespmem:s6], [sflag:$0x4] =	stream.indirect.gather [hbm4b:s4+s17], $0x40, s16, s17, $0xb8;
	[tilespmem:$0x1CE20] =	vst v63  }
0x79: {  	s20 =	sadd.s32 $0x2, s8;
	_ =	swait.ge [sflag:s22], $0x2000  }
0x7a: {  	p1 =	sgt.u32 s20, $0x47;
	[sflag:s22] =	ssyncset.done $0x0  }
0x7b: {  	s30 =	sadd.s32 $0x2710, s11;
	s6 =	simm.s32 @!p1 $0xB;
	[sflag:s22] =	ssyncadd.s32 $0xFFFFE000  }
0x7c: {  	[spmem:s2] =	stream.indirect.scatter.add.f32 [tilespmem:s18], [sflag:$0x7], $0x40, s30, s17, $0xb8;
	[tilespmem:$0x1CE20] =	vst v63  }
0x7d: {  	_ =	swait.ge @!p1 [sflag:s6], $0x2000  }
0x7e: {  	[sflag:s6] =	ssyncset.done @!p1 $0x0  }
0x7f: {  	s31 =	sadd.s32 $0x200, s11;
	[sflag:s6] =	ssyncadd.s32 @!p1 $0xFFFFE000  }
0x80: {  	[tilespmem:s23], [sflag:$0x5] =	stream.indirect.gather [hbm4b:s4+s17], $0x40, s31, s17, $0xb8;
	[tilespmem:$0x1CE20] =	vst v63  }
0x81: {  	_ =	swait.ge [sflag:s24], $0x2000  }
0x82: {  	[sflag:s24] =	ssyncset.done $0x0  }
0x83: {  	s1 =	sadd.s32 $0x2790, s11;
	s13 =	simm.s32 @!p1 $0xC;
	[sflag:s24] =	ssyncadd.s32 $0xFFFFE000  }
0x84: {  	[spmem:s2] =	stream.indirect.scatter.add.f32 [tilespmem:s19], [sflag:$0x8], $0x40, s1, s17, $0xb8;
	[tilespmem:$0x1CE20] =	vst v63  }
0x85: {  	_ =	swait.ge @!p1 [sflag:s13], $0x2000  }
0x86: {  	[sflag:s13] =	ssyncset.done @!p1 $0x0  }
0x87: {  	s16 =	sadd.s32 $0x280, s11;
	[sflag:s13] =	ssyncadd.s32 @!p1 $0xFFFFE000  }
0x88: {  	[tilespmem:s25], [sflag:$0x6] =	stream.indirect.gather [hbm4b:s4+s17], $0x40, s16, s17, $0xb8;
	[tilespmem:$0x1CE20] =	vst v63  }
0x89: {  	_ =	swait.ge [sflag:s26], $0x2000  }
0x8a: {  	p1 =	seq.s32 s7, $0x9000;
	[sflag:s26] =	ssyncset.done $0x0  }
0x8b: {  	s20 =	sadd.s32 $0x2810, s11;
	s13 =	simm.s32 @p1 $0x4;
	[sflag:s26] =	ssyncadd.s32 $0xFFFFE000  }
0x8c: {  	[spmem:s2] =	stream.indirect.scatter.add.f32 [tilespmem:s21], [sflag:$0x9], $0x40, s20, s17, $0xb8;
	[tilespmem:$0x1CE20] =	vst v63  }
0x8d: {  	s30 =	sshra.s32 @p1 s7, $0x2;
	_ =	swait.ge @p1 [sflag:s13], $0x2000  }
0x8e: {  	s31 =	simm.s32 @p1 $0xAE20;
	s6 =	sadd.s32 @p1 $0x2890, s30;
	[sflag:s13] =	ssyncset.done @p1 $0x0  }
0x8f: {  	s30 =	simm.s32 @p1 $0x80;
	[sflag:s13] =	ssyncadd.s32 @p1 $0xFFFFE000;
	s13 =	simm.s32 @!p1 $0x7  }
0x90: {  	[spmem:s2] =	stream.indirect.scatter.add.f32 @p1 [tilespmem:s31], [sflag:$0xA], $0x40, s6, s30, $0xb8;
	[tilespmem:$0x1CE20] =	vst v63  }
0x91: {  	s12 =	smov.u32 s9;
	s7 =	sshra.s32 @!p1 s7, $0x2;
	_ =	swait.ge @!p1 [sflag:s13], $0x2000  }
0x92: {  	s16 =	simm.s32 @!p1 $0x4E20;
	s1 =	sadd.s32 @!p1 $0x300, s7;
	[sflag:s13] =	ssyncset.done @!p1 $0x0  }
0x93: {  	s31 =	simm.s32 @!p1 $0x80;
	[sflag:s13] =	ssyncadd.s32 @!p1 $0xFFFFE000;
	s13 =	simm.s32 @!p1 $0x4  }
0x94: {  	[tilespmem:s16], [sflag:$0x1] =	stream.indirect.gather @!p1 [hbm4b:s4+s31], $0x40, s1, s31, $0xb8;
	[tilespmem:$0x1CE20] =	vst v63  }
0x95: {  	s20 =	sadd.s32 @!p1 $0x400, s7;
	s6 =	sadd.s32 @!p1 $0x2890, s7;
	_ =	swait.ge @!p1 [sflag:s13], $0x2000  }
0x96: {  	s30 =	sadd.s32 @!p1 $0x380, s7;
	s7 =	smov.u32 s12;
	[sflag:s13] =	ssyncset.done @!p1 $0x0  }
0x97: {  	s12 =	simm.s32 @!p1 $0x8;
	s1 =	simm.s32 @!p1 $0xAE20;
	[sflag:s13] =	ssyncadd.s32 @!p1 $0xFFFFE000  }
0x98: {  	[spmem:s2] =	stream.indirect.scatter.add.f32 @!p1 [tilespmem:s1], [sflag:$0xA], $0x40, s6, s31, $0xb8;
	[tilespmem:$0x1CE20] =	vst v63  }
0x99: {  	_ =	swait.ge @!p1 [sflag:s12], $0x2000  }
0x9a: {  	[sflag:s12] =	ssyncset.done @!p1 $0x0  }
0x9b: {  	s1 =	simm.s32 @!p1 $0x6E20;
	[sflag:s12] =	ssyncadd.s32 @!p1 $0xFFFFE000  }
0x9c: {  	[tilespmem:s1], [sflag:$0x2] =	stream.indirect.gather @!p1 [hbm4b:s4+s31], $0x40, s30, s31, $0xb8;
	[tilespmem:$0x1CE20] =	vst v63  }
0x9d: {  	s9 =	sadd.s32 $0xC00, s9;
	_ =	swait.ge [sflag:s28], $0x2000  }
0x9e: {  	p0 =	sne.s32 s9, $0x9C00;
	[sflag:s28] =	ssyncset.done $0x0  }
0x9f: {  	s6 =	simm.s32 @!p1 $0x9;
	s30 =	sadd.s32 $0x2910, s11;
	[sflag:s28] =	ssyncadd.s32 $0xFFFFE000  }
0xa0: {  	[spmem:s2] =	stream.indirect.scatter.add.f32 [tilespmem:s23], [sflag:$0xB], $0x40, s30, s17, $0xb8;
	[tilespmem:$0x1CE20] =	vst v63  }
.Ltmp1:
0xa1: {  	_ =	swait.ge @!p1 [sflag:s6], $0x2000;
	(pc) =	sbr.rel @p0 .LBB2_4-.Ltmp1, $4  }
0xa2: {  	[sflag:s6] =	ssyncset.done @!p1 $0x0  }
0xa3: {  	s8 =	sadd.s32 $0x6, s8;
	s1 =	simm.s32 @!p1 $0x8E20;
	[sflag:s6] =	ssyncadd.s32 @!p1 $0xFFFFE000  }
0xa4: {  	[tilespmem:s1], [sflag:$0x3] =	stream.indirect.gather @!p1 [hbm4b:s4+s31], $0x40, s20, s31, $0xb8;
	[tilespmem:$0x1CE20] =	vst v63  }
0xa5: {  	s10 =	sadd.s32 $0x2990, s11;
	p1 =	sgt.u32 s8, $0x47;
	_ =	swait.ge [sflag:s29], $0x2000  }
0xa6: {  	[sflag:s29] =	ssyncset.done $0x0  }
0xa7: {  	s1 =	simm.s32 @!p1 $0xA;
	[sflag:s29] =	ssyncadd.s32 $0xFFFFE000  }
0xa8: {  	[spmem:s2] =	stream.indirect.scatter.add.f32 [tilespmem:s25], [sflag:$0xC], $0x40, s10, s17, $0xb8;
	[tilespmem:$0x1CE20] =	vst v63  }
0xa9: {  	_ =	swait.ge @!p1 [sflag:s1], $0x2000  }
0xaa: {  	s9 =	sshra.s32 s7, $0x2;
	[sflag:s1] =	ssyncset.done @!p1 $0x0  }
0xab: {  	s31 =	sadd.s32 $0x180, s9;
	s6 =	rddreg [dreg:$0x3];
	[sflag:s1] =	ssyncadd.s32 @!p1 $0xFFFFE000  }
0xac: {  	[tilespmem:s6], [sflag:$0x4] =	stream.indirect.gather [hbm4b:s4+s17], $0x40, s31, s17, $0xb8;
	[tilespmem:$0x1CE20] =	vst v63  }
0xad: {  	s10 =	sadd.s32 $0x2, s8;
	_ =	swait.ge [sflag:s22], $0x2000  }
0xae: {  	p0 =	sgt.u32 s10, $0x47;
	[sflag:s22] =	ssyncset.done $0x0  }
0xaf: {  	s11 =	sadd.s32 $0x2710, s9;
	s6 =	simm.s32 @!p0 $0xB;
	[sflag:s22] =	ssyncadd.s32 $0xFFFFE000  }
0xb0: {  	[spmem:s2] =	stream.indirect.scatter.add.f32 [tilespmem:s18], [sflag:$0x7], $0x40, s11, s17, $0xb8;
	[tilespmem:$0x1CE20] =	vst v63  }
0xb1: {  	_ =	swait.ge @!p0 [sflag:s6], $0x2000  }
0xb2: {  	[sflag:s6] =	ssyncset.done @!p0 $0x0  }
0xb3: {  	s12 =	sadd.s32 $0x200, s9;
	[sflag:s6] =	ssyncadd.s32 @!p0 $0xFFFFE000  }
0xb4: {  	[tilespmem:s23], [sflag:$0x5] =	stream.indirect.gather [hbm4b:s4+s17], $0x40, s12, s17, $0xb8;
	[tilespmem:$0x1CE20] =	vst v63  }
0xb5: {  	_ =	swait.ge [sflag:s24], $0x2000  }
0xb6: {  	[sflag:s24] =	ssyncset.done $0x0  }
0xb7: {  	s13 =	sadd.s32 $0x2790, s9;
	s6 =	simm.s32 @!p0 $0xC;
	[sflag:s24] =	ssyncadd.s32 $0xFFFFE000  }
0xb8: {  	[spmem:s2] =	stream.indirect.scatter.add.f32 [tilespmem:s19], [sflag:$0x8], $0x40, s13, s17, $0xb8;
	[tilespmem:$0x1CE20] =	vst v63  }
0xb9: {  	_ =	swait.ge @!p0 [sflag:s6], $0x2000  }
0xba: {  	[sflag:s6] =	ssyncset.done @!p0 $0x0  }
0xbb: {  	s16 =	sadd.s32 $0x280, s9;
	[sflag:s6] =	ssyncadd.s32 @!p0 $0xFFFFE000  }
0xbc: {  	[tilespmem:s25], [sflag:$0x6] =	stream.indirect.gather [hbm4b:s4+s17], $0x40, s16, s17, $0xb8;
	[tilespmem:$0x1CE20] =	vst v63  }
0xbd: {  	_ =	swait.ge [sflag:s26], $0x2000  }
0xbe: {  	p0 =	seq.s32 s7, $0x9000;
	[sflag:s26] =	ssyncset.done $0x0  }
0xbf: {  	s20 =	sadd.s32 $0x2810, s9;
	s6 =	simm.s32 @p0 $0x4;
	[sflag:s26] =	ssyncadd.s32 $0xFFFFE000  }
0xc0: {  	[spmem:s2] =	stream.indirect.scatter.add.f32 [tilespmem:s21], [sflag:$0x9], $0x40, s20, s17, $0xb8;
	[tilespmem:$0x1CE20] =	vst v63  }
0xc1: {  	_ =	swait.ge @p0 [sflag:s6], $0x2000  }
0xc2: {  	s1 =	sshra.s32 @p0 s7, $0x2;
	s8 =	simm.s32 @p0 $0x80;
	[sflag:s6] =	ssyncset.done @p0 $0x0  }
0xc3: {  	s1 =	sadd.s32 @p0 $0x2890, s1;
	[sflag:s6] =	ssyncadd.s32 @p0 $0xFFFFE000;
	s6 =	simm.s32 @p0 $0xAE20  }
0xc4: {  	[spmem:s2] =	stream.indirect.scatter.add.f32 @p0 [tilespmem:s6], [sflag:$0xA], $0x40, s1, s8, $0xb8;
	[tilespmem:$0x1CE20] =	vst v63  }
0xc5: {  	s1 =	simm.s32 @!p0 $0x7  }
0xc6: {  	_ =	swait.ge @!p0 [sflag:s1], $0x2000  }
0xc7: {  	s6 =	sshra.s32 @!p0 s7, $0x2;
	s8 =	simm.s32 @!p0 $0x80;
	[sflag:s1] =	ssyncset.done @!p0 $0x0  }
0xc8: {  	s7 =	sadd.s32 @!p0 $0x300, s6;
	[sflag:s1] =	ssyncadd.s32 @!p0 $0xFFFFE000;
	s1 =	simm.s32 @!p0 $0x4E20  }
0xc9: {  	[tilespmem:s1], [sflag:$0x1] =	stream.indirect.gather @!p0 [hbm4b:s4+s8], $0x40, s7, s8, $0xb8;
	[tilespmem:$0x1CE20] =	vst v63  }
0xca: {  	s1 =	simm.s32 @!p0 $0x4  }
0xcb: {  	_ =	swait.ge @!p0 [sflag:s1], $0x2000  }
0xcc: {  	[sflag:s1] =	ssyncset.done @!p0 $0x0  }
0xcd: {  	s7 =	sadd.s32 @!p0 $0x2890, s6;
	[sflag:s1] =	ssyncadd.s32 @!p0 $0xFFFFE000;
	s1 =	simm.s32 @!p0 $0xAE20  }
0xce: {  	[spmem:s2] =	stream.indirect.scatter.add.f32 @!p0 [tilespmem:s1], [sflag:$0xA], $0x40, s7, s8, $0xb8;
	[tilespmem:$0x1CE20] =	vst v63  }
0xcf: {  	s1 =	simm.s32 @!p0 $0x8  }
0xd0: {  	_ =	swait.ge @!p0 [sflag:s1], $0x2000  }
0xd1: {  	[sflag:s1] =	ssyncset.done @!p0 $0x0  }
0xd2: {  	s7 =	sadd.s32 @!p0 $0x380, s6;
	[sflag:s1] =	ssyncadd.s32 @!p0 $0xFFFFE000;
	s1 =	simm.s32 @!p0 $0x6E20  }
0xd3: {  	[tilespmem:s1], [sflag:$0x2] =	stream.indirect.gather @!p0 [hbm4b:s4+s8], $0x40, s7, s8, $0xb8;
	[tilespmem:$0x1CE20] =	vst v63  }
0xd4: {  	_ =	swait.ge [sflag:s28], $0x2000  }
0xd5: {  	[sflag:s28] =	ssyncset.done $0x0  }
0xd6: {  	s30 =	sadd.s32 $0x2910, s9;
	s1 =	simm.s32 @!p0 $0x9;
	[sflag:s28] =	ssyncadd.s32 $0xFFFFE000  }
0xd7: {  	[spmem:s2] =	stream.indirect.scatter.add.f32 [tilespmem:s23], [sflag:$0xB], $0x40, s30, s17, $0xb8;
	[tilespmem:$0x1CE20] =	vst v63  }
0xd8: {  	_ =	swait.ge @!p0 [sflag:s1], $0x2000  }
0xd9: {  	[sflag:s1] =	ssyncset.done @!p0 $0x0  }
0xda: {  	s6 =	sadd.s32 @!p0 $0x400, s6;
	[sflag:s1] =	ssyncadd.s32 @!p0 $0xFFFFE000;
	s1 =	simm.s32 @!p0 $0x8E20  }
0xdb: {  	[tilespmem:s1], [sflag:$0x3] =	stream.indirect.gather @!p0 [hbm4b:s4+s8], $0x40, s6, s8, $0xb8;
	[tilespmem:$0x1CE20] =	vst v63  }
0xdc: {  	_ =	swait.ge [sflag:s29], $0x2000  }
0xdd: {  	[sflag:s29] =	ssyncset.done $0x0  }
0xde: {  	s31 =	sadd.s32 $0x2990, s9;
	s6 =	simm.s32 $0x7;
	[sflag:s29] =	ssyncadd.s32 $0xFFFFE000  }
0xdf: {  	[spmem:s2] =	stream.indirect.scatter.add.f32 [tilespmem:s25], [sflag:$0xC], $0x40, s31, s17, $0xb8;
	[tilespmem:$0x1CE20] =	vst v63  }
0xe0: {  	_ =	swait.ge [sflag:s6], $0x2000  }
0xe1: {  	[sflag:s6] =	ssyncset.done $0x0  }
0xe2: {  	s7 =	simm.s32 $0x8;
	[sflag:s6] =	ssyncadd.s32 $0xFFFFE000  }
0xe3: {  	_ =	swait.ge [sflag:s7], $0x2000  }
0xe4: {  	[sflag:s7] =	ssyncset.done $0x0  }
0xe5: {  	s8 =	simm.s32 $0x9;
	[sflag:s7] =	ssyncadd.s32 $0xFFFFE000  }
0xe6: {  	_ =	swait.ge [sflag:s8], $0x2000  }
0xe7: {  	[sflag:s8] =	ssyncset.done $0x0  }
0xe8: {  	s9 =	simm.s32 $0xA;
	[sflag:s8] =	ssyncadd.s32 $0xFFFFE000  }
0xe9: {  	_ =	swait.ge [sflag:s9], $0x2000  }
0xea: {  	[sflag:s9] =	ssyncset.done $0x0  }
0xeb: {  	s10 =	simm.s32 $0xB;
	[sflag:s9] =	ssyncadd.s32 $0xFFFFE000  }
0xec: {  	_ =	swait.ge [sflag:s10], $0x2000  }
0xed: {  	[sflag:s10] =	ssyncset.done $0x0  }
0xee: {  	[sflag:s10] =	ssyncadd.s32 $0xFFFFE000  }
0xef: {  	_ =	swait.ge [sflag:s0], $0x2000  }
0xf0: {  	[sflag:s0] =	ssyncset.done $0x0  }
0xf1: {  	s11 =	simm.s32 $0x10;
	s12 =	simm.s32 $0x2700;
	[sflag:s0] =	ssyncadd.s32 $0xFFFFE000  }
0xf2: {  	[tilespmem:s18], [sflag:$0x1] =	stream.indirect.gather [hbm4b:s4+s11], $0x40, s12, s11, $0xb8;
	[tilespmem:$0x1CE20] =	vst v63  }
0xf3: {  	_ =	swait.ge [sflag:s22], $0x400  }
0xf4: {  	[sflag:s22] =	ssyncset.done $0x0  }
0xf5: {  	s13 =	simm.s32 $0x4E10;
	[sflag:s22] =	ssyncadd.s32 $0xFFFFFC00  }
0xf6: {  	[spmem:s2] =	stream.indirect.scatter.add.f32 [tilespmem:s18], [sflag:$0xD], $0x40, s13, s11, $0xb8;
	[tilespmem:$0x1CE20] =	vst v63  }
0xf7: {  	_ =	swait.ge [sflag:s15], $0x400  }
0xf8: {  	[sflag:s15] =	ssyncset.done $0x0  }
0xf9: {  	s16 =	stileid.u32;
	[sflag:s15] =	ssyncadd.s32 $0xFFFFFC00  }
0xfa: {  	s1 =	sshll.u32 s16, $0x6;
	[bflag:$0x0] =	sbarrier.arrive $0xFFFF  }
0xfb: {  	s20 =	sshrl.u32 s5, $0x3;
	s1 =	sor.u32 $0x1C0D, s1;
	s30 =	rddreg [dreg:$0xa]  }
0xfc: {  	[hbm:s30], [sflag:s1] =	dma.local [spmem:s20], $0x1400  }
0xfd: {  	_ =	swait.ge [sflag:s15], $0x1400  }
0xfe: {  	s3 =	sadd.s32 $0x1, s3;
	s31 =	rddreg [dreg:$0xb]  }
0xff: {  	p0 =	sne.s32 s3, s31  }
.Ltmp2:
0x100: {  	_ = 	snop;
	(pc) =	sbr.rel @p0 .LBB2_1-.Ltmp2, $3  }
0x101: {  	_ =	sdelay $0x1  }
0x102: {  	[sflag:s15] =	ssyncset.done $0x0  }
0x103: {  	[sflag:s15] =	ssyncadd.s32 $0xFFFFEC00  }
0x104: {  	_ =	sfence.sel $0x180000  }
0x105: {  	[bflag:$0x0] =	sbarrier.arrive $0xFFFF  }
0x106: {  	_ =	strace $0x9000004D  }
0x107: {  	s0 =	stileid.u32;
	[bflag:$0x2] =	sbarrier.arrive $0xFFFF  }
0x108: {  	p0 =	sne.s32 s0, $0x0;
	s0 =	rddreg [dreg:$0x2]  }
0x109: {  	s0 =	sadd.s32 @!p0 $0x100000, s0  }
0x10a: {  	[sflag:s0] =	ssyncadd.tile.s32 @!p0 $0x1;
	_ =	shalt  }
.Lfunc_end2:
_tile_overlayer_lowered:
.L_overlay_start_2:
0x10b: {  	(tag) =	ssettag $0x2  }
0x10c: {  	s0 =	rddreg [dreg:$0x0];
	s2 =	stileid.u32  }
0x10d: {  	s1 =	rddreg [dreg:$0x1];
	p0 =	sne.s32 s2, $0x0  }
0x10e: {  	s3 =	rddreg [dreg:$0x2];
	[bflag:$0x3] =	sbarrier.arrive $0xFFFF;
	s2 =	simm.s32 @!p0 $0x1C0D  }
0x10f: {  	[timem:s3], [sflag:s2] =	dma.local @!p0 [hbm:s0], s1  }
0x110: {  	s0 =	simm.s32 @!p0 $0xD  }
0x111: {  	_ =	swait.ge @!p0 [sflag:s0], s1  }
0x112: {  	s1 =	ssub.s32 @!p0 $0x0, s1;
	[sflag:s0] =	ssyncset.done @!p0 $0x0  }
0x113: {  	[sflag:s0] =	ssyncadd.s32 @!p0 s1  }
0x114: {  	[bflag:$0x3] =	sbarrier.arrive $0xFFFF  }
0x115: {  	_ =	shalt  }

// kernel: kernel.18.cloned.1.call-start
scs
__scs_entry_jumppad:
0x0: {  	(pc) =	sbr.rel $0x88, $3  }
0x1: {  	(tag) =	ssettag $0x0;
	lr =	simm.s32 $0x1  }
0x2: {  	[smem:$0x3F92] =	sst lr;
	_ =	strace $0xD0000000  }
0x3: {  	_ = 	snop  }
0x4: {  	_ = 	snop  }
0x5: {  	_ = 	snop  }
0x6: {  	_ = 	snop  }
0x7: {  	_ = 	snop  }
__scs_overlays_trampoline_lowered:
0x8: {  	[smem:$0x3FA1] =	sst s0  }
0x9: {  	[smem:$0x3FA2] =	sst s1  }
0xa: {  	[smem:$0x3FA3] =	sst s2  }
0xb: {  	[smem:$0x3FA4] =	sst s3  }
0xc: {  	[smem:$0x3FA5] =	sst s4  }
0xd: {  	[smem:$0x3FA6] =	sst s5  }
0xe: {  	[smem:$0x3FA7] =	sst s6  }
0xf: {  	[smem:$0x3FA8] =	sst s7  }
0x10: {  	[smem:$0x3FA9] =	sst s8  }
0x11: {  	[smem:$0x3FAA] =	sst s9;
	s0 =	simm.s32 @!p0 $0x0  }
0x12: {  	s1 =	sld [smem:$0x3F90];
	s0 =	simm.s32 @p0 $0x1  }
0x13: {  	[smem:$0x3FAB] =	sst s0;
	s0 =	simm.s32 @!p1 $0x0  }
0x14: {  	s2 =	sld [smem:$0x3F8F];
	s0 =	simm.s32 @p1 $0x1  }
0x15: {  	[smem:$0x3FAC] =	sst s0;
	s0 =	simm.s32 @!p2 $0x0  }
0x16: {  	s3 =	sld [smem:$0x3FDB];
	s0 =	simm.s32 @p2 $0x1  }
0x17: {  	s4 =	simm.s32 $0x1BF5;
	[smem:$0x3FAE] =	sst s0  }
0x18: {  	s0 =	sld [smem:$0x3F91];
	_ =	swait.ge [sflag:s4], $0x0  }
0x19: {  	s7 =	sld [smem:$0x3F92]  }
0x1a: {  	s8 =	sadd.s32 $0xFFFFE003, lr  }
0x1b: {  	s9 =	sadd.s32 $0xFFFFFEF7, lr;
	s5 =	simm.s32 $0xFFFFFFFF;
	p2 =	slt.u32 s8, $0xFFFFF086  }
0x1c: {  	p1 =	slt.u32 s9, $0xF7A;
	s5 =	simm.s32 @!p2 $0x0  }
0x1d: {  	s5 =	simm.s32 @p1 $0x1;
	p0 =	seq.s32 s7, s2  }
0x1e: {  	s7 =	smul.u32 @!p0 $0xF7A, s2;
	p2 =	seq.s32 @!p0 s5, $0x0  }
0x1f: {  	s9 =	smul.u32 $0xF7A, s1;
	s8 =	simm.s32 @!p0 $0x1BF5;
	p2 =	por !p2, p0  }
0x20: {  	[sflag:s8] =	ssyncset.s32 @!p0 $0xFFFFF086;
	s6 =	sadd.s32 @!p0 s3, s7;
	s7 =	simm.s32 @!p0 $0x108  }
0x21: {  	s3 =	sadd.s32 s3, s9;
	s6 =	sadd.s32 @!p0 $0x88, s6;
	s7 =	simm.s32 @p2 $0x1082  }
0x22: {  	[simem:s7], [sflag:s8] =	dma.local @!p0 [hbm:s6], $0xF7A  }
0x23: {  	s9 =	sor.u32 $0xD0000000, s2;
	s6 =	simm.s32 $0x108;
	_ =	swait.ge @!p0 [sflag:s8], $0x0  }
0x24: {  	s3 =	sadd.s32 $0x88, s3;
	s6 =	simm.s32 @!p1 $0x1082;
	[sflag:s4] =	ssyncset.s32 $0xFFFFF086  }
0x25: {  	[simem:s6], [sflag:s4] =	dma.local [hbm:s3], $0xF7A  }
0x26: {  	[smem:$0x3F92] =	sst s1;
	(tag) =	ssettag s2;
	_ =	strace s9  }
0x27: {  	s1 =	sld [smem:$0x3FA2]  }
0x28: {  	s2 =	sld [smem:$0x3FA3]  }
0x29: {  	s4 =	sld [smem:$0x3FA5]  }
0x2a: {  	p0 =	seq.s32 s5, $0x0;
	s5 =	sld [smem:$0x3FA6]  }
0x2b: {  	s6 =	sld [smem:$0x3FA7]  }
0x2c: {  	s7 =	sld [smem:$0x3FA8]  }
0x2d: {  	s3 =	simm.s32 $0x108;
	s8 =	sld [smem:$0x3FA9]  }
0x2e: {  	s3 =	simm.s32 @!p0 $0x1082;
	s9 =	sld [smem:$0x3FAA]  }
0x2f: {  	lr =	sadd.s32 s0, s3;
	s0 =	sld [smem:$0x3FA1]  }
0x30: {  	s3 =	sld [smem:$0x3FA4]  }
0x31: {  	[smem:$0x3FAD] =	sst s10  }
0x32: {  	s10 =	sld [smem:$0x3FAB];
	_ =	sdelay $0x3  }
0x33: {  	p0 =	seq.s32 s10, $0x1;
	s10 =	sld [smem:$0x3FAD];
	_ =	sdelay $0x3  }
0x34: {  	[smem:$0x3FAD] =	sst s10  }
0x35: {  	s10 =	sld [smem:$0x3FAC];
	_ =	sdelay $0x3  }
0x36: {  	p1 =	seq.s32 s10, $0x1;
	s10 =	sld [smem:$0x3FAD];
	_ =	sdelay $0x3  }
0x37: {  	[smem:$0x3FAD] =	sst s10  }
0x38: {  	s10 =	sld [smem:$0x3FAE]  }
0x39: {  	_ = 	snop;
	(pc) =	sbr.ind lr, $3  }
0x3a: {  	_ = 	snop  }
0x3b: {  	_ = 	snop  }
0x3c: {  	p2 =	seq.s32 s10, $0x1;
	s10 =	sld [smem:$0x3FAD]  }
0x3d: {  	_ =	shalt  }
0x3e: {  	_ =	shalt  }
0x3f: {  	_ =	shalt  }
0x40: {  	_ =	shalt  }
0x41: {  	_ =	shalt  }
0x42: {  	_ =	shalt  }
0x43: {  	_ =	shalt  }
0x44: {  	_ =	shalt  }
0x45: {  	_ =	shalt  }
0x46: {  	_ =	shalt  }
0x47: {  	_ =	shalt  }
0x48: {  	_ =	shalt  }
0x49: {  	_ =	shalt  }
0x4a: {  	_ =	shalt  }
0x4b: {  	_ =	shalt  }
0x4c: {  	_ =	shalt  }
0x4d: {  	_ =	shalt  }
0x4e: {  	_ =	shalt  }
0x4f: {  	_ =	shalt  }
0x50: {  	_ =	shalt  }
0x51: {  	_ =	shalt  }
0x52: {  	_ =	shalt  }
0x53: {  	_ =	shalt  }
0x54: {  	_ =	shalt  }
0x55: {  	_ =	shalt  }
0x56: {  	_ =	shalt  }
0x57: {  	_ =	shalt  }
0x58: {  	_ =	shalt  }
0x59: {  	_ =	shalt  }
0x5a: {  	_ =	shalt  }
0x5b: {  	_ =	shalt  }
0x5c: {  	_ =	shalt  }
0x5d: {  	_ =	shalt  }
0x5e: {  	_ =	shalt  }
0x5f: {  	_ =	shalt  }
0x60: {  	_ =	shalt  }
0x61: {  	_ =	shalt  }
0x62: {  	_ =	shalt  }
0x63: {  	_ =	shalt  }
0x64: {  	_ =	shalt  }
0x65: {  	_ =	shalt  }
0x66: {  	_ =	shalt  }
0x67: {  	_ =	shalt  }
0x68: {  	_ =	shalt  }
0x69: {  	_ =	shalt  }
0x6a: {  	_ =	shalt  }
0x6b: {  	_ =	shalt  }
0x6c: {  	_ =	shalt  }
0x6d: {  	_ =	shalt  }
0x6e: {  	_ =	shalt  }
0x6f: {  	_ =	shalt  }
0x70: {  	_ =	shalt  }
0x71: {  	_ =	shalt  }
0x72: {  	_ =	shalt  }
0x73: {  	_ =	shalt  }
0x74: {  	_ =	shalt  }
0x75: {  	_ =	shalt  }
0x76: {  	_ =	shalt  }
0x77: {  	_ =	shalt  }
0x78: {  	_ =	shalt  }
0x79: {  	_ =	shalt  }
0x7a: {  	_ =	shalt  }
0x7b: {  	_ =	shalt  }
0x7c: {  	_ =	shalt  }
0x7d: {  	_ =	shalt  }
0x7e: {  	_ =	shalt  }
0x7f: {  	_ =	shalt  }
0x80: {  	_ =	shalt  }
0x81: {  	_ =	shalt  }
0x82: {  	_ =	shalt  }
0x83: {  	_ =	shalt  }
0x84: {  	_ =	shalt  }
0x85: {  	_ =	shalt  }
0x86: {  	_ =	shalt  }
0x87: {  	_ =	shalt  }
.Lfunc_end0:
.L_simem_size_0:
called_computation.3_lowered:
.L_overlay_start_0:
0x88: {  	s2 =	sld [smem:$0x3FD9]  }
0x89: {  	s3 =	sld [smem:$0x3FFE];
	_ =	sdelay $0x1  }
0x8a: {  	s1 =	srdreg.scid  }
0x8b: {  	s0 =	sand.u32 $0x1, s1  }
0x8c: {  	s17 =	sshll.u32 s0, $0xA;
	s2 =	sadd.s32 s3, s2  }
0x8d: {  	s2 =	sadd.s32 s2, s17  }
0x8e: {  	[smem:$0x3FB9] =	sst s2  }
0x8f: {  	_ = 	snop  }
0x90: {  	(tm) =	ssettm $0x1  }
0x91: {  	s18 =	sld [smem:$0x3FFB];
	_ =	sdelay $0x3  }
0x92: {  	_ =	strace s18  }
0x93: {  	s2 =	sld [smem:$0x3FFC];
	_ =	sdelay $0x3  }
0x94: {  	_ =	strace s2  }
0x95: {  	s2 =	sld [smem:$0x3FFD];
	_ =	sdelay $0x3  }
0x96: {  	_ =	strace s2  }
0x97: {  	_ =	strace $0x8FFFFFFF  }
0x98: {  	s19 =	sld [smem:$0x3FDB];
	_ =	sdelay $0x1  }
0x99: {  	s20 =	simm.s32 $_scs_section_size  }
0x9a: {  	s4 =	simm.s32 $_size__tile_overlayer_lowered;
	s5 =	simm.s32 $_tile_overlayer_lowered  }
0x9b: {  	s6 =	simm.s32 $0x1BFF;
	s21 =	sshll.u32 s5, $0x1;
	s3 =	sadd.s32 s20, s19  }
0x9c: {  	s22 =	simm.s32 $0x0;
	s4 =	sshll.u32 s4, $0x1;
	s5 =	sadd.s32 s21, s3  }
0x9d: {  	[timem:s22], [sflag:s6] =	dma.local [hbm:s5], s4  }
0x9e: {  	_ =	swait.ge [sflag:s6], s4  }
0x9f: {  	s4 =	ssub.s32 $0x0, s4;
	[sflag:s6] =	ssyncset.done $0x0  }
0xa0: {  	[sflag:s6] =	ssyncadd.s32 s4;
	_ =	sdelay $0x1  }
0xa1: {  	s23 =	simm.s32 $0x1B8B  }
0xa2: {  	_ =	swait.ge [sflag:s23], $0x1  }
0xa3: {  	[sflag:s23] =	ssyncset.done $0x0  }
0xa4: {  	[sflag:s23] =	ssyncadd.s32 $0xFFFFFFFF  }
0xa5: {  	s4 =	sld [smem:$0x0]  }
0xa6: {  	s5 =	sand.u32 $0xFFFFFFFE, s1  }
0xa7: {  	p0 =	sne.s32 s1, s5  }
0xa8: {  	s5 =	sshll.u32 @p0 s5, $0xE  }
0xa9: {  	s5 =	sadd.s32 @p0 $0x11B8D, s5;
	s6 =	sshll.u32 @p0 s4, $0x11  }
0xaa: {  	s5 =	sor.u32 @p0 s6, s5  }
0xab: {  	[sflag:s5] =	ssyncadd.remote.s32 @p0 $0x1;
	_ =	sdelay $0x1  }
0xac: {  	s5 =	simm.s32 @p0 $0x1B8D  }
0xad: {  	_ =	swait.eq @p0 [sflag:s5], $0x1  }
0xae: {  	[sflag:s5] =	ssyncadd.s32 @p0 $0xFFFFFFFF  }
0xaf: {  	s6 =	sshll.u32 @!p0 s1, $0xE  }
0xb0: {  	s6 =	sor.u32 @!p0 $0x4000, s6;
	s5 =	simm.s32 @!p0 $0x1B8D  }
0xb1: {  	s4 =	sshll.u32 @!p0 s4, $0x11;
	s6 =	sadd.s32 @!p0 $0x11B8D, s6;
	_ =	swait.eq @!p0 [sflag:s5], $0x1  }
0xb2: {  	s4 =	sor.u32 @!p0 s4, s6;
	[sflag:s5] =	ssyncadd.s32 @!p0 $0xFFFFFFFF  }
0xb3: {  	s25 =	simm.s32 $0x1B8E;
	s24 =	sld [smem:$0x3FFE];
	[sflag:s4] =	ssyncadd.remote.s32 @!p0 $0x1  }
0xb4: {  	s26 =	simm.s32 $execute0_lowered;
	[smem:$0x3FD2] =	sst s25  }
0xb5: {  	s5 =	sshll.u32 s26, $0x1;
	_ =	strace $0x8000004F;
	[dreg:$0x1] =	wrdreg $0xFFFFFFFF  }
0xb6: {  	s28 =	simm.s32 $_size_execute0_lowered;
	s3 =	sadd.s32 s3, s5;
	[dreg:$0x0] =	wrdreg $0x0  }
0xb7: {  	s5 =	sshll.u32 s28, $0x1;
	[dreg:$0x2] =	wrdreg s3  }
0xb8: {  	[dreg:$0x3] =	wrdreg s5  }
0xb9: {  	[dreg:$0x4] =	wrdreg $0xC0  }
0xba: {  	_ =	task [dreg:s22], $0x5FFFF  }
0xbb: {  	[dreg:$0x1] =	wrdreg $0xFFFFFFFF  }
0xbc: {  	[dreg:$0x0] =	wrdreg $0x60  }
0xbd: {  	[dreg:$0x2] =	wrdreg s24  }
0xbe: {  	[dreg:$0x3] =	wrdreg $0x12E200  }
0xbf: {  	[dreg:$0x4] =	wrdreg $0xB  }
0xc0: {  	_ =	task.clear_ibuf [dreg:s22], $0x5FFFF;
	_ =	strace $0x9000004F  }
0xc1: {  	s29 =	simm.s32 $0xB;
	_ =	strace $0x80000051  }
0xc2: {  	_ =	swait.ge [sflag:s29], $0x1  }
0xc3: {  	[sflag:s29] =	ssyncadd.s32 $0xFFFFFFFF  }
0xc4: {  	_ =	strace $0x90000051  }
0xc5: {  	_ =	sfence  }
0xc6: {  	s30 =	sld [smem:$0x0];
	_ =	sdelay $0x2  }
0xc7: {  	s31 =	sshll.u32 s1, $0xD;
	s1 =	sshrl.u32 s1, $0x2  }
0xc8: {  	s4 =	sand.u32 $0x4000, s31;
	s1 =	sadd.s32 s1, s30  }
0xc9: {  	s0 =	sor.u32 s4, s0;
	s1 =	sshll.u32 s1, $0x11  }
0xca: {  	s0 =	sor.u32 s1, s0  }
0xcb: {  	s0 =	sadd.s32 $0x8F2B, s0  }
0xcc: {  	[sflag:s0] =	ssyncadd.remote.s32 $0x1  }
0xcd: {  	_ =	sfence.sel $0xFFFF  }
0xce: {  	[dreg:$0x0] =	wrdreg $0xFFFFFFFF;
	(pc) =	sbr.abs _section_cstart, $3  }
0xcf: {  	[dreg:$0x1] =	wrdreg $0xFFFFFFFF  }
0xd0: {  	_ =	task.clear_ibuf [dreg:s22], $0x2FFFF;
	_ =	strace $0x9FFFFFFF  }
0xd1: {  	(tm) =	ssettm $0x7FFFFFFF  }
tec
execute0_lowered:
.L_overlay_start_1:
0x0: {  	(tag) =	ssettag $0x1  }
0x1: {  	s0 =	srdreg.scid;
	s1 =	rddreg [dreg:$0x0]  }
0x2: {  	s7 =	stileid.u32;
	s2 =	rddreg [dreg:$0x1];
	s14 =	simm.s32 $0x10E20  }
0x3: {  	s15 =	simm.s32 $0xD;
	s17 =	simm.s32 $0x80;
	s18 =	simm.s32 $0x4E20  }
0x4: {  	s19 =	simm.s32 $0x6E20;
	s31 =	simm.s32 $0xAE20;
	s6 =	smul.u32 $0x1400, s7  }
0x5: {  	s0 =	sand.u32 $0x1, s0;
	s3 =	sshll.u32 s7, $0x1;
	s7 =	smul.u32 $0x28000, s7  }
0x6: {  	s4 =	sor.u32 s0, s3;
	s3 =	simm.s32 $0x0;
	s8 =	smul.u32 $0x14000, s0  }
0x7: {  	s0 =	ssub.s32 $0x2, s0;
	s5 =	smul.u32 $0x2710, s4;
	[smem:$0x7FF] =	sst s3  }
0x8: {  	s20 =	sshrl.u32 s7, $0x2;
	s21 =	sshrl.u32 s0, $0x1;
	_ =	strace $0x80000050  }
0x9: {  	s0 =	ssub.s32 s0, s21;
	[dreg:$0x3] =	wrdreg s31;
	s5 =	sshrl.u32 s5, $0x3  }
0xa: {  	s0 =	smax.u32 s0, $0x1;
	s9 =	sadd.s32 s5, s1;
	s5 =	sadd.s32 s20, s2  }
0xb: {  	s28 =	simm.s32 $0x5;
	[dreg:$0xb] =	wrdreg s0;
	s22 =	sadd.s32 $0x2000, s5  }
0xc: {  	s29 =	simm.s32 $0x6;
	s23 =	sadd.s32 $0x4000, s5;
	[dreg:$0x4] =	wrdreg s22  }
0xd: {  	s4 =	sadd.s32 $0xC9200, s1;
	s24 =	sadd.s32 $0x6000, s5;
	[dreg:$0x5] =	wrdreg s23  }
0xe: {  	s6 =	sadd.s32 s6, s8;
	s25 =	sadd.s32 $0x8000, s5;
	[dreg:$0x6] =	wrdreg s24  }
0xf: {  	s21 =	simm.s32 $0x8E20;
	s26 =	sadd.s32 $0x17200, s9;
	[dreg:$0x7] =	wrdreg s25  }
0x10: {  	s1 =	sadd.s32 s6, s1;
	s30 =	sadd.s32 $0x20E40, s9;
	[dreg:$0x8] =	wrdreg s26  }
0x11: {  	s0 =	simm.s32 $0xC;
	s1 =	sadd.s32 $0xDCC00, s1;
	[dreg:$0x9] =	wrdreg s30  }
0x12: {  	[dreg:$0xa] =	wrdreg s1;
	s22 =	simm.s32 $0x1;
	s23 =	simm.s32 $0xCE20  }
0x13: {  	v0 =	vimm.f32 $0.0e+00;
	s24 =	simm.s32 $0x2;
	s25 =	simm.s32 $0xEE20;
	s26 =	simm.s32 $0x3  }
.LBB2_1:
0x14: {  	s8 =	simm.s32 $0x100;
	s7 =	simm.s32 $0x0  }
.LBB2_2:
0x15: {  	p0 =	sne.s32 s8, $0x7F00;
	[tilespmem:s7+$0x10E50] =	vst v0;
	s9 =	smov.u32 s8;
	s8 =	sadd.s32 $0x100, s8  }
.Ltmp0:
0x16: {  	[tilespmem:s7+$0x10E40] =	vst v0;
	(pc) =	sbr.rel @p0 .LBB2_2-.Ltmp0, $3  }
0x17: {  	[tilespmem:s7+$0x10E20] =	vst v0  }
0x18: {  	[tilespmem:s7+$0x10E30] =	vst v0;
	_ =	sdelay $0x1  }
0x19: {  	s7 =	sshra.s32 s9, $0x2  }
0x1a: {  	[tilespmem:s7+$0x10E50] =	vst v0  }
0x1b: {  	[tilespmem:s7+$0x10E40] =	vst v0  }
0x1c: {  	[tilespmem:s7+$0x10E20] =	vst v0  }
0x1d: {  	[tilespmem:s7+$0x10E30] =	vst v0  }
0x1e: {  	[spmem:s5] =	stream.linear.scatter [tilespmem:s14], [sflag:$0xD], $0x2000, $0x38;
	[tilespmem:$0x1CE20] =	vst v63  }
0x1f: {  	_ =	swait.ge [sflag:s15], $0x2000  }
0x20: {  	[sflag:s15] =	ssyncset.done $0x0  }
0x21: {  	s1 =	rddreg [dreg:$0x4];
	[sflag:s15] =	ssyncadd.s32 $0xFFFFE000  }
0x22: {  	[spmem:s1] =	stream.linear.scatter [tilespmem:s14], [sflag:$0xD], $0x2000, $0x38;
	[tilespmem:$0x1CE20] =	vst v63  }
0x23: {  	_ =	swait.ge [sflag:s15], $0x2000  }
0x24: {  	[sflag:s15] =	ssyncset.done $0x0  }
0x25: {  	s16 =	rddreg [dreg:$0x5];
	[sflag:s15] =	ssyncadd.s32 $0xFFFFE000  }
0x26: {  	[spmem:s16] =	stream.linear.scatter [tilespmem:s14], [sflag:$0xD], $0x2000, $0x38;
	[tilespmem:$0x1CE20] =	vst v63  }
0x27: {  	_ =	swait.ge [sflag:s15], $0x2000  }
0x28: {  	[sflag:s15] =	ssyncset.done $0x0  }
0x29: {  	s20 =	rddreg [dreg:$0x6];
	[sflag:s15] =	ssyncadd.s32 $0xFFFFE000  }
0x2a: {  	[spmem:s20] =	stream.linear.scatter [tilespmem:s14], [sflag:$0xD], $0x2000, $0x38;
	[tilespmem:$0x1CE20] =	vst v63  }
0x2b: {  	_ =	swait.ge [sflag:s15], $0x2000  }
0x2c: {  	[sflag:s15] =	ssyncset.done $0x0  }
0x2d: {  	s30 =	rddreg [dreg:$0x7];
	[sflag:s15] =	ssyncadd.s32 $0xFFFFE000  }
0x2e: {  	[spmem:s30] =	stream.linear.scatter [tilespmem:s14], [sflag:$0xD], $0x2000, $0x38;
	[tilespmem:$0x1CE20] =	vst v63  }
0x2f: {  	_ =	swait.ge [sflag:s15], $0x2000  }
0x30: {  	[sflag:s15] =	ssyncset.done $0x0  }
0x31: {  	s31 =	simm.s32 $0x0;
	s8 =	rddreg [dreg:$0x8];
	[sflag:s15] =	ssyncadd.s32 $0xFFFFE000  }
0x32: {  	[tilespmem:s31], [sflag:$0xD] =	stream.linear.gather [hbm4b:s8+s31], $0x2710, $0x38;
	[tilespmem:$0x1CE20] =	vst v63  }
0x33: {  	_ =	swait.ge [sflag:s15], $0x2710  }
0x34: {  	[sflag:s15] =	ssyncset.done $0x0  }
0x35: {  	s6 =	simm.s32 $0x2710;
	s9 =	rddreg [dreg:$0x9];
	[sflag:s15] =	ssyncadd.s32 $0xFFFFD8F0  }
0x36: {  	[tilespmem:s6], [sflag:$0xD] =	stream.linear.gather [hbm4b:s9+s31], $0x2710, $0x38;
	[tilespmem:$0x1CE20] =	vst v63  }
0x37: {  	_ =	swait.ge [sflag:s15], $0x2710  }
0x38: {  	[sflag:s15] =	ssyncset.done $0x0  }
0x39: {  	[sflag:s15] =	ssyncadd.s32 $0xFFFFD8F0  }
0x3a: {  	[bflag:$0x0] =	sbarrier.arrive $0xFFFF  }
0x3b: {  	[tilespmem:s18], [sflag:$0x1] =	stream.indirect.gather [hbm4b:s4+s17], $0x40, s31, s17, $0xb8;
	[tilespmem:$0x1CE20] =	vst v63  }
0x3c: {  	p0 =	por $0x1, $0x1  }
0x3d: {  	[tilespmem:s19], [sflag:$0x2] =	stream.indirect.gather [hbm4b:s4+s17], $0x40, s17, s17, $0xb8;
	[tilespmem:$0x1CE20] =	vst v63  }
0x3e: {  	s10 =	simm.s32 $0x100;
	s7 =	simm.s32 @!p0 $0xA  }
0x3f: {  	[tilespmem:s21], [sflag:$0x3] =	stream.indirect.gather [hbm4b:s4+s17], $0x40, s10, s17, $0xb8;
	[tilespmem:$0x1CE20] =	vst v63  }
0x40: {  	_ =	swait.ge @!p0 [sflag:s7], $0x2000  }
0x41: {  	[sflag:s7] =	ssyncset.done @!p0 $0x0  }
0x42: {  	s11 =	simm.s32 $0x180;
	s8 =	rddreg [dreg:$0x3];
	[sflag:s7] =	ssyncadd.s32 @!p0 $0xFFFFE000  }
0x43: {  	[tilespmem:s8], [sflag:$0x4] =	stream.indirect.gather [hbm4b:s4+s17], $0x40, s11, s17, $0xb8;
	[tilespmem:$0x1CE20] =	vst v63  }
0x44: {  	_ =	swait.ge [sflag:s22], $0x2000  }
0x45: {  	p0 =	por $0x1, $0x1;
	[sflag:s22] =	ssyncset.done $0x0  }
0x46: {  	s12 =	simm.s32 $0x2710;
	s8 =	simm.s32 @!p0 $0xB;
	[sflag:s22] =	ssyncadd.s32 $0xFFFFE000  }
0x47: {  	[spmem:s2] =	stream.indirect.scatter.add.f32 [tilespmem:s18], [sflag:$0x7], $0x40, s12, s17, $0xb8;
	[tilespmem:$0x1CE20] =	vst v63  }
0x48: {  	_ =	swait.ge @!p0 [sflag:s8], $0x2000  }
0x49: {  	[sflag:s8] =	ssyncset.done @!p0 $0x0  }
0x4a: {  	s13 =	simm.s32 $0x200;
	[sflag:s8] =	ssyncadd.s32 @!p0 $0xFFFFE000  }
0x4b: {  	[tilespmem:s23], [sflag:$0x5] =	stream.indirect.gather [hbm4b:s4+s17], $0x40, s13, s17, $0xb8;
	[tilespmem:$0x1CE20] =	vst v63  }
0x4c: {  	_ =	swait.ge [sflag:s24], $0x2000  }
0x4d: {  	[sflag:s24] =	ssyncset.done $0x0  }
0x4e: {  	s16 =	simm.s32 $0x2790;
	s8 =	simm.s32 @!p0 $0xC;
	[sflag:s24] =	ssyncadd.s32 $0xFFFFE000  }
0x4f: {  	[spmem:s2] =	stream.indirect.scatter.add.f32 [tilespmem:s19], [sflag:$0x8], $0x40, s16, s17, $0xb8;
	[tilespmem:$0x1CE20] =	vst v63  }
0x50: {  	_ =	swait.ge @!p0 [sflag:s8], $0x2000  }
0x51: {  	[sflag:s8] =	ssyncset.done @!p0 $0x0  }
0x52: {  	s20 =	simm.s32 $0x280;
	[sflag:s8] =	ssyncadd.s32 @!p0 $0xFFFFE000  }
0x53: {  	[tilespmem:s25], [sflag:$0x6] =	stream.indirect.gather [hbm4b:s4+s17], $0x40, s20, s17, $0xb8;
	[tilespmem:$0x1CE20] =	vst v63  }
0x54: {  	_ =	swait.ge [sflag:s26], $0x2000  }
0x55: {  	p0 =	por $0x0, $0x0;
	[sflag:s26] =	ssyncset.done $0x0  }
0x56: {  	s30 =	simm.s32 $0x2810;
	s8 =	simm.s32 @p0 $0x4;
	[sflag:s26] =	ssyncadd.s32 $0xFFFFE000  }
0x57: {  	[spmem:s2] =	stream.indirect.scatter.add.f32 [tilespmem:s21], [sflag:$0x9], $0x40, s30, s17, $0xb8;
	[tilespmem:$0x1CE20] =	vst v63  }
0x58: {  	_ =	swait.ge @p0 [sflag:s8], $0x2000  }
0x59: {  	s7 =	simm.s32 @p0 $0x2890;
	s9 =	simm.s32 @p0 $0x80;
	[sflag:s8] =	ssyncset.done @p0 $0x0  }
0x5a: {  	s10 =	simm.s32 @p0 $0xAE20;
	[sflag:s8] =	ssyncadd.s32 @p0 $0xFFFFE000;
	s8 =	simm.s32 @!p0 $0x7  }
0x5b: {  	[spmem:s2] =	stream.indirect.scatter.add.f32 @p0 [tilespmem:s10], [sflag:$0xA], $0x40, s7, s9, $0xb8;
	[tilespmem:$0x1CE20] =	vst v63  }
0x5c: {  	_ =	swait.ge @!p0 [sflag:s8], $0x2000  }
0x5d: {  	s7 =	simm.s32 @!p0 $0x300;
	s9 =	simm.s32 @!p0 $0x80;
	[sflag:s8] =	ssyncset.done @!p0 $0x0  }
0x5e: {  	s10 =	simm.s32 @!p0 $0x4E20;
	[sflag:s8] =	ssyncadd.s32 @!p0 $0xFFFFE000;
	s8 =	simm.s32 @!p0 $0x4  }
0x5f: {  	[tilespmem:s10], [sflag:$0x1] =	stream.indirect.gather @!p0 [hbm4b:s4+s9], $0x40, s7, s9, $0xb8;
	[tilespmem:$0x1CE20] =	vst v63  }
0x60: {  	_ =	swait.ge @!p0 [sflag:s8], $0x2000  }
0x61: {  	s7 =	simm.s32 @!p0 $0x2890;
	[sflag:s8] =	ssyncset.done @!p0 $0x0  }
0x62: {  	s10 =	simm.s32 @!p0 $0xAE20;
	[sflag:s8] =	ssyncadd.s32 @!p0 $0xFFFFE000;
	s8 =	simm.s32 @!p0 $0x8  }
0x63: {  	[spmem:s2] =	stream.indirect.scatter.add.f32 @!p0 [tilespmem:s10], [sflag:$0xA], $0x40, s7, s9, $0xb8;
	[tilespmem:$0x1CE20] =	vst v63  }
0x64: {  	_ =	swait.ge @!p0 [sflag:s8], $0x2000  }
0x65: {  	[sflag:s8] =	ssyncset.done @!p0 $0x0  }
0x66: {  	s7 =	simm.s32 @!p0 $0x380;
	s10 =	simm.s32 @!p0 $0x6E20;
	[sflag:s8] =	ssyncadd.s32 @!p0 $0xFFFFE000  }
0x67: {  	[tilespmem:s10], [sflag:$0x2] =	stream.indirect.gather @!p0 [hbm4b:s4+s9], $0x40, s7, s9, $0xb8;
	[tilespmem:$0x1CE20] =	vst v63  }
0x68: {  	_ =	swait.ge [sflag:s28], $0x2000  }
0x69: {  	[sflag:s28] =	ssyncset.done $0x0  }
0x6a: {  	s31 =	simm.s32 $0x2910;
	s8 =	simm.s32 @!p0 $0x9;
	[sflag:s28] =	ssyncadd.s32 $0xFFFFE000  }
0x6b: {  	[spmem:s2] =	stream.indirect.scatter.add.f32 [tilespmem:s23], [sflag:$0xB], $0x40, s31, s17, $0xb8;
	[tilespmem:$0x1CE20] =	vst v63  }
0x6c: {  	_ =	swait.ge @!p0 [sflag:s8], $0x2000  }
0x6d: {  	[sflag:s8] =	ssyncset.done @!p0 $0x0  }
0x6e: {  	s7 =	simm.s32 @!p0 $0x400;
	s10 =	simm.s32 @!p0 $0x8E20;
	[sflag:s8] =	ssyncadd.s32 @!p0 $0xFFFFE000  }
0x6f: {  	[tilespmem:s10], [sflag:$0x3] =	stream.indirect.gather @!p0 [hbm4b:s4+s9], $0x40, s7, s9, $0xb8;
	[tilespmem:$0x1CE20] =	vst v63  }
0x70: {  	p1 =	por $0x0, $0x0;
	s8 =	simm.s32 $0x2;
	s7 =	simm.s32 $0xC00  }
0x71: {  	s9 =	simm.s32 $0x1800;
	s10 =	simm.s32 $0x2990;
	_ =	swait.ge [sflag:s29], $0x2000  }
.LBB2_4:
0x72: {  	[sflag:s29] =	ssyncset.done $0x0  }
0x73: {  	s13 =	simm.s32 @!p1 $0xA;
	[sflag:s29] =	ssyncadd.s32 $0xFFFFE000  }
0x74: {  	[spmem:s2] =	stream.indirect.scatter.add.f32 [tilespmem:s25], [sflag:$0xC], $0x40, s10, s17, $0xb8;
	[tilespmem:$0x1CE20] =	vst v63  }
0x75: {  	_ =	swait.ge @!p1 [sflag:s13], $0x2000  }
0x76: {  	s11 =	sshra.s32 s7, $0x2;
	[sflag:s13] =	ssyncset.done @!p1 $0x0  }
0x77: {  	s16 =	sadd.s32 $0x180, s11;
	s6 =	rddreg [dreg:$0x3];
	[sflag:s13] =	ssyncadd.s32 @!p1 $0xFFFFE000  }
0x78: {  	[tilespmem:s6], [sflag:$0x4] =	stream.indirect.gather [hbm4b:s4+s17], $0x40, s16, s17, $0xb8;
	[tilespmem:$0x1CE20] =	vst v63  }
0x79: {  	s20 =	sadd.s32 $0x2, s8;
	_ =	swait.ge [sflag:s22], $0x2000  }
0x7a: {  	p1 =	sgt.u32 s20, $0x47;
	[sflag:s22] =	ssyncset.done $0x0  }
0x7b: {  	s30 =	sadd.s32 $0x2710, s11;
	s6 =	simm.s32 @!p1 $0xB;
	[sflag:s22] =	ssyncadd.s32 $0xFFFFE000  }
0x7c: {  	[spmem:s2] =	stream.indirect.scatter.add.f32 [tilespmem:s18], [sflag:$0x7], $0x40, s30, s17, $0xb8;
	[tilespmem:$0x1CE20] =	vst v63  }
0x7d: {  	_ =	swait.ge @!p1 [sflag:s6], $0x2000  }
0x7e: {  	[sflag:s6] =	ssyncset.done @!p1 $0x0  }
0x7f: {  	s31 =	sadd.s32 $0x200, s11;
	[sflag:s6] =	ssyncadd.s32 @!p1 $0xFFFFE000  }
0x80: {  	[tilespmem:s23], [sflag:$0x5] =	stream.indirect.gather [hbm4b:s4+s17], $0x40, s31, s17, $0xb8;
	[tilespmem:$0x1CE20] =	vst v63  }
0x81: {  	_ =	swait.ge [sflag:s24], $0x2000  }
0x82: {  	[sflag:s24] =	ssyncset.done $0x0  }
0x83: {  	s1 =	sadd.s32 $0x2790, s11;
	s13 =	simm.s32 @!p1 $0xC;
	[sflag:s24] =	ssyncadd.s32 $0xFFFFE000  }
0x84: {  	[spmem:s2] =	stream.indirect.scatter.add.f32 [tilespmem:s19], [sflag:$0x8], $0x40, s1, s17, $0xb8;
	[tilespmem:$0x1CE20] =	vst v63  }
0x85: {  	_ =	swait.ge @!p1 [sflag:s13], $0x2000  }
0x86: {  	[sflag:s13] =	ssyncset.done @!p1 $0x0  }
0x87: {  	s16 =	sadd.s32 $0x280, s11;
	[sflag:s13] =	ssyncadd.s32 @!p1 $0xFFFFE000  }
0x88: {  	[tilespmem:s25], [sflag:$0x6] =	stream.indirect.gather [hbm4b:s4+s17], $0x40, s16, s17, $0xb8;
	[tilespmem:$0x1CE20] =	vst v63  }
0x89: {  	_ =	swait.ge [sflag:s26], $0x2000  }
0x8a: {  	p1 =	seq.s32 s7, $0x9000;
	[sflag:s26] =	ssyncset.done $0x0  }
0x8b: {  	s20 =	sadd.s32 $0x2810, s11;
	s13 =	simm.s32 @p1 $0x4;
	[sflag:s26] =	ssyncadd.s32 $0xFFFFE000  }
0x8c: {  	[spmem:s2] =	stream.indirect.scatter.add.f32 [tilespmem:s21], [sflag:$0x9], $0x40, s20, s17, $0xb8;
	[tilespmem:$0x1CE20] =	vst v63  }
0x8d: {  	s30 =	sshra.s32 @p1 s7, $0x2;
	_ =	swait.ge @p1 [sflag:s13], $0x2000  }
0x8e: {  	s31 =	simm.s32 @p1 $0xAE20;
	s6 =	sadd.s32 @p1 $0x2890, s30;
	[sflag:s13] =	ssyncset.done @p1 $0x0  }
0x8f: {  	s30 =	simm.s32 @p1 $0x80;
	[sflag:s13] =	ssyncadd.s32 @p1 $0xFFFFE000;
	s13 =	simm.s32 @!p1 $0x7  }
0x90: {  	[spmem:s2] =	stream.indirect.scatter.add.f32 @p1 [tilespmem:s31], [sflag:$0xA], $0x40, s6, s30, $0xb8;
	[tilespmem:$0x1CE20] =	vst v63  }
0x91: {  	s12 =	smov.u32 s9;
	s7 =	sshra.s32 @!p1 s7, $0x2;
	_ =	swait.ge @!p1 [sflag:s13], $0x2000  }
0x92: {  	s16 =	simm.s32 @!p1 $0x4E20;
	s1 =	sadd.s32 @!p1 $0x300, s7;
	[sflag:s13] =	ssyncset.done @!p1 $0x0  }
0x93: {  	s31 =	simm.s32 @!p1 $0x80;
	[sflag:s13] =	ssyncadd.s32 @!p1 $0xFFFFE000;
	s13 =	simm.s32 @!p1 $0x4  }
0x94: {  	[tilespmem:s16], [sflag:$0x1] =	stream.indirect.gather @!p1 [hbm4b:s4+s31], $0x40, s1, s31, $0xb8;
	[tilespmem:$0x1CE20] =	vst v63  }
0x95: {  	s20 =	sadd.s32 @!p1 $0x400, s7;
	s6 =	sadd.s32 @!p1 $0x2890, s7;
	_ =	swait.ge @!p1 [sflag:s13], $0x2000  }
0x96: {  	s30 =	sadd.s32 @!p1 $0x380, s7;
	s7 =	smov.u32 s12;
	[sflag:s13] =	ssyncset.done @!p1 $0x0  }
0x97: {  	s12 =	simm.s32 @!p1 $0x8;
	s1 =	simm.s32 @!p1 $0xAE20;
	[sflag:s13] =	ssyncadd.s32 @!p1 $0xFFFFE000  }
0x98: {  	[spmem:s2] =	stream.indirect.scatter.add.f32 @!p1 [tilespmem:s1], [sflag:$0xA], $0x40, s6, s31, $0xb8;
	[tilespmem:$0x1CE20] =	vst v63  }
0x99: {  	_ =	swait.ge @!p1 [sflag:s12], $0x2000  }
0x9a: {  	[sflag:s12] =	ssyncset.done @!p1 $0x0  }
0x9b: {  	s1 =	simm.s32 @!p1 $0x6E20;
	[sflag:s12] =	ssyncadd.s32 @!p1 $0xFFFFE000  }
0x9c: {  	[tilespmem:s1], [sflag:$0x2] =	stream.indirect.gather @!p1 [hbm4b:s4+s31], $0x40, s30, s31, $0xb8;
	[tilespmem:$0x1CE20] =	vst v63  }
0x9d: {  	s9 =	sadd.s32 $0xC00, s9;
	_ =	swait.ge [sflag:s28], $0x2000  }
0x9e: {  	p0 =	sne.s32 s9, $0x9C00;
	[sflag:s28] =	ssyncset.done $0x0  }
0x9f: {  	s6 =	simm.s32 @!p1 $0x9;
	s30 =	sadd.s32 $0x2910, s11;
	[sflag:s28] =	ssyncadd.s32 $0xFFFFE000  }
0xa0: {  	[spmem:s2] =	stream.indirect.scatter.add.f32 [tilespmem:s23], [sflag:$0xB], $0x40, s30, s17, $0xb8;
	[tilespmem:$0x1CE20] =	vst v63  }
.Ltmp1:
0xa1: {  	_ =	swait.ge @!p1 [sflag:s6], $0x2000;
	(pc) =	sbr.rel @p0 .LBB2_4-.Ltmp1, $4  }
0xa2: {  	[sflag:s6] =	ssyncset.done @!p1 $0x0  }
0xa3: {  	s8 =	sadd.s32 $0x6, s8;
	s1 =	simm.s32 @!p1 $0x8E20;
	[sflag:s6] =	ssyncadd.s32 @!p1 $0xFFFFE000  }
0xa4: {  	[tilespmem:s1], [sflag:$0x3] =	stream.indirect.gather @!p1 [hbm4b:s4+s31], $0x40, s20, s31, $0xb8;
	[tilespmem:$0x1CE20] =	vst v63  }
0xa5: {  	s10 =	sadd.s32 $0x2990, s11;
	p1 =	sgt.u32 s8, $0x47;
	_ =	swait.ge [sflag:s29], $0x2000  }
0xa6: {  	[sflag:s29] =	ssyncset.done $0x0  }
0xa7: {  	s1 =	simm.s32 @!p1 $0xA;
	[sflag:s29] =	ssyncadd.s32 $0xFFFFE000  }
0xa8: {  	[spmem:s2] =	stream.indirect.scatter.add.f32 [tilespmem:s25], [sflag:$0xC], $0x40, s10, s17, $0xb8;
	[tilespmem:$0x1CE20] =	vst v63  }
0xa9: {  	_ =	swait.ge @!p1 [sflag:s1], $0x2000  }
0xaa: {  	s9 =	sshra.s32 s7, $0x2;
	[sflag:s1] =	ssyncset.done @!p1 $0x0  }
0xab: {  	s31 =	sadd.s32 $0x180, s9;
	s6 =	rddreg [dreg:$0x3];
	[sflag:s1] =	ssyncadd.s32 @!p1 $0xFFFFE000  }
0xac: {  	[tilespmem:s6], [sflag:$0x4] =	stream.indirect.gather [hbm4b:s4+s17], $0x40, s31, s17, $0xb8;
	[tilespmem:$0x1CE20] =	vst v63  }
0xad: {  	s10 =	sadd.s32 $0x2, s8;
	_ =	swait.ge [sflag:s22], $0x2000  }
0xae: {  	p0 =	sgt.u32 s10, $0x47;
	[sflag:s22] =	ssyncset.done $0x0  }
0xaf: {  	s11 =	sadd.s32 $0x2710, s9;
	s6 =	simm.s32 @!p0 $0xB;
	[sflag:s22] =	ssyncadd.s32 $0xFFFFE000  }
0xb0: {  	[spmem:s2] =	stream.indirect.scatter.add.f32 [tilespmem:s18], [sflag:$0x7], $0x40, s11, s17, $0xb8;
	[tilespmem:$0x1CE20] =	vst v63  }
0xb1: {  	_ =	swait.ge @!p0 [sflag:s6], $0x2000  }
0xb2: {  	[sflag:s6] =	ssyncset.done @!p0 $0x0  }
0xb3: {  	s12 =	sadd.s32 $0x200, s9;
	[sflag:s6] =	ssyncadd.s32 @!p0 $0xFFFFE000  }
0xb4: {  	[tilespmem:s23], [sflag:$0x5] =	stream.indirect.gather [hbm4b:s4+s17], $0x40, s12, s17, $0xb8;
	[tilespmem:$0x1CE20] =	vst v63  }
0xb5: {  	_ =	swait.ge [sflag:s24], $0x2000  }
0xb6: {  	[sflag:s24] =	ssyncset.done $0x0  }
0xb7: {  	s13 =	sadd.s32 $0x2790, s9;
	s6 =	simm.s32 @!p0 $0xC;
	[sflag:s24] =	ssyncadd.s32 $0xFFFFE000  }
0xb8: {  	[spmem:s2] =	stream.indirect.scatter.add.f32 [tilespmem:s19], [sflag:$0x8], $0x40, s13, s17, $0xb8;
	[tilespmem:$0x1CE20] =	vst v63  }
0xb9: {  	_ =	swait.ge @!p0 [sflag:s6], $0x2000  }
0xba: {  	[sflag:s6] =	ssyncset.done @!p0 $0x0  }
0xbb: {  	s16 =	sadd.s32 $0x280, s9;
	[sflag:s6] =	ssyncadd.s32 @!p0 $0xFFFFE000  }
0xbc: {  	[tilespmem:s25], [sflag:$0x6] =	stream.indirect.gather [hbm4b:s4+s17], $0x40, s16, s17, $0xb8;
	[tilespmem:$0x1CE20] =	vst v63  }
0xbd: {  	_ =	swait.ge [sflag:s26], $0x2000  }
0xbe: {  	p0 =	seq.s32 s7, $0x9000;
	[sflag:s26] =	ssyncset.done $0x0  }
0xbf: {  	s20 =	sadd.s32 $0x2810, s9;
	s6 =	simm.s32 @p0 $0x4;
	[sflag:s26] =	ssyncadd.s32 $0xFFFFE000  }
0xc0: {  	[spmem:s2] =	stream.indirect.scatter.add.f32 [tilespmem:s21], [sflag:$0x9], $0x40, s20, s17, $0xb8;
	[tilespmem:$0x1CE20] =	vst v63  }
0xc1: {  	_ =	swait.ge @p0 [sflag:s6], $0x2000  }
0xc2: {  	s1 =	sshra.s32 @p0 s7, $0x2;
	s8 =	simm.s32 @p0 $0x80;
	[sflag:s6] =	ssyncset.done @p0 $0x0  }
0xc3: {  	s1 =	sadd.s32 @p0 $0x2890, s1;
	[sflag:s6] =	ssyncadd.s32 @p0 $0xFFFFE000;
	s6 =	simm.s32 @p0 $0xAE20  }
0xc4: {  	[spmem:s2] =	stream.indirect.scatter.add.f32 @p0 [tilespmem:s6], [sflag:$0xA], $0x40, s1, s8, $0xb8;
	[tilespmem:$0x1CE20] =	vst v63  }
0xc5: {  	s1 =	simm.s32 @!p0 $0x7  }
0xc6: {  	_ =	swait.ge @!p0 [sflag:s1], $0x2000  }
0xc7: {  	s6 =	sshra.s32 @!p0 s7, $0x2;
	s8 =	simm.s32 @!p0 $0x80;
	[sflag:s1] =	ssyncset.done @!p0 $0x0  }
0xc8: {  	s7 =	sadd.s32 @!p0 $0x300, s6;
	[sflag:s1] =	ssyncadd.s32 @!p0 $0xFFFFE000;
	s1 =	simm.s32 @!p0 $0x4E20  }
0xc9: {  	[tilespmem:s1], [sflag:$0x1] =	stream.indirect.gather @!p0 [hbm4b:s4+s8], $0x40, s7, s8, $0xb8;
	[tilespmem:$0x1CE20] =	vst v63  }
0xca: {  	s1 =	simm.s32 @!p0 $0x4  }
0xcb: {  	_ =	swait.ge @!p0 [sflag:s1], $0x2000  }
0xcc: {  	[sflag:s1] =	ssyncset.done @!p0 $0x0  }
0xcd: {  	s7 =	sadd.s32 @!p0 $0x2890, s6;
	[sflag:s1] =	ssyncadd.s32 @!p0 $0xFFFFE000;
	s1 =	simm.s32 @!p0 $0xAE20  }
0xce: {  	[spmem:s2] =	stream.indirect.scatter.add.f32 @!p0 [tilespmem:s1], [sflag:$0xA], $0x40, s7, s8, $0xb8;
	[tilespmem:$0x1CE20] =	vst v63  }
0xcf: {  	s1 =	simm.s32 @!p0 $0x8  }
0xd0: {  	_ =	swait.ge @!p0 [sflag:s1], $0x2000  }
0xd1: {  	[sflag:s1] =	ssyncset.done @!p0 $0x0  }
0xd2: {  	s7 =	sadd.s32 @!p0 $0x380, s6;
	[sflag:s1] =	ssyncadd.s32 @!p0 $0xFFFFE000;
	s1 =	simm.s32 @!p0 $0x6E20  }
0xd3: {  	[tilespmem:s1], [sflag:$0x2] =	stream.indirect.gather @!p0 [hbm4b:s4+s8], $0x40, s7, s8, $0xb8;
	[tilespmem:$0x1CE20] =	vst v63  }
0xd4: {  	_ =	swait.ge [sflag:s28], $0x2000  }
0xd5: {  	[sflag:s28] =	ssyncset.done $0x0  }
0xd6: {  	s30 =	sadd.s32 $0x2910, s9;
	s1 =	simm.s32 @!p0 $0x9;
	[sflag:s28] =	ssyncadd.s32 $0xFFFFE000  }
0xd7: {  	[spmem:s2] =	stream.indirect.scatter.add.f32 [tilespmem:s23], [sflag:$0xB], $0x40, s30, s17, $0xb8;
	[tilespmem:$0x1CE20] =	vst v63  }
0xd8: {  	_ =	swait.ge @!p0 [sflag:s1], $0x2000  }
0xd9: {  	[sflag:s1] =	ssyncset.done @!p0 $0x0  }
0xda: {  	s6 =	sadd.s32 @!p0 $0x400, s6;
	[sflag:s1] =	ssyncadd.s32 @!p0 $0xFFFFE000;
	s1 =	simm.s32 @!p0 $0x8E20  }
0xdb: {  	[tilespmem:s1], [sflag:$0x3] =	stream.indirect.gather @!p0 [hbm4b:s4+s8], $0x40, s6, s8, $0xb8;
	[tilespmem:$0x1CE20] =	vst v63  }
0xdc: {  	_ =	swait.ge [sflag:s29], $0x2000  }
0xdd: {  	[sflag:s29] =	ssyncset.done $0x0  }
0xde: {  	s31 =	sadd.s32 $0x2990, s9;
	s6 =	simm.s32 $0x7;
	[sflag:s29] =	ssyncadd.s32 $0xFFFFE000  }
0xdf: {  	[spmem:s2] =	stream.indirect.scatter.add.f32 [tilespmem:s25], [sflag:$0xC], $0x40, s31, s17, $0xb8;
	[tilespmem:$0x1CE20] =	vst v63  }
0xe0: {  	_ =	swait.ge [sflag:s6], $0x2000  }
0xe1: {  	[sflag:s6] =	ssyncset.done $0x0  }
0xe2: {  	s7 =	simm.s32 $0x8;
	[sflag:s6] =	ssyncadd.s32 $0xFFFFE000  }
0xe3: {  	_ =	swait.ge [sflag:s7], $0x2000  }
0xe4: {  	[sflag:s7] =	ssyncset.done $0x0  }
0xe5: {  	s8 =	simm.s32 $0x9;
	[sflag:s7] =	ssyncadd.s32 $0xFFFFE000  }
0xe6: {  	_ =	swait.ge [sflag:s8], $0x2000  }
0xe7: {  	[sflag:s8] =	ssyncset.done $0x0  }
0xe8: {  	s9 =	simm.s32 $0xA;
	[sflag:s8] =	ssyncadd.s32 $0xFFFFE000  }
0xe9: {  	_ =	swait.ge [sflag:s9], $0x2000  }
0xea: {  	[sflag:s9] =	ssyncset.done $0x0  }
0xeb: {  	s10 =	simm.s32 $0xB;
	[sflag:s9] =	ssyncadd.s32 $0xFFFFE000  }
0xec: {  	_ =	swait.ge [sflag:s10], $0x2000  }
0xed: {  	[sflag:s10] =	ssyncset.done $0x0  }
0xee: {  	[sflag:s10] =	ssyncadd.s32 $0xFFFFE000  }
0xef: {  	_ =	swait.ge [sflag:s0], $0x2000  }
0xf0: {  	[sflag:s0] =	ssyncset.done $0x0  }
0xf1: {  	s11 =	simm.s32 $0x10;
	s12 =	simm.s32 $0x2700;
	[sflag:s0] =	ssyncadd.s32 $0xFFFFE000  }
0xf2: {  	[tilespmem:s18], [sflag:$0x1] =	stream.indirect.gather [hbm4b:s4+s11], $0x40, s12, s11, $0xb8;
	[tilespmem:$0x1CE20] =	vst v63  }
0xf3: {  	_ =	swait.ge [sflag:s22], $0x400  }
0xf4: {  	[sflag:s22] =	ssyncset.done $0x0  }
0xf5: {  	s13 =	simm.s32 $0x4E10;
	[sflag:s22] =	ssyncadd.s32 $0xFFFFFC00  }
0xf6: {  	[spmem:s2] =	stream.indirect.scatter.add.f32 [tilespmem:s18], [sflag:$0xD], $0x40, s13, s11, $0xb8;
	[tilespmem:$0x1CE20] =	vst v63  }
0xf7: {  	_ =	swait.ge [sflag:s15], $0x400  }
0xf8: {  	[sflag:s15] =	ssyncset.done $0x0  }
0xf9: {  	s16 =	stileid.u32;
	[sflag:s15] =	ssyncadd.s32 $0xFFFFFC00  }
0xfa: {  	s1 =	sshll.u32 s16, $0x6;
	[bflag:$0x0] =	sbarrier.arrive $0xFFFF  }
0xfb: {  	s20 =	sshrl.u32 s5, $0x3;
	s1 =	sor.u32 $0x1C0D, s1;
	s30 =	rddreg [dreg:$0xa]  }
0xfc: {  	[hbm:s30], [sflag:s1] =	dma.local [spmem:s20], $0x1400  }
0xfd: {  	_ =	swait.ge [sflag:s15], $0x1400  }
0xfe: {  	s3 =	sadd.s32 $0x1, s3;
	s31 =	rddreg [dreg:$0xb]  }
0xff: {  	p0 =	sne.s32 s3, s31  }
.Ltmp2:
0x100: {  	_ = 	snop;
	(pc) =	sbr.rel @p0 .LBB2_1-.Ltmp2, $3  }
0x101: {  	_ =	sdelay $0x1  }
0x102: {  	[sflag:s15] =	ssyncset.done $0x0  }
0x103: {  	[sflag:s15] =	ssyncadd.s32 $0xFFFFEC00  }
0x104: {  	_ =	sfence.sel $0x180000  }
0x105: {  	[bflag:$0x0] =	sbarrier.arrive $0xFFFF  }
0x106: {  	_ =	strace $0x90000050  }
0x107: {  	s0 =	stileid.u32;
	[bflag:$0x2] =	sbarrier.arrive $0xFFFF  }
0x108: {  	p0 =	sne.s32 s0, $0x0;
	s0 =	rddreg [dreg:$0x2]  }
0x109: {  	s0 =	sadd.s32 @!p0 $0x100000, s0  }
0x10a: {  	[sflag:s0] =	ssyncadd.tile.s32 @!p0 $0x1;
	_ =	shalt  }
.Lfunc_end2:
_tile_overlayer_lowered:
.L_overlay_start_2:
0x10b: {  	(tag) =	ssettag $0x2  }
0x10c: {  	s0 =	rddreg [dreg:$0x0];
	s2 =	stileid.u32  }
0x10d: {  	s1 =	rddreg [dreg:$0x1];
	p0 =	sne.s32 s2, $0x0  }
0x10e: {  	s3 =	rddreg [dreg:$0x2];
	[bflag:$0x3] =	sbarrier.arrive $0xFFFF;
	s2 =	simm.s32 @!p0 $0x1C0D  }
0x10f: {  	[timem:s3], [sflag:s2] =	dma.local @!p0 [hbm:s0], s1  }
0x110: {  	s0 =	simm.s32 @!p0 $0xD  }
0x111: {  	_ =	swait.ge @!p0 [sflag:s0], s1  }
0x112: {  	s1 =	ssub.s32 @!p0 $0x0, s1;
	[sflag:s0] =	ssyncset.done @!p0 $0x0  }
0x113: {  	[sflag:s0] =	ssyncadd.s32 @!p0 s1  }
0x114: {  	[bflag:$0x3] =	sbarrier.arrive $0xFFFF  }
0x115: {  	_ =	shalt  }

// kernel: kernel.9.cloned.1.call-start
scs
__scs_entry_jumppad:
0x0: {  	(pc) =	sbr.rel $0x88, $3  }
0x1: {  	(tag) =	ssettag $0x0;
	lr =	simm.s32 $0x1  }
0x2: {  	[smem:$0x3F92] =	sst lr;
	_ =	strace $0xD0000000  }
0x3: {  	_ = 	snop  }
0x4: {  	_ = 	snop  }
0x5: {  	_ = 	snop  }
0x6: {  	_ = 	snop  }
0x7: {  	_ = 	snop  }
__scs_overlays_trampoline_lowered:
0x8: {  	[smem:$0x3FA1] =	sst s0  }
0x9: {  	[smem:$0x3FA2] =	sst s1  }
0xa: {  	[smem:$0x3FA3] =	sst s2  }
0xb: {  	[smem:$0x3FA4] =	sst s3  }
0xc: {  	[smem:$0x3FA5] =	sst s4  }
0xd: {  	[smem:$0x3FA6] =	sst s5  }
0xe: {  	[smem:$0x3FA7] =	sst s6  }
0xf: {  	[smem:$0x3FA8] =	sst s7  }
0x10: {  	[smem:$0x3FA9] =	sst s8  }
0x11: {  	[smem:$0x3FAA] =	sst s9;
	s0 =	simm.s32 @!p0 $0x0  }
0x12: {  	s1 =	sld [smem:$0x3F90];
	s0 =	simm.s32 @p0 $0x1  }
0x13: {  	[smem:$0x3FAB] =	sst s0;
	s0 =	simm.s32 @!p1 $0x0  }
0x14: {  	s2 =	sld [smem:$0x3F8F];
	s0 =	simm.s32 @p1 $0x1  }
0x15: {  	[smem:$0x3FAC] =	sst s0;
	s0 =	simm.s32 @!p2 $0x0  }
0x16: {  	s3 =	sld [smem:$0x3FDB];
	s0 =	simm.s32 @p2 $0x1  }
0x17: {  	s4 =	simm.s32 $0x1BF5;
	[smem:$0x3FAE] =	sst s0  }
0x18: {  	s0 =	sld [smem:$0x3F91];
	_ =	swait.ge [sflag:s4], $0x0  }
0x19: {  	s7 =	sld [smem:$0x3F92]  }
0x1a: {  	s8 =	sadd.s32 $0xFFFFE003, lr  }
0x1b: {  	s9 =	sadd.s32 $0xFFFFFEF7, lr;
	s5 =	simm.s32 $0xFFFFFFFF;
	p2 =	slt.u32 s8, $0xFFFFF086  }
0x1c: {  	p1 =	slt.u32 s9, $0xF7A;
	s5 =	simm.s32 @!p2 $0x0  }
0x1d: {  	s5 =	simm.s32 @p1 $0x1;
	p0 =	seq.s32 s7, s2  }
0x1e: {  	s7 =	smul.u32 @!p0 $0xF7A, s2;
	p2 =	seq.s32 @!p0 s5, $0x0  }
0x1f: {  	s9 =	smul.u32 $0xF7A, s1;
	s8 =	simm.s32 @!p0 $0x1BF5;
	p2 =	por !p2, p0  }
0x20: {  	[sflag:s8] =	ssyncset.s32 @!p0 $0xFFFFF086;
	s6 =	sadd.s32 @!p0 s3, s7;
	s7 =	simm.s32 @!p0 $0x108  }
0x21: {  	s3 =	sadd.s32 s3, s9;
	s6 =	sadd.s32 @!p0 $0x88, s6;
	s7 =	simm.s32 @p2 $0x1082  }
0x22: {  	[simem:s7], [sflag:s8] =	dma.local @!p0 [hbm:s6], $0xF7A  }
0x23: {  	s9 =	sor.u32 $0xD0000000, s2;
	s6 =	simm.s32 $0x108;
	_ =	swait.ge @!p0 [sflag:s8], $0x0  }
0x24: {  	s3 =	sadd.s32 $0x88, s3;
	s6 =	simm.s32 @!p1 $0x1082;
	[sflag:s4] =	ssyncset.s32 $0xFFFFF086  }
0x25: {  	[simem:s6], [sflag:s4] =	dma.local [hbm:s3], $0xF7A  }
0x26: {  	[smem:$0x3F92] =	sst s1;
	(tag) =	ssettag s2;
	_ =	strace s9  }
0x27: {  	s1 =	sld [smem:$0x3FA2]  }
0x28: {  	s2 =	sld [smem:$0x3FA3]  }
0x29: {  	s4 =	sld [smem:$0x3FA5]  }
0x2a: {  	p0 =	seq.s32 s5, $0x0;
	s5 =	sld [smem:$0x3FA6]  }
0x2b: {  	s6 =	sld [smem:$0x3FA7]  }
0x2c: {  	s7 =	sld [smem:$0x3FA8]  }
0x2d: {  	s3 =	simm.s32 $0x108;
	s8 =	sld [smem:$0x3FA9]  }
0x2e: {  	s3 =	simm.s32 @!p0 $0x1082;
	s9 =	sld [smem:$0x3FAA]  }
0x2f: {  	lr =	sadd.s32 s0, s3;
	s0 =	sld [smem:$0x3FA1]  }
0x30: {  	s3 =	sld [smem:$0x3FA4]  }
0x31: {  	[smem:$0x3FAD] =	sst s10  }
0x32: {  	s10 =	sld [smem:$0x3FAB];
	_ =	sdelay $0x3  }
0x33: {  	p0 =	seq.s32 s10, $0x1;
	s10 =	sld [smem:$0x3FAD];
	_ =	sdelay $0x3  }
0x34: {  	[smem:$0x3FAD] =	sst s10  }
0x35: {  	s10 =	sld [smem:$0x3FAC];
	_ =	sdelay $0x3  }
0x36: {  	p1 =	seq.s32 s10, $0x1;
	s10 =	sld [smem:$0x3FAD];
	_ =	sdelay $0x3  }
0x37: {  	[smem:$0x3FAD] =	sst s10  }
0x38: {  	s10 =	sld [smem:$0x3FAE]  }
0x39: {  	_ = 	snop;
	(pc) =	sbr.ind lr, $3  }
0x3a: {  	_ = 	snop  }
0x3b: {  	_ = 	snop  }
0x3c: {  	p2 =	seq.s32 s10, $0x1;
	s10 =	sld [smem:$0x3FAD]  }
0x3d: {  	_ =	shalt  }
0x3e: {  	_ =	shalt  }
0x3f: {  	_ =	shalt  }
0x40: {  	_ =	shalt  }
0x41: {  	_ =	shalt  }
0x42: {  	_ =	shalt  }
0x43: {  	_ =	shalt  }
0x44: {  	_ =	shalt  }
0x45: {  	_ =	shalt  }
0x46: {  	_ =	shalt  }
0x47: {  	_ =	shalt  }
0x48: {  	_ =	shalt  }
0x49: {  	_ =	shalt  }
0x4a: {  	_ =	shalt  }
0x4b: {  	_ =	shalt  }
0x4c: {  	_ =	shalt  }
0x4d: {  	_ =	shalt  }
0x4e: {  	_ =	shalt  }
0x4f: {  	_ =	shalt  }
0x50: {  	_ =	shalt  }
0x51: {  	_ =	shalt  }
0x52: {  	_ =	shalt  }
0x53: {  	_ =	shalt  }
0x54: {  	_ =	shalt  }
0x55: {  	_ =	shalt  }
0x56: {  	_ =	shalt  }
0x57: {  	_ =	shalt  }
0x58: {  	_ =	shalt  }
0x59: {  	_ =	shalt  }
0x5a: {  	_ =	shalt  }
0x5b: {  	_ =	shalt  }
0x5c: {  	_ =	shalt  }
0x5d: {  	_ =	shalt  }
0x5e: {  	_ =	shalt  }
0x5f: {  	_ =	shalt  }
0x60: {  	_ =	shalt  }
0x61: {  	_ =	shalt  }
0x62: {  	_ =	shalt  }
0x63: {  	_ =	shalt  }
0x64: {  	_ =	shalt  }
0x65: {  	_ =	shalt  }
0x66: {  	_ =	shalt  }
0x67: {  	_ =	shalt  }
0x68: {  	_ =	shalt  }
0x69: {  	_ =	shalt  }
0x6a: {  	_ =	shalt  }
0x6b: {  	_ =	shalt  }
0x6c: {  	_ =	shalt  }
0x6d: {  	_ =	shalt  }
0x6e: {  	_ =	shalt  }
0x6f: {  	_ =	shalt  }
0x70: {  	_ =	shalt  }
0x71: {  	_ =	shalt  }
0x72: {  	_ =	shalt  }
0x73: {  	_ =	shalt  }
0x74: {  	_ =	shalt  }
0x75: {  	_ =	shalt  }
0x76: {  	_ =	shalt  }
0x77: {  	_ =	shalt  }
0x78: {  	_ =	shalt  }
0x79: {  	_ =	shalt  }
0x7a: {  	_ =	shalt  }
0x7b: {  	_ =	shalt  }
0x7c: {  	_ =	shalt  }
0x7d: {  	_ =	shalt  }
0x7e: {  	_ =	shalt  }
0x7f: {  	_ =	shalt  }
0x80: {  	_ =	shalt  }
0x81: {  	_ =	shalt  }
0x82: {  	_ =	shalt  }
0x83: {  	_ =	shalt  }
0x84: {  	_ =	shalt  }
0x85: {  	_ =	shalt  }
0x86: {  	_ =	shalt  }
0x87: {  	_ =	shalt  }
.Lfunc_end0:
.L_simem_size_0:
called_computation_lowered:
.L_overlay_start_0:
0x88: {  	s2 =	sld [smem:$0x3FD9]  }
0x89: {  	s3 =	sld [smem:$0x3FFE];
	_ =	sdelay $0x1  }
0x8a: {  	s1 =	srdreg.scid  }
0x8b: {  	s0 =	sand.u32 $0x1, s1  }
0x8c: {  	s17 =	sshll.u32 s0, $0xA;
	s2 =	sadd.s32 s3, s2  }
0x8d: {  	s2 =	sadd.s32 s2, s17  }
0x8e: {  	[smem:$0x3FB9] =	sst s2  }
0x8f: {  	_ = 	snop  }
0x90: {  	s2 =	sld [smem:$0x3FD0];
	(tm) =	ssettm $0x1  }
0x91: {  	s18 =	sld [smem:$0x3FFB];
	_ =	sdelay $0x3  }
0x92: {  	_ =	strace s18  }
0x93: {  	s3 =	sld [smem:$0x3FFC];
	_ =	sdelay $0x3  }
0x94: {  	_ =	strace s3  }
0x95: {  	s3 =	sld [smem:$0x3FFD];
	_ =	sdelay $0x3  }
0x96: {  	_ =	strace s3  }
0x97: {  	_ =	strace $0x8FFFFFFF  }
0x98: {  	s19 =	sld [smem:$0x3FDB];
	_ =	sdelay $0x1  }
0x99: {  	s4 =	simm.s32 $_scs_section_size  }
0x9a: {  	s5 =	simm.s32 $_size__tile_overlayer_lowered;
	s6 =	simm.s32 $_tile_overlayer_lowered  }
0x9b: {  	s22 =	simm.s32 $0x1BFF;
	s21 =	sshll.u32 s6, $0x1;
	s3 =	sadd.s32 s4, s19  }
0x9c: {  	s7 =	simm.s32 $0x0;
	s20 =	sshll.u32 s5, $0x1;
	s5 =	sadd.s32 s21, s3  }
0x9d: {  	[timem:s7], [sflag:s22] =	dma.local [hbm:s5], s20  }
0x9e: {  	_ =	swait.ge [sflag:s22], s20  }
0x9f: {  	s4 =	ssub.s32 $0x0, s20;
	[sflag:s22] =	ssyncset.done $0x0  }
0xa0: {  	[sflag:s22] =	ssyncadd.s32 s4;
	_ =	sdelay $0x1  }
0xa1: {  	s23 =	simm.s32 $0x1B8B  }
0xa2: {  	_ =	swait.ge [sflag:s23], $0x1  }
0xa3: {  	[sflag:s23] =	ssyncset.done $0x0  }
0xa4: {  	s25 =	simm.s32 $0x1B8E;
	s24 =	sld [smem:$0x3FFE];
	[sflag:s23] =	ssyncadd.s32 $0xFFFFFFFF  }
0xa5: {  	s26 =	simm.s32 $execute0_lowered;
	[smem:$0x3FD2] =	sst s25  }
0xa6: {  	s5 =	sshll.u32 s26, $0x1;
	_ =	strace $0x80000046;
	[dreg:$0x1] =	wrdreg $0xFFFFFFFF  }
0xa7: {  	s28 =	simm.s32 $_size_execute0_lowered;
	s3 =	sadd.s32 s3, s5;
	[dreg:$0x0] =	wrdreg $0x0  }
0xa8: {  	s5 =	sshll.u32 s28, $0x1;
	[dreg:$0x2] =	wrdreg s3  }
0xa9: {  	[dreg:$0x3] =	wrdreg s5  }
0xaa: {  	[dreg:$0x4] =	wrdreg $0xC0  }
0xab: {  	_ =	task [dreg:s7], $0x5FFFF  }
0xac: {  	[dreg:$0x1] =	wrdreg $0xFFFFFFFF  }
0xad: {  	[dreg:$0x0] =	wrdreg $0x60  }
0xae: {  	[dreg:$0x2] =	wrdreg s2  }
0xaf: {  	[dreg:$0x3] =	wrdreg s24  }
0xb0: {  	[dreg:$0x4] =	wrdreg $0x2A100  }
0xb1: {  	[dreg:$0x5] =	wrdreg $0x2C900  }
0xb2: {  	[dreg:$0x6] =	wrdreg $0x2F100  }
0xb3: {  	[dreg:$0x7] =	wrdreg $0x9  }
0xb4: {  	_ =	task.clear_ibuf [dreg:s7], $0x8FFFF;
	_ =	strace $0x90000046  }
0xb5: {  	s29 =	simm.s32 $0x9;
	_ =	strace $0x80000048  }
0xb6: {  	_ =	swait.ge [sflag:s29], $0x1  }
0xb7: {  	[sflag:s29] =	ssyncadd.s32 $0xFFFFFFFF  }
0xb8: {  	_ =	strace $0x90000048  }
0xb9: {  	_ =	sfence  }
0xba: {  	s30 =	sld [smem:$0x0];
	_ =	sdelay $0x2  }
0xbb: {  	s31 =	sshll.u32 s1, $0xD;
	s1 =	sshrl.u32 s1, $0x2  }
0xbc: {  	s3 =	sand.u32 $0x4000, s31;
	s1 =	sadd.s32 s1, s30  }
0xbd: {  	s0 =	sor.u32 s3, s0;
	s1 =	sshll.u32 s1, $0x11  }
0xbe: {  	s0 =	sor.u32 s1, s0  }
0xbf: {  	s0 =	sadd.s32 $0x8F2B, s0  }
0xc0: {  	[sflag:s0] =	ssyncadd.remote.s32 $0x1  }
0xc1: {  	_ =	sfence.sel $0xFFFF  }
0xc2: {  	[dreg:$0x0] =	wrdreg $0xFFFFFFFF;
	(pc) =	sbr.abs _section_cstart, $3  }
0xc3: {  	[dreg:$0x1] =	wrdreg $0xFFFFFFFF  }
0xc4: {  	_ =	task.clear_ibuf [dreg:s7], $0x2FFFF;
	_ =	strace $0x9FFFFFFF  }
0xc5: {  	(tm) =	ssettm $0x7FFFFFFF  }
tec
execute0_lowered:
.L_overlay_start_1:
0x0: {  	(tag) =	ssettag $0x1  }
0x1: {  	s9 =	rddreg [dreg:$0x0]  }
0x2: {  	s6 =	rddreg [dreg:$0x1]  }
0x3: {  	s2 =	rddreg [dreg:$0x2]  }
0x4: {  	s1 =	srdreg.scid;
	s3 =	rddreg [dreg:$0x3]  }
0x5: {  	s0 =	stileid.u32;
	s4 =	rddreg [dreg:$0x4]  }
0x6: {  	s5 =	simm.s32 $0x0;
	s16 =	simm.s32 $0x2790;
	s17 =	simm.s32 $0x1  }
0x7: {  	s18 =	simm.s32 $0x80;
	s19 =	simm.s32 $0x2710;
	s20 =	simm.s32 $0x10  }
0x8: {  	s21 =	simm.s32 $0x2700;
	s22 =	simm.s32 $0x0;
	s7 =	sand.u32 $0x1, s1  }
0x9: {  	s28 =	sshll.u32 s0, $0x1;
	s10 =	smul.u32 $0x280, s0;
	[smem:$0x7FF] =	sst s5  }
0xa: {  	s1 =	sor.u32 s7, s28;
	s11 =	smul.u32 $0x7800, s7;
	s7 =	ssub.s32 $0x2, s7  }
0xb: {  	s8 =	smul.u32 $0x2710, s1;
	s1 =	rddreg [dreg:$0x5];
	s31 =	sshrl.u32 s7, $0x1  }
0xc: {  	_ =	strace $0x80000047;
	s11 =	sadd.s32 s10, s11;
	s15 =	ssub.s32 s7, s31  }
0xd: {  	s7 =	sadd.s32 s10, s3;
	s8 =	sshrl.u32 s8, $0x3;
	s29 =	sshrl.u32 s11, $0x3  }
0xe: {  	s15 =	smax.u32 s15, $0x1;
	s12 =	sadd.s32 $0x9C40, s8;
	s14 =	sadd.s32 s29, s6  }
0xf: {  	s8 =	sadd.s32 s10, s4;
	s30 =	sadd.s32 s12, s6;
	s6 =	sadd.s32 s10, s2  }
0x10: {  	s9 =	sadd.s32 s9, s12;
	s12 =	sadd.s32 $0x2AC00, s14;
	s13 =	sadd.s32 $0x2B100, s14  }
0x11: {  	v0 =	vimm.f32 $1.000000000e+00;
	v1 =	vimm.f32 $0.0e+00;
	s14 =	sadd.s32 $0x2B600, s14;
	s10 =	sadd.s32 $0x3800, s30;
	s11 =	sadd.s32 $0x17200, s30  }
.LBB2_1:
0x12: {  	[tilespmem:$0x2710] =	vst v0  }
0x13: {  	[tilespmem:$0x2720] =	vst v0  }
0x14: {  	[tilespmem:$0x2730] =	vst v0  }
0x15: {  	[tilespmem:$0x2740] =	vst v0  }
0x16: {  	[tilespmem:$0x2750] =	vst v0  }
0x17: {  	[tilespmem:$0x2760] =	vst v0  }
0x18: {  	[tilespmem:$0x2770] =	vst v0  }
0x19: {  	[tilespmem:$0x2780] =	vst v0  }
0x1a: {  	[tilespmem:$0x2790] =	vst v1  }
0x1b: {  	[tilespmem:$0x27A0] =	vst v1  }
0x1c: {  	[tilespmem:$0x27B0] =	vst v1  }
0x1d: {  	[tilespmem:$0x27C0] =	vst v1  }
0x1e: {  	[tilespmem:$0x27D0] =	vst v1  }
0x1f: {  	[tilespmem:$0x27E0] =	vst v1  }
0x20: {  	[tilespmem:$0x27F0] =	vst v1  }
0x21: {  	[tilespmem:$0x2800] =	vst v1  }
0x22: {  	[tilespmem:$0x2810] =	vst v1  }
0x23: {  	[tilespmem:$0x2820] =	vst v1  }
0x24: {  	[tilespmem:$0x2830] =	vst v1  }
0x25: {  	[tilespmem:$0x2840] =	vst v1  }
0x26: {  	[tilespmem:$0x2850] =	vst v1  }
0x27: {  	[tilespmem:$0x2860] =	vst v1  }
0x28: {  	[tilespmem:$0x2870] =	vst v1  }
0x29: {  	[tilespmem:$0x2880] =	vst v1  }
0x2a: {  	[tilespmem:$0x2890] =	vst v1  }
0x2b: {  	[tilespmem:$0x28A0] =	vst v1  }
0x2c: {  	[tilespmem:$0x28B0] =	vst v1  }
0x2d: {  	[tilespmem:$0x28C0] =	vst v1  }
0x2e: {  	[tilespmem:$0x28D0] =	vst v1  }
0x2f: {  	[tilespmem:$0x28E0] =	vst v1  }
0x30: {  	[tilespmem:$0x28F0] =	vst v1  }
0x31: {  	[tilespmem:$0x2900] =	vst v1  }
0x32: {  	[tilespmem:$0x2910] =	vst v1  }
0x33: {  	[tilespmem:$0x2920] =	vst v1  }
0x34: {  	[tilespmem:$0x2930] =	vst v1  }
0x35: {  	[tilespmem:$0x2940] =	vst v1  }
0x36: {  	[tilespmem:$0x2950] =	vst v1  }
0x37: {  	[tilespmem:$0x2960] =	vst v1  }
0x38: {  	[tilespmem:$0x2970] =	vst v1  }
0x39: {  	[tilespmem:$0x2980] =	vst v1  }
0x3a: {  	[tilespmem:$0x2990] =	vst v1  }
0x3b: {  	[tilespmem:$0x29A0] =	vst v1  }
0x3c: {  	[tilespmem:$0x29B0] =	vst v1  }
0x3d: {  	[tilespmem:$0x29C0] =	vst v1  }
0x3e: {  	[tilespmem:$0x29D0] =	vst v1  }
0x3f: {  	[tilespmem:$0x29E0] =	vst v1  }
0x40: {  	[tilespmem:$0x29F0] =	vst v1  }
0x41: {  	[tilespmem:$0x2A00] =	vst v1  }
0x42: {  	[spmem:s6] =	stream.linear.scatter [tilespmem:s16], [sflag:$0x1], $0x280, $0x38;
	[tilespmem:$0x3190] =	vst v63  }
0x43: {  	_ =	swait.ge [sflag:s17], $0x280  }
0x44: {  	[sflag:s17] =	ssyncset.done $0x0  }
0x45: {  	[sflag:s17] =	ssyncadd.s32 $0xFFFFFD80  }
0x46: {  	[spmem:s7] =	stream.linear.scatter [tilespmem:s16], [sflag:$0x1], $0x280, $0x38;
	[tilespmem:$0x3190] =	vst v63  }
0x47: {  	_ =	swait.ge [sflag:s17], $0x280  }
0x48: {  	[sflag:s17] =	ssyncset.done $0x0  }
0x49: {  	[sflag:s17] =	ssyncadd.s32 $0xFFFFFD80  }
0x4a: {  	[spmem:s8] =	stream.linear.scatter [tilespmem:s16], [sflag:$0x1], $0x280, $0x38;
	[tilespmem:$0x3190] =	vst v63  }
0x4b: {  	_ =	swait.ge [sflag:s17], $0x280  }
0x4c: {  	[sflag:s17] =	ssyncset.done $0x0  }
0x4d: {  	[sflag:s17] =	ssyncadd.s32 $0xFFFFFD80  }
0x4e: {  	[bflag:$0x0] =	sbarrier.arrive $0xFFFF  }
0x4f: {  	[tilespmem:s5], [sflag:$0x1] =	stream.linear.gather [hbm4b:s9+s5], $0x2710, $0x38;
	[tilespmem:$0x3190] =	vst v63  }
0x50: {  	_ =	swait.ge [sflag:s17], $0x2710  }
0x51: {  	[sflag:s17] =	ssyncset.done $0x0  }
0x52: {  	s23 =	simm.s32 $0x0;
	[sflag:s17] =	ssyncadd.s32 $0xFFFFD8F0  }
0x53: {  	[spmem:s2] =	stream.indirect.scatter.add.f32 [tilespmem:s19], [sflag:$0x1], $0x1, s23, s18, $0xb8;
	[tilespmem:$0x3190] =	vst v63  }
0x54: {  	_ =	swait.ge [sflag:s17], $0x80  }
0x55: {  	s23 =	simm.s32 $0x200;
	[sflag:s17] =	ssyncset.done $0x0  }
.LBB2_2:
0x56: {  	s24 =	sshra.s32 s23, $0x2;
	[sflag:s17] =	ssyncadd.s32 $0xFFFFFF80;
	p0 =	sne.s32 s23, $0x9A00  }
0x57: {  	[spmem:s2] =	stream.indirect.scatter.add.f32 [tilespmem:s19], [sflag:$0x1], $0x1, s24, s18, $0xb8;
	[tilespmem:$0x3190] =	vst v63  }
.Ltmp0:
0x58: {  	_ = 	snop;
	(pc) =	sbr.rel @p0 .LBB2_2-.Ltmp0, $4  }
0x59: {  	_ = 	snop  }
0x5a: {  	s23 =	sadd.s32 $0x200, s23  }
0x5b: {  	_ =	swait.ge [sflag:s17], $0x80  }
0x5c: {  	[sflag:s17] =	ssyncset.done $0x0  }
0x5d: {  	[sflag:s17] =	ssyncadd.s32 $0xFFFFFF80  }
0x5e: {  	[spmem:s2] =	stream.indirect.scatter.add.f32 [tilespmem:s19], [sflag:$0x1], $0x1, s21, s20, $0xb8;
	[tilespmem:$0x3190] =	vst v63  }
0x5f: {  	_ =	swait.ge [sflag:s17], $0x10  }
0x60: {  	[sflag:s17] =	ssyncset.done $0x0  }
0x61: {  	s23 =	simm.s32 $0x0;
	[sflag:s17] =	ssyncadd.s32 $0xFFFFFFF0  }
0x62: {  	[tilespmem:s23], [sflag:$0x1] =	stream.linear.gather [hbm4b:s10+s23], $0x2710, $0x38;
	[tilespmem:$0x3190] =	vst v63  }
0x63: {  	_ =	swait.ge [sflag:s17], $0x2710  }
0x64: {  	[sflag:s17] =	ssyncset.done $0x0  }
0x65: {  	s31 =	simm.s32 $0x0;
	[sflag:s17] =	ssyncadd.s32 $0xFFFFD8F0  }
0x66: {  	[spmem:s3] =	stream.indirect.scatter.add.f32 [tilespmem:s19], [sflag:$0x1], $0x1, s31, s18, $0xb8;
	[tilespmem:$0x3190] =	vst v63  }
0x67: {  	_ =	swait.ge [sflag:s17], $0x80  }
0x68: {  	s23 =	simm.s32 $0x200;
	[sflag:s17] =	ssyncset.done $0x0  }
.LBB2_4:
0x69: {  	s24 =	sshra.s32 s23, $0x2;
	[sflag:s17] =	ssyncadd.s32 $0xFFFFFF80;
	p0 =	sne.s32 s23, $0x9A00  }
0x6a: {  	[spmem:s3] =	stream.indirect.scatter.add.f32 [tilespmem:s19], [sflag:$0x1], $0x1, s24, s18, $0xb8;
	[tilespmem:$0x3190] =	vst v63  }
.Ltmp1:
0x6b: {  	_ = 	snop;
	(pc) =	sbr.rel @p0 .LBB2_4-.Ltmp1, $4  }
0x6c: {  	_ = 	snop  }
0x6d: {  	s23 =	sadd.s32 $0x200, s23  }
0x6e: {  	_ =	swait.ge [sflag:s17], $0x80  }
0x6f: {  	[sflag:s17] =	ssyncset.done $0x0  }
0x70: {  	[sflag:s17] =	ssyncadd.s32 $0xFFFFFF80  }
0x71: {  	[spmem:s3] =	stream.indirect.scatter.add.f32 [tilespmem:s19], [sflag:$0x1], $0x1, s21, s20, $0xb8;
	[tilespmem:$0x3190] =	vst v63  }
0x72: {  	_ =	swait.ge [sflag:s17], $0x10  }
0x73: {  	[sflag:s17] =	ssyncset.done $0x0  }
0x74: {  	s23 =	simm.s32 $0x0;
	[sflag:s17] =	ssyncadd.s32 $0xFFFFFFF0  }
0x75: {  	[tilespmem:s23], [sflag:$0x1] =	stream.linear.gather [hbm4b:s11+s23], $0x2710, $0x38;
	[tilespmem:$0x3190] =	vst v63  }
0x76: {  	_ =	swait.ge [sflag:s17], $0x2710  }
0x77: {  	[sflag:s17] =	ssyncset.done $0x0  }
0x78: {  	s31 =	simm.s32 $0x0;
	[sflag:s17] =	ssyncadd.s32 $0xFFFFD8F0  }
0x79: {  	[spmem:s4] =	stream.indirect.scatter.add.f32 [tilespmem:s19], [sflag:$0x1], $0x1, s31, s18, $0xb8;
	[tilespmem:$0x3190] =	vst v63  }
0x7a: {  	_ =	swait.ge [sflag:s17], $0x80  }
0x7b: {  	s23 =	simm.s32 $0x200;
	[sflag:s17] =	ssyncset.done $0x0  }
.LBB2_6:
0x7c: {  	s24 =	sshra.s32 s23, $0x2;
	[sflag:s17] =	ssyncadd.s32 $0xFFFFFF80;
	p0 =	sne.s32 s23, $0x9A00  }
0x7d: {  	[spmem:s4] =	stream.indirect.scatter.add.f32 [tilespmem:s19], [sflag:$0x1], $0x1, s24, s18, $0xb8;
	[tilespmem:$0x3190] =	vst v63  }
.Ltmp2:
0x7e: {  	_ = 	snop;
	(pc) =	sbr.rel @p0 .LBB2_6-.Ltmp2, $4  }
0x7f: {  	_ = 	snop  }
0x80: {  	s23 =	sadd.s32 $0x200, s23  }
0x81: {  	_ =	swait.ge [sflag:s17], $0x80  }
0x82: {  	[sflag:s17] =	ssyncset.done $0x0  }
0x83: {  	[sflag:s17] =	ssyncadd.s32 $0xFFFFFF80  }
0x84: {  	[spmem:s4] =	stream.indirect.scatter.add.f32 [tilespmem:s19], [sflag:$0x1], $0x1, s21, s20, $0xb8;
	[tilespmem:$0x3190] =	vst v63  }
0x85: {  	_ =	swait.ge [sflag:s17], $0x10  }
0x86: {  	[sflag:s17] =	ssyncset.done $0x0  }
0x87: {  	s23 =	sshll.u32 s0, $0x6;
	[sflag:s17] =	ssyncadd.s32 $0xFFFFFFF0  }
0x88: {  	s24 =	sshrl.u32 s6, $0x3;
	s23 =	sor.u32 $0x1C01, s23;
	[bflag:$0x0] =	sbarrier.arrive $0xFFFF  }
0x89: {  	[hbm:s12], [sflag:s23] =	dma.local [spmem:s24], $0x50  }
0x8a: {  	_ =	swait.ge [sflag:s17], $0x50  }
0x8b: {  	[sflag:s17] =	ssyncset.done $0x0  }
0x8c: {  	s30 =	sshrl.u32 s7, $0x3;
	[sflag:s17] =	ssyncadd.s32 $0xFFFFFFB0  }
0x8d: {  	[hbm:s13], [sflag:s23] =	dma.local [spmem:s30], $0x50  }
0x8e: {  	s22 =	sadd.s32 $0x1, s22;
	_ =	swait.ge [sflag:s17], $0x50  }
0x8f: {  	p0 =	sne.s32 s22, s15;
	[sflag:s17] =	ssyncset.done $0x0  }
.Ltmp3:
0x90: {  	s31 =	sshrl.u32 s8, $0x3;
	[sflag:s17] =	ssyncadd.s32 $0xFFFFFFB0;
	(pc) =	sbr.rel @p0 .LBB2_1-.Ltmp3, $4  }
0x91: {  	[hbm:s14], [sflag:s23] =	dma.local [spmem:s31], $0x50  }
0x92: {  	_ =	swait.ge [sflag:s17], $0x50  }
0x93: {  	[sflag:s17] =	ssyncset.done $0x0  }
0x94: {  	[sflag:s17] =	ssyncadd.s32 $0xFFFFFFB0  }
0x95: {  	_ =	sfence.sel $0x180000  }
0x96: {  	[bflag:$0x0] =	sbarrier.arrive $0xFFFF  }
0x97: {  	p0 =	sne.s32 s0, $0x0;
	_ =	strace $0x90000047  }
0x98: {  	s0 =	sadd.s32 @!p0 $0x100000, s1;
	[bflag:$0x2] =	sbarrier.arrive $0xFFFF  }
0x99: {  	[sflag:s0] =	ssyncadd.tile.s32 @!p0 $0x1;
	_ =	shalt  }
.Lfunc_end2:
_tile_overlayer_lowered:
.L_overlay_start_2:
0x9a: {  	(tag) =	ssettag $0x2  }
0x9b: {  	s0 =	rddreg [dreg:$0x0];
	s2 =	stileid.u32  }
0x9c: {  	s1 =	rddreg [dreg:$0x1];
	p0 =	sne.s32 s2, $0x0  }
0x9d: {  	s3 =	rddreg [dreg:$0x2];
	[bflag:$0x3] =	sbarrier.arrive $0xFFFF;
	s2 =	simm.s32 @!p0 $0x1C01  }
0x9e: {  	[timem:s3], [sflag:s2] =	dma.local @!p0 [hbm:s0], s1  }
0x9f: {  	s0 =	simm.s32 @!p0 $0x1  }
0xa0: {  	_ =	swait.ge @!p0 [sflag:s0], s1  }
0xa1: {  	s1 =	ssub.s32 @!p0 $0x0, s1;
	[sflag:s0] =	ssyncset.done @!p0 $0x0  }
0xa2: {  	[sflag:s0] =	ssyncadd.s32 @!p0 s1  }
0xa3: {  	[bflag:$0x3] =	sbarrier.arrive $0xFFFF  }
0xa4: {  	_ =	shalt  }

</sc_bundles>
